<compile_context>
chip_gen: v7x
topology: tpu7x:2x2x1
jax: 0.10.2.dev20260603
libtpu: 0.0.44.dev20260713+nightly
codegen_flags: <defaults>
</compile_context>

<pallas_src>
import functools

import jax
import jax.numpy as jnp
from jax import lax
from jax.experimental import pallas as pl
from jax.experimental.pallas import tpu as pltpu
from jax.experimental.pallas import tpu_sc as plsc

TOKENS = 32768
D_MODEL = 768
NUM_EXPERTS = 64
BLOCK = 4096

NC, NS, L = 2, 16, 16
NW = NC * NS
CHUNK = TOKENS // NW
GROUPS = CHUNK // L

_mesh = plsc.VectorSubcoreMesh(core_axis_name="c", subcore_axis_name="s")


def _mm_body(x_ref, w_ref, out_ref):
    out_ref[...] = lax.dot_general(
        w_ref[...], x_ref[...], (((1,), (1,)), ((), ())),
        preferred_element_type=jnp.float32)


def _logits_t(x, wg):
    n, d = x.shape
    e = wg.shape[0]
    return pl.pallas_call(
        _mm_body,
        grid=(n // BLOCK,),
        in_specs=[
            pl.BlockSpec((BLOCK, d), lambda i: (i, 0)),
            pl.BlockSpec((e, d), lambda i: (0, 0)),
        ],
        out_specs=pl.BlockSpec((e, BLOCK), lambda i: (0, i)),
        out_shape=jax.ShapeDtypeStruct((e, n), jnp.float32),
    )(x, wg)


NG = 4


def _sc_top2_body(logits_hbm, i1_hbm, i2_hbm, g1_hbm, g2_hbm,
                  slab, i1v, i2v, g1v, g2v):
    wid = lax.axis_index("s") * NC + lax.axis_index("c")
    base = wid * CHUNK
    pltpu.sync_copy(logits_hbm.at[:, pl.ds(base, CHUNK)], slab)

    neg = jnp.full((L,), -jnp.inf, jnp.float32)
    zero = jnp.zeros((L,), jnp.int32)

    def quad_body(q, carry):
        off0 = q * (L * NG)
        m1 = [neg] * NG
        m2 = [neg] * NG
        i1 = [zero] * NG
        i2 = [zero] * NG
        for e in range(NUM_EXPERTS):
            ev = jnp.full((L,), e, jnp.int32)
            for j in range(NG):
                v = slab[e, pl.ds(off0 + j * L, L)]
                gt1 = v > m1[j]
                gt2 = v > m2[j]
                m2[j] = jnp.where(gt1, m1[j], jnp.where(gt2, v, m2[j]))
                i2[j] = jnp.where(gt1, i1[j], jnp.where(gt2, ev, i2[j]))
                m1[j] = jnp.where(gt1, v, m1[j])
                i1[j] = jnp.where(gt1, ev, i1[j])
        for j in range(NG):
            off = off0 + j * L
            ex = jnp.exp(m2[j] - m1[j])
            g1 = 1.0 / (1.0 + ex)
            i1v[pl.ds(off, L)] = i1[j]
            i2v[pl.ds(off, L)] = i2[j]
            g1v[pl.ds(off, L)] = g1
            g2v[pl.ds(off, L)] = 1.0 - g1
        return carry

    lax.fori_loop(0, GROUPS // NG, quad_body, 0)
    pltpu.sync_copy(i1v, i1_hbm.at[pl.ds(base, CHUNK)])
    pltpu.sync_copy(i2v, i2_hbm.at[pl.ds(base, CHUNK)])
    pltpu.sync_copy(g1v, g1_hbm.at[pl.ds(base, CHUNK)])
    pltpu.sync_copy(g2v, g2_hbm.at[pl.ds(base, CHUNK)])


_sc_top2 = functools.partial(
    pl.kernel,
    out_type=(
        jax.ShapeDtypeStruct((TOKENS,), jnp.int32),
        jax.ShapeDtypeStruct((TOKENS,), jnp.int32),
        jax.ShapeDtypeStruct((TOKENS,), jnp.float32),
        jax.ShapeDtypeStruct((TOKENS,), jnp.float32),
    ),
    mesh=_mesh,
    scratch_types=[
        pltpu.VMEM((NUM_EXPERTS, CHUNK), jnp.float32),
        pltpu.VMEM((CHUNK,), jnp.int32),
        pltpu.VMEM((CHUNK,), jnp.int32),
        pltpu.VMEM((CHUNK,), jnp.float32),
        pltpu.VMEM((CHUNK,), jnp.float32),
    ],
)(_sc_top2_body)


@jax.jit
def kernel(input, wg):
    logits_t = _logits_t(input, wg)
    return _sc_top2(logits_t)

# --- scband reference (transcript-rebuilt; emitter-appended) ---
"""Pipeline reference for scband-top-kgate-13984413516278 (READ-ONLY COPY).

The authoritative reference and input builder live on the scoring server;
editing this copy changes nothing except your own understanding.
"""

import jax, jax.numpy as jnp
import numpy as np

TOKENS = 32768
D_MODEL = 768
NUM_EXPERTS = 64
TOP_K = 2

def setup_inputs(seed: int = 0) -> dict:
    key = jax.random.key(seed)
    k1, k2 = jax.random.split(key)
    x = jax.random.normal(k1, (TOKENS, D_MODEL), dtype=jnp.float32)
    # gate weight: torch.nn.Linear(model_dim, num_experts, bias=False) -> weight [num_experts, model_dim]
    wg = jax.random.normal(k2, (NUM_EXPERTS, D_MODEL), dtype=jnp.float32) * 0.02
    return {"input": x, "wg": wg}

def reference(input, wg):
    # eval mode: noisy_gate_policy is None -> no noise, top2gating path (k=2)
    input_fp32 = input.astype(jnp.float32)
    logits = input_fp32 @ wg.T  # [N, E]
    num_experts = logits.shape[-1]
    _, topk_indices = jax.lax.top_k(logits, TOP_K)  # [N, 2]
    indices1_s = topk_indices[:, 0].reshape(-1)
    indices2_s = topk_indices[:, 1].reshape(-1)
    mask1 = jax.nn.one_hot(indices1_s, num_experts, dtype=logits.dtype)
    mask2 = jax.nn.one_hot(indices2_s, num_experts, dtype=logits.dtype)
    gates = jax.nn.softmax(logits, axis=-1)
    gates1_s = (gates * mask1).sum(axis=-1)
    gates2_s = (gates * mask2).sum(axis=-1)
    denom_s = jnp.maximum(gates1_s + gates2_s, jnp.finfo(gates1_s.dtype).eps)
    gates1_s = gates1_s / denom_s
    gates2_s = gates2_s / denom_s
    return (indices1_s, indices2_s, gates1_s, gates2_s)

if __name__ == "__main__":
    import jax
    _d = setup_inputs()
    print(jax.jit(kernel)(*tuple(_d.values())))

</pallas_src>

<mosaic_0001>
#map = affine_map<(d0, d1) -> (0, 0)>
#map1 = affine_map<(d0, d1) -> (0)>
module attributes {stable_mosaic.version = 14 : i64} {
  func.func @_sc_top2_body(%arg0: i32, %arg1: i32, %arg2: memref<64x32768xf32, #tpu.memory_space<hbm>>, %arg3: memref<32768xi32, #tpu.memory_space<hbm>>, %arg4: memref<32768xi32, #tpu.memory_space<hbm>>, %arg5: memref<32768xf32, #tpu.memory_space<hbm>>, %arg6: memref<32768xf32, #tpu.memory_space<hbm>>, %arg7: memref<64x1024xf32, #tpu.memory_space<vmem>>, %arg8: memref<1024xi32, #tpu.memory_space<vmem>>, %arg9: memref<1024xi32, #tpu.memory_space<vmem>>, %arg10: memref<1024xf32, #tpu.memory_space<vmem>>, %arg11: memref<1024xf32, #tpu.memory_space<vmem>>) attributes {dimension_semantics = [#tpu.dimension_semantics<core_parallel>, #tpu.dimension_semantics<subcore_parallel>], iteration_bounds = array<i64: 2, 16>, scalar_prefetch = 0 : i64, scratch_operands = 5 : i64, tpu.core_type = #tpu.core_type<sc_vector_subcore>, window_params = [{transform_indices = #map}, {transform_indices = #map1}, {transform_indices = #map1}, {transform_indices = #map1}, {transform_indices = #map1}]} {
    %mul3A = arith.constant 2 : i32
    %mul3A_0 = arith.muli %arg1, %mul3A : i32
    %add3A = arith.addi %mul3A_0, %arg0 : i32
    %mul3A_1 = arith.constant 1024 : i32
    %mul3A_2 = arith.muli %add3A, %mul3A_1 : i32
    "tpu.region"() ({
      %run_scoped3A = tpu.sem_alloc : memref<!tpu.dma_semaphore, #tpu.memory_space<semaphore_mem>>
      %dma_start3A = arith.constant 0 : i32
      %dma_start3A_11 = tpu.memref_slice %arg2[%dma_start3A, %mul3A_2] : memref<64x32768xf32, #tpu.memory_space<hbm>> -> memref<64x1024xf32, #tpu.memory_space<hbm>>
      %dma_start3A_12 = arith.constant 0 : i32
      %dma_start3A_13 = tpu.memref_slice %arg2[%dma_start3A_12, %mul3A_2] : memref<64x32768xf32, #tpu.memory_space<hbm>> -> memref<64x1024xf32, #tpu.memory_space<hbm>>
      tpu.enqueue_dma source(%dma_start3A_13 : memref<64x1024xf32, #tpu.memory_space<hbm>>) target(%arg7 : memref<64x1024xf32, #tpu.memory_space<vmem>>) target_semaphore(%run_scoped3A : memref<!tpu.dma_semaphore, #tpu.memory_space<semaphore_mem>>)
      %dma_wait3A = arith.constant 0 : i32
      %dma_wait3A_14 = tpu.memref_slice %arg2[%dma_wait3A, %mul3A_2] : memref<64x32768xf32, #tpu.memory_space<hbm>> -> memref<64x1024xf32, #tpu.memory_space<hbm>>
      %dma_wait3A_15 = arith.constant 0 : i32
      %dma_wait3A_16 = tpu.memref_slice %arg2[%dma_wait3A_15, %mul3A_2] : memref<64x32768xf32, #tpu.memory_space<hbm>> -> memref<64x1024xf32, #tpu.memory_space<hbm>>
      tpu.wait_dma2 semaphore(%run_scoped3A : memref<!tpu.dma_semaphore, #tpu.memory_space<semaphore_mem>>) src(%dma_wait3A_16 : memref<64x1024xf32, #tpu.memory_space<hbm>>) dst(%arg7 : memref<64x1024xf32, #tpu.memory_space<vmem>>)
      tpu.yield
    }) : () -> ()
    %broadcast_in_dim3A = arith.constant 0xFF800000 : f32
    %broadcast_in_dim3A_3 = vector.broadcast %broadcast_in_dim3A : f32 to vector<16xf32>
    %broadcast_in_dim3A_4 = arith.constant 0 : i32
    %broadcast_in_dim3A_5 = vector.broadcast %broadcast_in_dim3A_4 : i32 to vector<16xi32>
    %scan3A = arith.constant 0 : i32
    %scan3A_6 = arith.constant 0 : i32
    %scan3A_7 = arith.constant 16 : i32
    %scan3A_8 = arith.addi %scan3A_6, %scan3A_7 : i32
    %scan3A_9 = arith.constant 1 : i32
    scf.for %scan3A_11 = %scan3A_6 to %scan3A_8 step %scan3A_9  : i32 {
      %mul3A_12 = arith.constant 64 : i32
      %mul3A_13 = arith.muli %scan3A_11, %mul3A_12 : i32
      %broadcast_in_dim3A_14 = arith.constant 0 : i32
      %broadcast_in_dim3A_15 = vector.broadcast %broadcast_in_dim3A_14 : i32 to vector<16xi32>
      %add3A_16 = arith.constant 0 : i32
      %add3A_17 = arith.addi %mul3A_13, %add3A_16 : i32
      %get3A = arith.constant 0 : i32
      %get3A_18 = arith.index_cast %get3A : i32 to index
      %get3A_19 = arith.index_cast %add3A_17 : i32 to index
      %get3A_20 = tpu.vector_load %arg7[%get3A_18, %get3A_19] {strides = array<i32>} : memref<64x1024xf32, #tpu.memory_space<vmem>>, vector<1x16xf32>,
      %get3A_21 = vector.shape_cast %get3A_20 : vector<1x16xf32> to vector<16xf32>
      %gt3A = arith.cmpf ogt, %get3A_21, %broadcast_in_dim3A_3 : vector<16xf32>
      %gt3A_22 = arith.cmpf ogt, %get3A_21, %broadcast_in_dim3A_3 : vector<16xf32>
      %select_n3A = arith.select %gt3A_22, %get3A_21, %broadcast_in_dim3A_3 : vector<16xi1>, vector<16xf32>
      %select_n3A_23 = arith.select %gt3A, %broadcast_in_dim3A_3, %select_n3A : vector<16xi1>, vector<16xf32>
      %select_n3A_24 = arith.select %gt3A_22, %broadcast_in_dim3A_15, %broadcast_in_dim3A_5 : vector<16xi1>, vector<16xi32>
      %select_n3A_25 = arith.select %gt3A, %broadcast_in_dim3A_5, %select_n3A_24 : vector<16xi1>, vector<16xi32>
      %select_n3A_26 = arith.select %gt3A, %get3A_21, %broadcast_in_dim3A_3 : vector<16xi1>, vector<16xf32>
      %select_n3A_27 = arith.select %gt3A, %broadcast_in_dim3A_15, %broadcast_in_dim3A_5 : vector<16xi1>, vector<16xi32>
      %add3A_28 = arith.constant 16 : i32
      %add3A_29 = arith.addi %mul3A_13, %add3A_28 : i32
      %get3A_30 = arith.constant 0 : i32
      %get3A_31 = arith.index_cast %get3A_30 : i32 to index
      %get3A_32 = arith.index_cast %add3A_29 : i32 to index
      %get3A_33 = tpu.vector_load %arg7[%get3A_31, %get3A_32] {strides = array<i32>} : memref<64x1024xf32, #tpu.memory_space<vmem>>, vector<1x16xf32>,
      %get3A_34 = vector.shape_cast %get3A_33 : vector<1x16xf32> to vector<16xf32>
      %gt3A_35 = arith.cmpf ogt, %get3A_34, %broadcast_in_dim3A_3 : vector<16xf32>
      %gt3A_36 = arith.cmpf ogt, %get3A_34, %broadcast_in_dim3A_3 : vector<16xf32>
      %select_n3A_37 = arith.select %gt3A_36, %get3A_34, %broadcast_in_dim3A_3 : vector<16xi1>, vector<16xf32>
      %select_n3A_38 = arith.select %gt3A_35, %broadcast_in_dim3A_3, %select_n3A_37 : vector<16xi1>, vector<16xf32>
      %select_n3A_39 = arith.select %gt3A_36, %broadcast_in_dim3A_15, %broadcast_in_dim3A_5 : vector<16xi1>, vector<16xi32>
      %select_n3A_40 = arith.select %gt3A_35, %broadcast_in_dim3A_5, %select_n3A_39 : vector<16xi1>, vector<16xi32>
      %select_n3A_41 = arith.select %gt3A_35, %get3A_34, %broadcast_in_dim3A_3 : vector<16xi1>, vector<16xf32>
      %select_n3A_42 = arith.select %gt3A_35, %broadcast_in_dim3A_15, %broadcast_in_dim3A_5 : vector<16xi1>, vector<16xi32>
      %add3A_43 = arith.constant 32 : i32
      %add3A_44 = arith.addi %mul3A_13, %add3A_43 : i32
      %get3A_45 = arith.constant 0 : i32
      %get3A_46 = arith.index_cast %get3A_45 : i32 to index
      %get3A_47 = arith.index_cast %add3A_44 : i32 to index
      %get3A_48 = tpu.vector_load %arg7[%get3A_46, %get3A_47] {strides = array<i32>} : memref<64x1024xf32, #tpu.memory_space<vmem>>, vector<1x16xf32>,
      %get3A_49 = vector.shape_cast %get3A_48 : vector<1x16xf32> to vector<16xf32>
      %gt3A_50 = arith.cmpf ogt, %get3A_49, %broadcast_in_dim3A_3 : vector<16xf32>
      %gt3A_51 = arith.cmpf ogt, %get3A_49, %broadcast_in_dim3A_3 : vector<16xf32>
      %select_n3A_52 = arith.select %gt3A_51, %get3A_49, %broadcast_in_dim3A_3 : vector<16xi1>, vector<16xf32>
      %select_n3A_53 = arith.select %gt3A_50, %broadcast_in_dim3A_3, %select_n3A_52 : vector<16xi1>, vector<16xf32>
      %select_n3A_54 = arith.select %gt3A_51, %broadcast_in_dim3A_15, %broadcast_in_dim3A_5 : vector<16xi1>, vector<16xi32>
      %select_n3A_55 = arith.select %gt3A_50, %broadcast_in_dim3A_5, %select_n3A_54 : vector<16xi1>, vector<16xi32>
      %select_n3A_56 = arith.select %gt3A_50, %get3A_49, %broadcast_in_dim3A_3 : vector<16xi1>, vector<16xf32>
      %select_n3A_57 = arith.select %gt3A_50, %broadcast_in_dim3A_15, %broadcast_in_dim3A_5 : vector<16xi1>, vector<16xi32>
      %add3A_58 = arith.constant 48 : i32
      %add3A_59 = arith.addi %mul3A_13, %add3A_58 : i32
      %get3A_60 = arith.constant 0 : i32
      %get3A_61 = arith.index_cast %get3A_60 : i32 to index
      %get3A_62 = arith.index_cast %add3A_59 : i32 to index
      %get3A_63 = tpu.vector_load %arg7[%get3A_61, %get3A_62] {strides = array<i32>} : memref<64x1024xf32, #tpu.memory_space<vmem>>, vector<1x16xf32>,
      %get3A_64 = vector.shape_cast %get3A_63 : vector<1x16xf32> to vector<16xf32>
      %gt3A_65 = arith.cmpf ogt, %get3A_64, %broadcast_in_dim3A_3 : vector<16xf32>
      %gt3A_66 = arith.cmpf ogt, %get3A_64, %broadcast_in_dim3A_3 : vector<16xf32>
      %select_n3A_67 = arith.select %gt3A_66, %get3A_64, %broadcast_in_dim3A_3 : vector<16xi1>, vector<16xf32>
      %select_n3A_68 = arith.select %gt3A_65, %broadcast_in_dim3A_3, %select_n3A_67 : vector<16xi1>, vector<16xf32>
      %select_n3A_69 = arith.select %gt3A_66, %broadcast_in_dim3A_15, %broadcast_in_dim3A_5 : vector<16xi1>, vector<16xi32>
      %select_n3A_70 = arith.select %gt3A_65, %broadcast_in_dim3A_5, %select_n3A_69 : vector<16xi1>, vector<16xi32>
      %select_n3A_71 = arith.select %gt3A_65, %get3A_64, %broadcast_in_dim3A_3 : vector<16xi1>, vector<16xf32>
      %select_n3A_72 = arith.select %gt3A_65, %broadcast_in_dim3A_15, %broadcast_in_dim3A_5 : vector<16xi1>, vector<16xi32>
      %broadcast_in_dim3A_73 = arith.constant 1 : i32
      %broadcast_in_dim3A_74 = vector.broadcast %broadcast_in_dim3A_73 : i32 to vector<16xi32>
      %add3A_75 = arith.constant 0 : i32
      %add3A_76 = arith.addi %mul3A_13, %add3A_75 : i32
      %get3A_77 = arith.constant 1 : i32
      %get3A_78 = arith.index_cast %get3A_77 : i32 to index
      %get3A_79 = arith.index_cast %add3A_76 : i32 to index
      %get3A_80 = tpu.vector_load %arg7[%get3A_78, %get3A_79] {strides = array<i32>} : memref<64x1024xf32, #tpu.memory_space<vmem>>, vector<1x16xf32>,
      %get3A_81 = vector.shape_cast %get3A_80 : vector<1x16xf32> to vector<16xf32>
      %gt3A_82 = arith.cmpf ogt, %get3A_81, %select_n3A_26 : vector<16xf32>
      %gt3A_83 = arith.cmpf ogt, %get3A_81, %select_n3A_23 : vector<16xf32>
      %select_n3A_84 = arith.select %gt3A_83, %get3A_81, %select_n3A_23 : vector<16xi1>, vector<16xf32>
      %select_n3A_85 = arith.select %gt3A_82, %select_n3A_26, %select_n3A_84 : vector<16xi1>, vector<16xf32>
      %select_n3A_86 = arith.select %gt3A_83, %broadcast_in_dim3A_74, %select_n3A_25 : vector<16xi1>, vector<16xi32>
      %select_n3A_87 = arith.select %gt3A_82, %select_n3A_27, %select_n3A_86 : vector<16xi1>, vector<16xi32>
      %select_n3A_88 = arith.select %gt3A_82, %get3A_81, %select_n3A_26 : vector<16xi1>, vector<16xf32>
      %select_n3A_89 = arith.select %gt3A_82, %broadcast_in_dim3A_74, %select_n3A_27 : vector<16xi1>, vector<16xi32>
      %add3A_90 = arith.constant 16 : i32
      %add3A_91 = arith.addi %mul3A_13, %add3A_90 : i32
      %get3A_92 = arith.constant 1 : i32
      %get3A_93 = arith.index_cast %get3A_92 : i32 to index
      %get3A_94 = arith.index_cast %add3A_91 : i32 to index
      %get3A_95 = tpu.vector_load %arg7[%get3A_93, %get3A_94] {strides = array<i32>} : memref<64x1024xf32, #tpu.memory_space<vmem>>, vector<1x16xf32>,
      %get3A_96 = vector.shape_cast %get3A_95 : vector<1x16xf32> to vector<16xf32>
      %gt3A_97 = arith.cmpf ogt, %get3A_96, %select_n3A_41 : vector<16xf32>
      %gt3A_98 = arith.cmpf ogt, %get3A_96, %select_n3A_38 : vector<16xf32>
      %select_n3A_99 = arith.select %gt3A_98, %get3A_96, %select_n3A_38 : vector<16xi1>, vector<16xf32>
      %select_n3A_100 = arith.select %gt3A_97, %select_n3A_41, %select_n3A_99 : vector<16xi1>, vector<16xf32>
      %select_n3A_101 = arith.select %gt3A_98, %broadcast_in_dim3A_74, %select_n3A_40 : vector<16xi1>, vector<16xi32>
      %select_n3A_102 = arith.select %gt3A_97, %select_n3A_42, %select_n3A_101 : vector<16xi1>, vector<16xi32>
      %select_n3A_103 = arith.select %gt3A_97, %get3A_96, %select_n3A_41 : vector<16xi1>, vector<16xf32>
      %select_n3A_104 = arith.select %gt3A_97, %broadcast_in_dim3A_74, %select_n3A_42 : vector<16xi1>, vector<16xi32>
      %add3A_105 = arith.constant 32 : i32
      %add3A_106 = arith.addi %mul3A_13, %add3A_105 : i32
      %get3A_107 = arith.constant 1 : i32
      %get3A_108 = arith.index_cast %get3A_107 : i32 to index
      %get3A_109 = arith.index_cast %add3A_106 : i32 to index
      %get3A_110 = tpu.vector_load %arg7[%get3A_108, %get3A_109] {strides = array<i32>} : memref<64x1024xf32, #tpu.memory_space<vmem>>, vector<1x16xf32>,
      %get3A_111 = vector.shape_cast %get3A_110 : vector<1x16xf32> to vector<16xf32>
      %gt3A_112 = arith.cmpf ogt, %get3A_111, %select_n3A_56 : vector<16xf32>
      %gt3A_113 = arith.cmpf ogt, %get3A_111, %select_n3A_53 : vector<16xf32>
      %select_n3A_114 = arith.select %gt3A_113, %get3A_111, %select_n3A_53 : vector<16xi1>, vector<16xf32>
      %select_n3A_115 = arith.select %gt3A_112, %select_n3A_56, %select_n3A_114 : vector<16xi1>, vector<16xf32>
      %select_n3A_116 = arith.select %gt3A_113, %broadcast_in_dim3A_74, %select_n3A_55 : vector<16xi1>, vector<16xi32>
      %select_n3A_117 = arith.select %gt3A_112, %select_n3A_57, %select_n3A_116 : vector<16xi1>, vector<16xi32>
      %select_n3A_118 = arith.select %gt3A_112, %get3A_111, %select_n3A_56 : vector<16xi1>, vector<16xf32>
      %select_n3A_119 = arith.select %gt3A_112, %broadcast_in_dim3A_74, %select_n3A_57 : vector<16xi1>, vector<16xi32>
      %add3A_120 = arith.constant 48 : i32
      %add3A_121 = arith.addi %mul3A_13, %add3A_120 : i32
      %get3A_122 = arith.constant 1 : i32
      %get3A_123 = arith.index_cast %get3A_122 : i32 to index
      %get3A_124 = arith.index_cast %add3A_121 : i32 to index
      %get3A_125 = tpu.vector_load %arg7[%get3A_123, %get3A_124] {strides = array<i32>} : memref<64x1024xf32, #tpu.memory_space<vmem>>, vector<1x16xf32>,
      %get3A_126 = vector.shape_cast %get3A_125 : vector<1x16xf32> to vector<16xf32>
      %gt3A_127 = arith.cmpf ogt, %get3A_126, %select_n3A_71 : vector<16xf32>
      %gt3A_128 = arith.cmpf ogt, %get3A_126, %select_n3A_68 : vector<16xf32>
      %select_n3A_129 = arith.select %gt3A_128, %get3A_126, %select_n3A_68 : vector<16xi1>, vector<16xf32>
      %select_n3A_130 = arith.select %gt3A_127, %select_n3A_71, %select_n3A_129 : vector<16xi1>, vector<16xf32>
      %select_n3A_131 = arith.select %gt3A_128, %broadcast_in_dim3A_74, %select_n3A_70 : vector<16xi1>, vector<16xi32>
      %select_n3A_132 = arith.select %gt3A_127, %select_n3A_72, %select_n3A_131 : vector<16xi1>, vector<16xi32>
      %select_n3A_133 = arith.select %gt3A_127, %get3A_126, %select_n3A_71 : vector<16xi1>, vector<16xf32>
      %select_n3A_134 = arith.select %gt3A_127, %broadcast_in_dim3A_74, %select_n3A_72 : vector<16xi1>, vector<16xi32>
      %broadcast_in_dim3A_135 = arith.constant 2 : i32
      %broadcast_in_dim3A_136 = vector.broadcast %broadcast_in_dim3A_135 : i32 to vector<16xi32>
      %add3A_137 = arith.constant 0 : i32
      %add3A_138 = arith.addi %mul3A_13, %add3A_137 : i32
      %get3A_139 = arith.constant 2 : i32
      %get3A_140 = arith.index_cast %get3A_139 : i32 to index
      %get3A_141 = arith.index_cast %add3A_138 : i32 to index
      %get3A_142 = tpu.vector_load %arg7[%get3A_140, %get3A_141] {strides = array<i32>} : memref<64x1024xf32, #tpu.memory_space<vmem>>, vector<1x16xf32>,
      %get3A_143 = vector.shape_cast %get3A_142 : vector<1x16xf32> to vector<16xf32>
      %gt3A_144 = arith.cmpf ogt, %get3A_143, %select_n3A_88 : vector<16xf32>
      %gt3A_145 = arith.cmpf ogt, %get3A_143, %select_n3A_85 : vector<16xf32>
      %select_n3A_146 = arith.select %gt3A_145, %get3A_143, %select_n3A_85 : vector<16xi1>, vector<16xf32>
      %select_n3A_147 = arith.select %gt3A_144, %select_n3A_88, %select_n3A_146 : vector<16xi1>, vector<16xf32>
      %select_n3A_148 = arith.select %gt3A_145, %broadcast_in_dim3A_136, %select_n3A_87 : vector<16xi1>, vector<16xi32>
      %select_n3A_149 = arith.select %gt3A_144, %select_n3A_89, %select_n3A_148 : vector<16xi1>, vector<16xi32>
      %select_n3A_150 = arith.select %gt3A_144, %get3A_143, %select_n3A_88 : vector<16xi1>, vector<16xf32>
      %select_n3A_151 = arith.select %gt3A_144, %broadcast_in_dim3A_136, %select_n3A_89 : vector<16xi1>, vector<16xi32>
      %add3A_152 = arith.constant 16 : i32
      %add3A_153 = arith.addi %mul3A_13, %add3A_152 : i32
      %get3A_154 = arith.constant 2 : i32
      %get3A_155 = arith.index_cast %get3A_154 : i32 to index
      %get3A_156 = arith.index_cast %add3A_153 : i32 to index
      %get3A_157 = tpu.vector_load %arg7[%get3A_155, %get3A_156] {strides = array<i32>} : memref<64x1024xf32, #tpu.memory_space<vmem>>, vector<1x16xf32>,
      %get3A_158 = vector.shape_cast %get3A_157 : vector<1x16xf32> to vector<16xf32>
      %gt3A_159 = arith.cmpf ogt, %get3A_158, %select_n3A_103 : vector<16xf32>
      %gt3A_160 = arith.cmpf ogt, %get3A_158, %select_n3A_100 : vector<16xf32>
      %select_n3A_161 = arith.select %gt3A_160, %get3A_158, %select_n3A_100 : vector<16xi1>, vector<16xf32>
      %select_n3A_162 = arith.select %gt3A_159, %select_n3A_103, %select_n3A_161 : vector<16xi1>, vector<16xf32>
      %select_n3A_163 = arith.select %gt3A_160, %broadcast_in_dim3A_136, %select_n3A_102 : vector<16xi1>, vector<16xi32>
      %select_n3A_164 = arith.select %gt3A_159, %select_n3A_104, %select_n3A_163 : vector<16xi1>, vector<16xi32>
      %select_n3A_165 = arith.select %gt3A_159, %get3A_158, %select_n3A_103 : vector<16xi1>, vector<16xf32>
      %select_n3A_166 = arith.select %gt3A_159, %broadcast_in_dim3A_136, %select_n3A_104 : vector<16xi1>, vector<16xi32>
      %add3A_167 = arith.constant 32 : i32
      %add3A_168 = arith.addi %mul3A_13, %add3A_167 : i32
      %get3A_169 = arith.constant 2 : i32
      %get3A_170 = arith.index_cast %get3A_169 : i32 to index
      %get3A_171 = arith.index_cast %add3A_168 : i32 to index
      %get3A_172 = tpu.vector_load %arg7[%get3A_170, %get3A_171] {strides = array<i32>} : memref<64x1024xf32, #tpu.memory_space<vmem>>, vector<1x16xf32>,
      %get3A_173 = vector.shape_cast %get3A_172 : vector<1x16xf32> to vector<16xf32>
      %gt3A_174 = arith.cmpf ogt, %get3A_173, %select_n3A_118 : vector<16xf32>
      %gt3A_175 = arith.cmpf ogt, %get3A_173, %select_n3A_115 : vector<16xf32>
      %select_n3A_176 = arith.select %gt3A_175, %get3A_173, %select_n3A_115 : vector<16xi1>, vector<16xf32>
      %select_n3A_177 = arith.select %gt3A_174, %select_n3A_118, %select_n3A_176 : vector<16xi1>, vector<16xf32>
      %select_n3A_178 = arith.select %gt3A_175, %broadcast_in_dim3A_136, %select_n3A_117 : vector<16xi1>, vector<16xi32>
      %select_n3A_179 = arith.select %gt3A_174, %select_n3A_119, %select_n3A_178 : vector<16xi1>, vector<16xi32>
      %select_n3A_180 = arith.select %gt3A_174, %get3A_173, %select_n3A_118 : vector<16xi1>, vector<16xf32>
      %select_n3A_181 = arith.select %gt3A_174, %broadcast_in_dim3A_136, %select_n3A_119 : vector<16xi1>, vector<16xi32>
      %add3A_182 = arith.constant 48 : i32
      %add3A_183 = arith.addi %mul3A_13, %add3A_182 : i32
      %get3A_184 = arith.constant 2 : i32
      %get3A_185 = arith.index_cast %get3A_184 : i32 to index
      %get3A_186 = arith.index_cast %add3A_183 : i32 to index
      %get3A_187 = tpu.vector_load %arg7[%get3A_185, %get3A_186] {strides = array<i32>} : memref<64x1024xf32, #tpu.memory_space<vmem>>, vector<1x16xf32>,
      %get3A_188 = vector.shape_cast %get3A_187 : vector<1x16xf32> to vector<16xf32>
      %gt3A_189 = arith.cmpf ogt, %get3A_188, %select_n3A_133 : vector<16xf32>
      %gt3A_190 = arith.cmpf ogt, %get3A_188, %select_n3A_130 : vector<16xf32>
      %select_n3A_191 = arith.select %gt3A_190, %get3A_188, %select_n3A_130 : vector<16xi1>, vector<16xf32>
      %select_n3A_192 = arith.select %gt3A_189, %select_n3A_133, %select_n3A_191 : vector<16xi1>, vector<16xf32>
      %select_n3A_193 = arith.select %gt3A_190, %broadcast_in_dim3A_136, %select_n3A_132 : vector<16xi1>, vector<16xi32>
      %select_n3A_194 = arith.select %gt3A_189, %select_n3A_134, %select_n3A_193 : vector<16xi1>, vector<16xi32>
      %select_n3A_195 = arith.select %gt3A_189, %get3A_188, %select_n3A_133 : vector<16xi1>, vector<16xf32>
      %select_n3A_196 = arith.select %gt3A_189, %broadcast_in_dim3A_136, %select_n3A_134 : vector<16xi1>, vector<16xi32>
      %broadcast_in_dim3A_197 = arith.constant 3 : i32
      %broadcast_in_dim3A_198 = vector.broadcast %broadcast_in_dim3A_197 : i32 to vector<16xi32>
      %add3A_199 = arith.constant 0 : i32
      %add3A_200 = arith.addi %mul3A_13, %add3A_199 : i32
      %get3A_201 = arith.constant 3 : i32
      %get3A_202 = arith.index_cast %get3A_201 : i32 to index
      %get3A_203 = arith.index_cast %add3A_200 : i32 to index
      %get3A_204 = tpu.vector_load %arg7[%get3A_202, %get3A_203] {strides = array<i32>} : memref<64x1024xf32, #tpu.memory_space<vmem>>, vector<1x16xf32>,
      %get3A_205 = vector.shape_cast %get3A_204 : vector<1x16xf32> to vector<16xf32>
      %gt3A_206 = arith.cmpf ogt, %get3A_205, %select_n3A_150 : vector<16xf32>
      %gt3A_207 = arith.cmpf ogt, %get3A_205, %select_n3A_147 : vector<16xf32>
      %select_n3A_208 = arith.select %gt3A_207, %get3A_205, %select_n3A_147 : vector<16xi1>, vector<16xf32>
      %select_n3A_209 = arith.select %gt3A_206, %select_n3A_150, %select_n3A_208 : vector<16xi1>, vector<16xf32>
      %select_n3A_210 = arith.select %gt3A_207, %broadcast_in_dim3A_198, %select_n3A_149 : vector<16xi1>, vector<16xi32>
      %select_n3A_211 = arith.select %gt3A_206, %select_n3A_151, %select_n3A_210 : vector<16xi1>, vector<16xi32>
      %select_n3A_212 = arith.select %gt3A_206, %get3A_205, %select_n3A_150 : vector<16xi1>, vector<16xf32>
      %select_n3A_213 = arith.select %gt3A_206, %broadcast_in_dim3A_198, %select_n3A_151 : vector<16xi1>, vector<16xi32>
      %add3A_214 = arith.constant 16 : i32
      %add3A_215 = arith.addi %mul3A_13, %add3A_214 : i32
      %get3A_216 = arith.constant 3 : i32
      %get3A_217 = arith.index_cast %get3A_216 : i32 to index
      %get3A_218 = arith.index_cast %add3A_215 : i32 to index
      %get3A_219 = tpu.vector_load %arg7[%get3A_217, %get3A_218] {strides = array<i32>} : memref<64x1024xf32, #tpu.memory_space<vmem>>, vector<1x16xf32>,
      %get3A_220 = vector.shape_cast %get3A_219 : vector<1x16xf32> to vector<16xf32>
      %gt3A_221 = arith.cmpf ogt, %get3A_220, %select_n3A_165 : vector<16xf32>
      %gt3A_222 = arith.cmpf ogt, %get3A_220, %select_n3A_162 : vector<16xf32>
      %select_n3A_223 = arith.select %gt3A_222, %get3A_220, %select_n3A_162 : vector<16xi1>, vector<16xf32>
      %select_n3A_224 = arith.select %gt3A_221, %select_n3A_165, %select_n3A_223 : vector<16xi1>, vector<16xf32>
      %select_n3A_225 = arith.select %gt3A_222, %broadcast_in_dim3A_198, %select_n3A_164 : vector<16xi1>, vector<16xi32>
      %select_n3A_226 = arith.select %gt3A_221, %select_n3A_166, %select_n3A_225 : vector<16xi1>, vector<16xi32>
      %select_n3A_227 = arith.select %gt3A_221, %get3A_220, %select_n3A_165 : vector<16xi1>, vector<16xf32>
      %select_n3A_228 = arith.select %gt3A_221, %broadcast_in_dim3A_198, %select_n3A_166 : vector<16xi1>, vector<16xi32>
      %add3A_229 = arith.constant 32 : i32
      %add3A_230 = arith.addi %mul3A_13, %add3A_229 : i32
      %get3A_231 = arith.constant 3 : i32
      %get3A_232 = arith.index_cast %get3A_231 : i32 to index
      %get3A_233 = arith.index_cast %add3A_230 : i32 to index
      %get3A_234 = tpu.vector_load %arg7[%get3A_232, %get3A_233] {strides = array<i32>} : memref<64x1024xf32, #tpu.memory_space<vmem>>, vector<1x16xf32>,
      %get3A_235 = vector.shape_cast %get3A_234 : vector<1x16xf32> to vector<16xf32>
      %gt3A_236 = arith.cmpf ogt, %get3A_235, %select_n3A_180 : vector<16xf32>
      %gt3A_237 = arith.cmpf ogt, %get3A_235, %select_n3A_177 : vector<16xf32>
      %select_n3A_238 = arith.select %gt3A_237, %get3A_235, %select_n3A_177 : vector<16xi1>, vector<16xf32>
      %select_n3A_239 = arith.select %gt3A_236, %select_n3A_180, %select_n3A_238 : vector<16xi1>, vector<16xf32>
      %select_n3A_240 = arith.select %gt3A_237, %broadcast_in_dim3A_198, %select_n3A_179 : vector<16xi1>, vector<16xi32>
      %select_n3A_241 = arith.select %gt3A_236, %select_n3A_181, %select_n3A_240 : vector<16xi1>, vector<16xi32>
      %select_n3A_242 = arith.select %gt3A_236, %get3A_235, %select_n3A_180 : vector<16xi1>, vector<16xf32>
      %select_n3A_243 = arith.select %gt3A_236, %broadcast_in_dim3A_198, %select_n3A_181 : vector<16xi1>, vector<16xi32>
      %add3A_244 = arith.constant 48 : i32
      %add3A_245 = arith.addi %mul3A_13, %add3A_244 : i32
      %get3A_246 = arith.constant 3 : i32
      %get3A_247 = arith.index_cast %get3A_246 : i32 to index
      %get3A_248 = arith.index_cast %add3A_245 : i32 to index
      %get3A_249 = tpu.vector_load %arg7[%get3A_247, %get3A_248] {strides = array<i32>} : memref<64x1024xf32, #tpu.memory_space<vmem>>, vector<1x16xf32>,
      %get3A_250 = vector.shape_cast %get3A_249 : vector<1x16xf32> to vector<16xf32>
      %gt3A_251 = arith.cmpf ogt, %get3A_250, %select_n3A_195 : vector<16xf32>
      %gt3A_252 = arith.cmpf ogt, %get3A_250, %select_n3A_192 : vector<16xf32>
      %select_n3A_253 = arith.select %gt3A_252, %get3A_250, %select_n3A_192 : vector<16xi1>, vector<16xf32>
      %select_n3A_254 = arith.select %gt3A_251, %select_n3A_195, %select_n3A_253 : vector<16xi1>, vector<16xf32>
      %select_n3A_255 = arith.select %gt3A_252, %broadcast_in_dim3A_198, %select_n3A_194 : vector<16xi1>, vector<16xi32>
      %select_n3A_256 = arith.select %gt3A_251, %select_n3A_196, %select_n3A_255 : vector<16xi1>, vector<16xi32>
      %select_n3A_257 = arith.select %gt3A_251, %get3A_250, %select_n3A_195 : vector<16xi1>, vector<16xf32>
      %select_n3A_258 = arith.select %gt3A_251, %broadcast_in_dim3A_198, %select_n3A_196 : vector<16xi1>, vector<16xi32>
      %broadcast_in_dim3A_259 = arith.constant 4 : i32
      %broadcast_in_dim3A_260 = vector.broadcast %broadcast_in_dim3A_259 : i32 to vector<16xi32>
      %add3A_261 = arith.constant 0 : i32
      %add3A_262 = arith.addi %mul3A_13, %add3A_261 : i32
      %get3A_263 = arith.constant 4 : i32
      %get3A_264 = arith.index_cast %get3A_263 : i32 to index
      %get3A_265 = arith.index_cast %add3A_262 : i32 to index
      %get3A_266 = tpu.vector_load %arg7[%get3A_264, %get3A_265] {strides = array<i32>} : memref<64x1024xf32, #tpu.memory_space<vmem>>, vector<1x16xf32>,
      %get3A_267 = vector.shape_cast %get3A_266 : vector<1x16xf32> to vector<16xf32>
      %gt3A_268 = arith.cmpf ogt, %get3A_267, %select_n3A_212 : vector<16xf32>
      %gt3A_269 = arith.cmpf ogt, %get3A_267, %select_n3A_209 : vector<16xf32>
      %select_n3A_270 = arith.select %gt3A_269, %get3A_267, %select_n3A_209 : vector<16xi1>, vector<16xf32>
      %select_n3A_271 = arith.select %gt3A_268, %select_n3A_212, %select_n3A_270 : vector<16xi1>, vector<16xf32>
      %select_n3A_272 = arith.select %gt3A_269, %broadcast_in_dim3A_260, %select_n3A_211 : vector<16xi1>, vector<16xi32>
      %select_n3A_273 = arith.select %gt3A_268, %select_n3A_213, %select_n3A_272 : vector<16xi1>, vector<16xi32>
      %select_n3A_274 = arith.select %gt3A_268, %get3A_267, %select_n3A_212 : vector<16xi1>, vector<16xf32>
      %select_n3A_275 = arith.select %gt3A_268, %broadcast_in_dim3A_260, %select_n3A_213 : vector<16xi1>, vector<16xi32>
      %add3A_276 = arith.constant 16 : i32
      %add3A_277 = arith.addi %mul3A_13, %add3A_276 : i32
      %get3A_278 = arith.constant 4 : i32
      %get3A_279 = arith.index_cast %get3A_278 : i32 to index
      %get3A_280 = arith.index_cast %add3A_277 : i32 to index
      %get3A_281 = tpu.vector_load %arg7[%get3A_279, %get3A_280] {strides = array<i32>} : memref<64x1024xf32, #tpu.memory_space<vmem>>, vector<1x16xf32>,
      %get3A_282 = vector.shape_cast %get3A_281 : vector<1x16xf32> to vector<16xf32>
      %gt3A_283 = arith.cmpf ogt, %get3A_282, %select_n3A_227 : vector<16xf32>
      %gt3A_284 = arith.cmpf ogt, %get3A_282, %select_n3A_224 : vector<16xf32>
      %select_n3A_285 = arith.select %gt3A_284, %get3A_282, %select_n3A_224 : vector<16xi1>, vector<16xf32>
      %select_n3A_286 = arith.select %gt3A_283, %select_n3A_227, %select_n3A_285 : vector<16xi1>, vector<16xf32>
      %select_n3A_287 = arith.select %gt3A_284, %broadcast_in_dim3A_260, %select_n3A_226 : vector<16xi1>, vector<16xi32>
      %select_n3A_288 = arith.select %gt3A_283, %select_n3A_228, %select_n3A_287 : vector<16xi1>, vector<16xi32>
      %select_n3A_289 = arith.select %gt3A_283, %get3A_282, %select_n3A_227 : vector<16xi1>, vector<16xf32>
      %select_n3A_290 = arith.select %gt3A_283, %broadcast_in_dim3A_260, %select_n3A_228 : vector<16xi1>, vector<16xi32>
      %add3A_291 = arith.constant 32 : i32
      %add3A_292 = arith.addi %mul3A_13, %add3A_291 : i32
      %get3A_293 = arith.constant 4 : i32
      %get3A_294 = arith.index_cast %get3A_293 : i32 to index
      %get3A_295 = arith.index_cast %add3A_292 : i32 to index
      %get3A_296 = tpu.vector_load %arg7[%get3A_294, %get3A_295] {strides = array<i32>} : memref<64x1024xf32, #tpu.memory_space<vmem>>, vector<1x16xf32>,
      %get3A_297 = vector.shape_cast %get3A_296 : vector<1x16xf32> to vector<16xf32>
      %gt3A_298 = arith.cmpf ogt, %get3A_297, %select_n3A_242 : vector<16xf32>
      %gt3A_299 = arith.cmpf ogt, %get3A_297, %select_n3A_239 : vector<16xf32>
      %select_n3A_300 = arith.select %gt3A_299, %get3A_297, %select_n3A_239 : vector<16xi1>, vector<16xf32>
      %select_n3A_301 = arith.select %gt3A_298, %select_n3A_242, %select_n3A_300 : vector<16xi1>, vector<16xf32>
      %select_n3A_302 = arith.select %gt3A_299, %broadcast_in_dim3A_260, %select_n3A_241 : vector<16xi1>, vector<16xi32>
      %select_n3A_303 = arith.select %gt3A_298, %select_n3A_243, %select_n3A_302 : vector<16xi1>, vector<16xi32>
      %select_n3A_304 = arith.select %gt3A_298, %get3A_297, %select_n3A_242 : vector<16xi1>, vector<16xf32>
      %select_n3A_305 = arith.select %gt3A_298, %broadcast_in_dim3A_260, %select_n3A_243 : vector<16xi1>, vector<16xi32>
      %add3A_306 = arith.constant 48 : i32
      %add3A_307 = arith.addi %mul3A_13, %add3A_306 : i32
      %get3A_308 = arith.constant 4 : i32
      %get3A_309 = arith.index_cast %get3A_308 : i32 to index
      %get3A_310 = arith.index_cast %add3A_307 : i32 to index
      %get3A_311 = tpu.vector_load %arg7[%get3A_309, %get3A_310] {strides = array<i32>} : memref<64x1024xf32, #tpu.memory_space<vmem>>, vector<1x16xf32>,
      %get3A_312 = vector.shape_cast %get3A_311 : vector<1x16xf32> to vector<16xf32>
      %gt3A_313 = arith.cmpf ogt, %get3A_312, %select_n3A_257 : vector<16xf32>
      %gt3A_314 = arith.cmpf ogt, %get3A_312, %select_n3A_254 : vector<16xf32>
      %select_n3A_315 = arith.select %gt3A_314, %get3A_312, %select_n3A_254 : vector<16xi1>, vector<16xf32>
      %select_n3A_316 = arith.select %gt3A_313, %select_n3A_257, %select_n3A_315 : vector<16xi1>, vector<16xf32>
      %select_n3A_317 = arith.select %gt3A_314, %broadcast_in_dim3A_260, %select_n3A_256 : vector<16xi1>, vector<16xi32>
      %select_n3A_318 = arith.select %gt3A_313, %select_n3A_258, %select_n3A_317 : vector<16xi1>, vector<16xi32>
      %select_n3A_319 = arith.select %gt3A_313, %get3A_312, %select_n3A_257 : vector<16xi1>, vector<16xf32>
      %select_n3A_320 = arith.select %gt3A_313, %broadcast_in_dim3A_260, %select_n3A_258 : vector<16xi1>, vector<16xi32>
      %broadcast_in_dim3A_321 = arith.constant 5 : i32
      %broadcast_in_dim3A_322 = vector.broadcast %broadcast_in_dim3A_321 : i32 to vector<16xi32>
      %add3A_323 = arith.constant 0 : i32
      %add3A_324 = arith.addi %mul3A_13, %add3A_323 : i32
      %get3A_325 = arith.constant 5 : i32
      %get3A_326 = arith.index_cast %get3A_325 : i32 to index
      %get3A_327 = arith.index_cast %add3A_324 : i32 to index
      %get3A_328 = tpu.vector_load %arg7[%get3A_326, %get3A_327] {strides = array<i32>} : memref<64x1024xf32, #tpu.memory_space<vmem>>, vector<1x16xf32>,
      %get3A_329 = vector.shape_cast %get3A_328 : vector<1x16xf32> to vector<16xf32>
      %gt3A_330 = arith.cmpf ogt, %get3A_329, %select_n3A_274 : vector<16xf32>
      %gt3A_331 = arith.cmpf ogt, %get3A_329, %select_n3A_271 : vector<16xf32>
      %select_n3A_332 = arith.select %gt3A_331, %get3A_329, %select_n3A_271 : vector<16xi1>, vector<16xf32>
      %select_n3A_333 = arith.select %gt3A_330, %select_n3A_274, %select_n3A_332 : vector<16xi1>, vector<16xf32>
      %select_n3A_334 = arith.select %gt3A_331, %broadcast_in_dim3A_322, %select_n3A_273 : vector<16xi1>, vector<16xi32>
      %select_n3A_335 = arith.select %gt3A_330, %select_n3A_275, %select_n3A_334 : vector<16xi1>, vector<16xi32>
      %select_n3A_336 = arith.select %gt3A_330, %get3A_329, %select_n3A_274 : vector<16xi1>, vector<16xf32>
      %select_n3A_337 = arith.select %gt3A_330, %broadcast_in_dim3A_322, %select_n3A_275 : vector<16xi1>, vector<16xi32>
      %add3A_338 = arith.constant 16 : i32
      %add3A_339 = arith.addi %mul3A_13, %add3A_338 : i32
      %get3A_340 = arith.constant 5 : i32
      %get3A_341 = arith.index_cast %get3A_340 : i32 to index
      %get3A_342 = arith.index_cast %add3A_339 : i32 to index
      %get3A_343 = tpu.vector_load %arg7[%get3A_341, %get3A_342] {strides = array<i32>} : memref<64x1024xf32, #tpu.memory_space<vmem>>, vector<1x16xf32>,
      %get3A_344 = vector.shape_cast %get3A_343 : vector<1x16xf32> to vector<16xf32>
      %gt3A_345 = arith.cmpf ogt, %get3A_344, %select_n3A_289 : vector<16xf32>
      %gt3A_346 = arith.cmpf ogt, %get3A_344, %select_n3A_286 : vector<16xf32>
      %select_n3A_347 = arith.select %gt3A_346, %get3A_344, %select_n3A_286 : vector<16xi1>, vector<16xf32>
      %select_n3A_348 = arith.select %gt3A_345, %select_n3A_289, %select_n3A_347 : vector<16xi1>, vector<16xf32>
      %select_n3A_349 = arith.select %gt3A_346, %broadcast_in_dim3A_322, %select_n3A_288 : vector<16xi1>, vector<16xi32>
      %select_n3A_350 = arith.select %gt3A_345, %select_n3A_290, %select_n3A_349 : vector<16xi1>, vector<16xi32>
      %select_n3A_351 = arith.select %gt3A_345, %get3A_344, %select_n3A_289 : vector<16xi1>, vector<16xf32>
      %select_n3A_352 = arith.select %gt3A_345, %broadcast_in_dim3A_322, %select_n3A_290 : vector<16xi1>, vector<16xi32>
      %add3A_353 = arith.constant 32 : i32
      %add3A_354 = arith.addi %mul3A_13, %add3A_353 : i32
      %get3A_355 = arith.constant 5 : i32
      %get3A_356 = arith.index_cast %get3A_355 : i32 to index
      %get3A_357 = arith.index_cast %add3A_354 : i32 to index
      %get3A_358 = tpu.vector_load %arg7[%get3A_356, %get3A_357] {strides = array<i32>} : memref<64x1024xf32, #tpu.memory_space<vmem>>, vector<1x16xf32>,
      %get3A_359 = vector.shape_cast %get3A_358 : vector<1x16xf32> to vector<16xf32>
      %gt3A_360 = arith.cmpf ogt, %get3A_359, %select_n3A_304 : vector<16xf32>
      %gt3A_361 = arith.cmpf ogt, %get3A_359, %select_n3A_301 : vector<16xf32>
      %select_n3A_362 = arith.select %gt3A_361, %get3A_359, %select_n3A_301 : vector<16xi1>, vector<16xf32>
      %select_n3A_363 = arith.select %gt3A_360, %select_n3A_304, %select_n3A_362 : vector<16xi1>, vector<16xf32>
      %select_n3A_364 = arith.select %gt3A_361, %broadcast_in_dim3A_322, %select_n3A_303 : vector<16xi1>, vector<16xi32>
      %select_n3A_365 = arith.select %gt3A_360, %select_n3A_305, %select_n3A_364 : vector<16xi1>, vector<16xi32>
      %select_n3A_366 = arith.select %gt3A_360, %get3A_359, %select_n3A_304 : vector<16xi1>, vector<16xf32>
      %select_n3A_367 = arith.select %gt3A_360, %broadcast_in_dim3A_322, %select_n3A_305 : vector<16xi1>, vector<16xi32>
      %add3A_368 = arith.constant 48 : i32
      %add3A_369 = arith.addi %mul3A_13, %add3A_368 : i32
      %get3A_370 = arith.constant 5 : i32
      %get3A_371 = arith.index_cast %get3A_370 : i32 to index
      %get3A_372 = arith.index_cast %add3A_369 : i32 to index
      %get3A_373 = tpu.vector_load %arg7[%get3A_371, %get3A_372] {strides = array<i32>} : memref<64x1024xf32, #tpu.memory_space<vmem>>, vector<1x16xf32>,
      %get3A_374 = vector.shape_cast %get3A_373 : vector<1x16xf32> to vector<16xf32>
      %gt3A_375 = arith.cmpf ogt, %get3A_374, %select_n3A_319 : vector<16xf32>
      %gt3A_376 = arith.cmpf ogt, %get3A_374, %select_n3A_316 : vector<16xf32>
      %select_n3A_377 = arith.select %gt3A_376, %get3A_374, %select_n3A_316 : vector<16xi1>, vector<16xf32>
      %select_n3A_378 = arith.select %gt3A_375, %select_n3A_319, %select_n3A_377 : vector<16xi1>, vector<16xf32>
      %select_n3A_379 = arith.select %gt3A_376, %broadcast_in_dim3A_322, %select_n3A_318 : vector<16xi1>, vector<16xi32>
      %select_n3A_380 = arith.select %gt3A_375, %select_n3A_320, %select_n3A_379 : vector<16xi1>, vector<16xi32>
      %select_n3A_381 = arith.select %gt3A_375, %get3A_374, %select_n3A_319 : vector<16xi1>, vector<16xf32>
      %select_n3A_382 = arith.select %gt3A_375, %broadcast_in_dim3A_322, %select_n3A_320 : vector<16xi1>, vector<16xi32>
      %broadcast_in_dim3A_383 = arith.constant 6 : i32
      %broadcast_in_dim3A_384 = vector.broadcast %broadcast_in_dim3A_383 : i32 to vector<16xi32>
      %add3A_385 = arith.constant 0 : i32
      %add3A_386 = arith.addi %mul3A_13, %add3A_385 : i32
      %get3A_387 = arith.constant 6 : i32
      %get3A_388 = arith.index_cast %get3A_387 : i32 to index
      %get3A_389 = arith.index_cast %add3A_386 : i32 to index
      %get3A_390 = tpu.vector_load %arg7[%get3A_388, %get3A_389] {strides = array<i32>} : memref<64x1024xf32, #tpu.memory_space<vmem>>, vector<1x16xf32>,
      %get3A_391 = vector.shape_cast %get3A_390 : vector<1x16xf32> to vector<16xf32>
      %gt3A_392 = arith.cmpf ogt, %get3A_391, %select_n3A_336 : vector<16xf32>
      %gt3A_393 = arith.cmpf ogt, %get3A_391, %select_n3A_333 : vector<16xf32>
      %select_n3A_394 = arith.select %gt3A_393, %get3A_391, %select_n3A_333 : vector<16xi1>, vector<16xf32>
      %select_n3A_395 = arith.select %gt3A_392, %select_n3A_336, %select_n3A_394 : vector<16xi1>, vector<16xf32>
      %select_n3A_396 = arith.select %gt3A_393, %broadcast_in_dim3A_384, %select_n3A_335 : vector<16xi1>, vector<16xi32>
      %select_n3A_397 = arith.select %gt3A_392, %select_n3A_337, %select_n3A_396 : vector<16xi1>, vector<16xi32>
      %select_n3A_398 = arith.select %gt3A_392, %get3A_391, %select_n3A_336 : vector<16xi1>, vector<16xf32>
      %select_n3A_399 = arith.select %gt3A_392, %broadcast_in_dim3A_384, %select_n3A_337 : vector<16xi1>, vector<16xi32>
      %add3A_400 = arith.constant 16 : i32
      %add3A_401 = arith.addi %mul3A_13, %add3A_400 : i32
      %get3A_402 = arith.constant 6 : i32
      %get3A_403 = arith.index_cast %get3A_402 : i32 to index
      %get3A_404 = arith.index_cast %add3A_401 : i32 to index
      %get3A_405 = tpu.vector_load %arg7[%get3A_403, %get3A_404] {strides = array<i32>} : memref<64x1024xf32, #tpu.memory_space<vmem>>, vector<1x16xf32>,
      %get3A_406 = vector.shape_cast %get3A_405 : vector<1x16xf32> to vector<16xf32>
      %gt3A_407 = arith.cmpf ogt, %get3A_406, %select_n3A_351 : vector<16xf32>
      %gt3A_408 = arith.cmpf ogt, %get3A_406, %select_n3A_348 : vector<16xf32>
      %select_n3A_409 = arith.select %gt3A_408, %get3A_406, %select_n3A_348 : vector<16xi1>, vector<16xf32>
      %select_n3A_410 = arith.select %gt3A_407, %select_n3A_351, %select_n3A_409 : vector<16xi1>, vector<16xf32>
      %select_n3A_411 = arith.select %gt3A_408, %broadcast_in_dim3A_384, %select_n3A_350 : vector<16xi1>, vector<16xi32>
      %select_n3A_412 = arith.select %gt3A_407, %select_n3A_352, %select_n3A_411 : vector<16xi1>, vector<16xi32>
      %select_n3A_413 = arith.select %gt3A_407, %get3A_406, %select_n3A_351 : vector<16xi1>, vector<16xf32>
      %select_n3A_414 = arith.select %gt3A_407, %broadcast_in_dim3A_384, %select_n3A_352 : vector<16xi1>, vector<16xi32>
      %add3A_415 = arith.constant 32 : i32
      %add3A_416 = arith.addi %mul3A_13, %add3A_415 : i32
      %get3A_417 = arith.constant 6 : i32
      %get3A_418 = arith.index_cast %get3A_417 : i32 to index
      %get3A_419 = arith.index_cast %add3A_416 : i32 to index
      %get3A_420 = tpu.vector_load %arg7[%get3A_418, %get3A_419] {strides = array<i32>} : memref<64x1024xf32, #tpu.memory_space<vmem>>, vector<1x16xf32>,
      %get3A_421 = vector.shape_cast %get3A_420 : vector<1x16xf32> to vector<16xf32>
      %gt3A_422 = arith.cmpf ogt, %get3A_421, %select_n3A_366 : vector<16xf32>
      %gt3A_423 = arith.cmpf ogt, %get3A_421, %select_n3A_363 : vector<16xf32>
      %select_n3A_424 = arith.select %gt3A_423, %get3A_421, %select_n3A_363 : vector<16xi1>, vector<16xf32>
      %select_n3A_425 = arith.select %gt3A_422, %select_n3A_366, %select_n3A_424 : vector<16xi1>, vector<16xf32>
      %select_n3A_426 = arith.select %gt3A_423, %broadcast_in_dim3A_384, %select_n3A_365 : vector<16xi1>, vector<16xi32>
      %select_n3A_427 = arith.select %gt3A_422, %select_n3A_367, %select_n3A_426 : vector<16xi1>, vector<16xi32>
      %select_n3A_428 = arith.select %gt3A_422, %get3A_421, %select_n3A_366 : vector<16xi1>, vector<16xf32>
      %select_n3A_429 = arith.select %gt3A_422, %broadcast_in_dim3A_384, %select_n3A_367 : vector<16xi1>, vector<16xi32>
      %add3A_430 = arith.constant 48 : i32
      %add3A_431 = arith.addi %mul3A_13, %add3A_430 : i32
      %get3A_432 = arith.constant 6 : i32
      %get3A_433 = arith.index_cast %get3A_432 : i32 to index
      %get3A_434 = arith.index_cast %add3A_431 : i32 to index
      %get3A_435 = tpu.vector_load %arg7[%get3A_433, %get3A_434] {strides = array<i32>} : memref<64x1024xf32, #tpu.memory_space<vmem>>, vector<1x16xf32>,
      %get3A_436 = vector.shape_cast %get3A_435 : vector<1x16xf32> to vector<16xf32>
      %gt3A_437 = arith.cmpf ogt, %get3A_436, %select_n3A_381 : vector<16xf32>
      %gt3A_438 = arith.cmpf ogt, %get3A_436, %select_n3A_378 : vector<16xf32>
      %select_n3A_439 = arith.select %gt3A_438, %get3A_436, %select_n3A_378 : vector<16xi1>, vector<16xf32>
      %select_n3A_440 = arith.select %gt3A_437, %select_n3A_381, %select_n3A_439 : vector<16xi1>, vector<16xf32>
      %select_n3A_441 = arith.select %gt3A_438, %broadcast_in_dim3A_384, %select_n3A_380 : vector<16xi1>, vector<16xi32>
      %select_n3A_442 = arith.select %gt3A_437, %select_n3A_382, %select_n3A_441 : vector<16xi1>, vector<16xi32>
      %select_n3A_443 = arith.select %gt3A_437, %get3A_436, %select_n3A_381 : vector<16xi1>, vector<16xf32>
      %select_n3A_444 = arith.select %gt3A_437, %broadcast_in_dim3A_384, %select_n3A_382 : vector<16xi1>, vector<16xi32>
      %broadcast_in_dim3A_445 = arith.constant 7 : i32
      %broadcast_in_dim3A_446 = vector.broadcast %broadcast_in_dim3A_445 : i32 to vector<16xi32>
      %add3A_447 = arith.constant 0 : i32
      %add3A_448 = arith.addi %mul3A_13, %add3A_447 : i32
      %get3A_449 = arith.constant 7 : i32
      %get3A_450 = arith.index_cast %get3A_449 : i32 to index
      %get3A_451 = arith.index_cast %add3A_448 : i32 to index
      %get3A_452 = tpu.vector_load %arg7[%get3A_450, %get3A_451] {strides = array<i32>} : memref<64x1024xf32, #tpu.memory_space<vmem>>, vector<1x16xf32>,
      %get3A_453 = vector.shape_cast %get3A_452 : vector<1x16xf32> to vector<16xf32>
      %gt3A_454 = arith.cmpf ogt, %get3A_453, %select_n3A_398 : vector<16xf32>
      %gt3A_455 = arith.cmpf ogt, %get3A_453, %select_n3A_395 : vector<16xf32>
      %select_n3A_456 = arith.select %gt3A_455, %get3A_453, %select_n3A_395 : vector<16xi1>, vector<16xf32>
      %select_n3A_457 = arith.select %gt3A_454, %select_n3A_398, %select_n3A_456 : vector<16xi1>, vector<16xf32>
      %select_n3A_458 = arith.select %gt3A_455, %broadcast_in_dim3A_446, %select_n3A_397 : vector<16xi1>, vector<16xi32>
      %select_n3A_459 = arith.select %gt3A_454, %select_n3A_399, %select_n3A_458 : vector<16xi1>, vector<16xi32>
      %select_n3A_460 = arith.select %gt3A_454, %get3A_453, %select_n3A_398 : vector<16xi1>, vector<16xf32>
      %select_n3A_461 = arith.select %gt3A_454, %broadcast_in_dim3A_446, %select_n3A_399 : vector<16xi1>, vector<16xi32>
      %add3A_462 = arith.constant 16 : i32
      %add3A_463 = arith.addi %mul3A_13, %add3A_462 : i32
      %get3A_464 = arith.constant 7 : i32
      %get3A_465 = arith.index_cast %get3A_464 : i32 to index
      %get3A_466 = arith.index_cast %add3A_463 : i32 to index
      %get3A_467 = tpu.vector_load %arg7[%get3A_465, %get3A_466] {strides = array<i32>} : memref<64x1024xf32, #tpu.memory_space<vmem>>, vector<1x16xf32>,
      %get3A_468 = vector.shape_cast %get3A_467 : vector<1x16xf32> to vector<16xf32>
      %gt3A_469 = arith.cmpf ogt, %get3A_468, %select_n3A_413 : vector<16xf32>
      %gt3A_470 = arith.cmpf ogt, %get3A_468, %select_n3A_410 : vector<16xf32>
      %select_n3A_471 = arith.select %gt3A_470, %get3A_468, %select_n3A_410 : vector<16xi1>, vector<16xf32>
      %select_n3A_472 = arith.select %gt3A_469, %select_n3A_413, %select_n3A_471 : vector<16xi1>, vector<16xf32>
      %select_n3A_473 = arith.select %gt3A_470, %broadcast_in_dim3A_446, %select_n3A_412 : vector<16xi1>, vector<16xi32>
      %select_n3A_474 = arith.select %gt3A_469, %select_n3A_414, %select_n3A_473 : vector<16xi1>, vector<16xi32>
      %select_n3A_475 = arith.select %gt3A_469, %get3A_468, %select_n3A_413 : vector<16xi1>, vector<16xf32>
      %select_n3A_476 = arith.select %gt3A_469, %broadcast_in_dim3A_446, %select_n3A_414 : vector<16xi1>, vector<16xi32>
      %add3A_477 = arith.constant 32 : i32
      %add3A_478 = arith.addi %mul3A_13, %add3A_477 : i32
      %get3A_479 = arith.constant 7 : i32
      %get3A_480 = arith.index_cast %get3A_479 : i32 to index
      %get3A_481 = arith.index_cast %add3A_478 : i32 to index
      %get3A_482 = tpu.vector_load %arg7[%get3A_480, %get3A_481] {strides = array<i32>} : memref<64x1024xf32, #tpu.memory_space<vmem>>, vector<1x16xf32>,
      %get3A_483 = vector.shape_cast %get3A_482 : vector<1x16xf32> to vector<16xf32>
      %gt3A_484 = arith.cmpf ogt, %get3A_483, %select_n3A_428 : vector<16xf32>
      %gt3A_485 = arith.cmpf ogt, %get3A_483, %select_n3A_425 : vector<16xf32>
      %select_n3A_486 = arith.select %gt3A_485, %get3A_483, %select_n3A_425 : vector<16xi1>, vector<16xf32>
      %select_n3A_487 = arith.select %gt3A_484, %select_n3A_428, %select_n3A_486 : vector<16xi1>, vector<16xf32>
      %select_n3A_488 = arith.select %gt3A_485, %broadcast_in_dim3A_446, %select_n3A_427 : vector<16xi1>, vector<16xi32>
      %select_n3A_489 = arith.select %gt3A_484, %select_n3A_429, %select_n3A_488 : vector<16xi1>, vector<16xi32>
      %select_n3A_490 = arith.select %gt3A_484, %get3A_483, %select_n3A_428 : vector<16xi1>, vector<16xf32>
      %select_n3A_491 = arith.select %gt3A_484, %broadcast_in_dim3A_446, %select_n3A_429 : vector<16xi1>, vector<16xi32>
      %add3A_492 = arith.constant 48 : i32
      %add3A_493 = arith.addi %mul3A_13, %add3A_492 : i32
      %get3A_494 = arith.constant 7 : i32
      %get3A_495 = arith.index_cast %get3A_494 : i32 to index
      %get3A_496 = arith.index_cast %add3A_493 : i32 to index
      %get3A_497 = tpu.vector_load %arg7[%get3A_495, %get3A_496] {strides = array<i32>} : memref<64x1024xf32, #tpu.memory_space<vmem>>, vector<1x16xf32>,
      %get3A_498 = vector.shape_cast %get3A_497 : vector<1x16xf32> to vector<16xf32>
      %gt3A_499 = arith.cmpf ogt, %get3A_498, %select_n3A_443 : vector<16xf32>
      %gt3A_500 = arith.cmpf ogt, %get3A_498, %select_n3A_440 : vector<16xf32>
      %select_n3A_501 = arith.select %gt3A_500, %get3A_498, %select_n3A_440 : vector<16xi1>, vector<16xf32>
      %select_n3A_502 = arith.select %gt3A_499, %select_n3A_443, %select_n3A_501 : vector<16xi1>, vector<16xf32>
      %select_n3A_503 = arith.select %gt3A_500, %broadcast_in_dim3A_446, %select_n3A_442 : vector<16xi1>, vector<16xi32>
      %select_n3A_504 = arith.select %gt3A_499, %select_n3A_444, %select_n3A_503 : vector<16xi1>, vector<16xi32>
      %select_n3A_505 = arith.select %gt3A_499, %get3A_498, %select_n3A_443 : vector<16xi1>, vector<16xf32>
      %select_n3A_506 = arith.select %gt3A_499, %broadcast_in_dim3A_446, %select_n3A_444 : vector<16xi1>, vector<16xi32>
      %broadcast_in_dim3A_507 = arith.constant 8 : i32
      %broadcast_in_dim3A_508 = vector.broadcast %broadcast_in_dim3A_507 : i32 to vector<16xi32>
      %add3A_509 = arith.constant 0 : i32
      %add3A_510 = arith.addi %mul3A_13, %add3A_509 : i32
      %get3A_511 = arith.constant 8 : i32
      %get3A_512 = arith.index_cast %get3A_511 : i32 to index
      %get3A_513 = arith.index_cast %add3A_510 : i32 to index
      %get3A_514 = tpu.vector_load %arg7[%get3A_512, %get3A_513] {strides = array<i32>} : memref<64x1024xf32, #tpu.memory_space<vmem>>, vector<1x16xf32>,
      %get3A_515 = vector.shape_cast %get3A_514 : vector<1x16xf32> to vector<16xf32>
      %gt3A_516 = arith.cmpf ogt, %get3A_515, %select_n3A_460 : vector<16xf32>
      %gt3A_517 = arith.cmpf ogt, %get3A_515, %select_n3A_457 : vector<16xf32>
      %select_n3A_518 = arith.select %gt3A_517, %get3A_515, %select_n3A_457 : vector<16xi1>, vector<16xf32>
      %select_n3A_519 = arith.select %gt3A_516, %select_n3A_460, %select_n3A_518 : vector<16xi1>, vector<16xf32>
      %select_n3A_520 = arith.select %gt3A_517, %broadcast_in_dim3A_508, %select_n3A_459 : vector<16xi1>, vector<16xi32>
      %select_n3A_521 = arith.select %gt3A_516, %select_n3A_461, %select_n3A_520 : vector<16xi1>, vector<16xi32>
      %select_n3A_522 = arith.select %gt3A_516, %get3A_515, %select_n3A_460 : vector<16xi1>, vector<16xf32>
      %select_n3A_523 = arith.select %gt3A_516, %broadcast_in_dim3A_508, %select_n3A_461 : vector<16xi1>, vector<16xi32>
      %add3A_524 = arith.constant 16 : i32
      %add3A_525 = arith.addi %mul3A_13, %add3A_524 : i32
      %get3A_526 = arith.constant 8 : i32
      %get3A_527 = arith.index_cast %get3A_526 : i32 to index
      %get3A_528 = arith.index_cast %add3A_525 : i32 to index
      %get3A_529 = tpu.vector_load %arg7[%get3A_527, %get3A_528] {strides = array<i32>} : memref<64x1024xf32, #tpu.memory_space<vmem>>, vector<1x16xf32>,
      %get3A_530 = vector.shape_cast %get3A_529 : vector<1x16xf32> to vector<16xf32>
      %gt3A_531 = arith.cmpf ogt, %get3A_530, %select_n3A_475 : vector<16xf32>
      %gt3A_532 = arith.cmpf ogt, %get3A_530, %select_n3A_472 : vector<16xf32>
      %select_n3A_533 = arith.select %gt3A_532, %get3A_530, %select_n3A_472 : vector<16xi1>, vector<16xf32>
      %select_n3A_534 = arith.select %gt3A_531, %select_n3A_475, %select_n3A_533 : vector<16xi1>, vector<16xf32>
      %select_n3A_535 = arith.select %gt3A_532, %broadcast_in_dim3A_508, %select_n3A_474 : vector<16xi1>, vector<16xi32>
      %select_n3A_536 = arith.select %gt3A_531, %select_n3A_476, %select_n3A_535 : vector<16xi1>, vector<16xi32>
      %select_n3A_537 = arith.select %gt3A_531, %get3A_530, %select_n3A_475 : vector<16xi1>, vector<16xf32>
      %select_n3A_538 = arith.select %gt3A_531, %broadcast_in_dim3A_508, %select_n3A_476 : vector<16xi1>, vector<16xi32>
      %add3A_539 = arith.constant 32 : i32
      %add3A_540 = arith.addi %mul3A_13, %add3A_539 : i32
      %get3A_541 = arith.constant 8 : i32
      %get3A_542 = arith.index_cast %get3A_541 : i32 to index
      %get3A_543 = arith.index_cast %add3A_540 : i32 to index
      %get3A_544 = tpu.vector_load %arg7[%get3A_542, %get3A_543] {strides = array<i32>} : memref<64x1024xf32, #tpu.memory_space<vmem>>, vector<1x16xf32>,
      %get3A_545 = vector.shape_cast %get3A_544 : vector<1x16xf32> to vector<16xf32>
      %gt3A_546 = arith.cmpf ogt, %get3A_545, %select_n3A_490 : vector<16xf32>
      %gt3A_547 = arith.cmpf ogt, %get3A_545, %select_n3A_487 : vector<16xf32>
      %select_n3A_548 = arith.select %gt3A_547, %get3A_545, %select_n3A_487 : vector<16xi1>, vector<16xf32>
      %select_n3A_549 = arith.select %gt3A_546, %select_n3A_490, %select_n3A_548 : vector<16xi1>, vector<16xf32>
      %select_n3A_550 = arith.select %gt3A_547, %broadcast_in_dim3A_508, %select_n3A_489 : vector<16xi1>, vector<16xi32>
      %select_n3A_551 = arith.select %gt3A_546, %select_n3A_491, %select_n3A_550 : vector<16xi1>, vector<16xi32>
      %select_n3A_552 = arith.select %gt3A_546, %get3A_545, %select_n3A_490 : vector<16xi1>, vector<16xf32>
      %select_n3A_553 = arith.select %gt3A_546, %broadcast_in_dim3A_508, %select_n3A_491 : vector<16xi1>, vector<16xi32>
      %add3A_554 = arith.constant 48 : i32
      %add3A_555 = arith.addi %mul3A_13, %add3A_554 : i32
      %get3A_556 = arith.constant 8 : i32
      %get3A_557 = arith.index_cast %get3A_556 : i32 to index
      %get3A_558 = arith.index_cast %add3A_555 : i32 to index
      %get3A_559 = tpu.vector_load %arg7[%get3A_557, %get3A_558] {strides = array<i32>} : memref<64x1024xf32, #tpu.memory_space<vmem>>, vector<1x16xf32>,
      %get3A_560 = vector.shape_cast %get3A_559 : vector<1x16xf32> to vector<16xf32>
      %gt3A_561 = arith.cmpf ogt, %get3A_560, %select_n3A_505 : vector<16xf32>
      %gt3A_562 = arith.cmpf ogt, %get3A_560, %select_n3A_502 : vector<16xf32>
      %select_n3A_563 = arith.select %gt3A_562, %get3A_560, %select_n3A_502 : vector<16xi1>, vector<16xf32>
      %select_n3A_564 = arith.select %gt3A_561, %select_n3A_505, %select_n3A_563 : vector<16xi1>, vector<16xf32>
      %select_n3A_565 = arith.select %gt3A_562, %broadcast_in_dim3A_508, %select_n3A_504 : vector<16xi1>, vector<16xi32>
      %select_n3A_566 = arith.select %gt3A_561, %select_n3A_506, %select_n3A_565 : vector<16xi1>, vector<16xi32>
      %select_n3A_567 = arith.select %gt3A_561, %get3A_560, %select_n3A_505 : vector<16xi1>, vector<16xf32>
      %select_n3A_568 = arith.select %gt3A_561, %broadcast_in_dim3A_508, %select_n3A_506 : vector<16xi1>, vector<16xi32>
      %broadcast_in_dim3A_569 = arith.constant 9 : i32
      %broadcast_in_dim3A_570 = vector.broadcast %broadcast_in_dim3A_569 : i32 to vector<16xi32>
      %add3A_571 = arith.constant 0 : i32
      %add3A_572 = arith.addi %mul3A_13, %add3A_571 : i32
      %get3A_573 = arith.constant 9 : i32
      %get3A_574 = arith.index_cast %get3A_573 : i32 to index
      %get3A_575 = arith.index_cast %add3A_572 : i32 to index
      %get3A_576 = tpu.vector_load %arg7[%get3A_574, %get3A_575] {strides = array<i32>} : memref<64x1024xf32, #tpu.memory_space<vmem>>, vector<1x16xf32>,
      %get3A_577 = vector.shape_cast %get3A_576 : vector<1x16xf32> to vector<16xf32>
      %gt3A_578 = arith.cmpf ogt, %get3A_577, %select_n3A_522 : vector<16xf32>
      %gt3A_579 = arith.cmpf ogt, %get3A_577, %select_n3A_519 : vector<16xf32>
      %select_n3A_580 = arith.select %gt3A_579, %get3A_577, %select_n3A_519 : vector<16xi1>, vector<16xf32>
      %select_n3A_581 = arith.select %gt3A_578, %select_n3A_522, %select_n3A_580 : vector<16xi1>, vector<16xf32>
      %select_n3A_582 = arith.select %gt3A_579, %broadcast_in_dim3A_570, %select_n3A_521 : vector<16xi1>, vector<16xi32>
      %select_n3A_583 = arith.select %gt3A_578, %select_n3A_523, %select_n3A_582 : vector<16xi1>, vector<16xi32>
      %select_n3A_584 = arith.select %gt3A_578, %get3A_577, %select_n3A_522 : vector<16xi1>, vector<16xf32>
      %select_n3A_585 = arith.select %gt3A_578, %broadcast_in_dim3A_570, %select_n3A_523 : vector<16xi1>, vector<16xi32>
      %add3A_586 = arith.constant 16 : i32
      %add3A_587 = arith.addi %mul3A_13, %add3A_586 : i32
      %get3A_588 = arith.constant 9 : i32
      %get3A_589 = arith.index_cast %get3A_588 : i32 to index
      %get3A_590 = arith.index_cast %add3A_587 : i32 to index
      %get3A_591 = tpu.vector_load %arg7[%get3A_589, %get3A_590] {strides = array<i32>} : memref<64x1024xf32, #tpu.memory_space<vmem>>, vector<1x16xf32>,
      %get3A_592 = vector.shape_cast %get3A_591 : vector<1x16xf32> to vector<16xf32>
      %gt3A_593 = arith.cmpf ogt, %get3A_592, %select_n3A_537 : vector<16xf32>
      %gt3A_594 = arith.cmpf ogt, %get3A_592, %select_n3A_534 : vector<16xf32>
      %select_n3A_595 = arith.select %gt3A_594, %get3A_592, %select_n3A_534 : vector<16xi1>, vector<16xf32>
      %select_n3A_596 = arith.select %gt3A_593, %select_n3A_537, %select_n3A_595 : vector<16xi1>, vector<16xf32>
      %select_n3A_597 = arith.select %gt3A_594, %broadcast_in_dim3A_570, %select_n3A_536 : vector<16xi1>, vector<16xi32>
      %select_n3A_598 = arith.select %gt3A_593, %select_n3A_538, %select_n3A_597 : vector<16xi1>, vector<16xi32>
      %select_n3A_599 = arith.select %gt3A_593, %get3A_592, %select_n3A_537 : vector<16xi1>, vector<16xf32>
      %select_n3A_600 = arith.select %gt3A_593, %broadcast_in_dim3A_570, %select_n3A_538 : vector<16xi1>, vector<16xi32>
      %add3A_601 = arith.constant 32 : i32
      %add3A_602 = arith.addi %mul3A_13, %add3A_601 : i32
      %get3A_603 = arith.constant 9 : i32
      %get3A_604 = arith.index_cast %get3A_603 : i32 to index
      %get3A_605 = arith.index_cast %add3A_602 : i32 to index
      %get3A_606 = tpu.vector_load %arg7[%get3A_604, %get3A_605] {strides = array<i32>} : memref<64x1024xf32, #tpu.memory_space<vmem>>, vector<1x16xf32>,
      %get3A_607 = vector.shape_cast %get3A_606 : vector<1x16xf32> to vector<16xf32>
      %gt3A_608 = arith.cmpf ogt, %get3A_607, %select_n3A_552 : vector<16xf32>
      %gt3A_609 = arith.cmpf ogt, %get3A_607, %select_n3A_549 : vector<16xf32>
      %select_n3A_610 = arith.select %gt3A_609, %get3A_607, %select_n3A_549 : vector<16xi1>, vector<16xf32>
      %select_n3A_611 = arith.select %gt3A_608, %select_n3A_552, %select_n3A_610 : vector<16xi1>, vector<16xf32>
      %select_n3A_612 = arith.select %gt3A_609, %broadcast_in_dim3A_570, %select_n3A_551 : vector<16xi1>, vector<16xi32>
      %select_n3A_613 = arith.select %gt3A_608, %select_n3A_553, %select_n3A_612 : vector<16xi1>, vector<16xi32>
      %select_n3A_614 = arith.select %gt3A_608, %get3A_607, %select_n3A_552 : vector<16xi1>, vector<16xf32>
      %select_n3A_615 = arith.select %gt3A_608, %broadcast_in_dim3A_570, %select_n3A_553 : vector<16xi1>, vector<16xi32>
      %add3A_616 = arith.constant 48 : i32
      %add3A_617 = arith.addi %mul3A_13, %add3A_616 : i32
      %get3A_618 = arith.constant 9 : i32
      %get3A_619 = arith.index_cast %get3A_618 : i32 to index
      %get3A_620 = arith.index_cast %add3A_617 : i32 to index
      %get3A_621 = tpu.vector_load %arg7[%get3A_619, %get3A_620] {strides = array<i32>} : memref<64x1024xf32, #tpu.memory_space<vmem>>, vector<1x16xf32>,
      %get3A_622 = vector.shape_cast %get3A_621 : vector<1x16xf32> to vector<16xf32>
      %gt3A_623 = arith.cmpf ogt, %get3A_622, %select_n3A_567 : vector<16xf32>
      %gt3A_624 = arith.cmpf ogt, %get3A_622, %select_n3A_564 : vector<16xf32>
      %select_n3A_625 = arith.select %gt3A_624, %get3A_622, %select_n3A_564 : vector<16xi1>, vector<16xf32>
      %select_n3A_626 = arith.select %gt3A_623, %select_n3A_567, %select_n3A_625 : vector<16xi1>, vector<16xf32>
      %select_n3A_627 = arith.select %gt3A_624, %broadcast_in_dim3A_570, %select_n3A_566 : vector<16xi1>, vector<16xi32>
      %select_n3A_628 = arith.select %gt3A_623, %select_n3A_568, %select_n3A_627 : vector<16xi1>, vector<16xi32>
      %select_n3A_629 = arith.select %gt3A_623, %get3A_622, %select_n3A_567 : vector<16xi1>, vector<16xf32>
      %select_n3A_630 = arith.select %gt3A_623, %broadcast_in_dim3A_570, %select_n3A_568 : vector<16xi1>, vector<16xi32>
      %broadcast_in_dim3A_631 = arith.constant 10 : i32
      %broadcast_in_dim3A_632 = vector.broadcast %broadcast_in_dim3A_631 : i32 to vector<16xi32>
      %add3A_633 = arith.constant 0 : i32
      %add3A_634 = arith.addi %mul3A_13, %add3A_633 : i32
      %get3A_635 = arith.constant 10 : i32
      %get3A_636 = arith.index_cast %get3A_635 : i32 to index
      %get3A_637 = arith.index_cast %add3A_634 : i32 to index
      %get3A_638 = tpu.vector_load %arg7[%get3A_636, %get3A_637] {strides = array<i32>} : memref<64x1024xf32, #tpu.memory_space<vmem>>, vector<1x16xf32>,
      %get3A_639 = vector.shape_cast %get3A_638 : vector<1x16xf32> to vector<16xf32>
      %gt3A_640 = arith.cmpf ogt, %get3A_639, %select_n3A_584 : vector<16xf32>
      %gt3A_641 = arith.cmpf ogt, %get3A_639, %select_n3A_581 : vector<16xf32>
      %select_n3A_642 = arith.select %gt3A_641, %get3A_639, %select_n3A_581 : vector<16xi1>, vector<16xf32>
      %select_n3A_643 = arith.select %gt3A_640, %select_n3A_584, %select_n3A_642 : vector<16xi1>, vector<16xf32>
      %select_n3A_644 = arith.select %gt3A_641, %broadcast_in_dim3A_632, %select_n3A_583 : vector<16xi1>, vector<16xi32>
      %select_n3A_645 = arith.select %gt3A_640, %select_n3A_585, %select_n3A_644 : vector<16xi1>, vector<16xi32>
      %select_n3A_646 = arith.select %gt3A_640, %get3A_639, %select_n3A_584 : vector<16xi1>, vector<16xf32>
      %select_n3A_647 = arith.select %gt3A_640, %broadcast_in_dim3A_632, %select_n3A_585 : vector<16xi1>, vector<16xi32>
      %add3A_648 = arith.constant 16 : i32
      %add3A_649 = arith.addi %mul3A_13, %add3A_648 : i32
      %get3A_650 = arith.constant 10 : i32
      %get3A_651 = arith.index_cast %get3A_650 : i32 to index
      %get3A_652 = arith.index_cast %add3A_649 : i32 to index
      %get3A_653 = tpu.vector_load %arg7[%get3A_651, %get3A_652] {strides = array<i32>} : memref<64x1024xf32, #tpu.memory_space<vmem>>, vector<1x16xf32>,
      %get3A_654 = vector.shape_cast %get3A_653 : vector<1x16xf32> to vector<16xf32>
      %gt3A_655 = arith.cmpf ogt, %get3A_654, %select_n3A_599 : vector<16xf32>
      %gt3A_656 = arith.cmpf ogt, %get3A_654, %select_n3A_596 : vector<16xf32>
      %select_n3A_657 = arith.select %gt3A_656, %get3A_654, %select_n3A_596 : vector<16xi1>, vector<16xf32>
      %select_n3A_658 = arith.select %gt3A_655, %select_n3A_599, %select_n3A_657 : vector<16xi1>, vector<16xf32>
      %select_n3A_659 = arith.select %gt3A_656, %broadcast_in_dim3A_632, %select_n3A_598 : vector<16xi1>, vector<16xi32>
      %select_n3A_660 = arith.select %gt3A_655, %select_n3A_600, %select_n3A_659 : vector<16xi1>, vector<16xi32>
      %select_n3A_661 = arith.select %gt3A_655, %get3A_654, %select_n3A_599 : vector<16xi1>, vector<16xf32>
      %select_n3A_662 = arith.select %gt3A_655, %broadcast_in_dim3A_632, %select_n3A_600 : vector<16xi1>, vector<16xi32>
      %add3A_663 = arith.constant 32 : i32
      %add3A_664 = arith.addi %mul3A_13, %add3A_663 : i32
      %get3A_665 = arith.constant 10 : i32
      %get3A_666 = arith.index_cast %get3A_665 : i32 to index
      %get3A_667 = arith.index_cast %add3A_664 : i32 to index
      %get3A_668 = tpu.vector_load %arg7[%get3A_666, %get3A_667] {strides = array<i32>} : memref<64x1024xf32, #tpu.memory_space<vmem>>, vector<1x16xf32>,
      %get3A_669 = vector.shape_cast %get3A_668 : vector<1x16xf32> to vector<16xf32>
      %gt3A_670 = arith.cmpf ogt, %get3A_669, %select_n3A_614 : vector<16xf32>
      %gt3A_671 = arith.cmpf ogt, %get3A_669, %select_n3A_611 : vector<16xf32>
      %select_n3A_672 = arith.select %gt3A_671, %get3A_669, %select_n3A_611 : vector<16xi1>, vector<16xf32>
      %select_n3A_673 = arith.select %gt3A_670, %select_n3A_614, %select_n3A_672 : vector<16xi1>, vector<16xf32>
      %select_n3A_674 = arith.select %gt3A_671, %broadcast_in_dim3A_632, %select_n3A_613 : vector<16xi1>, vector<16xi32>
      %select_n3A_675 = arith.select %gt3A_670, %select_n3A_615, %select_n3A_674 : vector<16xi1>, vector<16xi32>
      %select_n3A_676 = arith.select %gt3A_670, %get3A_669, %select_n3A_614 : vector<16xi1>, vector<16xf32>
      %select_n3A_677 = arith.select %gt3A_670, %broadcast_in_dim3A_632, %select_n3A_615 : vector<16xi1>, vector<16xi32>
      %add3A_678 = arith.constant 48 : i32
      %add3A_679 = arith.addi %mul3A_13, %add3A_678 : i32
      %get3A_680 = arith.constant 10 : i32
      %get3A_681 = arith.index_cast %get3A_680 : i32 to index
      %get3A_682 = arith.index_cast %add3A_679 : i32 to index
      %get3A_683 = tpu.vector_load %arg7[%get3A_681, %get3A_682] {strides = array<i32>} : memref<64x1024xf32, #tpu.memory_space<vmem>>, vector<1x16xf32>,
      %get3A_684 = vector.shape_cast %get3A_683 : vector<1x16xf32> to vector<16xf32>
      %gt3A_685 = arith.cmpf ogt, %get3A_684, %select_n3A_629 : vector<16xf32>
      %gt3A_686 = arith.cmpf ogt, %get3A_684, %select_n3A_626 : vector<16xf32>
      %select_n3A_687 = arith.select %gt3A_686, %get3A_684, %select_n3A_626 : vector<16xi1>, vector<16xf32>
      %select_n3A_688 = arith.select %gt3A_685, %select_n3A_629, %select_n3A_687 : vector<16xi1>, vector<16xf32>
      %select_n3A_689 = arith.select %gt3A_686, %broadcast_in_dim3A_632, %select_n3A_628 : vector<16xi1>, vector<16xi32>
      %select_n3A_690 = arith.select %gt3A_685, %select_n3A_630, %select_n3A_689 : vector<16xi1>, vector<16xi32>
      %select_n3A_691 = arith.select %gt3A_685, %get3A_684, %select_n3A_629 : vector<16xi1>, vector<16xf32>
      %select_n3A_692 = arith.select %gt3A_685, %broadcast_in_dim3A_632, %select_n3A_630 : vector<16xi1>, vector<16xi32>
      %broadcast_in_dim3A_693 = arith.constant 11 : i32
      %broadcast_in_dim3A_694 = vector.broadcast %broadcast_in_dim3A_693 : i32 to vector<16xi32>
      %add3A_695 = arith.constant 0 : i32
      %add3A_696 = arith.addi %mul3A_13, %add3A_695 : i32
      %get3A_697 = arith.constant 11 : i32
      %get3A_698 = arith.index_cast %get3A_697 : i32 to index
      %get3A_699 = arith.index_cast %add3A_696 : i32 to index
      %get3A_700 = tpu.vector_load %arg7[%get3A_698, %get3A_699] {strides = array<i32>} : memref<64x1024xf32, #tpu.memory_space<vmem>>, vector<1x16xf32>,
      %get3A_701 = vector.shape_cast %get3A_700 : vector<1x16xf32> to vector<16xf32>
      %gt3A_702 = arith.cmpf ogt, %get3A_701, %select_n3A_646 : vector<16xf32>
      %gt3A_703 = arith.cmpf ogt, %get3A_701, %select_n3A_643 : vector<16xf32>
      %select_n3A_704 = arith.select %gt3A_703, %get3A_701, %select_n3A_643 : vector<16xi1>, vector<16xf32>
      %select_n3A_705 = arith.select %gt3A_702, %select_n3A_646, %select_n3A_704 : vector<16xi1>, vector<16xf32>
      %select_n3A_706 = arith.select %gt3A_703, %broadcast_in_dim3A_694, %select_n3A_645 : vector<16xi1>, vector<16xi32>
      %select_n3A_707 = arith.select %gt3A_702, %select_n3A_647, %select_n3A_706 : vector<16xi1>, vector<16xi32>
      %select_n3A_708 = arith.select %gt3A_702, %get3A_701, %select_n3A_646 : vector<16xi1>, vector<16xf32>
      %select_n3A_709 = arith.select %gt3A_702, %broadcast_in_dim3A_694, %select_n3A_647 : vector<16xi1>, vector<16xi32>
      %add3A_710 = arith.constant 16 : i32
      %add3A_711 = arith.addi %mul3A_13, %add3A_710 : i32
      %get3A_712 = arith.constant 11 : i32
      %get3A_713 = arith.index_cast %get3A_712 : i32 to index
      %get3A_714 = arith.index_cast %add3A_711 : i32 to index
      %get3A_715 = tpu.vector_load %arg7[%get3A_713, %get3A_714] {strides = array<i32>} : memref<64x1024xf32, #tpu.memory_space<vmem>>, vector<1x16xf32>,
      %get3A_716 = vector.shape_cast %get3A_715 : vector<1x16xf32> to vector<16xf32>
      %gt3A_717 = arith.cmpf ogt, %get3A_716, %select_n3A_661 : vector<16xf32>
      %gt3A_718 = arith.cmpf ogt, %get3A_716, %select_n3A_658 : vector<16xf32>
      %select_n3A_719 = arith.select %gt3A_718, %get3A_716, %select_n3A_658 : vector<16xi1>, vector<16xf32>
      %select_n3A_720 = arith.select %gt3A_717, %select_n3A_661, %select_n3A_719 : vector<16xi1>, vector<16xf32>
      %select_n3A_721 = arith.select %gt3A_718, %broadcast_in_dim3A_694, %select_n3A_660 : vector<16xi1>, vector<16xi32>
      %select_n3A_722 = arith.select %gt3A_717, %select_n3A_662, %select_n3A_721 : vector<16xi1>, vector<16xi32>
      %select_n3A_723 = arith.select %gt3A_717, %get3A_716, %select_n3A_661 : vector<16xi1>, vector<16xf32>
      %select_n3A_724 = arith.select %gt3A_717, %broadcast_in_dim3A_694, %select_n3A_662 : vector<16xi1>, vector<16xi32>
      %add3A_725 = arith.constant 32 : i32
      %add3A_726 = arith.addi %mul3A_13, %add3A_725 : i32
      %get3A_727 = arith.constant 11 : i32
      %get3A_728 = arith.index_cast %get3A_727 : i32 to index
      %get3A_729 = arith.index_cast %add3A_726 : i32 to index
      %get3A_730 = tpu.vector_load %arg7[%get3A_728, %get3A_729] {strides = array<i32>} : memref<64x1024xf32, #tpu.memory_space<vmem>>, vector<1x16xf32>,
      %get3A_731 = vector.shape_cast %get3A_730 : vector<1x16xf32> to vector<16xf32>
      %gt3A_732 = arith.cmpf ogt, %get3A_731, %select_n3A_676 : vector<16xf32>
      %gt3A_733 = arith.cmpf ogt, %get3A_731, %select_n3A_673 : vector<16xf32>
      %select_n3A_734 = arith.select %gt3A_733, %get3A_731, %select_n3A_673 : vector<16xi1>, vector<16xf32>
      %select_n3A_735 = arith.select %gt3A_732, %select_n3A_676, %select_n3A_734 : vector<16xi1>, vector<16xf32>
      %select_n3A_736 = arith.select %gt3A_733, %broadcast_in_dim3A_694, %select_n3A_675 : vector<16xi1>, vector<16xi32>
      %select_n3A_737 = arith.select %gt3A_732, %select_n3A_677, %select_n3A_736 : vector<16xi1>, vector<16xi32>
      %select_n3A_738 = arith.select %gt3A_732, %get3A_731, %select_n3A_676 : vector<16xi1>, vector<16xf32>
      %select_n3A_739 = arith.select %gt3A_732, %broadcast_in_dim3A_694, %select_n3A_677 : vector<16xi1>, vector<16xi32>
      %add3A_740 = arith.constant 48 : i32
      %add3A_741 = arith.addi %mul3A_13, %add3A_740 : i32
      %get3A_742 = arith.constant 11 : i32
      %get3A_743 = arith.index_cast %get3A_742 : i32 to index
      %get3A_744 = arith.index_cast %add3A_741 : i32 to index
      %get3A_745 = tpu.vector_load %arg7[%get3A_743, %get3A_744] {strides = array<i32>} : memref<64x1024xf32, #tpu.memory_space<vmem>>, vector<1x16xf32>,
      %get3A_746 = vector.shape_cast %get3A_745 : vector<1x16xf32> to vector<16xf32>
      %gt3A_747 = arith.cmpf ogt, %get3A_746, %select_n3A_691 : vector<16xf32>
      %gt3A_748 = arith.cmpf ogt, %get3A_746, %select_n3A_688 : vector<16xf32>
      %select_n3A_749 = arith.select %gt3A_748, %get3A_746, %select_n3A_688 : vector<16xi1>, vector<16xf32>
      %select_n3A_750 = arith.select %gt3A_747, %select_n3A_691, %select_n3A_749 : vector<16xi1>, vector<16xf32>
      %select_n3A_751 = arith.select %gt3A_748, %broadcast_in_dim3A_694, %select_n3A_690 : vector<16xi1>, vector<16xi32>
      %select_n3A_752 = arith.select %gt3A_747, %select_n3A_692, %select_n3A_751 : vector<16xi1>, vector<16xi32>
      %select_n3A_753 = arith.select %gt3A_747, %get3A_746, %select_n3A_691 : vector<16xi1>, vector<16xf32>
      %select_n3A_754 = arith.select %gt3A_747, %broadcast_in_dim3A_694, %select_n3A_692 : vector<16xi1>, vector<16xi32>
      %broadcast_in_dim3A_755 = arith.constant 12 : i32
      %broadcast_in_dim3A_756 = vector.broadcast %broadcast_in_dim3A_755 : i32 to vector<16xi32>
      %add3A_757 = arith.constant 0 : i32
      %add3A_758 = arith.addi %mul3A_13, %add3A_757 : i32
      %get3A_759 = arith.constant 12 : i32
      %get3A_760 = arith.index_cast %get3A_759 : i32 to index
      %get3A_761 = arith.index_cast %add3A_758 : i32 to index
      %get3A_762 = tpu.vector_load %arg7[%get3A_760, %get3A_761] {strides = array<i32>} : memref<64x1024xf32, #tpu.memory_space<vmem>>, vector<1x16xf32>,
      %get3A_763 = vector.shape_cast %get3A_762 : vector<1x16xf32> to vector<16xf32>
      %gt3A_764 = arith.cmpf ogt, %get3A_763, %select_n3A_708 : vector<16xf32>
      %gt3A_765 = arith.cmpf ogt, %get3A_763, %select_n3A_705 : vector<16xf32>
      %select_n3A_766 = arith.select %gt3A_765, %get3A_763, %select_n3A_705 : vector<16xi1>, vector<16xf32>
      %select_n3A_767 = arith.select %gt3A_764, %select_n3A_708, %select_n3A_766 : vector<16xi1>, vector<16xf32>
      %select_n3A_768 = arith.select %gt3A_765, %broadcast_in_dim3A_756, %select_n3A_707 : vector<16xi1>, vector<16xi32>
      %select_n3A_769 = arith.select %gt3A_764, %select_n3A_709, %select_n3A_768 : vector<16xi1>, vector<16xi32>
      %select_n3A_770 = arith.select %gt3A_764, %get3A_763, %select_n3A_708 : vector<16xi1>, vector<16xf32>
      %select_n3A_771 = arith.select %gt3A_764, %broadcast_in_dim3A_756, %select_n3A_709 : vector<16xi1>, vector<16xi32>
      %add3A_772 = arith.constant 16 : i32
      %add3A_773 = arith.addi %mul3A_13, %add3A_772 : i32
      %get3A_774 = arith.constant 12 : i32
      %get3A_775 = arith.index_cast %get3A_774 : i32 to index
      %get3A_776 = arith.index_cast %add3A_773 : i32 to index
      %get3A_777 = tpu.vector_load %arg7[%get3A_775, %get3A_776] {strides = array<i32>} : memref<64x1024xf32, #tpu.memory_space<vmem>>, vector<1x16xf32>,
      %get3A_778 = vector.shape_cast %get3A_777 : vector<1x16xf32> to vector<16xf32>
      %gt3A_779 = arith.cmpf ogt, %get3A_778, %select_n3A_723 : vector<16xf32>
      %gt3A_780 = arith.cmpf ogt, %get3A_778, %select_n3A_720 : vector<16xf32>
      %select_n3A_781 = arith.select %gt3A_780, %get3A_778, %select_n3A_720 : vector<16xi1>, vector<16xf32>
      %select_n3A_782 = arith.select %gt3A_779, %select_n3A_723, %select_n3A_781 : vector<16xi1>, vector<16xf32>
      %select_n3A_783 = arith.select %gt3A_780, %broadcast_in_dim3A_756, %select_n3A_722 : vector<16xi1>, vector<16xi32>
      %select_n3A_784 = arith.select %gt3A_779, %select_n3A_724, %select_n3A_783 : vector<16xi1>, vector<16xi32>
      %select_n3A_785 = arith.select %gt3A_779, %get3A_778, %select_n3A_723 : vector<16xi1>, vector<16xf32>
      %select_n3A_786 = arith.select %gt3A_779, %broadcast_in_dim3A_756, %select_n3A_724 : vector<16xi1>, vector<16xi32>
      %add3A_787 = arith.constant 32 : i32
      %add3A_788 = arith.addi %mul3A_13, %add3A_787 : i32
      %get3A_789 = arith.constant 12 : i32
      %get3A_790 = arith.index_cast %get3A_789 : i32 to index
      %get3A_791 = arith.index_cast %add3A_788 : i32 to index
      %get3A_792 = tpu.vector_load %arg7[%get3A_790, %get3A_791] {strides = array<i32>} : memref<64x1024xf32, #tpu.memory_space<vmem>>, vector<1x16xf32>,
      %get3A_793 = vector.shape_cast %get3A_792 : vector<1x16xf32> to vector<16xf32>
      %gt3A_794 = arith.cmpf ogt, %get3A_793, %select_n3A_738 : vector<16xf32>
      %gt3A_795 = arith.cmpf ogt, %get3A_793, %select_n3A_735 : vector<16xf32>
      %select_n3A_796 = arith.select %gt3A_795, %get3A_793, %select_n3A_735 : vector<16xi1>, vector<16xf32>
      %select_n3A_797 = arith.select %gt3A_794, %select_n3A_738, %select_n3A_796 : vector<16xi1>, vector<16xf32>
      %select_n3A_798 = arith.select %gt3A_795, %broadcast_in_dim3A_756, %select_n3A_737 : vector<16xi1>, vector<16xi32>
      %select_n3A_799 = arith.select %gt3A_794, %select_n3A_739, %select_n3A_798 : vector<16xi1>, vector<16xi32>
      %select_n3A_800 = arith.select %gt3A_794, %get3A_793, %select_n3A_738 : vector<16xi1>, vector<16xf32>
      %select_n3A_801 = arith.select %gt3A_794, %broadcast_in_dim3A_756, %select_n3A_739 : vector<16xi1>, vector<16xi32>
      %add3A_802 = arith.constant 48 : i32
      %add3A_803 = arith.addi %mul3A_13, %add3A_802 : i32
      %get3A_804 = arith.constant 12 : i32
      %get3A_805 = arith.index_cast %get3A_804 : i32 to index
      %get3A_806 = arith.index_cast %add3A_803 : i32 to index
      %get3A_807 = tpu.vector_load %arg7[%get3A_805, %get3A_806] {strides = array<i32>} : memref<64x1024xf32, #tpu.memory_space<vmem>>, vector<1x16xf32>,
      %get3A_808 = vector.shape_cast %get3A_807 : vector<1x16xf32> to vector<16xf32>
      %gt3A_809 = arith.cmpf ogt, %get3A_808, %select_n3A_753 : vector<16xf32>
      %gt3A_810 = arith.cmpf ogt, %get3A_808, %select_n3A_750 : vector<16xf32>
      %select_n3A_811 = arith.select %gt3A_810, %get3A_808, %select_n3A_750 : vector<16xi1>, vector<16xf32>
      %select_n3A_812 = arith.select %gt3A_809, %select_n3A_753, %select_n3A_811 : vector<16xi1>, vector<16xf32>
      %select_n3A_813 = arith.select %gt3A_810, %broadcast_in_dim3A_756, %select_n3A_752 : vector<16xi1>, vector<16xi32>
      %select_n3A_814 = arith.select %gt3A_809, %select_n3A_754, %select_n3A_813 : vector<16xi1>, vector<16xi32>
      %select_n3A_815 = arith.select %gt3A_809, %get3A_808, %select_n3A_753 : vector<16xi1>, vector<16xf32>
      %select_n3A_816 = arith.select %gt3A_809, %broadcast_in_dim3A_756, %select_n3A_754 : vector<16xi1>, vector<16xi32>
      %broadcast_in_dim3A_817 = arith.constant 13 : i32
      %broadcast_in_dim3A_818 = vector.broadcast %broadcast_in_dim3A_817 : i32 to vector<16xi32>
      %add3A_819 = arith.constant 0 : i32
      %add3A_820 = arith.addi %mul3A_13, %add3A_819 : i32
      %get3A_821 = arith.constant 13 : i32
      %get3A_822 = arith.index_cast %get3A_821 : i32 to index
      %get3A_823 = arith.index_cast %add3A_820 : i32 to index
      %get3A_824 = tpu.vector_load %arg7[%get3A_822, %get3A_823] {strides = array<i32>} : memref<64x1024xf32, #tpu.memory_space<vmem>>, vector<1x16xf32>,
      %get3A_825 = vector.shape_cast %get3A_824 : vector<1x16xf32> to vector<16xf32>
      %gt3A_826 = arith.cmpf ogt, %get3A_825, %select_n3A_770 : vector<16xf32>
      %gt3A_827 = arith.cmpf ogt, %get3A_825, %select_n3A_767 : vector<16xf32>
      %select_n3A_828 = arith.select %gt3A_827, %get3A_825, %select_n3A_767 : vector<16xi1>, vector<16xf32>
      %select_n3A_829 = arith.select %gt3A_826, %select_n3A_770, %select_n3A_828 : vector<16xi1>, vector<16xf32>
      %select_n3A_830 = arith.select %gt3A_827, %broadcast_in_dim3A_818, %select_n3A_769 : vector<16xi1>, vector<16xi32>
      %select_n3A_831 = arith.select %gt3A_826, %select_n3A_771, %select_n3A_830 : vector<16xi1>, vector<16xi32>
      %select_n3A_832 = arith.select %gt3A_826, %get3A_825, %select_n3A_770 : vector<16xi1>, vector<16xf32>
      %select_n3A_833 = arith.select %gt3A_826, %broadcast_in_dim3A_818, %select_n3A_771 : vector<16xi1>, vector<16xi32>
      %add3A_834 = arith.constant 16 : i32
      %add3A_835 = arith.addi %mul3A_13, %add3A_834 : i32
      %get3A_836 = arith.constant 13 : i32
      %get3A_837 = arith.index_cast %get3A_836 : i32 to index
      %get3A_838 = arith.index_cast %add3A_835 : i32 to index
      %get3A_839 = tpu.vector_load %arg7[%get3A_837, %get3A_838] {strides = array<i32>} : memref<64x1024xf32, #tpu.memory_space<vmem>>, vector<1x16xf32>,
      %get3A_840 = vector.shape_cast %get3A_839 : vector<1x16xf32> to vector<16xf32>
      %gt3A_841 = arith.cmpf ogt, %get3A_840, %select_n3A_785 : vector<16xf32>
      %gt3A_842 = arith.cmpf ogt, %get3A_840, %select_n3A_782 : vector<16xf32>
      %select_n3A_843 = arith.select %gt3A_842, %get3A_840, %select_n3A_782 : vector<16xi1>, vector<16xf32>
      %select_n3A_844 = arith.select %gt3A_841, %select_n3A_785, %select_n3A_843 : vector<16xi1>, vector<16xf32>
      %select_n3A_845 = arith.select %gt3A_842, %broadcast_in_dim3A_818, %select_n3A_784 : vector<16xi1>, vector<16xi32>
      %select_n3A_846 = arith.select %gt3A_841, %select_n3A_786, %select_n3A_845 : vector<16xi1>, vector<16xi32>
      %select_n3A_847 = arith.select %gt3A_841, %get3A_840, %select_n3A_785 : vector<16xi1>, vector<16xf32>
      %select_n3A_848 = arith.select %gt3A_841, %broadcast_in_dim3A_818, %select_n3A_786 : vector<16xi1>, vector<16xi32>
      %add3A_849 = arith.constant 32 : i32
      %add3A_850 = arith.addi %mul3A_13, %add3A_849 : i32
      %get3A_851 = arith.constant 13 : i32
      %get3A_852 = arith.index_cast %get3A_851 : i32 to index
      %get3A_853 = arith.index_cast %add3A_850 : i32 to index
      %get3A_854 = tpu.vector_load %arg7[%get3A_852, %get3A_853] {strides = array<i32>} : memref<64x1024xf32, #tpu.memory_space<vmem>>, vector<1x16xf32>,
      %get3A_855 = vector.shape_cast %get3A_854 : vector<1x16xf32> to vector<16xf32>
      %gt3A_856 = arith.cmpf ogt, %get3A_855, %select_n3A_800 : vector<16xf32>
      %gt3A_857 = arith.cmpf ogt, %get3A_855, %select_n3A_797 : vector<16xf32>
      %select_n3A_858 = arith.select %gt3A_857, %get3A_855, %select_n3A_797 : vector<16xi1>, vector<16xf32>
      %select_n3A_859 = arith.select %gt3A_856, %select_n3A_800, %select_n3A_858 : vector<16xi1>, vector<16xf32>
      %select_n3A_860 = arith.select %gt3A_857, %broadcast_in_dim3A_818, %select_n3A_799 : vector<16xi1>, vector<16xi32>
      %select_n3A_861 = arith.select %gt3A_856, %select_n3A_801, %select_n3A_860 : vector<16xi1>, vector<16xi32>
      %select_n3A_862 = arith.select %gt3A_856, %get3A_855, %select_n3A_800 : vector<16xi1>, vector<16xf32>
      %select_n3A_863 = arith.select %gt3A_856, %broadcast_in_dim3A_818, %select_n3A_801 : vector<16xi1>, vector<16xi32>
      %add3A_864 = arith.constant 48 : i32
      %add3A_865 = arith.addi %mul3A_13, %add3A_864 : i32
      %get3A_866 = arith.constant 13 : i32
      %get3A_867 = arith.index_cast %get3A_866 : i32 to index
      %get3A_868 = arith.index_cast %add3A_865 : i32 to index
      %get3A_869 = tpu.vector_load %arg7[%get3A_867, %get3A_868] {strides = array<i32>} : memref<64x1024xf32, #tpu.memory_space<vmem>>, vector<1x16xf32>,
      %get3A_870 = vector.shape_cast %get3A_869 : vector<1x16xf32> to vector<16xf32>
      %gt3A_871 = arith.cmpf ogt, %get3A_870, %select_n3A_815 : vector<16xf32>
      %gt3A_872 = arith.cmpf ogt, %get3A_870, %select_n3A_812 : vector<16xf32>
      %select_n3A_873 = arith.select %gt3A_872, %get3A_870, %select_n3A_812 : vector<16xi1>, vector<16xf32>
      %select_n3A_874 = arith.select %gt3A_871, %select_n3A_815, %select_n3A_873 : vector<16xi1>, vector<16xf32>
      %select_n3A_875 = arith.select %gt3A_872, %broadcast_in_dim3A_818, %select_n3A_814 : vector<16xi1>, vector<16xi32>
      %select_n3A_876 = arith.select %gt3A_871, %select_n3A_816, %select_n3A_875 : vector<16xi1>, vector<16xi32>
      %select_n3A_877 = arith.select %gt3A_871, %get3A_870, %select_n3A_815 : vector<16xi1>, vector<16xf32>
      %select_n3A_878 = arith.select %gt3A_871, %broadcast_in_dim3A_818, %select_n3A_816 : vector<16xi1>, vector<16xi32>
      %broadcast_in_dim3A_879 = arith.constant 14 : i32
      %broadcast_in_dim3A_880 = vector.broadcast %broadcast_in_dim3A_879 : i32 to vector<16xi32>
      %add3A_881 = arith.constant 0 : i32
      %add3A_882 = arith.addi %mul3A_13, %add3A_881 : i32
      %get3A_883 = arith.constant 14 : i32
      %get3A_884 = arith.index_cast %get3A_883 : i32 to index
      %get3A_885 = arith.index_cast %add3A_882 : i32 to index
      %get3A_886 = tpu.vector_load %arg7[%get3A_884, %get3A_885] {strides = array<i32>} : memref<64x1024xf32, #tpu.memory_space<vmem>>, vector<1x16xf32>,
      %get3A_887 = vector.shape_cast %get3A_886 : vector<1x16xf32> to vector<16xf32>
      %gt3A_888 = arith.cmpf ogt, %get3A_887, %select_n3A_832 : vector<16xf32>
      %gt3A_889 = arith.cmpf ogt, %get3A_887, %select_n3A_829 : vector<16xf32>
      %select_n3A_890 = arith.select %gt3A_889, %get3A_887, %select_n3A_829 : vector<16xi1>, vector<16xf32>
      %select_n3A_891 = arith.select %gt3A_888, %select_n3A_832, %select_n3A_890 : vector<16xi1>, vector<16xf32>
      %select_n3A_892 = arith.select %gt3A_889, %broadcast_in_dim3A_880, %select_n3A_831 : vector<16xi1>, vector<16xi32>
      %select_n3A_893 = arith.select %gt3A_888, %select_n3A_833, %select_n3A_892 : vector<16xi1>, vector<16xi32>
      %select_n3A_894 = arith.select %gt3A_888, %get3A_887, %select_n3A_832 : vector<16xi1>, vector<16xf32>
      %select_n3A_895 = arith.select %gt3A_888, %broadcast_in_dim3A_880, %select_n3A_833 : vector<16xi1>, vector<16xi32>
      %add3A_896 = arith.constant 16 : i32
      %add3A_897 = arith.addi %mul3A_13, %add3A_896 : i32
      %get3A_898 = arith.constant 14 : i32
      %get3A_899 = arith.index_cast %get3A_898 : i32 to index
      %get3A_900 = arith.index_cast %add3A_897 : i32 to index
      %get3A_901 = tpu.vector_load %arg7[%get3A_899, %get3A_900] {strides = array<i32>} : memref<64x1024xf32, #tpu.memory_space<vmem>>, vector<1x16xf32>,
      %get3A_902 = vector.shape_cast %get3A_901 : vector<1x16xf32> to vector<16xf32>
      %gt3A_903 = arith.cmpf ogt, %get3A_902, %select_n3A_847 : vector<16xf32>
      %gt3A_904 = arith.cmpf ogt, %get3A_902, %select_n3A_844 : vector<16xf32>
      %select_n3A_905 = arith.select %gt3A_904, %get3A_902, %select_n3A_844 : vector<16xi1>, vector<16xf32>
      %select_n3A_906 = arith.select %gt3A_903, %select_n3A_847, %select_n3A_905 : vector<16xi1>, vector<16xf32>
      %select_n3A_907 = arith.select %gt3A_904, %broadcast_in_dim3A_880, %select_n3A_846 : vector<16xi1>, vector<16xi32>
      %select_n3A_908 = arith.select %gt3A_903, %select_n3A_848, %select_n3A_907 : vector<16xi1>, vector<16xi32>
      %select_n3A_909 = arith.select %gt3A_903, %get3A_902, %select_n3A_847 : vector<16xi1>, vector<16xf32>
      %select_n3A_910 = arith.select %gt3A_903, %broadcast_in_dim3A_880, %select_n3A_848 : vector<16xi1>, vector<16xi32>
      %add3A_911 = arith.constant 32 : i32
      %add3A_912 = arith.addi %mul3A_13, %add3A_911 : i32
      %get3A_913 = arith.constant 14 : i32
      %get3A_914 = arith.index_cast %get3A_913 : i32 to index
      %get3A_915 = arith.index_cast %add3A_912 : i32 to index
      %get3A_916 = tpu.vector_load %arg7[%get3A_914, %get3A_915] {strides = array<i32>} : memref<64x1024xf32, #tpu.memory_space<vmem>>, vector<1x16xf32>,
      %get3A_917 = vector.shape_cast %get3A_916 : vector<1x16xf32> to vector<16xf32>
      %gt3A_918 = arith.cmpf ogt, %get3A_917, %select_n3A_862 : vector<16xf32>
      %gt3A_919 = arith.cmpf ogt, %get3A_917, %select_n3A_859 : vector<16xf32>
      %select_n3A_920 = arith.select %gt3A_919, %get3A_917, %select_n3A_859 : vector<16xi1>, vector<16xf32>
      %select_n3A_921 = arith.select %gt3A_918, %select_n3A_862, %select_n3A_920 : vector<16xi1>, vector<16xf32>
      %select_n3A_922 = arith.select %gt3A_919, %broadcast_in_dim3A_880, %select_n3A_861 : vector<16xi1>, vector<16xi32>
      %select_n3A_923 = arith.select %gt3A_918, %select_n3A_863, %select_n3A_922 : vector<16xi1>, vector<16xi32>
      %select_n3A_924 = arith.select %gt3A_918, %get3A_917, %select_n3A_862 : vector<16xi1>, vector<16xf32>
      %select_n3A_925 = arith.select %gt3A_918, %broadcast_in_dim3A_880, %select_n3A_863 : vector<16xi1>, vector<16xi32>
      %add3A_926 = arith.constant 48 : i32
      %add3A_927 = arith.addi %mul3A_13, %add3A_926 : i32
      %get3A_928 = arith.constant 14 : i32
      %get3A_929 = arith.index_cast %get3A_928 : i32 to index
      %get3A_930 = arith.index_cast %add3A_927 : i32 to index
      %get3A_931 = tpu.vector_load %arg7[%get3A_929, %get3A_930] {strides = array<i32>} : memref<64x1024xf32, #tpu.memory_space<vmem>>, vector<1x16xf32>,
      %get3A_932 = vector.shape_cast %get3A_931 : vector<1x16xf32> to vector<16xf32>
      %gt3A_933 = arith.cmpf ogt, %get3A_932, %select_n3A_877 : vector<16xf32>
      %gt3A_934 = arith.cmpf ogt, %get3A_932, %select_n3A_874 : vector<16xf32>
      %select_n3A_935 = arith.select %gt3A_934, %get3A_932, %select_n3A_874 : vector<16xi1>, vector<16xf32>
      %select_n3A_936 = arith.select %gt3A_933, %select_n3A_877, %select_n3A_935 : vector<16xi1>, vector<16xf32>
      %select_n3A_937 = arith.select %gt3A_934, %broadcast_in_dim3A_880, %select_n3A_876 : vector<16xi1>, vector<16xi32>
      %select_n3A_938 = arith.select %gt3A_933, %select_n3A_878, %select_n3A_937 : vector<16xi1>, vector<16xi32>
      %select_n3A_939 = arith.select %gt3A_933, %get3A_932, %select_n3A_877 : vector<16xi1>, vector<16xf32>
      %select_n3A_940 = arith.select %gt3A_933, %broadcast_in_dim3A_880, %select_n3A_878 : vector<16xi1>, vector<16xi32>
      %broadcast_in_dim3A_941 = arith.constant 15 : i32
      %broadcast_in_dim3A_942 = vector.broadcast %broadcast_in_dim3A_941 : i32 to vector<16xi32>
      %add3A_943 = arith.constant 0 : i32
      %add3A_944 = arith.addi %mul3A_13, %add3A_943 : i32
      %get3A_945 = arith.constant 15 : i32
      %get3A_946 = arith.index_cast %get3A_945 : i32 to index
      %get3A_947 = arith.index_cast %add3A_944 : i32 to index
      %get3A_948 = tpu.vector_load %arg7[%get3A_946, %get3A_947] {strides = array<i32>} : memref<64x1024xf32, #tpu.memory_space<vmem>>, vector<1x16xf32>,
      %get3A_949 = vector.shape_cast %get3A_948 : vector<1x16xf32> to vector<16xf32>
      %gt3A_950 = arith.cmpf ogt, %get3A_949, %select_n3A_894 : vector<16xf32>
      %gt3A_951 = arith.cmpf ogt, %get3A_949, %select_n3A_891 : vector<16xf32>
      %select_n3A_952 = arith.select %gt3A_951, %get3A_949, %select_n3A_891 : vector<16xi1>, vector<16xf32>
      %select_n3A_953 = arith.select %gt3A_950, %select_n3A_894, %select_n3A_952 : vector<16xi1>, vector<16xf32>
      %select_n3A_954 = arith.select %gt3A_951, %broadcast_in_dim3A_942, %select_n3A_893 : vector<16xi1>, vector<16xi32>
      %select_n3A_955 = arith.select %gt3A_950, %select_n3A_895, %select_n3A_954 : vector<16xi1>, vector<16xi32>
      %select_n3A_956 = arith.select %gt3A_950, %get3A_949, %select_n3A_894 : vector<16xi1>, vector<16xf32>
      %select_n3A_957 = arith.select %gt3A_950, %broadcast_in_dim3A_942, %select_n3A_895 : vector<16xi1>, vector<16xi32>
      %add3A_958 = arith.constant 16 : i32
      %add3A_959 = arith.addi %mul3A_13, %add3A_958 : i32
      %get3A_960 = arith.constant 15 : i32
      %get3A_961 = arith.index_cast %get3A_960 : i32 to index
      %get3A_962 = arith.index_cast %add3A_959 : i32 to index
      %get3A_963 = tpu.vector_load %arg7[%get3A_961, %get3A_962] {strides = array<i32>} : memref<64x1024xf32, #tpu.memory_space<vmem>>, vector<1x16xf32>,
      %get3A_964 = vector.shape_cast %get3A_963 : vector<1x16xf32> to vector<16xf32>
      %gt3A_965 = arith.cmpf ogt, %get3A_964, %select_n3A_909 : vector<16xf32>
      %gt3A_966 = arith.cmpf ogt, %get3A_964, %select_n3A_906 : vector<16xf32>
      %select_n3A_967 = arith.select %gt3A_966, %get3A_964, %select_n3A_906 : vector<16xi1>, vector<16xf32>
      %select_n3A_968 = arith.select %gt3A_965, %select_n3A_909, %select_n3A_967 : vector<16xi1>, vector<16xf32>
      %select_n3A_969 = arith.select %gt3A_966, %broadcast_in_dim3A_942, %select_n3A_908 : vector<16xi1>, vector<16xi32>
      %select_n3A_970 = arith.select %gt3A_965, %select_n3A_910, %select_n3A_969 : vector<16xi1>, vector<16xi32>
      %select_n3A_971 = arith.select %gt3A_965, %get3A_964, %select_n3A_909 : vector<16xi1>, vector<16xf32>
      %select_n3A_972 = arith.select %gt3A_965, %broadcast_in_dim3A_942, %select_n3A_910 : vector<16xi1>, vector<16xi32>
      %add3A_973 = arith.constant 32 : i32
      %add3A_974 = arith.addi %mul3A_13, %add3A_973 : i32
      %get3A_975 = arith.constant 15 : i32
      %get3A_976 = arith.index_cast %get3A_975 : i32 to index
      %get3A_977 = arith.index_cast %add3A_974 : i32 to index
      %get3A_978 = tpu.vector_load %arg7[%get3A_976, %get3A_977] {strides = array<i32>} : memref<64x1024xf32, #tpu.memory_space<vmem>>, vector<1x16xf32>,
      %get3A_979 = vector.shape_cast %get3A_978 : vector<1x16xf32> to vector<16xf32>
      %gt3A_980 = arith.cmpf ogt, %get3A_979, %select_n3A_924 : vector<16xf32>
      %gt3A_981 = arith.cmpf ogt, %get3A_979, %select_n3A_921 : vector<16xf32>
      %select_n3A_982 = arith.select %gt3A_981, %get3A_979, %select_n3A_921 : vector<16xi1>, vector<16xf32>
      %select_n3A_983 = arith.select %gt3A_980, %select_n3A_924, %select_n3A_982 : vector<16xi1>, vector<16xf32>
      %select_n3A_984 = arith.select %gt3A_981, %broadcast_in_dim3A_942, %select_n3A_923 : vector<16xi1>, vector<16xi32>
      %select_n3A_985 = arith.select %gt3A_980, %select_n3A_925, %select_n3A_984 : vector<16xi1>, vector<16xi32>
      %select_n3A_986 = arith.select %gt3A_980, %get3A_979, %select_n3A_924 : vector<16xi1>, vector<16xf32>
      %select_n3A_987 = arith.select %gt3A_980, %broadcast_in_dim3A_942, %select_n3A_925 : vector<16xi1>, vector<16xi32>
      %add3A_988 = arith.constant 48 : i32
      %add3A_989 = arith.addi %mul3A_13, %add3A_988 : i32
      %get3A_990 = arith.constant 15 : i32
      %get3A_991 = arith.index_cast %get3A_990 : i32 to index
      %get3A_992 = arith.index_cast %add3A_989 : i32 to index
      %get3A_993 = tpu.vector_load %arg7[%get3A_991, %get3A_992] {strides = array<i32>} : memref<64x1024xf32, #tpu.memory_space<vmem>>, vector<1x16xf32>,
      %get3A_994 = vector.shape_cast %get3A_993 : vector<1x16xf32> to vector<16xf32>
      %gt3A_995 = arith.cmpf ogt, %get3A_994, %select_n3A_939 : vector<16xf32>
      %gt3A_996 = arith.cmpf ogt, %get3A_994, %select_n3A_936 : vector<16xf32>
      %select_n3A_997 = arith.select %gt3A_996, %get3A_994, %select_n3A_936 : vector<16xi1>, vector<16xf32>
      %select_n3A_998 = arith.select %gt3A_995, %select_n3A_939, %select_n3A_997 : vector<16xi1>, vector<16xf32>
      %select_n3A_999 = arith.select %gt3A_996, %broadcast_in_dim3A_942, %select_n3A_938 : vector<16xi1>, vector<16xi32>
      %select_n3A_1000 = arith.select %gt3A_995, %select_n3A_940, %select_n3A_999 : vector<16xi1>, vector<16xi32>
      %select_n3A_1001 = arith.select %gt3A_995, %get3A_994, %select_n3A_939 : vector<16xi1>, vector<16xf32>
      %select_n3A_1002 = arith.select %gt3A_995, %broadcast_in_dim3A_942, %select_n3A_940 : vector<16xi1>, vector<16xi32>
      %broadcast_in_dim3A_1003 = arith.constant 16 : i32
      %broadcast_in_dim3A_1004 = vector.broadcast %broadcast_in_dim3A_1003 : i32 to vector<16xi32>
      %add3A_1005 = arith.constant 0 : i32
      %add3A_1006 = arith.addi %mul3A_13, %add3A_1005 : i32
      %get3A_1007 = arith.constant 16 : i32
      %get3A_1008 = arith.index_cast %get3A_1007 : i32 to index
      %get3A_1009 = arith.index_cast %add3A_1006 : i32 to index
      %get3A_1010 = tpu.vector_load %arg7[%get3A_1008, %get3A_1009] {strides = array<i32>} : memref<64x1024xf32, #tpu.memory_space<vmem>>, vector<1x16xf32>,
      %get3A_1011 = vector.shape_cast %get3A_1010 : vector<1x16xf32> to vector<16xf32>
      %gt3A_1012 = arith.cmpf ogt, %get3A_1011, %select_n3A_956 : vector<16xf32>
      %gt3A_1013 = arith.cmpf ogt, %get3A_1011, %select_n3A_953 : vector<16xf32>
      %select_n3A_1014 = arith.select %gt3A_1013, %get3A_1011, %select_n3A_953 : vector<16xi1>, vector<16xf32>
      %select_n3A_1015 = arith.select %gt3A_1012, %select_n3A_956, %select_n3A_1014 : vector<16xi1>, vector<16xf32>
      %select_n3A_1016 = arith.select %gt3A_1013, %broadcast_in_dim3A_1004, %select_n3A_955 : vector<16xi1>, vector<16xi32>
      %select_n3A_1017 = arith.select %gt3A_1012, %select_n3A_957, %select_n3A_1016 : vector<16xi1>, vector<16xi32>
      %select_n3A_1018 = arith.select %gt3A_1012, %get3A_1011, %select_n3A_956 : vector<16xi1>, vector<16xf32>
      %select_n3A_1019 = arith.select %gt3A_1012, %broadcast_in_dim3A_1004, %select_n3A_957 : vector<16xi1>, vector<16xi32>
      %add3A_1020 = arith.constant 16 : i32
      %add3A_1021 = arith.addi %mul3A_13, %add3A_1020 : i32
      %get3A_1022 = arith.constant 16 : i32
      %get3A_1023 = arith.index_cast %get3A_1022 : i32 to index
      %get3A_1024 = arith.index_cast %add3A_1021 : i32 to index
      %get3A_1025 = tpu.vector_load %arg7[%get3A_1023, %get3A_1024] {strides = array<i32>} : memref<64x1024xf32, #tpu.memory_space<vmem>>, vector<1x16xf32>,
      %get3A_1026 = vector.shape_cast %get3A_1025 : vector<1x16xf32> to vector<16xf32>
      %gt3A_1027 = arith.cmpf ogt, %get3A_1026, %select_n3A_971 : vector<16xf32>
      %gt3A_1028 = arith.cmpf ogt, %get3A_1026, %select_n3A_968 : vector<16xf32>
      %select_n3A_1029 = arith.select %gt3A_1028, %get3A_1026, %select_n3A_968 : vector<16xi1>, vector<16xf32>
      %select_n3A_1030 = arith.select %gt3A_1027, %select_n3A_971, %select_n3A_1029 : vector<16xi1>, vector<16xf32>
      %select_n3A_1031 = arith.select %gt3A_1028, %broadcast_in_dim3A_1004, %select_n3A_970 : vector<16xi1>, vector<16xi32>
      %select_n3A_1032 = arith.select %gt3A_1027, %select_n3A_972, %select_n3A_1031 : vector<16xi1>, vector<16xi32>
      %select_n3A_1033 = arith.select %gt3A_1027, %get3A_1026, %select_n3A_971 : vector<16xi1>, vector<16xf32>
      %select_n3A_1034 = arith.select %gt3A_1027, %broadcast_in_dim3A_1004, %select_n3A_972 : vector<16xi1>, vector<16xi32>
      %add3A_1035 = arith.constant 32 : i32
      %add3A_1036 = arith.addi %mul3A_13, %add3A_1035 : i32
      %get3A_1037 = arith.constant 16 : i32
      %get3A_1038 = arith.index_cast %get3A_1037 : i32 to index
      %get3A_1039 = arith.index_cast %add3A_1036 : i32 to index
      %get3A_1040 = tpu.vector_load %arg7[%get3A_1038, %get3A_1039] {strides = array<i32>} : memref<64x1024xf32, #tpu.memory_space<vmem>>, vector<1x16xf32>,
      %get3A_1041 = vector.shape_cast %get3A_1040 : vector<1x16xf32> to vector<16xf32>
      %gt3A_1042 = arith.cmpf ogt, %get3A_1041, %select_n3A_986 : vector<16xf32>
      %gt3A_1043 = arith.cmpf ogt, %get3A_1041, %select_n3A_983 : vector<16xf32>
      %select_n3A_1044 = arith.select %gt3A_1043, %get3A_1041, %select_n3A_983 : vector<16xi1>, vector<16xf32>
      %select_n3A_1045 = arith.select %gt3A_1042, %select_n3A_986, %select_n3A_1044 : vector<16xi1>, vector<16xf32>
      %select_n3A_1046 = arith.select %gt3A_1043, %broadcast_in_dim3A_1004, %select_n3A_985 : vector<16xi1>, vector<16xi32>
      %select_n3A_1047 = arith.select %gt3A_1042, %select_n3A_987, %select_n3A_1046 : vector<16xi1>, vector<16xi32>
      %select_n3A_1048 = arith.select %gt3A_1042, %get3A_1041, %select_n3A_986 : vector<16xi1>, vector<16xf32>
      %select_n3A_1049 = arith.select %gt3A_1042, %broadcast_in_dim3A_1004, %select_n3A_987 : vector<16xi1>, vector<16xi32>
      %add3A_1050 = arith.constant 48 : i32
      %add3A_1051 = arith.addi %mul3A_13, %add3A_1050 : i32
      %get3A_1052 = arith.constant 16 : i32
      %get3A_1053 = arith.index_cast %get3A_1052 : i32 to index
      %get3A_1054 = arith.index_cast %add3A_1051 : i32 to index
      %get3A_1055 = tpu.vector_load %arg7[%get3A_1053, %get3A_1054] {strides = array<i32>} : memref<64x1024xf32, #tpu.memory_space<vmem>>, vector<1x16xf32>,
      %get3A_1056 = vector.shape_cast %get3A_1055 : vector<1x16xf32> to vector<16xf32>
      %gt3A_1057 = arith.cmpf ogt, %get3A_1056, %select_n3A_1001 : vector<16xf32>
      %gt3A_1058 = arith.cmpf ogt, %get3A_1056, %select_n3A_998 : vector<16xf32>
      %select_n3A_1059 = arith.select %gt3A_1058, %get3A_1056, %select_n3A_998 : vector<16xi1>, vector<16xf32>
      %select_n3A_1060 = arith.select %gt3A_1057, %select_n3A_1001, %select_n3A_1059 : vector<16xi1>, vector<16xf32>
      %select_n3A_1061 = arith.select %gt3A_1058, %broadcast_in_dim3A_1004, %select_n3A_1000 : vector<16xi1>, vector<16xi32>
      %select_n3A_1062 = arith.select %gt3A_1057, %select_n3A_1002, %select_n3A_1061 : vector<16xi1>, vector<16xi32>
      %select_n3A_1063 = arith.select %gt3A_1057, %get3A_1056, %select_n3A_1001 : vector<16xi1>, vector<16xf32>
      %select_n3A_1064 = arith.select %gt3A_1057, %broadcast_in_dim3A_1004, %select_n3A_1002 : vector<16xi1>, vector<16xi32>
      %broadcast_in_dim3A_1065 = arith.constant 17 : i32
      %broadcast_in_dim3A_1066 = vector.broadcast %broadcast_in_dim3A_1065 : i32 to vector<16xi32>
      %add3A_1067 = arith.constant 0 : i32
      %add3A_1068 = arith.addi %mul3A_13, %add3A_1067 : i32
      %get3A_1069 = arith.constant 17 : i32
      %get3A_1070 = arith.index_cast %get3A_1069 : i32 to index
      %get3A_1071 = arith.index_cast %add3A_1068 : i32 to index
      %get3A_1072 = tpu.vector_load %arg7[%get3A_1070, %get3A_1071] {strides = array<i32>} : memref<64x1024xf32, #tpu.memory_space<vmem>>, vector<1x16xf32>,
      %get3A_1073 = vector.shape_cast %get3A_1072 : vector<1x16xf32> to vector<16xf32>
      %gt3A_1074 = arith.cmpf ogt, %get3A_1073, %select_n3A_1018 : vector<16xf32>
      %gt3A_1075 = arith.cmpf ogt, %get3A_1073, %select_n3A_1015 : vector<16xf32>
      %select_n3A_1076 = arith.select %gt3A_1075, %get3A_1073, %select_n3A_1015 : vector<16xi1>, vector<16xf32>
      %select_n3A_1077 = arith.select %gt3A_1074, %select_n3A_1018, %select_n3A_1076 : vector<16xi1>, vector<16xf32>
      %select_n3A_1078 = arith.select %gt3A_1075, %broadcast_in_dim3A_1066, %select_n3A_1017 : vector<16xi1>, vector<16xi32>
      %select_n3A_1079 = arith.select %gt3A_1074, %select_n3A_1019, %select_n3A_1078 : vector<16xi1>, vector<16xi32>
      %select_n3A_1080 = arith.select %gt3A_1074, %get3A_1073, %select_n3A_1018 : vector<16xi1>, vector<16xf32>
      %select_n3A_1081 = arith.select %gt3A_1074, %broadcast_in_dim3A_1066, %select_n3A_1019 : vector<16xi1>, vector<16xi32>
      %add3A_1082 = arith.constant 16 : i32
      %add3A_1083 = arith.addi %mul3A_13, %add3A_1082 : i32
      %get3A_1084 = arith.constant 17 : i32
      %get3A_1085 = arith.index_cast %get3A_1084 : i32 to index
      %get3A_1086 = arith.index_cast %add3A_1083 : i32 to index
      %get3A_1087 = tpu.vector_load %arg7[%get3A_1085, %get3A_1086] {strides = array<i32>} : memref<64x1024xf32, #tpu.memory_space<vmem>>, vector<1x16xf32>,
      %get3A_1088 = vector.shape_cast %get3A_1087 : vector<1x16xf32> to vector<16xf32>
      %gt3A_1089 = arith.cmpf ogt, %get3A_1088, %select_n3A_1033 : vector<16xf32>
      %gt3A_1090 = arith.cmpf ogt, %get3A_1088, %select_n3A_1030 : vector<16xf32>
      %select_n3A_1091 = arith.select %gt3A_1090, %get3A_1088, %select_n3A_1030 : vector<16xi1>, vector<16xf32>
      %select_n3A_1092 = arith.select %gt3A_1089, %select_n3A_1033, %select_n3A_1091 : vector<16xi1>, vector<16xf32>
      %select_n3A_1093 = arith.select %gt3A_1090, %broadcast_in_dim3A_1066, %select_n3A_1032 : vector<16xi1>, vector<16xi32>
      %select_n3A_1094 = arith.select %gt3A_1089, %select_n3A_1034, %select_n3A_1093 : vector<16xi1>, vector<16xi32>
      %select_n3A_1095 = arith.select %gt3A_1089, %get3A_1088, %select_n3A_1033 : vector<16xi1>, vector<16xf32>
      %select_n3A_1096 = arith.select %gt3A_1089, %broadcast_in_dim3A_1066, %select_n3A_1034 : vector<16xi1>, vector<16xi32>
      %add3A_1097 = arith.constant 32 : i32
      %add3A_1098 = arith.addi %mul3A_13, %add3A_1097 : i32
      %get3A_1099 = arith.constant 17 : i32
      %get3A_1100 = arith.index_cast %get3A_1099 : i32 to index
      %get3A_1101 = arith.index_cast %add3A_1098 : i32 to index
      %get3A_1102 = tpu.vector_load %arg7[%get3A_1100, %get3A_1101] {strides = array<i32>} : memref<64x1024xf32, #tpu.memory_space<vmem>>, vector<1x16xf32>,
      %get3A_1103 = vector.shape_cast %get3A_1102 : vector<1x16xf32> to vector<16xf32>
      %gt3A_1104 = arith.cmpf ogt, %get3A_1103, %select_n3A_1048 : vector<16xf32>
      %gt3A_1105 = arith.cmpf ogt, %get3A_1103, %select_n3A_1045 : vector<16xf32>
      %select_n3A_1106 = arith.select %gt3A_1105, %get3A_1103, %select_n3A_1045 : vector<16xi1>, vector<16xf32>
      %select_n3A_1107 = arith.select %gt3A_1104, %select_n3A_1048, %select_n3A_1106 : vector<16xi1>, vector<16xf32>
      %select_n3A_1108 = arith.select %gt3A_1105, %broadcast_in_dim3A_1066, %select_n3A_1047 : vector<16xi1>, vector<16xi32>
      %select_n3A_1109 = arith.select %gt3A_1104, %select_n3A_1049, %select_n3A_1108 : vector<16xi1>, vector<16xi32>
      %select_n3A_1110 = arith.select %gt3A_1104, %get3A_1103, %select_n3A_1048 : vector<16xi1>, vector<16xf32>
      %select_n3A_1111 = arith.select %gt3A_1104, %broadcast_in_dim3A_1066, %select_n3A_1049 : vector<16xi1>, vector<16xi32>
      %add3A_1112 = arith.constant 48 : i32
      %add3A_1113 = arith.addi %mul3A_13, %add3A_1112 : i32
      %get3A_1114 = arith.constant 17 : i32
      %get3A_1115 = arith.index_cast %get3A_1114 : i32 to index
      %get3A_1116 = arith.index_cast %add3A_1113 : i32 to index
      %get3A_1117 = tpu.vector_load %arg7[%get3A_1115, %get3A_1116] {strides = array<i32>} : memref<64x1024xf32, #tpu.memory_space<vmem>>, vector<1x16xf32>,
      %get3A_1118 = vector.shape_cast %get3A_1117 : vector<1x16xf32> to vector<16xf32>
      %gt3A_1119 = arith.cmpf ogt, %get3A_1118, %select_n3A_1063 : vector<16xf32>
      %gt3A_1120 = arith.cmpf ogt, %get3A_1118, %select_n3A_1060 : vector<16xf32>
      %select_n3A_1121 = arith.select %gt3A_1120, %get3A_1118, %select_n3A_1060 : vector<16xi1>, vector<16xf32>
      %select_n3A_1122 = arith.select %gt3A_1119, %select_n3A_1063, %select_n3A_1121 : vector<16xi1>, vector<16xf32>
      %select_n3A_1123 = arith.select %gt3A_1120, %broadcast_in_dim3A_1066, %select_n3A_1062 : vector<16xi1>, vector<16xi32>
      %select_n3A_1124 = arith.select %gt3A_1119, %select_n3A_1064, %select_n3A_1123 : vector<16xi1>, vector<16xi32>
      %select_n3A_1125 = arith.select %gt3A_1119, %get3A_1118, %select_n3A_1063 : vector<16xi1>, vector<16xf32>
      %select_n3A_1126 = arith.select %gt3A_1119, %broadcast_in_dim3A_1066, %select_n3A_1064 : vector<16xi1>, vector<16xi32>
      %broadcast_in_dim3A_1127 = arith.constant 18 : i32
      %broadcast_in_dim3A_1128 = vector.broadcast %broadcast_in_dim3A_1127 : i32 to vector<16xi32>
      %add3A_1129 = arith.constant 0 : i32
      %add3A_1130 = arith.addi %mul3A_13, %add3A_1129 : i32
      %get3A_1131 = arith.constant 18 : i32
      %get3A_1132 = arith.index_cast %get3A_1131 : i32 to index
      %get3A_1133 = arith.index_cast %add3A_1130 : i32 to index
      %get3A_1134 = tpu.vector_load %arg7[%get3A_1132, %get3A_1133] {strides = array<i32>} : memref<64x1024xf32, #tpu.memory_space<vmem>>, vector<1x16xf32>,
      %get3A_1135 = vector.shape_cast %get3A_1134 : vector<1x16xf32> to vector<16xf32>
      %gt3A_1136 = arith.cmpf ogt, %get3A_1135, %select_n3A_1080 : vector<16xf32>
      %gt3A_1137 = arith.cmpf ogt, %get3A_1135, %select_n3A_1077 : vector<16xf32>
      %select_n3A_1138 = arith.select %gt3A_1137, %get3A_1135, %select_n3A_1077 : vector<16xi1>, vector<16xf32>
      %select_n3A_1139 = arith.select %gt3A_1136, %select_n3A_1080, %select_n3A_1138 : vector<16xi1>, vector<16xf32>
      %select_n3A_1140 = arith.select %gt3A_1137, %broadcast_in_dim3A_1128, %select_n3A_1079 : vector<16xi1>, vector<16xi32>
      %select_n3A_1141 = arith.select %gt3A_1136, %select_n3A_1081, %select_n3A_1140 : vector<16xi1>, vector<16xi32>
      %select_n3A_1142 = arith.select %gt3A_1136, %get3A_1135, %select_n3A_1080 : vector<16xi1>, vector<16xf32>
      %select_n3A_1143 = arith.select %gt3A_1136, %broadcast_in_dim3A_1128, %select_n3A_1081 : vector<16xi1>, vector<16xi32>
      %add3A_1144 = arith.constant 16 : i32
      %add3A_1145 = arith.addi %mul3A_13, %add3A_1144 : i32
      %get3A_1146 = arith.constant 18 : i32
      %get3A_1147 = arith.index_cast %get3A_1146 : i32 to index
      %get3A_1148 = arith.index_cast %add3A_1145 : i32 to index
      %get3A_1149 = tpu.vector_load %arg7[%get3A_1147, %get3A_1148] {strides = array<i32>} : memref<64x1024xf32, #tpu.memory_space<vmem>>, vector<1x16xf32>,
      %get3A_1150 = vector.shape_cast %get3A_1149 : vector<1x16xf32> to vector<16xf32>
      %gt3A_1151 = arith.cmpf ogt, %get3A_1150, %select_n3A_1095 : vector<16xf32>
      %gt3A_1152 = arith.cmpf ogt, %get3A_1150, %select_n3A_1092 : vector<16xf32>
      %select_n3A_1153 = arith.select %gt3A_1152, %get3A_1150, %select_n3A_1092 : vector<16xi1>, vector<16xf32>
      %select_n3A_1154 = arith.select %gt3A_1151, %select_n3A_1095, %select_n3A_1153 : vector<16xi1>, vector<16xf32>
      %select_n3A_1155 = arith.select %gt3A_1152, %broadcast_in_dim3A_1128, %select_n3A_1094 : vector<16xi1>, vector<16xi32>
      %select_n3A_1156 = arith.select %gt3A_1151, %select_n3A_1096, %select_n3A_1155 : vector<16xi1>, vector<16xi32>
      %select_n3A_1157 = arith.select %gt3A_1151, %get3A_1150, %select_n3A_1095 : vector<16xi1>, vector<16xf32>
      %select_n3A_1158 = arith.select %gt3A_1151, %broadcast_in_dim3A_1128, %select_n3A_1096 : vector<16xi1>, vector<16xi32>
      %add3A_1159 = arith.constant 32 : i32
      %add3A_1160 = arith.addi %mul3A_13, %add3A_1159 : i32
      %get3A_1161 = arith.constant 18 : i32
      %get3A_1162 = arith.index_cast %get3A_1161 : i32 to index
      %get3A_1163 = arith.index_cast %add3A_1160 : i32 to index
      %get3A_1164 = tpu.vector_load %arg7[%get3A_1162, %get3A_1163] {strides = array<i32>} : memref<64x1024xf32, #tpu.memory_space<vmem>>, vector<1x16xf32>,
      %get3A_1165 = vector.shape_cast %get3A_1164 : vector<1x16xf32> to vector<16xf32>
      %gt3A_1166 = arith.cmpf ogt, %get3A_1165, %select_n3A_1110 : vector<16xf32>
      %gt3A_1167 = arith.cmpf ogt, %get3A_1165, %select_n3A_1107 : vector<16xf32>
      %select_n3A_1168 = arith.select %gt3A_1167, %get3A_1165, %select_n3A_1107 : vector<16xi1>, vector<16xf32>
      %select_n3A_1169 = arith.select %gt3A_1166, %select_n3A_1110, %select_n3A_1168 : vector<16xi1>, vector<16xf32>
      %select_n3A_1170 = arith.select %gt3A_1167, %broadcast_in_dim3A_1128, %select_n3A_1109 : vector<16xi1>, vector<16xi32>
      %select_n3A_1171 = arith.select %gt3A_1166, %select_n3A_1111, %select_n3A_1170 : vector<16xi1>, vector<16xi32>
      %select_n3A_1172 = arith.select %gt3A_1166, %get3A_1165, %select_n3A_1110 : vector<16xi1>, vector<16xf32>
      %select_n3A_1173 = arith.select %gt3A_1166, %broadcast_in_dim3A_1128, %select_n3A_1111 : vector<16xi1>, vector<16xi32>
      %add3A_1174 = arith.constant 48 : i32
      %add3A_1175 = arith.addi %mul3A_13, %add3A_1174 : i32
      %get3A_1176 = arith.constant 18 : i32
      %get3A_1177 = arith.index_cast %get3A_1176 : i32 to index
      %get3A_1178 = arith.index_cast %add3A_1175 : i32 to index
      %get3A_1179 = tpu.vector_load %arg7[%get3A_1177, %get3A_1178] {strides = array<i32>} : memref<64x1024xf32, #tpu.memory_space<vmem>>, vector<1x16xf32>,
      %get3A_1180 = vector.shape_cast %get3A_1179 : vector<1x16xf32> to vector<16xf32>
      %gt3A_1181 = arith.cmpf ogt, %get3A_1180, %select_n3A_1125 : vector<16xf32>
      %gt3A_1182 = arith.cmpf ogt, %get3A_1180, %select_n3A_1122 : vector<16xf32>
      %select_n3A_1183 = arith.select %gt3A_1182, %get3A_1180, %select_n3A_1122 : vector<16xi1>, vector<16xf32>
      %select_n3A_1184 = arith.select %gt3A_1181, %select_n3A_1125, %select_n3A_1183 : vector<16xi1>, vector<16xf32>
      %select_n3A_1185 = arith.select %gt3A_1182, %broadcast_in_dim3A_1128, %select_n3A_1124 : vector<16xi1>, vector<16xi32>
      %select_n3A_1186 = arith.select %gt3A_1181, %select_n3A_1126, %select_n3A_1185 : vector<16xi1>, vector<16xi32>
      %select_n3A_1187 = arith.select %gt3A_1181, %get3A_1180, %select_n3A_1125 : vector<16xi1>, vector<16xf32>
      %select_n3A_1188 = arith.select %gt3A_1181, %broadcast_in_dim3A_1128, %select_n3A_1126 : vector<16xi1>, vector<16xi32>
      %broadcast_in_dim3A_1189 = arith.constant 19 : i32
      %broadcast_in_dim3A_1190 = vector.broadcast %broadcast_in_dim3A_1189 : i32 to vector<16xi32>
      %add3A_1191 = arith.constant 0 : i32
      %add3A_1192 = arith.addi %mul3A_13, %add3A_1191 : i32
      %get3A_1193 = arith.constant 19 : i32
      %get3A_1194 = arith.index_cast %get3A_1193 : i32 to index
      %get3A_1195 = arith.index_cast %add3A_1192 : i32 to index
      %get3A_1196 = tpu.vector_load %arg7[%get3A_1194, %get3A_1195] {strides = array<i32>} : memref<64x1024xf32, #tpu.memory_space<vmem>>, vector<1x16xf32>,
      %get3A_1197 = vector.shape_cast %get3A_1196 : vector<1x16xf32> to vector<16xf32>
      %gt3A_1198 = arith.cmpf ogt, %get3A_1197, %select_n3A_1142 : vector<16xf32>
      %gt3A_1199 = arith.cmpf ogt, %get3A_1197, %select_n3A_1139 : vector<16xf32>
      %select_n3A_1200 = arith.select %gt3A_1199, %get3A_1197, %select_n3A_1139 : vector<16xi1>, vector<16xf32>
      %select_n3A_1201 = arith.select %gt3A_1198, %select_n3A_1142, %select_n3A_1200 : vector<16xi1>, vector<16xf32>
      %select_n3A_1202 = arith.select %gt3A_1199, %broadcast_in_dim3A_1190, %select_n3A_1141 : vector<16xi1>, vector<16xi32>
      %select_n3A_1203 = arith.select %gt3A_1198, %select_n3A_1143, %select_n3A_1202 : vector<16xi1>, vector<16xi32>
      %select_n3A_1204 = arith.select %gt3A_1198, %get3A_1197, %select_n3A_1142 : vector<16xi1>, vector<16xf32>
      %select_n3A_1205 = arith.select %gt3A_1198, %broadcast_in_dim3A_1190, %select_n3A_1143 : vector<16xi1>, vector<16xi32>
      %add3A_1206 = arith.constant 16 : i32
      %add3A_1207 = arith.addi %mul3A_13, %add3A_1206 : i32
      %get3A_1208 = arith.constant 19 : i32
      %get3A_1209 = arith.index_cast %get3A_1208 : i32 to index
      %get3A_1210 = arith.index_cast %add3A_1207 : i32 to index
      %get3A_1211 = tpu.vector_load %arg7[%get3A_1209, %get3A_1210] {strides = array<i32>} : memref<64x1024xf32, #tpu.memory_space<vmem>>, vector<1x16xf32>,
      %get3A_1212 = vector.shape_cast %get3A_1211 : vector<1x16xf32> to vector<16xf32>
      %gt3A_1213 = arith.cmpf ogt, %get3A_1212, %select_n3A_1157 : vector<16xf32>
      %gt3A_1214 = arith.cmpf ogt, %get3A_1212, %select_n3A_1154 : vector<16xf32>
      %select_n3A_1215 = arith.select %gt3A_1214, %get3A_1212, %select_n3A_1154 : vector<16xi1>, vector<16xf32>
      %select_n3A_1216 = arith.select %gt3A_1213, %select_n3A_1157, %select_n3A_1215 : vector<16xi1>, vector<16xf32>
      %select_n3A_1217 = arith.select %gt3A_1214, %broadcast_in_dim3A_1190, %select_n3A_1156 : vector<16xi1>, vector<16xi32>
      %select_n3A_1218 = arith.select %gt3A_1213, %select_n3A_1158, %select_n3A_1217 : vector<16xi1>, vector<16xi32>
      %select_n3A_1219 = arith.select %gt3A_1213, %get3A_1212, %select_n3A_1157 : vector<16xi1>, vector<16xf32>
      %select_n3A_1220 = arith.select %gt3A_1213, %broadcast_in_dim3A_1190, %select_n3A_1158 : vector<16xi1>, vector<16xi32>
      %add3A_1221 = arith.constant 32 : i32
      %add3A_1222 = arith.addi %mul3A_13, %add3A_1221 : i32
      %get3A_1223 = arith.constant 19 : i32
      %get3A_1224 = arith.index_cast %get3A_1223 : i32 to index
      %get3A_1225 = arith.index_cast %add3A_1222 : i32 to index
      %get3A_1226 = tpu.vector_load %arg7[%get3A_1224, %get3A_1225] {strides = array<i32>} : memref<64x1024xf32, #tpu.memory_space<vmem>>, vector<1x16xf32>,
      %get3A_1227 = vector.shape_cast %get3A_1226 : vector<1x16xf32> to vector<16xf32>
      %gt3A_1228 = arith.cmpf ogt, %get3A_1227, %select_n3A_1172 : vector<16xf32>
      %gt3A_1229 = arith.cmpf ogt, %get3A_1227, %select_n3A_1169 : vector<16xf32>
      %select_n3A_1230 = arith.select %gt3A_1229, %get3A_1227, %select_n3A_1169 : vector<16xi1>, vector<16xf32>
      %select_n3A_1231 = arith.select %gt3A_1228, %select_n3A_1172, %select_n3A_1230 : vector<16xi1>, vector<16xf32>
      %select_n3A_1232 = arith.select %gt3A_1229, %broadcast_in_dim3A_1190, %select_n3A_1171 : vector<16xi1>, vector<16xi32>
      %select_n3A_1233 = arith.select %gt3A_1228, %select_n3A_1173, %select_n3A_1232 : vector<16xi1>, vector<16xi32>
      %select_n3A_1234 = arith.select %gt3A_1228, %get3A_1227, %select_n3A_1172 : vector<16xi1>, vector<16xf32>
      %select_n3A_1235 = arith.select %gt3A_1228, %broadcast_in_dim3A_1190, %select_n3A_1173 : vector<16xi1>, vector<16xi32>
      %add3A_1236 = arith.constant 48 : i32
      %add3A_1237 = arith.addi %mul3A_13, %add3A_1236 : i32
      %get3A_1238 = arith.constant 19 : i32
      %get3A_1239 = arith.index_cast %get3A_1238 : i32 to index
      %get3A_1240 = arith.index_cast %add3A_1237 : i32 to index
      %get3A_1241 = tpu.vector_load %arg7[%get3A_1239, %get3A_1240] {strides = array<i32>} : memref<64x1024xf32, #tpu.memory_space<vmem>>, vector<1x16xf32>,
      %get3A_1242 = vector.shape_cast %get3A_1241 : vector<1x16xf32> to vector<16xf32>
      %gt3A_1243 = arith.cmpf ogt, %get3A_1242, %select_n3A_1187 : vector<16xf32>
      %gt3A_1244 = arith.cmpf ogt, %get3A_1242, %select_n3A_1184 : vector<16xf32>
      %select_n3A_1245 = arith.select %gt3A_1244, %get3A_1242, %select_n3A_1184 : vector<16xi1>, vector<16xf32>
      %select_n3A_1246 = arith.select %gt3A_1243, %select_n3A_1187, %select_n3A_1245 : vector<16xi1>, vector<16xf32>
      %select_n3A_1247 = arith.select %gt3A_1244, %broadcast_in_dim3A_1190, %select_n3A_1186 : vector<16xi1>, vector<16xi32>
      %select_n3A_1248 = arith.select %gt3A_1243, %select_n3A_1188, %select_n3A_1247 : vector<16xi1>, vector<16xi32>
      %select_n3A_1249 = arith.select %gt3A_1243, %get3A_1242, %select_n3A_1187 : vector<16xi1>, vector<16xf32>
      %select_n3A_1250 = arith.select %gt3A_1243, %broadcast_in_dim3A_1190, %select_n3A_1188 : vector<16xi1>, vector<16xi32>
      %broadcast_in_dim3A_1251 = arith.constant 20 : i32
      %broadcast_in_dim3A_1252 = vector.broadcast %broadcast_in_dim3A_1251 : i32 to vector<16xi32>
      %add3A_1253 = arith.constant 0 : i32
      %add3A_1254 = arith.addi %mul3A_13, %add3A_1253 : i32
      %get3A_1255 = arith.constant 20 : i32
      %get3A_1256 = arith.index_cast %get3A_1255 : i32 to index
      %get3A_1257 = arith.index_cast %add3A_1254 : i32 to index
      %get3A_1258 = tpu.vector_load %arg7[%get3A_1256, %get3A_1257] {strides = array<i32>} : memref<64x1024xf32, #tpu.memory_space<vmem>>, vector<1x16xf32>,
      %get3A_1259 = vector.shape_cast %get3A_1258 : vector<1x16xf32> to vector<16xf32>
      %gt3A_1260 = arith.cmpf ogt, %get3A_1259, %select_n3A_1204 : vector<16xf32>
      %gt3A_1261 = arith.cmpf ogt, %get3A_1259, %select_n3A_1201 : vector<16xf32>
      %select_n3A_1262 = arith.select %gt3A_1261, %get3A_1259, %select_n3A_1201 : vector<16xi1>, vector<16xf32>
      %select_n3A_1263 = arith.select %gt3A_1260, %select_n3A_1204, %select_n3A_1262 : vector<16xi1>, vector<16xf32>
      %select_n3A_1264 = arith.select %gt3A_1261, %broadcast_in_dim3A_1252, %select_n3A_1203 : vector<16xi1>, vector<16xi32>
      %select_n3A_1265 = arith.select %gt3A_1260, %select_n3A_1205, %select_n3A_1264 : vector<16xi1>, vector<16xi32>
      %select_n3A_1266 = arith.select %gt3A_1260, %get3A_1259, %select_n3A_1204 : vector<16xi1>, vector<16xf32>
      %select_n3A_1267 = arith.select %gt3A_1260, %broadcast_in_dim3A_1252, %select_n3A_1205 : vector<16xi1>, vector<16xi32>
      %add3A_1268 = arith.constant 16 : i32
      %add3A_1269 = arith.addi %mul3A_13, %add3A_1268 : i32
      %get3A_1270 = arith.constant 20 : i32
      %get3A_1271 = arith.index_cast %get3A_1270 : i32 to index
      %get3A_1272 = arith.index_cast %add3A_1269 : i32 to index
      %get3A_1273 = tpu.vector_load %arg7[%get3A_1271, %get3A_1272] {strides = array<i32>} : memref<64x1024xf32, #tpu.memory_space<vmem>>, vector<1x16xf32>,
      %get3A_1274 = vector.shape_cast %get3A_1273 : vector<1x16xf32> to vector<16xf32>
      %gt3A_1275 = arith.cmpf ogt, %get3A_1274, %select_n3A_1219 : vector<16xf32>
      %gt3A_1276 = arith.cmpf ogt, %get3A_1274, %select_n3A_1216 : vector<16xf32>
      %select_n3A_1277 = arith.select %gt3A_1276, %get3A_1274, %select_n3A_1216 : vector<16xi1>, vector<16xf32>
      %select_n3A_1278 = arith.select %gt3A_1275, %select_n3A_1219, %select_n3A_1277 : vector<16xi1>, vector<16xf32>
      %select_n3A_1279 = arith.select %gt3A_1276, %broadcast_in_dim3A_1252, %select_n3A_1218 : vector<16xi1>, vector<16xi32>
      %select_n3A_1280 = arith.select %gt3A_1275, %select_n3A_1220, %select_n3A_1279 : vector<16xi1>, vector<16xi32>
      %select_n3A_1281 = arith.select %gt3A_1275, %get3A_1274, %select_n3A_1219 : vector<16xi1>, vector<16xf32>
      %select_n3A_1282 = arith.select %gt3A_1275, %broadcast_in_dim3A_1252, %select_n3A_1220 : vector<16xi1>, vector<16xi32>
      %add3A_1283 = arith.constant 32 : i32
      %add3A_1284 = arith.addi %mul3A_13, %add3A_1283 : i32
      %get3A_1285 = arith.constant 20 : i32
      %get3A_1286 = arith.index_cast %get3A_1285 : i32 to index
      %get3A_1287 = arith.index_cast %add3A_1284 : i32 to index
      %get3A_1288 = tpu.vector_load %arg7[%get3A_1286, %get3A_1287] {strides = array<i32>} : memref<64x1024xf32, #tpu.memory_space<vmem>>, vector<1x16xf32>,
      %get3A_1289 = vector.shape_cast %get3A_1288 : vector<1x16xf32> to vector<16xf32>
      %gt3A_1290 = arith.cmpf ogt, %get3A_1289, %select_n3A_1234 : vector<16xf32>
      %gt3A_1291 = arith.cmpf ogt, %get3A_1289, %select_n3A_1231 : vector<16xf32>
      %select_n3A_1292 = arith.select %gt3A_1291, %get3A_1289, %select_n3A_1231 : vector<16xi1>, vector<16xf32>
      %select_n3A_1293 = arith.select %gt3A_1290, %select_n3A_1234, %select_n3A_1292 : vector<16xi1>, vector<16xf32>
      %select_n3A_1294 = arith.select %gt3A_1291, %broadcast_in_dim3A_1252, %select_n3A_1233 : vector<16xi1>, vector<16xi32>
      %select_n3A_1295 = arith.select %gt3A_1290, %select_n3A_1235, %select_n3A_1294 : vector<16xi1>, vector<16xi32>
      %select_n3A_1296 = arith.select %gt3A_1290, %get3A_1289, %select_n3A_1234 : vector<16xi1>, vector<16xf32>
      %select_n3A_1297 = arith.select %gt3A_1290, %broadcast_in_dim3A_1252, %select_n3A_1235 : vector<16xi1>, vector<16xi32>
      %add3A_1298 = arith.constant 48 : i32
      %add3A_1299 = arith.addi %mul3A_13, %add3A_1298 : i32
      %get3A_1300 = arith.constant 20 : i32
      %get3A_1301 = arith.index_cast %get3A_1300 : i32 to index
      %get3A_1302 = arith.index_cast %add3A_1299 : i32 to index
      %get3A_1303 = tpu.vector_load %arg7[%get3A_1301, %get3A_1302] {strides = array<i32>} : memref<64x1024xf32, #tpu.memory_space<vmem>>, vector<1x16xf32>,
      %get3A_1304 = vector.shape_cast %get3A_1303 : vector<1x16xf32> to vector<16xf32>
      %gt3A_1305 = arith.cmpf ogt, %get3A_1304, %select_n3A_1249 : vector<16xf32>
      %gt3A_1306 = arith.cmpf ogt, %get3A_1304, %select_n3A_1246 : vector<16xf32>
      %select_n3A_1307 = arith.select %gt3A_1306, %get3A_1304, %select_n3A_1246 : vector<16xi1>, vector<16xf32>
      %select_n3A_1308 = arith.select %gt3A_1305, %select_n3A_1249, %select_n3A_1307 : vector<16xi1>, vector<16xf32>
      %select_n3A_1309 = arith.select %gt3A_1306, %broadcast_in_dim3A_1252, %select_n3A_1248 : vector<16xi1>, vector<16xi32>
      %select_n3A_1310 = arith.select %gt3A_1305, %select_n3A_1250, %select_n3A_1309 : vector<16xi1>, vector<16xi32>
      %select_n3A_1311 = arith.select %gt3A_1305, %get3A_1304, %select_n3A_1249 : vector<16xi1>, vector<16xf32>
      %select_n3A_1312 = arith.select %gt3A_1305, %broadcast_in_dim3A_1252, %select_n3A_1250 : vector<16xi1>, vector<16xi32>
      %broadcast_in_dim3A_1313 = arith.constant 21 : i32
      %broadcast_in_dim3A_1314 = vector.broadcast %broadcast_in_dim3A_1313 : i32 to vector<16xi32>
      %add3A_1315 = arith.constant 0 : i32
      %add3A_1316 = arith.addi %mul3A_13, %add3A_1315 : i32
      %get3A_1317 = arith.constant 21 : i32
      %get3A_1318 = arith.index_cast %get3A_1317 : i32 to index
      %get3A_1319 = arith.index_cast %add3A_1316 : i32 to index
      %get3A_1320 = tpu.vector_load %arg7[%get3A_1318, %get3A_1319] {strides = array<i32>} : memref<64x1024xf32, #tpu.memory_space<vmem>>, vector<1x16xf32>,
      %get3A_1321 = vector.shape_cast %get3A_1320 : vector<1x16xf32> to vector<16xf32>
      %gt3A_1322 = arith.cmpf ogt, %get3A_1321, %select_n3A_1266 : vector<16xf32>
      %gt3A_1323 = arith.cmpf ogt, %get3A_1321, %select_n3A_1263 : vector<16xf32>
      %select_n3A_1324 = arith.select %gt3A_1323, %get3A_1321, %select_n3A_1263 : vector<16xi1>, vector<16xf32>
      %select_n3A_1325 = arith.select %gt3A_1322, %select_n3A_1266, %select_n3A_1324 : vector<16xi1>, vector<16xf32>
      %select_n3A_1326 = arith.select %gt3A_1323, %broadcast_in_dim3A_1314, %select_n3A_1265 : vector<16xi1>, vector<16xi32>
      %select_n3A_1327 = arith.select %gt3A_1322, %select_n3A_1267, %select_n3A_1326 : vector<16xi1>, vector<16xi32>
      %select_n3A_1328 = arith.select %gt3A_1322, %get3A_1321, %select_n3A_1266 : vector<16xi1>, vector<16xf32>
      %select_n3A_1329 = arith.select %gt3A_1322, %broadcast_in_dim3A_1314, %select_n3A_1267 : vector<16xi1>, vector<16xi32>
      %add3A_1330 = arith.constant 16 : i32
      %add3A_1331 = arith.addi %mul3A_13, %add3A_1330 : i32
      %get3A_1332 = arith.constant 21 : i32
      %get3A_1333 = arith.index_cast %get3A_1332 : i32 to index
      %get3A_1334 = arith.index_cast %add3A_1331 : i32 to index
      %get3A_1335 = tpu.vector_load %arg7[%get3A_1333, %get3A_1334] {strides = array<i32>} : memref<64x1024xf32, #tpu.memory_space<vmem>>, vector<1x16xf32>,
      %get3A_1336 = vector.shape_cast %get3A_1335 : vector<1x16xf32> to vector<16xf32>
      %gt3A_1337 = arith.cmpf ogt, %get3A_1336, %select_n3A_1281 : vector<16xf32>
      %gt3A_1338 = arith.cmpf ogt, %get3A_1336, %select_n3A_1278 : vector<16xf32>
      %select_n3A_1339 = arith.select %gt3A_1338, %get3A_1336, %select_n3A_1278 : vector<16xi1>, vector<16xf32>
      %select_n3A_1340 = arith.select %gt3A_1337, %select_n3A_1281, %select_n3A_1339 : vector<16xi1>, vector<16xf32>
      %select_n3A_1341 = arith.select %gt3A_1338, %broadcast_in_dim3A_1314, %select_n3A_1280 : vector<16xi1>, vector<16xi32>
      %select_n3A_1342 = arith.select %gt3A_1337, %select_n3A_1282, %select_n3A_1341 : vector<16xi1>, vector<16xi32>
      %select_n3A_1343 = arith.select %gt3A_1337, %get3A_1336, %select_n3A_1281 : vector<16xi1>, vector<16xf32>
      %select_n3A_1344 = arith.select %gt3A_1337, %broadcast_in_dim3A_1314, %select_n3A_1282 : vector<16xi1>, vector<16xi32>
      %add3A_1345 = arith.constant 32 : i32
      %add3A_1346 = arith.addi %mul3A_13, %add3A_1345 : i32
      %get3A_1347 = arith.constant 21 : i32
      %get3A_1348 = arith.index_cast %get3A_1347 : i32 to index
      %get3A_1349 = arith.index_cast %add3A_1346 : i32 to index
      %get3A_1350 = tpu.vector_load %arg7[%get3A_1348, %get3A_1349] {strides = array<i32>} : memref<64x1024xf32, #tpu.memory_space<vmem>>, vector<1x16xf32>,
      %get3A_1351 = vector.shape_cast %get3A_1350 : vector<1x16xf32> to vector<16xf32>
      %gt3A_1352 = arith.cmpf ogt, %get3A_1351, %select_n3A_1296 : vector<16xf32>
      %gt3A_1353 = arith.cmpf ogt, %get3A_1351, %select_n3A_1293 : vector<16xf32>
      %select_n3A_1354 = arith.select %gt3A_1353, %get3A_1351, %select_n3A_1293 : vector<16xi1>, vector<16xf32>
      %select_n3A_1355 = arith.select %gt3A_1352, %select_n3A_1296, %select_n3A_1354 : vector<16xi1>, vector<16xf32>
      %select_n3A_1356 = arith.select %gt3A_1353, %broadcast_in_dim3A_1314, %select_n3A_1295 : vector<16xi1>, vector<16xi32>
      %select_n3A_1357 = arith.select %gt3A_1352, %select_n3A_1297, %select_n3A_1356 : vector<16xi1>, vector<16xi32>
      %select_n3A_1358 = arith.select %gt3A_1352, %get3A_1351, %select_n3A_1296 : vector<16xi1>, vector<16xf32>
      %select_n3A_1359 = arith.select %gt3A_1352, %broadcast_in_dim3A_1314, %select_n3A_1297 : vector<16xi1>, vector<16xi32>
      %add3A_1360 = arith.constant 48 : i32
      %add3A_1361 = arith.addi %mul3A_13, %add3A_1360 : i32
      %get3A_1362 = arith.constant 21 : i32
      %get3A_1363 = arith.index_cast %get3A_1362 : i32 to index
      %get3A_1364 = arith.index_cast %add3A_1361 : i32 to index
      %get3A_1365 = tpu.vector_load %arg7[%get3A_1363, %get3A_1364] {strides = array<i32>} : memref<64x1024xf32, #tpu.memory_space<vmem>>, vector<1x16xf32>,
      %get3A_1366 = vector.shape_cast %get3A_1365 : vector<1x16xf32> to vector<16xf32>
      %gt3A_1367 = arith.cmpf ogt, %get3A_1366, %select_n3A_1311 : vector<16xf32>
      %gt3A_1368 = arith.cmpf ogt, %get3A_1366, %select_n3A_1308 : vector<16xf32>
      %select_n3A_1369 = arith.select %gt3A_1368, %get3A_1366, %select_n3A_1308 : vector<16xi1>, vector<16xf32>
      %select_n3A_1370 = arith.select %gt3A_1367, %select_n3A_1311, %select_n3A_1369 : vector<16xi1>, vector<16xf32>
      %select_n3A_1371 = arith.select %gt3A_1368, %broadcast_in_dim3A_1314, %select_n3A_1310 : vector<16xi1>, vector<16xi32>
      %select_n3A_1372 = arith.select %gt3A_1367, %select_n3A_1312, %select_n3A_1371 : vector<16xi1>, vector<16xi32>
      %select_n3A_1373 = arith.select %gt3A_1367, %get3A_1366, %select_n3A_1311 : vector<16xi1>, vector<16xf32>
      %select_n3A_1374 = arith.select %gt3A_1367, %broadcast_in_dim3A_1314, %select_n3A_1312 : vector<16xi1>, vector<16xi32>
      %broadcast_in_dim3A_1375 = arith.constant 22 : i32
      %broadcast_in_dim3A_1376 = vector.broadcast %broadcast_in_dim3A_1375 : i32 to vector<16xi32>
      %add3A_1377 = arith.constant 0 : i32
      %add3A_1378 = arith.addi %mul3A_13, %add3A_1377 : i32
      %get3A_1379 = arith.constant 22 : i32
      %get3A_1380 = arith.index_cast %get3A_1379 : i32 to index
      %get3A_1381 = arith.index_cast %add3A_1378 : i32 to index
      %get3A_1382 = tpu.vector_load %arg7[%get3A_1380, %get3A_1381] {strides = array<i32>} : memref<64x1024xf32, #tpu.memory_space<vmem>>, vector<1x16xf32>,
      %get3A_1383 = vector.shape_cast %get3A_1382 : vector<1x16xf32> to vector<16xf32>
      %gt3A_1384 = arith.cmpf ogt, %get3A_1383, %select_n3A_1328 : vector<16xf32>
      %gt3A_1385 = arith.cmpf ogt, %get3A_1383, %select_n3A_1325 : vector<16xf32>
      %select_n3A_1386 = arith.select %gt3A_1385, %get3A_1383, %select_n3A_1325 : vector<16xi1>, vector<16xf32>
      %select_n3A_1387 = arith.select %gt3A_1384, %select_n3A_1328, %select_n3A_1386 : vector<16xi1>, vector<16xf32>
      %select_n3A_1388 = arith.select %gt3A_1385, %broadcast_in_dim3A_1376, %select_n3A_1327 : vector<16xi1>, vector<16xi32>
      %select_n3A_1389 = arith.select %gt3A_1384, %select_n3A_1329, %select_n3A_1388 : vector<16xi1>, vector<16xi32>
      %select_n3A_1390 = arith.select %gt3A_1384, %get3A_1383, %select_n3A_1328 : vector<16xi1>, vector<16xf32>
      %select_n3A_1391 = arith.select %gt3A_1384, %broadcast_in_dim3A_1376, %select_n3A_1329 : vector<16xi1>, vector<16xi32>
      %add3A_1392 = arith.constant 16 : i32
      %add3A_1393 = arith.addi %mul3A_13, %add3A_1392 : i32
      %get3A_1394 = arith.constant 22 : i32
      %get3A_1395 = arith.index_cast %get3A_1394 : i32 to index
      %get3A_1396 = arith.index_cast %add3A_1393 : i32 to index
      %get3A_1397 = tpu.vector_load %arg7[%get3A_1395, %get3A_1396] {strides = array<i32>} : memref<64x1024xf32, #tpu.memory_space<vmem>>, vector<1x16xf32>,
      %get3A_1398 = vector.shape_cast %get3A_1397 : vector<1x16xf32> to vector<16xf32>
      %gt3A_1399 = arith.cmpf ogt, %get3A_1398, %select_n3A_1343 : vector<16xf32>
      %gt3A_1400 = arith.cmpf ogt, %get3A_1398, %select_n3A_1340 : vector<16xf32>
      %select_n3A_1401 = arith.select %gt3A_1400, %get3A_1398, %select_n3A_1340 : vector<16xi1>, vector<16xf32>
      %select_n3A_1402 = arith.select %gt3A_1399, %select_n3A_1343, %select_n3A_1401 : vector<16xi1>, vector<16xf32>
      %select_n3A_1403 = arith.select %gt3A_1400, %broadcast_in_dim3A_1376, %select_n3A_1342 : vector<16xi1>, vector<16xi32>
      %select_n3A_1404 = arith.select %gt3A_1399, %select_n3A_1344, %select_n3A_1403 : vector<16xi1>, vector<16xi32>
      %select_n3A_1405 = arith.select %gt3A_1399, %get3A_1398, %select_n3A_1343 : vector<16xi1>, vector<16xf32>
      %select_n3A_1406 = arith.select %gt3A_1399, %broadcast_in_dim3A_1376, %select_n3A_1344 : vector<16xi1>, vector<16xi32>
      %add3A_1407 = arith.constant 32 : i32
      %add3A_1408 = arith.addi %mul3A_13, %add3A_1407 : i32
      %get3A_1409 = arith.constant 22 : i32
      %get3A_1410 = arith.index_cast %get3A_1409 : i32 to index
      %get3A_1411 = arith.index_cast %add3A_1408 : i32 to index
      %get3A_1412 = tpu.vector_load %arg7[%get3A_1410, %get3A_1411] {strides = array<i32>} : memref<64x1024xf32, #tpu.memory_space<vmem>>, vector<1x16xf32>,
      %get3A_1413 = vector.shape_cast %get3A_1412 : vector<1x16xf32> to vector<16xf32>
      %gt3A_1414 = arith.cmpf ogt, %get3A_1413, %select_n3A_1358 : vector<16xf32>
      %gt3A_1415 = arith.cmpf ogt, %get3A_1413, %select_n3A_1355 : vector<16xf32>
      %select_n3A_1416 = arith.select %gt3A_1415, %get3A_1413, %select_n3A_1355 : vector<16xi1>, vector<16xf32>
      %select_n3A_1417 = arith.select %gt3A_1414, %select_n3A_1358, %select_n3A_1416 : vector<16xi1>, vector<16xf32>
      %select_n3A_1418 = arith.select %gt3A_1415, %broadcast_in_dim3A_1376, %select_n3A_1357 : vector<16xi1>, vector<16xi32>
      %select_n3A_1419 = arith.select %gt3A_1414, %select_n3A_1359, %select_n3A_1418 : vector<16xi1>, vector<16xi32>
      %select_n3A_1420 = arith.select %gt3A_1414, %get3A_1413, %select_n3A_1358 : vector<16xi1>, vector<16xf32>
      %select_n3A_1421 = arith.select %gt3A_1414, %broadcast_in_dim3A_1376, %select_n3A_1359 : vector<16xi1>, vector<16xi32>
      %add3A_1422 = arith.constant 48 : i32
      %add3A_1423 = arith.addi %mul3A_13, %add3A_1422 : i32
      %get3A_1424 = arith.constant 22 : i32
      %get3A_1425 = arith.index_cast %get3A_1424 : i32 to index
      %get3A_1426 = arith.index_cast %add3A_1423 : i32 to index
      %get3A_1427 = tpu.vector_load %arg7[%get3A_1425, %get3A_1426] {strides = array<i32>} : memref<64x1024xf32, #tpu.memory_space<vmem>>, vector<1x16xf32>,
      %get3A_1428 = vector.shape_cast %get3A_1427 : vector<1x16xf32> to vector<16xf32>
      %gt3A_1429 = arith.cmpf ogt, %get3A_1428, %select_n3A_1373 : vector<16xf32>
      %gt3A_1430 = arith.cmpf ogt, %get3A_1428, %select_n3A_1370 : vector<16xf32>
      %select_n3A_1431 = arith.select %gt3A_1430, %get3A_1428, %select_n3A_1370 : vector<16xi1>, vector<16xf32>
      %select_n3A_1432 = arith.select %gt3A_1429, %select_n3A_1373, %select_n3A_1431 : vector<16xi1>, vector<16xf32>
      %select_n3A_1433 = arith.select %gt3A_1430, %broadcast_in_dim3A_1376, %select_n3A_1372 : vector<16xi1>, vector<16xi32>
      %select_n3A_1434 = arith.select %gt3A_1429, %select_n3A_1374, %select_n3A_1433 : vector<16xi1>, vector<16xi32>
      %select_n3A_1435 = arith.select %gt3A_1429, %get3A_1428, %select_n3A_1373 : vector<16xi1>, vector<16xf32>
      %select_n3A_1436 = arith.select %gt3A_1429, %broadcast_in_dim3A_1376, %select_n3A_1374 : vector<16xi1>, vector<16xi32>
      %broadcast_in_dim3A_1437 = arith.constant 23 : i32
      %broadcast_in_dim3A_1438 = vector.broadcast %broadcast_in_dim3A_1437 : i32 to vector<16xi32>
      %add3A_1439 = arith.constant 0 : i32
      %add3A_1440 = arith.addi %mul3A_13, %add3A_1439 : i32
      %get3A_1441 = arith.constant 23 : i32
      %get3A_1442 = arith.index_cast %get3A_1441 : i32 to index
      %get3A_1443 = arith.index_cast %add3A_1440 : i32 to index
      %get3A_1444 = tpu.vector_load %arg7[%get3A_1442, %get3A_1443] {strides = array<i32>} : memref<64x1024xf32, #tpu.memory_space<vmem>>, vector<1x16xf32>,
      %get3A_1445 = vector.shape_cast %get3A_1444 : vector<1x16xf32> to vector<16xf32>
      %gt3A_1446 = arith.cmpf ogt, %get3A_1445, %select_n3A_1390 : vector<16xf32>
      %gt3A_1447 = arith.cmpf ogt, %get3A_1445, %select_n3A_1387 : vector<16xf32>
      %select_n3A_1448 = arith.select %gt3A_1447, %get3A_1445, %select_n3A_1387 : vector<16xi1>, vector<16xf32>
      %select_n3A_1449 = arith.select %gt3A_1446, %select_n3A_1390, %select_n3A_1448 : vector<16xi1>, vector<16xf32>
      %select_n3A_1450 = arith.select %gt3A_1447, %broadcast_in_dim3A_1438, %select_n3A_1389 : vector<16xi1>, vector<16xi32>
      %select_n3A_1451 = arith.select %gt3A_1446, %select_n3A_1391, %select_n3A_1450 : vector<16xi1>, vector<16xi32>
      %select_n3A_1452 = arith.select %gt3A_1446, %get3A_1445, %select_n3A_1390 : vector<16xi1>, vector<16xf32>
      %select_n3A_1453 = arith.select %gt3A_1446, %broadcast_in_dim3A_1438, %select_n3A_1391 : vector<16xi1>, vector<16xi32>
      %add3A_1454 = arith.constant 16 : i32
      %add3A_1455 = arith.addi %mul3A_13, %add3A_1454 : i32
      %get3A_1456 = arith.constant 23 : i32
      %get3A_1457 = arith.index_cast %get3A_1456 : i32 to index
      %get3A_1458 = arith.index_cast %add3A_1455 : i32 to index
      %get3A_1459 = tpu.vector_load %arg7[%get3A_1457, %get3A_1458] {strides = array<i32>} : memref<64x1024xf32, #tpu.memory_space<vmem>>, vector<1x16xf32>,
      %get3A_1460 = vector.shape_cast %get3A_1459 : vector<1x16xf32> to vector<16xf32>
      %gt3A_1461 = arith.cmpf ogt, %get3A_1460, %select_n3A_1405 : vector<16xf32>
      %gt3A_1462 = arith.cmpf ogt, %get3A_1460, %select_n3A_1402 : vector<16xf32>
      %select_n3A_1463 = arith.select %gt3A_1462, %get3A_1460, %select_n3A_1402 : vector<16xi1>, vector<16xf32>
      %select_n3A_1464 = arith.select %gt3A_1461, %select_n3A_1405, %select_n3A_1463 : vector<16xi1>, vector<16xf32>
      %select_n3A_1465 = arith.select %gt3A_1462, %broadcast_in_dim3A_1438, %select_n3A_1404 : vector<16xi1>, vector<16xi32>
      %select_n3A_1466 = arith.select %gt3A_1461, %select_n3A_1406, %select_n3A_1465 : vector<16xi1>, vector<16xi32>
      %select_n3A_1467 = arith.select %gt3A_1461, %get3A_1460, %select_n3A_1405 : vector<16xi1>, vector<16xf32>
      %select_n3A_1468 = arith.select %gt3A_1461, %broadcast_in_dim3A_1438, %select_n3A_1406 : vector<16xi1>, vector<16xi32>
      %add3A_1469 = arith.constant 32 : i32
      %add3A_1470 = arith.addi %mul3A_13, %add3A_1469 : i32
      %get3A_1471 = arith.constant 23 : i32
      %get3A_1472 = arith.index_cast %get3A_1471 : i32 to index
      %get3A_1473 = arith.index_cast %add3A_1470 : i32 to index
      %get3A_1474 = tpu.vector_load %arg7[%get3A_1472, %get3A_1473] {strides = array<i32>} : memref<64x1024xf32, #tpu.memory_space<vmem>>, vector<1x16xf32>,
      %get3A_1475 = vector.shape_cast %get3A_1474 : vector<1x16xf32> to vector<16xf32>
      %gt3A_1476 = arith.cmpf ogt, %get3A_1475, %select_n3A_1420 : vector<16xf32>
      %gt3A_1477 = arith.cmpf ogt, %get3A_1475, %select_n3A_1417 : vector<16xf32>
      %select_n3A_1478 = arith.select %gt3A_1477, %get3A_1475, %select_n3A_1417 : vector<16xi1>, vector<16xf32>
      %select_n3A_1479 = arith.select %gt3A_1476, %select_n3A_1420, %select_n3A_1478 : vector<16xi1>, vector<16xf32>
      %select_n3A_1480 = arith.select %gt3A_1477, %broadcast_in_dim3A_1438, %select_n3A_1419 : vector<16xi1>, vector<16xi32>
      %select_n3A_1481 = arith.select %gt3A_1476, %select_n3A_1421, %select_n3A_1480 : vector<16xi1>, vector<16xi32>
      %select_n3A_1482 = arith.select %gt3A_1476, %get3A_1475, %select_n3A_1420 : vector<16xi1>, vector<16xf32>
      %select_n3A_1483 = arith.select %gt3A_1476, %broadcast_in_dim3A_1438, %select_n3A_1421 : vector<16xi1>, vector<16xi32>
      %add3A_1484 = arith.constant 48 : i32
      %add3A_1485 = arith.addi %mul3A_13, %add3A_1484 : i32
      %get3A_1486 = arith.constant 23 : i32
      %get3A_1487 = arith.index_cast %get3A_1486 : i32 to index
      %get3A_1488 = arith.index_cast %add3A_1485 : i32 to index
      %get3A_1489 = tpu.vector_load %arg7[%get3A_1487, %get3A_1488] {strides = array<i32>} : memref<64x1024xf32, #tpu.memory_space<vmem>>, vector<1x16xf32>,
      %get3A_1490 = vector.shape_cast %get3A_1489 : vector<1x16xf32> to vector<16xf32>
      %gt3A_1491 = arith.cmpf ogt, %get3A_1490, %select_n3A_1435 : vector<16xf32>
      %gt3A_1492 = arith.cmpf ogt, %get3A_1490, %select_n3A_1432 : vector<16xf32>
      %select_n3A_1493 = arith.select %gt3A_1492, %get3A_1490, %select_n3A_1432 : vector<16xi1>, vector<16xf32>
      %select_n3A_1494 = arith.select %gt3A_1491, %select_n3A_1435, %select_n3A_1493 : vector<16xi1>, vector<16xf32>
      %select_n3A_1495 = arith.select %gt3A_1492, %broadcast_in_dim3A_1438, %select_n3A_1434 : vector<16xi1>, vector<16xi32>
      %select_n3A_1496 = arith.select %gt3A_1491, %select_n3A_1436, %select_n3A_1495 : vector<16xi1>, vector<16xi32>
      %select_n3A_1497 = arith.select %gt3A_1491, %get3A_1490, %select_n3A_1435 : vector<16xi1>, vector<16xf32>
      %select_n3A_1498 = arith.select %gt3A_1491, %broadcast_in_dim3A_1438, %select_n3A_1436 : vector<16xi1>, vector<16xi32>
      %broadcast_in_dim3A_1499 = arith.constant 24 : i32
      %broadcast_in_dim3A_1500 = vector.broadcast %broadcast_in_dim3A_1499 : i32 to vector<16xi32>
      %add3A_1501 = arith.constant 0 : i32
      %add3A_1502 = arith.addi %mul3A_13, %add3A_1501 : i32
      %get3A_1503 = arith.constant 24 : i32
      %get3A_1504 = arith.index_cast %get3A_1503 : i32 to index
      %get3A_1505 = arith.index_cast %add3A_1502 : i32 to index
      %get3A_1506 = tpu.vector_load %arg7[%get3A_1504, %get3A_1505] {strides = array<i32>} : memref<64x1024xf32, #tpu.memory_space<vmem>>, vector<1x16xf32>,
      %get3A_1507 = vector.shape_cast %get3A_1506 : vector<1x16xf32> to vector<16xf32>
      %gt3A_1508 = arith.cmpf ogt, %get3A_1507, %select_n3A_1452 : vector<16xf32>
      %gt3A_1509 = arith.cmpf ogt, %get3A_1507, %select_n3A_1449 : vector<16xf32>
      %select_n3A_1510 = arith.select %gt3A_1509, %get3A_1507, %select_n3A_1449 : vector<16xi1>, vector<16xf32>
      %select_n3A_1511 = arith.select %gt3A_1508, %select_n3A_1452, %select_n3A_1510 : vector<16xi1>, vector<16xf32>
      %select_n3A_1512 = arith.select %gt3A_1509, %broadcast_in_dim3A_1500, %select_n3A_1451 : vector<16xi1>, vector<16xi32>
      %select_n3A_1513 = arith.select %gt3A_1508, %select_n3A_1453, %select_n3A_1512 : vector<16xi1>, vector<16xi32>
      %select_n3A_1514 = arith.select %gt3A_1508, %get3A_1507, %select_n3A_1452 : vector<16xi1>, vector<16xf32>
      %select_n3A_1515 = arith.select %gt3A_1508, %broadcast_in_dim3A_1500, %select_n3A_1453 : vector<16xi1>, vector<16xi32>
      %add3A_1516 = arith.constant 16 : i32
      %add3A_1517 = arith.addi %mul3A_13, %add3A_1516 : i32
      %get3A_1518 = arith.constant 24 : i32
      %get3A_1519 = arith.index_cast %get3A_1518 : i32 to index
      %get3A_1520 = arith.index_cast %add3A_1517 : i32 to index
      %get3A_1521 = tpu.vector_load %arg7[%get3A_1519, %get3A_1520] {strides = array<i32>} : memref<64x1024xf32, #tpu.memory_space<vmem>>, vector<1x16xf32>,
      %get3A_1522 = vector.shape_cast %get3A_1521 : vector<1x16xf32> to vector<16xf32>
      %gt3A_1523 = arith.cmpf ogt, %get3A_1522, %select_n3A_1467 : vector<16xf32>
      %gt3A_1524 = arith.cmpf ogt, %get3A_1522, %select_n3A_1464 : vector<16xf32>
      %select_n3A_1525 = arith.select %gt3A_1524, %get3A_1522, %select_n3A_1464 : vector<16xi1>, vector<16xf32>
      %select_n3A_1526 = arith.select %gt3A_1523, %select_n3A_1467, %select_n3A_1525 : vector<16xi1>, vector<16xf32>
      %select_n3A_1527 = arith.select %gt3A_1524, %broadcast_in_dim3A_1500, %select_n3A_1466 : vector<16xi1>, vector<16xi32>
      %select_n3A_1528 = arith.select %gt3A_1523, %select_n3A_1468, %select_n3A_1527 : vector<16xi1>, vector<16xi32>
      %select_n3A_1529 = arith.select %gt3A_1523, %get3A_1522, %select_n3A_1467 : vector<16xi1>, vector<16xf32>
      %select_n3A_1530 = arith.select %gt3A_1523, %broadcast_in_dim3A_1500, %select_n3A_1468 : vector<16xi1>, vector<16xi32>
      %add3A_1531 = arith.constant 32 : i32
      %add3A_1532 = arith.addi %mul3A_13, %add3A_1531 : i32
      %get3A_1533 = arith.constant 24 : i32
      %get3A_1534 = arith.index_cast %get3A_1533 : i32 to index
      %get3A_1535 = arith.index_cast %add3A_1532 : i32 to index
      %get3A_1536 = tpu.vector_load %arg7[%get3A_1534, %get3A_1535] {strides = array<i32>} : memref<64x1024xf32, #tpu.memory_space<vmem>>, vector<1x16xf32>,
      %get3A_1537 = vector.shape_cast %get3A_1536 : vector<1x16xf32> to vector<16xf32>
      %gt3A_1538 = arith.cmpf ogt, %get3A_1537, %select_n3A_1482 : vector<16xf32>
      %gt3A_1539 = arith.cmpf ogt, %get3A_1537, %select_n3A_1479 : vector<16xf32>
      %select_n3A_1540 = arith.select %gt3A_1539, %get3A_1537, %select_n3A_1479 : vector<16xi1>, vector<16xf32>
      %select_n3A_1541 = arith.select %gt3A_1538, %select_n3A_1482, %select_n3A_1540 : vector<16xi1>, vector<16xf32>
      %select_n3A_1542 = arith.select %gt3A_1539, %broadcast_in_dim3A_1500, %select_n3A_1481 : vector<16xi1>, vector<16xi32>
      %select_n3A_1543 = arith.select %gt3A_1538, %select_n3A_1483, %select_n3A_1542 : vector<16xi1>, vector<16xi32>
      %select_n3A_1544 = arith.select %gt3A_1538, %get3A_1537, %select_n3A_1482 : vector<16xi1>, vector<16xf32>
      %select_n3A_1545 = arith.select %gt3A_1538, %broadcast_in_dim3A_1500, %select_n3A_1483 : vector<16xi1>, vector<16xi32>
      %add3A_1546 = arith.constant 48 : i32
      %add3A_1547 = arith.addi %mul3A_13, %add3A_1546 : i32
      %get3A_1548 = arith.constant 24 : i32
      %get3A_1549 = arith.index_cast %get3A_1548 : i32 to index
      %get3A_1550 = arith.index_cast %add3A_1547 : i32 to index
      %get3A_1551 = tpu.vector_load %arg7[%get3A_1549, %get3A_1550] {strides = array<i32>} : memref<64x1024xf32, #tpu.memory_space<vmem>>, vector<1x16xf32>,
      %get3A_1552 = vector.shape_cast %get3A_1551 : vector<1x16xf32> to vector<16xf32>
      %gt3A_1553 = arith.cmpf ogt, %get3A_1552, %select_n3A_1497 : vector<16xf32>
      %gt3A_1554 = arith.cmpf ogt, %get3A_1552, %select_n3A_1494 : vector<16xf32>
      %select_n3A_1555 = arith.select %gt3A_1554, %get3A_1552, %select_n3A_1494 : vector<16xi1>, vector<16xf32>
      %select_n3A_1556 = arith.select %gt3A_1553, %select_n3A_1497, %select_n3A_1555 : vector<16xi1>, vector<16xf32>
      %select_n3A_1557 = arith.select %gt3A_1554, %broadcast_in_dim3A_1500, %select_n3A_1496 : vector<16xi1>, vector<16xi32>
      %select_n3A_1558 = arith.select %gt3A_1553, %select_n3A_1498, %select_n3A_1557 : vector<16xi1>, vector<16xi32>
      %select_n3A_1559 = arith.select %gt3A_1553, %get3A_1552, %select_n3A_1497 : vector<16xi1>, vector<16xf32>
      %select_n3A_1560 = arith.select %gt3A_1553, %broadcast_in_dim3A_1500, %select_n3A_1498 : vector<16xi1>, vector<16xi32>
      %broadcast_in_dim3A_1561 = arith.constant 25 : i32
      %broadcast_in_dim3A_1562 = vector.broadcast %broadcast_in_dim3A_1561 : i32 to vector<16xi32>
      %add3A_1563 = arith.constant 0 : i32
      %add3A_1564 = arith.addi %mul3A_13, %add3A_1563 : i32
      %get3A_1565 = arith.constant 25 : i32
      %get3A_1566 = arith.index_cast %get3A_1565 : i32 to index
      %get3A_1567 = arith.index_cast %add3A_1564 : i32 to index
      %get3A_1568 = tpu.vector_load %arg7[%get3A_1566, %get3A_1567] {strides = array<i32>} : memref<64x1024xf32, #tpu.memory_space<vmem>>, vector<1x16xf32>,
      %get3A_1569 = vector.shape_cast %get3A_1568 : vector<1x16xf32> to vector<16xf32>
      %gt3A_1570 = arith.cmpf ogt, %get3A_1569, %select_n3A_1514 : vector<16xf32>
      %gt3A_1571 = arith.cmpf ogt, %get3A_1569, %select_n3A_1511 : vector<16xf32>
      %select_n3A_1572 = arith.select %gt3A_1571, %get3A_1569, %select_n3A_1511 : vector<16xi1>, vector<16xf32>
      %select_n3A_1573 = arith.select %gt3A_1570, %select_n3A_1514, %select_n3A_1572 : vector<16xi1>, vector<16xf32>
      %select_n3A_1574 = arith.select %gt3A_1571, %broadcast_in_dim3A_1562, %select_n3A_1513 : vector<16xi1>, vector<16xi32>
      %select_n3A_1575 = arith.select %gt3A_1570, %select_n3A_1515, %select_n3A_1574 : vector<16xi1>, vector<16xi32>
      %select_n3A_1576 = arith.select %gt3A_1570, %get3A_1569, %select_n3A_1514 : vector<16xi1>, vector<16xf32>
      %select_n3A_1577 = arith.select %gt3A_1570, %broadcast_in_dim3A_1562, %select_n3A_1515 : vector<16xi1>, vector<16xi32>
      %add3A_1578 = arith.constant 16 : i32
      %add3A_1579 = arith.addi %mul3A_13, %add3A_1578 : i32
      %get3A_1580 = arith.constant 25 : i32
      %get3A_1581 = arith.index_cast %get3A_1580 : i32 to index
      %get3A_1582 = arith.index_cast %add3A_1579 : i32 to index
      %get3A_1583 = tpu.vector_load %arg7[%get3A_1581, %get3A_1582] {strides = array<i32>} : memref<64x1024xf32, #tpu.memory_space<vmem>>, vector<1x16xf32>,
      %get3A_1584 = vector.shape_cast %get3A_1583 : vector<1x16xf32> to vector<16xf32>
      %gt3A_1585 = arith.cmpf ogt, %get3A_1584, %select_n3A_1529 : vector<16xf32>
      %gt3A_1586 = arith.cmpf ogt, %get3A_1584, %select_n3A_1526 : vector<16xf32>
      %select_n3A_1587 = arith.select %gt3A_1586, %get3A_1584, %select_n3A_1526 : vector<16xi1>, vector<16xf32>
      %select_n3A_1588 = arith.select %gt3A_1585, %select_n3A_1529, %select_n3A_1587 : vector<16xi1>, vector<16xf32>
      %select_n3A_1589 = arith.select %gt3A_1586, %broadcast_in_dim3A_1562, %select_n3A_1528 : vector<16xi1>, vector<16xi32>
      %select_n3A_1590 = arith.select %gt3A_1585, %select_n3A_1530, %select_n3A_1589 : vector<16xi1>, vector<16xi32>
      %select_n3A_1591 = arith.select %gt3A_1585, %get3A_1584, %select_n3A_1529 : vector<16xi1>, vector<16xf32>
      %select_n3A_1592 = arith.select %gt3A_1585, %broadcast_in_dim3A_1562, %select_n3A_1530 : vector<16xi1>, vector<16xi32>
      %add3A_1593 = arith.constant 32 : i32
      %add3A_1594 = arith.addi %mul3A_13, %add3A_1593 : i32
      %get3A_1595 = arith.constant 25 : i32
      %get3A_1596 = arith.index_cast %get3A_1595 : i32 to index
      %get3A_1597 = arith.index_cast %add3A_1594 : i32 to index
      %get3A_1598 = tpu.vector_load %arg7[%get3A_1596, %get3A_1597] {strides = array<i32>} : memref<64x1024xf32, #tpu.memory_space<vmem>>, vector<1x16xf32>,
      %get3A_1599 = vector.shape_cast %get3A_1598 : vector<1x16xf32> to vector<16xf32>
      %gt3A_1600 = arith.cmpf ogt, %get3A_1599, %select_n3A_1544 : vector<16xf32>
      %gt3A_1601 = arith.cmpf ogt, %get3A_1599, %select_n3A_1541 : vector<16xf32>
      %select_n3A_1602 = arith.select %gt3A_1601, %get3A_1599, %select_n3A_1541 : vector<16xi1>, vector<16xf32>
      %select_n3A_1603 = arith.select %gt3A_1600, %select_n3A_1544, %select_n3A_1602 : vector<16xi1>, vector<16xf32>
      %select_n3A_1604 = arith.select %gt3A_1601, %broadcast_in_dim3A_1562, %select_n3A_1543 : vector<16xi1>, vector<16xi32>
      %select_n3A_1605 = arith.select %gt3A_1600, %select_n3A_1545, %select_n3A_1604 : vector<16xi1>, vector<16xi32>
      %select_n3A_1606 = arith.select %gt3A_1600, %get3A_1599, %select_n3A_1544 : vector<16xi1>, vector<16xf32>
      %select_n3A_1607 = arith.select %gt3A_1600, %broadcast_in_dim3A_1562, %select_n3A_1545 : vector<16xi1>, vector<16xi32>
      %add3A_1608 = arith.constant 48 : i32
      %add3A_1609 = arith.addi %mul3A_13, %add3A_1608 : i32
      %get3A_1610 = arith.constant 25 : i32
      %get3A_1611 = arith.index_cast %get3A_1610 : i32 to index
      %get3A_1612 = arith.index_cast %add3A_1609 : i32 to index
      %get3A_1613 = tpu.vector_load %arg7[%get3A_1611, %get3A_1612] {strides = array<i32>} : memref<64x1024xf32, #tpu.memory_space<vmem>>, vector<1x16xf32>,
      %get3A_1614 = vector.shape_cast %get3A_1613 : vector<1x16xf32> to vector<16xf32>
      %gt3A_1615 = arith.cmpf ogt, %get3A_1614, %select_n3A_1559 : vector<16xf32>
      %gt3A_1616 = arith.cmpf ogt, %get3A_1614, %select_n3A_1556 : vector<16xf32>
      %select_n3A_1617 = arith.select %gt3A_1616, %get3A_1614, %select_n3A_1556 : vector<16xi1>, vector<16xf32>
      %select_n3A_1618 = arith.select %gt3A_1615, %select_n3A_1559, %select_n3A_1617 : vector<16xi1>, vector<16xf32>
      %select_n3A_1619 = arith.select %gt3A_1616, %broadcast_in_dim3A_1562, %select_n3A_1558 : vector<16xi1>, vector<16xi32>
      %select_n3A_1620 = arith.select %gt3A_1615, %select_n3A_1560, %select_n3A_1619 : vector<16xi1>, vector<16xi32>
      %select_n3A_1621 = arith.select %gt3A_1615, %get3A_1614, %select_n3A_1559 : vector<16xi1>, vector<16xf32>
      %select_n3A_1622 = arith.select %gt3A_1615, %broadcast_in_dim3A_1562, %select_n3A_1560 : vector<16xi1>, vector<16xi32>
      %broadcast_in_dim3A_1623 = arith.constant 26 : i32
      %broadcast_in_dim3A_1624 = vector.broadcast %broadcast_in_dim3A_1623 : i32 to vector<16xi32>
      %add3A_1625 = arith.constant 0 : i32
      %add3A_1626 = arith.addi %mul3A_13, %add3A_1625 : i32
      %get3A_1627 = arith.constant 26 : i32
      %get3A_1628 = arith.index_cast %get3A_1627 : i32 to index
      %get3A_1629 = arith.index_cast %add3A_1626 : i32 to index
      %get3A_1630 = tpu.vector_load %arg7[%get3A_1628, %get3A_1629] {strides = array<i32>} : memref<64x1024xf32, #tpu.memory_space<vmem>>, vector<1x16xf32>,
      %get3A_1631 = vector.shape_cast %get3A_1630 : vector<1x16xf32> to vector<16xf32>
      %gt3A_1632 = arith.cmpf ogt, %get3A_1631, %select_n3A_1576 : vector<16xf32>
      %gt3A_1633 = arith.cmpf ogt, %get3A_1631, %select_n3A_1573 : vector<16xf32>
      %select_n3A_1634 = arith.select %gt3A_1633, %get3A_1631, %select_n3A_1573 : vector<16xi1>, vector<16xf32>
      %select_n3A_1635 = arith.select %gt3A_1632, %select_n3A_1576, %select_n3A_1634 : vector<16xi1>, vector<16xf32>
      %select_n3A_1636 = arith.select %gt3A_1633, %broadcast_in_dim3A_1624, %select_n3A_1575 : vector<16xi1>, vector<16xi32>
      %select_n3A_1637 = arith.select %gt3A_1632, %select_n3A_1577, %select_n3A_1636 : vector<16xi1>, vector<16xi32>
      %select_n3A_1638 = arith.select %gt3A_1632, %get3A_1631, %select_n3A_1576 : vector<16xi1>, vector<16xf32>
      %select_n3A_1639 = arith.select %gt3A_1632, %broadcast_in_dim3A_1624, %select_n3A_1577 : vector<16xi1>, vector<16xi32>
      %add3A_1640 = arith.constant 16 : i32
      %add3A_1641 = arith.addi %mul3A_13, %add3A_1640 : i32
      %get3A_1642 = arith.constant 26 : i32
      %get3A_1643 = arith.index_cast %get3A_1642 : i32 to index
      %get3A_1644 = arith.index_cast %add3A_1641 : i32 to index
      %get3A_1645 = tpu.vector_load %arg7[%get3A_1643, %get3A_1644] {strides = array<i32>} : memref<64x1024xf32, #tpu.memory_space<vmem>>, vector<1x16xf32>,
      %get3A_1646 = vector.shape_cast %get3A_1645 : vector<1x16xf32> to vector<16xf32>
      %gt3A_1647 = arith.cmpf ogt, %get3A_1646, %select_n3A_1591 : vector<16xf32>
      %gt3A_1648 = arith.cmpf ogt, %get3A_1646, %select_n3A_1588 : vector<16xf32>
      %select_n3A_1649 = arith.select %gt3A_1648, %get3A_1646, %select_n3A_1588 : vector<16xi1>, vector<16xf32>
      %select_n3A_1650 = arith.select %gt3A_1647, %select_n3A_1591, %select_n3A_1649 : vector<16xi1>, vector<16xf32>
      %select_n3A_1651 = arith.select %gt3A_1648, %broadcast_in_dim3A_1624, %select_n3A_1590 : vector<16xi1>, vector<16xi32>
      %select_n3A_1652 = arith.select %gt3A_1647, %select_n3A_1592, %select_n3A_1651 : vector<16xi1>, vector<16xi32>
      %select_n3A_1653 = arith.select %gt3A_1647, %get3A_1646, %select_n3A_1591 : vector<16xi1>, vector<16xf32>
      %select_n3A_1654 = arith.select %gt3A_1647, %broadcast_in_dim3A_1624, %select_n3A_1592 : vector<16xi1>, vector<16xi32>
      %add3A_1655 = arith.constant 32 : i32
      %add3A_1656 = arith.addi %mul3A_13, %add3A_1655 : i32
      %get3A_1657 = arith.constant 26 : i32
      %get3A_1658 = arith.index_cast %get3A_1657 : i32 to index
      %get3A_1659 = arith.index_cast %add3A_1656 : i32 to index
      %get3A_1660 = tpu.vector_load %arg7[%get3A_1658, %get3A_1659] {strides = array<i32>} : memref<64x1024xf32, #tpu.memory_space<vmem>>, vector<1x16xf32>,
      %get3A_1661 = vector.shape_cast %get3A_1660 : vector<1x16xf32> to vector<16xf32>
      %gt3A_1662 = arith.cmpf ogt, %get3A_1661, %select_n3A_1606 : vector<16xf32>
      %gt3A_1663 = arith.cmpf ogt, %get3A_1661, %select_n3A_1603 : vector<16xf32>
      %select_n3A_1664 = arith.select %gt3A_1663, %get3A_1661, %select_n3A_1603 : vector<16xi1>, vector<16xf32>
      %select_n3A_1665 = arith.select %gt3A_1662, %select_n3A_1606, %select_n3A_1664 : vector<16xi1>, vector<16xf32>
      %select_n3A_1666 = arith.select %gt3A_1663, %broadcast_in_dim3A_1624, %select_n3A_1605 : vector<16xi1>, vector<16xi32>
      %select_n3A_1667 = arith.select %gt3A_1662, %select_n3A_1607, %select_n3A_1666 : vector<16xi1>, vector<16xi32>
      %select_n3A_1668 = arith.select %gt3A_1662, %get3A_1661, %select_n3A_1606 : vector<16xi1>, vector<16xf32>
      %select_n3A_1669 = arith.select %gt3A_1662, %broadcast_in_dim3A_1624, %select_n3A_1607 : vector<16xi1>, vector<16xi32>
      %add3A_1670 = arith.constant 48 : i32
      %add3A_1671 = arith.addi %mul3A_13, %add3A_1670 : i32
      %get3A_1672 = arith.constant 26 : i32
      %get3A_1673 = arith.index_cast %get3A_1672 : i32 to index
      %get3A_1674 = arith.index_cast %add3A_1671 : i32 to index
      %get3A_1675 = tpu.vector_load %arg7[%get3A_1673, %get3A_1674] {strides = array<i32>} : memref<64x1024xf32, #tpu.memory_space<vmem>>, vector<1x16xf32>,
      %get3A_1676 = vector.shape_cast %get3A_1675 : vector<1x16xf32> to vector<16xf32>
      %gt3A_1677 = arith.cmpf ogt, %get3A_1676, %select_n3A_1621 : vector<16xf32>
      %gt3A_1678 = arith.cmpf ogt, %get3A_1676, %select_n3A_1618 : vector<16xf32>
      %select_n3A_1679 = arith.select %gt3A_1678, %get3A_1676, %select_n3A_1618 : vector<16xi1>, vector<16xf32>
      %select_n3A_1680 = arith.select %gt3A_1677, %select_n3A_1621, %select_n3A_1679 : vector<16xi1>, vector<16xf32>
      %select_n3A_1681 = arith.select %gt3A_1678, %broadcast_in_dim3A_1624, %select_n3A_1620 : vector<16xi1>, vector<16xi32>
      %select_n3A_1682 = arith.select %gt3A_1677, %select_n3A_1622, %select_n3A_1681 : vector<16xi1>, vector<16xi32>
      %select_n3A_1683 = arith.select %gt3A_1677, %get3A_1676, %select_n3A_1621 : vector<16xi1>, vector<16xf32>
      %select_n3A_1684 = arith.select %gt3A_1677, %broadcast_in_dim3A_1624, %select_n3A_1622 : vector<16xi1>, vector<16xi32>
      %broadcast_in_dim3A_1685 = arith.constant 27 : i32
      %broadcast_in_dim3A_1686 = vector.broadcast %broadcast_in_dim3A_1685 : i32 to vector<16xi32>
      %add3A_1687 = arith.constant 0 : i32
      %add3A_1688 = arith.addi %mul3A_13, %add3A_1687 : i32
      %get3A_1689 = arith.constant 27 : i32
      %get3A_1690 = arith.index_cast %get3A_1689 : i32 to index
      %get3A_1691 = arith.index_cast %add3A_1688 : i32 to index
      %get3A_1692 = tpu.vector_load %arg7[%get3A_1690, %get3A_1691] {strides = array<i32>} : memref<64x1024xf32, #tpu.memory_space<vmem>>, vector<1x16xf32>,
      %get3A_1693 = vector.shape_cast %get3A_1692 : vector<1x16xf32> to vector<16xf32>
      %gt3A_1694 = arith.cmpf ogt, %get3A_1693, %select_n3A_1638 : vector<16xf32>
      %gt3A_1695 = arith.cmpf ogt, %get3A_1693, %select_n3A_1635 : vector<16xf32>
      %select_n3A_1696 = arith.select %gt3A_1695, %get3A_1693, %select_n3A_1635 : vector<16xi1>, vector<16xf32>
      %select_n3A_1697 = arith.select %gt3A_1694, %select_n3A_1638, %select_n3A_1696 : vector<16xi1>, vector<16xf32>
      %select_n3A_1698 = arith.select %gt3A_1695, %broadcast_in_dim3A_1686, %select_n3A_1637 : vector<16xi1>, vector<16xi32>
      %select_n3A_1699 = arith.select %gt3A_1694, %select_n3A_1639, %select_n3A_1698 : vector<16xi1>, vector<16xi32>
      %select_n3A_1700 = arith.select %gt3A_1694, %get3A_1693, %select_n3A_1638 : vector<16xi1>, vector<16xf32>
      %select_n3A_1701 = arith.select %gt3A_1694, %broadcast_in_dim3A_1686, %select_n3A_1639 : vector<16xi1>, vector<16xi32>
      %add3A_1702 = arith.constant 16 : i32
      %add3A_1703 = arith.addi %mul3A_13, %add3A_1702 : i32
      %get3A_1704 = arith.constant 27 : i32
      %get3A_1705 = arith.index_cast %get3A_1704 : i32 to index
      %get3A_1706 = arith.index_cast %add3A_1703 : i32 to index
      %get3A_1707 = tpu.vector_load %arg7[%get3A_1705, %get3A_1706] {strides = array<i32>} : memref<64x1024xf32, #tpu.memory_space<vmem>>, vector<1x16xf32>,
      %get3A_1708 = vector.shape_cast %get3A_1707 : vector<1x16xf32> to vector<16xf32>
      %gt3A_1709 = arith.cmpf ogt, %get3A_1708, %select_n3A_1653 : vector<16xf32>
      %gt3A_1710 = arith.cmpf ogt, %get3A_1708, %select_n3A_1650 : vector<16xf32>
      %select_n3A_1711 = arith.select %gt3A_1710, %get3A_1708, %select_n3A_1650 : vector<16xi1>, vector<16xf32>
      %select_n3A_1712 = arith.select %gt3A_1709, %select_n3A_1653, %select_n3A_1711 : vector<16xi1>, vector<16xf32>
      %select_n3A_1713 = arith.select %gt3A_1710, %broadcast_in_dim3A_1686, %select_n3A_1652 : vector<16xi1>, vector<16xi32>
      %select_n3A_1714 = arith.select %gt3A_1709, %select_n3A_1654, %select_n3A_1713 : vector<16xi1>, vector<16xi32>
      %select_n3A_1715 = arith.select %gt3A_1709, %get3A_1708, %select_n3A_1653 : vector<16xi1>, vector<16xf32>
      %select_n3A_1716 = arith.select %gt3A_1709, %broadcast_in_dim3A_1686, %select_n3A_1654 : vector<16xi1>, vector<16xi32>
      %add3A_1717 = arith.constant 32 : i32
      %add3A_1718 = arith.addi %mul3A_13, %add3A_1717 : i32
      %get3A_1719 = arith.constant 27 : i32
      %get3A_1720 = arith.index_cast %get3A_1719 : i32 to index
      %get3A_1721 = arith.index_cast %add3A_1718 : i32 to index
      %get3A_1722 = tpu.vector_load %arg7[%get3A_1720, %get3A_1721] {strides = array<i32>} : memref<64x1024xf32, #tpu.memory_space<vmem>>, vector<1x16xf32>,
      %get3A_1723 = vector.shape_cast %get3A_1722 : vector<1x16xf32> to vector<16xf32>
      %gt3A_1724 = arith.cmpf ogt, %get3A_1723, %select_n3A_1668 : vector<16xf32>
      %gt3A_1725 = arith.cmpf ogt, %get3A_1723, %select_n3A_1665 : vector<16xf32>
      %select_n3A_1726 = arith.select %gt3A_1725, %get3A_1723, %select_n3A_1665 : vector<16xi1>, vector<16xf32>
      %select_n3A_1727 = arith.select %gt3A_1724, %select_n3A_1668, %select_n3A_1726 : vector<16xi1>, vector<16xf32>
      %select_n3A_1728 = arith.select %gt3A_1725, %broadcast_in_dim3A_1686, %select_n3A_1667 : vector<16xi1>, vector<16xi32>
      %select_n3A_1729 = arith.select %gt3A_1724, %select_n3A_1669, %select_n3A_1728 : vector<16xi1>, vector<16xi32>
      %select_n3A_1730 = arith.select %gt3A_1724, %get3A_1723, %select_n3A_1668 : vector<16xi1>, vector<16xf32>
      %select_n3A_1731 = arith.select %gt3A_1724, %broadcast_in_dim3A_1686, %select_n3A_1669 : vector<16xi1>, vector<16xi32>
      %add3A_1732 = arith.constant 48 : i32
      %add3A_1733 = arith.addi %mul3A_13, %add3A_1732 : i32
      %get3A_1734 = arith.constant 27 : i32
      %get3A_1735 = arith.index_cast %get3A_1734 : i32 to index
      %get3A_1736 = arith.index_cast %add3A_1733 : i32 to index
      %get3A_1737 = tpu.vector_load %arg7[%get3A_1735, %get3A_1736] {strides = array<i32>} : memref<64x1024xf32, #tpu.memory_space<vmem>>, vector<1x16xf32>,
      %get3A_1738 = vector.shape_cast %get3A_1737 : vector<1x16xf32> to vector<16xf32>
      %gt3A_1739 = arith.cmpf ogt, %get3A_1738, %select_n3A_1683 : vector<16xf32>
      %gt3A_1740 = arith.cmpf ogt, %get3A_1738, %select_n3A_1680 : vector<16xf32>
      %select_n3A_1741 = arith.select %gt3A_1740, %get3A_1738, %select_n3A_1680 : vector<16xi1>, vector<16xf32>
      %select_n3A_1742 = arith.select %gt3A_1739, %select_n3A_1683, %select_n3A_1741 : vector<16xi1>, vector<16xf32>
      %select_n3A_1743 = arith.select %gt3A_1740, %broadcast_in_dim3A_1686, %select_n3A_1682 : vector<16xi1>, vector<16xi32>
      %select_n3A_1744 = arith.select %gt3A_1739, %select_n3A_1684, %select_n3A_1743 : vector<16xi1>, vector<16xi32>
      %select_n3A_1745 = arith.select %gt3A_1739, %get3A_1738, %select_n3A_1683 : vector<16xi1>, vector<16xf32>
      %select_n3A_1746 = arith.select %gt3A_1739, %broadcast_in_dim3A_1686, %select_n3A_1684 : vector<16xi1>, vector<16xi32>
      %broadcast_in_dim3A_1747 = arith.constant 28 : i32
      %broadcast_in_dim3A_1748 = vector.broadcast %broadcast_in_dim3A_1747 : i32 to vector<16xi32>
      %add3A_1749 = arith.constant 0 : i32
      %add3A_1750 = arith.addi %mul3A_13, %add3A_1749 : i32
      %get3A_1751 = arith.constant 28 : i32
      %get3A_1752 = arith.index_cast %get3A_1751 : i32 to index
      %get3A_1753 = arith.index_cast %add3A_1750 : i32 to index
      %get3A_1754 = tpu.vector_load %arg7[%get3A_1752, %get3A_1753] {strides = array<i32>} : memref<64x1024xf32, #tpu.memory_space<vmem>>, vector<1x16xf32>,
      %get3A_1755 = vector.shape_cast %get3A_1754 : vector<1x16xf32> to vector<16xf32>
      %gt3A_1756 = arith.cmpf ogt, %get3A_1755, %select_n3A_1700 : vector<16xf32>
      %gt3A_1757 = arith.cmpf ogt, %get3A_1755, %select_n3A_1697 : vector<16xf32>
      %select_n3A_1758 = arith.select %gt3A_1757, %get3A_1755, %select_n3A_1697 : vector<16xi1>, vector<16xf32>
      %select_n3A_1759 = arith.select %gt3A_1756, %select_n3A_1700, %select_n3A_1758 : vector<16xi1>, vector<16xf32>
      %select_n3A_1760 = arith.select %gt3A_1757, %broadcast_in_dim3A_1748, %select_n3A_1699 : vector<16xi1>, vector<16xi32>
      %select_n3A_1761 = arith.select %gt3A_1756, %select_n3A_1701, %select_n3A_1760 : vector<16xi1>, vector<16xi32>
      %select_n3A_1762 = arith.select %gt3A_1756, %get3A_1755, %select_n3A_1700 : vector<16xi1>, vector<16xf32>
      %select_n3A_1763 = arith.select %gt3A_1756, %broadcast_in_dim3A_1748, %select_n3A_1701 : vector<16xi1>, vector<16xi32>
      %add3A_1764 = arith.constant 16 : i32
      %add3A_1765 = arith.addi %mul3A_13, %add3A_1764 : i32
      %get3A_1766 = arith.constant 28 : i32
      %get3A_1767 = arith.index_cast %get3A_1766 : i32 to index
      %get3A_1768 = arith.index_cast %add3A_1765 : i32 to index
      %get3A_1769 = tpu.vector_load %arg7[%get3A_1767, %get3A_1768] {strides = array<i32>} : memref<64x1024xf32, #tpu.memory_space<vmem>>, vector<1x16xf32>,
      %get3A_1770 = vector.shape_cast %get3A_1769 : vector<1x16xf32> to vector<16xf32>
      %gt3A_1771 = arith.cmpf ogt, %get3A_1770, %select_n3A_1715 : vector<16xf32>
      %gt3A_1772 = arith.cmpf ogt, %get3A_1770, %select_n3A_1712 : vector<16xf32>
      %select_n3A_1773 = arith.select %gt3A_1772, %get3A_1770, %select_n3A_1712 : vector<16xi1>, vector<16xf32>
      %select_n3A_1774 = arith.select %gt3A_1771, %select_n3A_1715, %select_n3A_1773 : vector<16xi1>, vector<16xf32>
      %select_n3A_1775 = arith.select %gt3A_1772, %broadcast_in_dim3A_1748, %select_n3A_1714 : vector<16xi1>, vector<16xi32>
      %select_n3A_1776 = arith.select %gt3A_1771, %select_n3A_1716, %select_n3A_1775 : vector<16xi1>, vector<16xi32>
      %select_n3A_1777 = arith.select %gt3A_1771, %get3A_1770, %select_n3A_1715 : vector<16xi1>, vector<16xf32>
      %select_n3A_1778 = arith.select %gt3A_1771, %broadcast_in_dim3A_1748, %select_n3A_1716 : vector<16xi1>, vector<16xi32>
      %add3A_1779 = arith.constant 32 : i32
      %add3A_1780 = arith.addi %mul3A_13, %add3A_1779 : i32
      %get3A_1781 = arith.constant 28 : i32
      %get3A_1782 = arith.index_cast %get3A_1781 : i32 to index
      %get3A_1783 = arith.index_cast %add3A_1780 : i32 to index
      %get3A_1784 = tpu.vector_load %arg7[%get3A_1782, %get3A_1783] {strides = array<i32>} : memref<64x1024xf32, #tpu.memory_space<vmem>>, vector<1x16xf32>,
      %get3A_1785 = vector.shape_cast %get3A_1784 : vector<1x16xf32> to vector<16xf32>
      %gt3A_1786 = arith.cmpf ogt, %get3A_1785, %select_n3A_1730 : vector<16xf32>
      %gt3A_1787 = arith.cmpf ogt, %get3A_1785, %select_n3A_1727 : vector<16xf32>
      %select_n3A_1788 = arith.select %gt3A_1787, %get3A_1785, %select_n3A_1727 : vector<16xi1>, vector<16xf32>
      %select_n3A_1789 = arith.select %gt3A_1786, %select_n3A_1730, %select_n3A_1788 : vector<16xi1>, vector<16xf32>
      %select_n3A_1790 = arith.select %gt3A_1787, %broadcast_in_dim3A_1748, %select_n3A_1729 : vector<16xi1>, vector<16xi32>
      %select_n3A_1791 = arith.select %gt3A_1786, %select_n3A_1731, %select_n3A_1790 : vector<16xi1>, vector<16xi32>
      %select_n3A_1792 = arith.select %gt3A_1786, %get3A_1785, %select_n3A_1730 : vector<16xi1>, vector<16xf32>
      %select_n3A_1793 = arith.select %gt3A_1786, %broadcast_in_dim3A_1748, %select_n3A_1731 : vector<16xi1>, vector<16xi32>
      %add3A_1794 = arith.constant 48 : i32
      %add3A_1795 = arith.addi %mul3A_13, %add3A_1794 : i32
      %get3A_1796 = arith.constant 28 : i32
      %get3A_1797 = arith.index_cast %get3A_1796 : i32 to index
      %get3A_1798 = arith.index_cast %add3A_1795 : i32 to index
      %get3A_1799 = tpu.vector_load %arg7[%get3A_1797, %get3A_1798] {strides = array<i32>} : memref<64x1024xf32, #tpu.memory_space<vmem>>, vector<1x16xf32>,
      %get3A_1800 = vector.shape_cast %get3A_1799 : vector<1x16xf32> to vector<16xf32>
      %gt3A_1801 = arith.cmpf ogt, %get3A_1800, %select_n3A_1745 : vector<16xf32>
      %gt3A_1802 = arith.cmpf ogt, %get3A_1800, %select_n3A_1742 : vector<16xf32>
      %select_n3A_1803 = arith.select %gt3A_1802, %get3A_1800, %select_n3A_1742 : vector<16xi1>, vector<16xf32>
      %select_n3A_1804 = arith.select %gt3A_1801, %select_n3A_1745, %select_n3A_1803 : vector<16xi1>, vector<16xf32>
      %select_n3A_1805 = arith.select %gt3A_1802, %broadcast_in_dim3A_1748, %select_n3A_1744 : vector<16xi1>, vector<16xi32>
      %select_n3A_1806 = arith.select %gt3A_1801, %select_n3A_1746, %select_n3A_1805 : vector<16xi1>, vector<16xi32>
      %select_n3A_1807 = arith.select %gt3A_1801, %get3A_1800, %select_n3A_1745 : vector<16xi1>, vector<16xf32>
      %select_n3A_1808 = arith.select %gt3A_1801, %broadcast_in_dim3A_1748, %select_n3A_1746 : vector<16xi1>, vector<16xi32>
      %broadcast_in_dim3A_1809 = arith.constant 29 : i32
      %broadcast_in_dim3A_1810 = vector.broadcast %broadcast_in_dim3A_1809 : i32 to vector<16xi32>
      %add3A_1811 = arith.constant 0 : i32
      %add3A_1812 = arith.addi %mul3A_13, %add3A_1811 : i32
      %get3A_1813 = arith.constant 29 : i32
      %get3A_1814 = arith.index_cast %get3A_1813 : i32 to index
      %get3A_1815 = arith.index_cast %add3A_1812 : i32 to index
      %get3A_1816 = tpu.vector_load %arg7[%get3A_1814, %get3A_1815] {strides = array<i32>} : memref<64x1024xf32, #tpu.memory_space<vmem>>, vector<1x16xf32>,
      %get3A_1817 = vector.shape_cast %get3A_1816 : vector<1x16xf32> to vector<16xf32>
      %gt3A_1818 = arith.cmpf ogt, %get3A_1817, %select_n3A_1762 : vector<16xf32>
      %gt3A_1819 = arith.cmpf ogt, %get3A_1817, %select_n3A_1759 : vector<16xf32>
      %select_n3A_1820 = arith.select %gt3A_1819, %get3A_1817, %select_n3A_1759 : vector<16xi1>, vector<16xf32>
      %select_n3A_1821 = arith.select %gt3A_1818, %select_n3A_1762, %select_n3A_1820 : vector<16xi1>, vector<16xf32>
      %select_n3A_1822 = arith.select %gt3A_1819, %broadcast_in_dim3A_1810, %select_n3A_1761 : vector<16xi1>, vector<16xi32>
      %select_n3A_1823 = arith.select %gt3A_1818, %select_n3A_1763, %select_n3A_1822 : vector<16xi1>, vector<16xi32>
      %select_n3A_1824 = arith.select %gt3A_1818, %get3A_1817, %select_n3A_1762 : vector<16xi1>, vector<16xf32>
      %select_n3A_1825 = arith.select %gt3A_1818, %broadcast_in_dim3A_1810, %select_n3A_1763 : vector<16xi1>, vector<16xi32>
      %add3A_1826 = arith.constant 16 : i32
      %add3A_1827 = arith.addi %mul3A_13, %add3A_1826 : i32
      %get3A_1828 = arith.constant 29 : i32
      %get3A_1829 = arith.index_cast %get3A_1828 : i32 to index
      %get3A_1830 = arith.index_cast %add3A_1827 : i32 to index
      %get3A_1831 = tpu.vector_load %arg7[%get3A_1829, %get3A_1830] {strides = array<i32>} : memref<64x1024xf32, #tpu.memory_space<vmem>>, vector<1x16xf32>,
      %get3A_1832 = vector.shape_cast %get3A_1831 : vector<1x16xf32> to vector<16xf32>
      %gt3A_1833 = arith.cmpf ogt, %get3A_1832, %select_n3A_1777 : vector<16xf32>
      %gt3A_1834 = arith.cmpf ogt, %get3A_1832, %select_n3A_1774 : vector<16xf32>
      %select_n3A_1835 = arith.select %gt3A_1834, %get3A_1832, %select_n3A_1774 : vector<16xi1>, vector<16xf32>
      %select_n3A_1836 = arith.select %gt3A_1833, %select_n3A_1777, %select_n3A_1835 : vector<16xi1>, vector<16xf32>
      %select_n3A_1837 = arith.select %gt3A_1834, %broadcast_in_dim3A_1810, %select_n3A_1776 : vector<16xi1>, vector<16xi32>
      %select_n3A_1838 = arith.select %gt3A_1833, %select_n3A_1778, %select_n3A_1837 : vector<16xi1>, vector<16xi32>
      %select_n3A_1839 = arith.select %gt3A_1833, %get3A_1832, %select_n3A_1777 : vector<16xi1>, vector<16xf32>
      %select_n3A_1840 = arith.select %gt3A_1833, %broadcast_in_dim3A_1810, %select_n3A_1778 : vector<16xi1>, vector<16xi32>
      %add3A_1841 = arith.constant 32 : i32
      %add3A_1842 = arith.addi %mul3A_13, %add3A_1841 : i32
      %get3A_1843 = arith.constant 29 : i32
      %get3A_1844 = arith.index_cast %get3A_1843 : i32 to index
      %get3A_1845 = arith.index_cast %add3A_1842 : i32 to index
      %get3A_1846 = tpu.vector_load %arg7[%get3A_1844, %get3A_1845] {strides = array<i32>} : memref<64x1024xf32, #tpu.memory_space<vmem>>, vector<1x16xf32>,
      %get3A_1847 = vector.shape_cast %get3A_1846 : vector<1x16xf32> to vector<16xf32>
      %gt3A_1848 = arith.cmpf ogt, %get3A_1847, %select_n3A_1792 : vector<16xf32>
      %gt3A_1849 = arith.cmpf ogt, %get3A_1847, %select_n3A_1789 : vector<16xf32>
      %select_n3A_1850 = arith.select %gt3A_1849, %get3A_1847, %select_n3A_1789 : vector<16xi1>, vector<16xf32>
      %select_n3A_1851 = arith.select %gt3A_1848, %select_n3A_1792, %select_n3A_1850 : vector<16xi1>, vector<16xf32>
      %select_n3A_1852 = arith.select %gt3A_1849, %broadcast_in_dim3A_1810, %select_n3A_1791 : vector<16xi1>, vector<16xi32>
      %select_n3A_1853 = arith.select %gt3A_1848, %select_n3A_1793, %select_n3A_1852 : vector<16xi1>, vector<16xi32>
      %select_n3A_1854 = arith.select %gt3A_1848, %get3A_1847, %select_n3A_1792 : vector<16xi1>, vector<16xf32>
      %select_n3A_1855 = arith.select %gt3A_1848, %broadcast_in_dim3A_1810, %select_n3A_1793 : vector<16xi1>, vector<16xi32>
      %add3A_1856 = arith.constant 48 : i32
      %add3A_1857 = arith.addi %mul3A_13, %add3A_1856 : i32
      %get3A_1858 = arith.constant 29 : i32
      %get3A_1859 = arith.index_cast %get3A_1858 : i32 to index
      %get3A_1860 = arith.index_cast %add3A_1857 : i32 to index
      %get3A_1861 = tpu.vector_load %arg7[%get3A_1859, %get3A_1860] {strides = array<i32>} : memref<64x1024xf32, #tpu.memory_space<vmem>>, vector<1x16xf32>,
      %get3A_1862 = vector.shape_cast %get3A_1861 : vector<1x16xf32> to vector<16xf32>
      %gt3A_1863 = arith.cmpf ogt, %get3A_1862, %select_n3A_1807 : vector<16xf32>
      %gt3A_1864 = arith.cmpf ogt, %get3A_1862, %select_n3A_1804 : vector<16xf32>
      %select_n3A_1865 = arith.select %gt3A_1864, %get3A_1862, %select_n3A_1804 : vector<16xi1>, vector<16xf32>
      %select_n3A_1866 = arith.select %gt3A_1863, %select_n3A_1807, %select_n3A_1865 : vector<16xi1>, vector<16xf32>
      %select_n3A_1867 = arith.select %gt3A_1864, %broadcast_in_dim3A_1810, %select_n3A_1806 : vector<16xi1>, vector<16xi32>
      %select_n3A_1868 = arith.select %gt3A_1863, %select_n3A_1808, %select_n3A_1867 : vector<16xi1>, vector<16xi32>
      %select_n3A_1869 = arith.select %gt3A_1863, %get3A_1862, %select_n3A_1807 : vector<16xi1>, vector<16xf32>
      %select_n3A_1870 = arith.select %gt3A_1863, %broadcast_in_dim3A_1810, %select_n3A_1808 : vector<16xi1>, vector<16xi32>
      %broadcast_in_dim3A_1871 = arith.constant 30 : i32
      %broadcast_in_dim3A_1872 = vector.broadcast %broadcast_in_dim3A_1871 : i32 to vector<16xi32>
      %add3A_1873 = arith.constant 0 : i32
      %add3A_1874 = arith.addi %mul3A_13, %add3A_1873 : i32
      %get3A_1875 = arith.constant 30 : i32
      %get3A_1876 = arith.index_cast %get3A_1875 : i32 to index
      %get3A_1877 = arith.index_cast %add3A_1874 : i32 to index
      %get3A_1878 = tpu.vector_load %arg7[%get3A_1876, %get3A_1877] {strides = array<i32>} : memref<64x1024xf32, #tpu.memory_space<vmem>>, vector<1x16xf32>,
      %get3A_1879 = vector.shape_cast %get3A_1878 : vector<1x16xf32> to vector<16xf32>
      %gt3A_1880 = arith.cmpf ogt, %get3A_1879, %select_n3A_1824 : vector<16xf32>
      %gt3A_1881 = arith.cmpf ogt, %get3A_1879, %select_n3A_1821 : vector<16xf32>
      %select_n3A_1882 = arith.select %gt3A_1881, %get3A_1879, %select_n3A_1821 : vector<16xi1>, vector<16xf32>
      %select_n3A_1883 = arith.select %gt3A_1880, %select_n3A_1824, %select_n3A_1882 : vector<16xi1>, vector<16xf32>
      %select_n3A_1884 = arith.select %gt3A_1881, %broadcast_in_dim3A_1872, %select_n3A_1823 : vector<16xi1>, vector<16xi32>
      %select_n3A_1885 = arith.select %gt3A_1880, %select_n3A_1825, %select_n3A_1884 : vector<16xi1>, vector<16xi32>
      %select_n3A_1886 = arith.select %gt3A_1880, %get3A_1879, %select_n3A_1824 : vector<16xi1>, vector<16xf32>
      %select_n3A_1887 = arith.select %gt3A_1880, %broadcast_in_dim3A_1872, %select_n3A_1825 : vector<16xi1>, vector<16xi32>
      %add3A_1888 = arith.constant 16 : i32
      %add3A_1889 = arith.addi %mul3A_13, %add3A_1888 : i32
      %get3A_1890 = arith.constant 30 : i32
      %get3A_1891 = arith.index_cast %get3A_1890 : i32 to index
      %get3A_1892 = arith.index_cast %add3A_1889 : i32 to index
      %get3A_1893 = tpu.vector_load %arg7[%get3A_1891, %get3A_1892] {strides = array<i32>} : memref<64x1024xf32, #tpu.memory_space<vmem>>, vector<1x16xf32>,
      %get3A_1894 = vector.shape_cast %get3A_1893 : vector<1x16xf32> to vector<16xf32>
      %gt3A_1895 = arith.cmpf ogt, %get3A_1894, %select_n3A_1839 : vector<16xf32>
      %gt3A_1896 = arith.cmpf ogt, %get3A_1894, %select_n3A_1836 : vector<16xf32>
      %select_n3A_1897 = arith.select %gt3A_1896, %get3A_1894, %select_n3A_1836 : vector<16xi1>, vector<16xf32>
      %select_n3A_1898 = arith.select %gt3A_1895, %select_n3A_1839, %select_n3A_1897 : vector<16xi1>, vector<16xf32>
      %select_n3A_1899 = arith.select %gt3A_1896, %broadcast_in_dim3A_1872, %select_n3A_1838 : vector<16xi1>, vector<16xi32>
      %select_n3A_1900 = arith.select %gt3A_1895, %select_n3A_1840, %select_n3A_1899 : vector<16xi1>, vector<16xi32>
      %select_n3A_1901 = arith.select %gt3A_1895, %get3A_1894, %select_n3A_1839 : vector<16xi1>, vector<16xf32>
      %select_n3A_1902 = arith.select %gt3A_1895, %broadcast_in_dim3A_1872, %select_n3A_1840 : vector<16xi1>, vector<16xi32>
      %add3A_1903 = arith.constant 32 : i32
      %add3A_1904 = arith.addi %mul3A_13, %add3A_1903 : i32
      %get3A_1905 = arith.constant 30 : i32
      %get3A_1906 = arith.index_cast %get3A_1905 : i32 to index
      %get3A_1907 = arith.index_cast %add3A_1904 : i32 to index
      %get3A_1908 = tpu.vector_load %arg7[%get3A_1906, %get3A_1907] {strides = array<i32>} : memref<64x1024xf32, #tpu.memory_space<vmem>>, vector<1x16xf32>,
      %get3A_1909 = vector.shape_cast %get3A_1908 : vector<1x16xf32> to vector<16xf32>
      %gt3A_1910 = arith.cmpf ogt, %get3A_1909, %select_n3A_1854 : vector<16xf32>
      %gt3A_1911 = arith.cmpf ogt, %get3A_1909, %select_n3A_1851 : vector<16xf32>
      %select_n3A_1912 = arith.select %gt3A_1911, %get3A_1909, %select_n3A_1851 : vector<16xi1>, vector<16xf32>
      %select_n3A_1913 = arith.select %gt3A_1910, %select_n3A_1854, %select_n3A_1912 : vector<16xi1>, vector<16xf32>
      %select_n3A_1914 = arith.select %gt3A_1911, %broadcast_in_dim3A_1872, %select_n3A_1853 : vector<16xi1>, vector<16xi32>
      %select_n3A_1915 = arith.select %gt3A_1910, %select_n3A_1855, %select_n3A_1914 : vector<16xi1>, vector<16xi32>
      %select_n3A_1916 = arith.select %gt3A_1910, %get3A_1909, %select_n3A_1854 : vector<16xi1>, vector<16xf32>
      %select_n3A_1917 = arith.select %gt3A_1910, %broadcast_in_dim3A_1872, %select_n3A_1855 : vector<16xi1>, vector<16xi32>
      %add3A_1918 = arith.constant 48 : i32
      %add3A_1919 = arith.addi %mul3A_13, %add3A_1918 : i32
      %get3A_1920 = arith.constant 30 : i32
      %get3A_1921 = arith.index_cast %get3A_1920 : i32 to index
      %get3A_1922 = arith.index_cast %add3A_1919 : i32 to index
      %get3A_1923 = tpu.vector_load %arg7[%get3A_1921, %get3A_1922] {strides = array<i32>} : memref<64x1024xf32, #tpu.memory_space<vmem>>, vector<1x16xf32>,
      %get3A_1924 = vector.shape_cast %get3A_1923 : vector<1x16xf32> to vector<16xf32>
      %gt3A_1925 = arith.cmpf ogt, %get3A_1924, %select_n3A_1869 : vector<16xf32>
      %gt3A_1926 = arith.cmpf ogt, %get3A_1924, %select_n3A_1866 : vector<16xf32>
      %select_n3A_1927 = arith.select %gt3A_1926, %get3A_1924, %select_n3A_1866 : vector<16xi1>, vector<16xf32>
      %select_n3A_1928 = arith.select %gt3A_1925, %select_n3A_1869, %select_n3A_1927 : vector<16xi1>, vector<16xf32>
      %select_n3A_1929 = arith.select %gt3A_1926, %broadcast_in_dim3A_1872, %select_n3A_1868 : vector<16xi1>, vector<16xi32>
      %select_n3A_1930 = arith.select %gt3A_1925, %select_n3A_1870, %select_n3A_1929 : vector<16xi1>, vector<16xi32>
      %select_n3A_1931 = arith.select %gt3A_1925, %get3A_1924, %select_n3A_1869 : vector<16xi1>, vector<16xf32>
      %select_n3A_1932 = arith.select %gt3A_1925, %broadcast_in_dim3A_1872, %select_n3A_1870 : vector<16xi1>, vector<16xi32>
      %broadcast_in_dim3A_1933 = arith.constant 31 : i32
      %broadcast_in_dim3A_1934 = vector.broadcast %broadcast_in_dim3A_1933 : i32 to vector<16xi32>
      %add3A_1935 = arith.constant 0 : i32
      %add3A_1936 = arith.addi %mul3A_13, %add3A_1935 : i32
      %get3A_1937 = arith.constant 31 : i32
      %get3A_1938 = arith.index_cast %get3A_1937 : i32 to index
      %get3A_1939 = arith.index_cast %add3A_1936 : i32 to index
      %get3A_1940 = tpu.vector_load %arg7[%get3A_1938, %get3A_1939] {strides = array<i32>} : memref<64x1024xf32, #tpu.memory_space<vmem>>, vector<1x16xf32>,
      %get3A_1941 = vector.shape_cast %get3A_1940 : vector<1x16xf32> to vector<16xf32>
      %gt3A_1942 = arith.cmpf ogt, %get3A_1941, %select_n3A_1886 : vector<16xf32>
      %gt3A_1943 = arith.cmpf ogt, %get3A_1941, %select_n3A_1883 : vector<16xf32>
      %select_n3A_1944 = arith.select %gt3A_1943, %get3A_1941, %select_n3A_1883 : vector<16xi1>, vector<16xf32>
      %select_n3A_1945 = arith.select %gt3A_1942, %select_n3A_1886, %select_n3A_1944 : vector<16xi1>, vector<16xf32>
      %select_n3A_1946 = arith.select %gt3A_1943, %broadcast_in_dim3A_1934, %select_n3A_1885 : vector<16xi1>, vector<16xi32>
      %select_n3A_1947 = arith.select %gt3A_1942, %select_n3A_1887, %select_n3A_1946 : vector<16xi1>, vector<16xi32>
      %select_n3A_1948 = arith.select %gt3A_1942, %get3A_1941, %select_n3A_1886 : vector<16xi1>, vector<16xf32>
      %select_n3A_1949 = arith.select %gt3A_1942, %broadcast_in_dim3A_1934, %select_n3A_1887 : vector<16xi1>, vector<16xi32>
      %add3A_1950 = arith.constant 16 : i32
      %add3A_1951 = arith.addi %mul3A_13, %add3A_1950 : i32
      %get3A_1952 = arith.constant 31 : i32
      %get3A_1953 = arith.index_cast %get3A_1952 : i32 to index
      %get3A_1954 = arith.index_cast %add3A_1951 : i32 to index
      %get3A_1955 = tpu.vector_load %arg7[%get3A_1953, %get3A_1954] {strides = array<i32>} : memref<64x1024xf32, #tpu.memory_space<vmem>>, vector<1x16xf32>,
      %get3A_1956 = vector.shape_cast %get3A_1955 : vector<1x16xf32> to vector<16xf32>
      %gt3A_1957 = arith.cmpf ogt, %get3A_1956, %select_n3A_1901 : vector<16xf32>
      %gt3A_1958 = arith.cmpf ogt, %get3A_1956, %select_n3A_1898 : vector<16xf32>
      %select_n3A_1959 = arith.select %gt3A_1958, %get3A_1956, %select_n3A_1898 : vector<16xi1>, vector<16xf32>
      %select_n3A_1960 = arith.select %gt3A_1957, %select_n3A_1901, %select_n3A_1959 : vector<16xi1>, vector<16xf32>
      %select_n3A_1961 = arith.select %gt3A_1958, %broadcast_in_dim3A_1934, %select_n3A_1900 : vector<16xi1>, vector<16xi32>
      %select_n3A_1962 = arith.select %gt3A_1957, %select_n3A_1902, %select_n3A_1961 : vector<16xi1>, vector<16xi32>
      %select_n3A_1963 = arith.select %gt3A_1957, %get3A_1956, %select_n3A_1901 : vector<16xi1>, vector<16xf32>
      %select_n3A_1964 = arith.select %gt3A_1957, %broadcast_in_dim3A_1934, %select_n3A_1902 : vector<16xi1>, vector<16xi32>
      %add3A_1965 = arith.constant 32 : i32
      %add3A_1966 = arith.addi %mul3A_13, %add3A_1965 : i32
      %get3A_1967 = arith.constant 31 : i32
      %get3A_1968 = arith.index_cast %get3A_1967 : i32 to index
      %get3A_1969 = arith.index_cast %add3A_1966 : i32 to index
      %get3A_1970 = tpu.vector_load %arg7[%get3A_1968, %get3A_1969] {strides = array<i32>} : memref<64x1024xf32, #tpu.memory_space<vmem>>, vector<1x16xf32>,
      %get3A_1971 = vector.shape_cast %get3A_1970 : vector<1x16xf32> to vector<16xf32>
      %gt3A_1972 = arith.cmpf ogt, %get3A_1971, %select_n3A_1916 : vector<16xf32>
      %gt3A_1973 = arith.cmpf ogt, %get3A_1971, %select_n3A_1913 : vector<16xf32>
      %select_n3A_1974 = arith.select %gt3A_1973, %get3A_1971, %select_n3A_1913 : vector<16xi1>, vector<16xf32>
      %select_n3A_1975 = arith.select %gt3A_1972, %select_n3A_1916, %select_n3A_1974 : vector<16xi1>, vector<16xf32>
      %select_n3A_1976 = arith.select %gt3A_1973, %broadcast_in_dim3A_1934, %select_n3A_1915 : vector<16xi1>, vector<16xi32>
      %select_n3A_1977 = arith.select %gt3A_1972, %select_n3A_1917, %select_n3A_1976 : vector<16xi1>, vector<16xi32>
      %select_n3A_1978 = arith.select %gt3A_1972, %get3A_1971, %select_n3A_1916 : vector<16xi1>, vector<16xf32>
      %select_n3A_1979 = arith.select %gt3A_1972, %broadcast_in_dim3A_1934, %select_n3A_1917 : vector<16xi1>, vector<16xi32>
      %add3A_1980 = arith.constant 48 : i32
      %add3A_1981 = arith.addi %mul3A_13, %add3A_1980 : i32
      %get3A_1982 = arith.constant 31 : i32
      %get3A_1983 = arith.index_cast %get3A_1982 : i32 to index
      %get3A_1984 = arith.index_cast %add3A_1981 : i32 to index
      %get3A_1985 = tpu.vector_load %arg7[%get3A_1983, %get3A_1984] {strides = array<i32>} : memref<64x1024xf32, #tpu.memory_space<vmem>>, vector<1x16xf32>,
      %get3A_1986 = vector.shape_cast %get3A_1985 : vector<1x16xf32> to vector<16xf32>
      %gt3A_1987 = arith.cmpf ogt, %get3A_1986, %select_n3A_1931 : vector<16xf32>
      %gt3A_1988 = arith.cmpf ogt, %get3A_1986, %select_n3A_1928 : vector<16xf32>
      %select_n3A_1989 = arith.select %gt3A_1988, %get3A_1986, %select_n3A_1928 : vector<16xi1>, vector<16xf32>
      %select_n3A_1990 = arith.select %gt3A_1987, %select_n3A_1931, %select_n3A_1989 : vector<16xi1>, vector<16xf32>
      %select_n3A_1991 = arith.select %gt3A_1988, %broadcast_in_dim3A_1934, %select_n3A_1930 : vector<16xi1>, vector<16xi32>
      %select_n3A_1992 = arith.select %gt3A_1987, %select_n3A_1932, %select_n3A_1991 : vector<16xi1>, vector<16xi32>
      %select_n3A_1993 = arith.select %gt3A_1987, %get3A_1986, %select_n3A_1931 : vector<16xi1>, vector<16xf32>
      %select_n3A_1994 = arith.select %gt3A_1987, %broadcast_in_dim3A_1934, %select_n3A_1932 : vector<16xi1>, vector<16xi32>
      %broadcast_in_dim3A_1995 = arith.constant 32 : i32
      %broadcast_in_dim3A_1996 = vector.broadcast %broadcast_in_dim3A_1995 : i32 to vector<16xi32>
      %add3A_1997 = arith.constant 0 : i32
      %add3A_1998 = arith.addi %mul3A_13, %add3A_1997 : i32
      %get3A_1999 = arith.constant 32 : i32
      %get3A_2000 = arith.index_cast %get3A_1999 : i32 to index
      %get3A_2001 = arith.index_cast %add3A_1998 : i32 to index
      %get3A_2002 = tpu.vector_load %arg7[%get3A_2000, %get3A_2001] {strides = array<i32>} : memref<64x1024xf32, #tpu.memory_space<vmem>>, vector<1x16xf32>,
      %get3A_2003 = vector.shape_cast %get3A_2002 : vector<1x16xf32> to vector<16xf32>
      %gt3A_2004 = arith.cmpf ogt, %get3A_2003, %select_n3A_1948 : vector<16xf32>
      %gt3A_2005 = arith.cmpf ogt, %get3A_2003, %select_n3A_1945 : vector<16xf32>
      %select_n3A_2006 = arith.select %gt3A_2005, %get3A_2003, %select_n3A_1945 : vector<16xi1>, vector<16xf32>
      %select_n3A_2007 = arith.select %gt3A_2004, %select_n3A_1948, %select_n3A_2006 : vector<16xi1>, vector<16xf32>
      %select_n3A_2008 = arith.select %gt3A_2005, %broadcast_in_dim3A_1996, %select_n3A_1947 : vector<16xi1>, vector<16xi32>
      %select_n3A_2009 = arith.select %gt3A_2004, %select_n3A_1949, %select_n3A_2008 : vector<16xi1>, vector<16xi32>
      %select_n3A_2010 = arith.select %gt3A_2004, %get3A_2003, %select_n3A_1948 : vector<16xi1>, vector<16xf32>
      %select_n3A_2011 = arith.select %gt3A_2004, %broadcast_in_dim3A_1996, %select_n3A_1949 : vector<16xi1>, vector<16xi32>
      %add3A_2012 = arith.constant 16 : i32
      %add3A_2013 = arith.addi %mul3A_13, %add3A_2012 : i32
      %get3A_2014 = arith.constant 32 : i32
      %get3A_2015 = arith.index_cast %get3A_2014 : i32 to index
      %get3A_2016 = arith.index_cast %add3A_2013 : i32 to index
      %get3A_2017 = tpu.vector_load %arg7[%get3A_2015, %get3A_2016] {strides = array<i32>} : memref<64x1024xf32, #tpu.memory_space<vmem>>, vector<1x16xf32>,
      %get3A_2018 = vector.shape_cast %get3A_2017 : vector<1x16xf32> to vector<16xf32>
      %gt3A_2019 = arith.cmpf ogt, %get3A_2018, %select_n3A_1963 : vector<16xf32>
      %gt3A_2020 = arith.cmpf ogt, %get3A_2018, %select_n3A_1960 : vector<16xf32>
      %select_n3A_2021 = arith.select %gt3A_2020, %get3A_2018, %select_n3A_1960 : vector<16xi1>, vector<16xf32>
      %select_n3A_2022 = arith.select %gt3A_2019, %select_n3A_1963, %select_n3A_2021 : vector<16xi1>, vector<16xf32>
      %select_n3A_2023 = arith.select %gt3A_2020, %broadcast_in_dim3A_1996, %select_n3A_1962 : vector<16xi1>, vector<16xi32>
      %select_n3A_2024 = arith.select %gt3A_2019, %select_n3A_1964, %select_n3A_2023 : vector<16xi1>, vector<16xi32>
      %select_n3A_2025 = arith.select %gt3A_2019, %get3A_2018, %select_n3A_1963 : vector<16xi1>, vector<16xf32>
      %select_n3A_2026 = arith.select %gt3A_2019, %broadcast_in_dim3A_1996, %select_n3A_1964 : vector<16xi1>, vector<16xi32>
      %add3A_2027 = arith.constant 32 : i32
      %add3A_2028 = arith.addi %mul3A_13, %add3A_2027 : i32
      %get3A_2029 = arith.constant 32 : i32
      %get3A_2030 = arith.index_cast %get3A_2029 : i32 to index
      %get3A_2031 = arith.index_cast %add3A_2028 : i32 to index
      %get3A_2032 = tpu.vector_load %arg7[%get3A_2030, %get3A_2031] {strides = array<i32>} : memref<64x1024xf32, #tpu.memory_space<vmem>>, vector<1x16xf32>,
      %get3A_2033 = vector.shape_cast %get3A_2032 : vector<1x16xf32> to vector<16xf32>
      %gt3A_2034 = arith.cmpf ogt, %get3A_2033, %select_n3A_1978 : vector<16xf32>
      %gt3A_2035 = arith.cmpf ogt, %get3A_2033, %select_n3A_1975 : vector<16xf32>
      %select_n3A_2036 = arith.select %gt3A_2035, %get3A_2033, %select_n3A_1975 : vector<16xi1>, vector<16xf32>
      %select_n3A_2037 = arith.select %gt3A_2034, %select_n3A_1978, %select_n3A_2036 : vector<16xi1>, vector<16xf32>
      %select_n3A_2038 = arith.select %gt3A_2035, %broadcast_in_dim3A_1996, %select_n3A_1977 : vector<16xi1>, vector<16xi32>
      %select_n3A_2039 = arith.select %gt3A_2034, %select_n3A_1979, %select_n3A_2038 : vector<16xi1>, vector<16xi32>
      %select_n3A_2040 = arith.select %gt3A_2034, %get3A_2033, %select_n3A_1978 : vector<16xi1>, vector<16xf32>
      %select_n3A_2041 = arith.select %gt3A_2034, %broadcast_in_dim3A_1996, %select_n3A_1979 : vector<16xi1>, vector<16xi32>
      %add3A_2042 = arith.constant 48 : i32
      %add3A_2043 = arith.addi %mul3A_13, %add3A_2042 : i32
      %get3A_2044 = arith.constant 32 : i32
      %get3A_2045 = arith.index_cast %get3A_2044 : i32 to index
      %get3A_2046 = arith.index_cast %add3A_2043 : i32 to index
      %get3A_2047 = tpu.vector_load %arg7[%get3A_2045, %get3A_2046] {strides = array<i32>} : memref<64x1024xf32, #tpu.memory_space<vmem>>, vector<1x16xf32>,
      %get3A_2048 = vector.shape_cast %get3A_2047 : vector<1x16xf32> to vector<16xf32>
      %gt3A_2049 = arith.cmpf ogt, %get3A_2048, %select_n3A_1993 : vector<16xf32>
      %gt3A_2050 = arith.cmpf ogt, %get3A_2048, %select_n3A_1990 : vector<16xf32>
      %select_n3A_2051 = arith.select %gt3A_2050, %get3A_2048, %select_n3A_1990 : vector<16xi1>, vector<16xf32>
      %select_n3A_2052 = arith.select %gt3A_2049, %select_n3A_1993, %select_n3A_2051 : vector<16xi1>, vector<16xf32>
      %select_n3A_2053 = arith.select %gt3A_2050, %broadcast_in_dim3A_1996, %select_n3A_1992 : vector<16xi1>, vector<16xi32>
      %select_n3A_2054 = arith.select %gt3A_2049, %select_n3A_1994, %select_n3A_2053 : vector<16xi1>, vector<16xi32>
      %select_n3A_2055 = arith.select %gt3A_2049, %get3A_2048, %select_n3A_1993 : vector<16xi1>, vector<16xf32>
      %select_n3A_2056 = arith.select %gt3A_2049, %broadcast_in_dim3A_1996, %select_n3A_1994 : vector<16xi1>, vector<16xi32>
      %broadcast_in_dim3A_2057 = arith.constant 33 : i32
      %broadcast_in_dim3A_2058 = vector.broadcast %broadcast_in_dim3A_2057 : i32 to vector<16xi32>
      %add3A_2059 = arith.constant 0 : i32
      %add3A_2060 = arith.addi %mul3A_13, %add3A_2059 : i32
      %get3A_2061 = arith.constant 33 : i32
      %get3A_2062 = arith.index_cast %get3A_2061 : i32 to index
      %get3A_2063 = arith.index_cast %add3A_2060 : i32 to index
      %get3A_2064 = tpu.vector_load %arg7[%get3A_2062, %get3A_2063] {strides = array<i32>} : memref<64x1024xf32, #tpu.memory_space<vmem>>, vector<1x16xf32>,
      %get3A_2065 = vector.shape_cast %get3A_2064 : vector<1x16xf32> to vector<16xf32>
      %gt3A_2066 = arith.cmpf ogt, %get3A_2065, %select_n3A_2010 : vector<16xf32>
      %gt3A_2067 = arith.cmpf ogt, %get3A_2065, %select_n3A_2007 : vector<16xf32>
      %select_n3A_2068 = arith.select %gt3A_2067, %get3A_2065, %select_n3A_2007 : vector<16xi1>, vector<16xf32>
      %select_n3A_2069 = arith.select %gt3A_2066, %select_n3A_2010, %select_n3A_2068 : vector<16xi1>, vector<16xf32>
      %select_n3A_2070 = arith.select %gt3A_2067, %broadcast_in_dim3A_2058, %select_n3A_2009 : vector<16xi1>, vector<16xi32>
      %select_n3A_2071 = arith.select %gt3A_2066, %select_n3A_2011, %select_n3A_2070 : vector<16xi1>, vector<16xi32>
      %select_n3A_2072 = arith.select %gt3A_2066, %get3A_2065, %select_n3A_2010 : vector<16xi1>, vector<16xf32>
      %select_n3A_2073 = arith.select %gt3A_2066, %broadcast_in_dim3A_2058, %select_n3A_2011 : vector<16xi1>, vector<16xi32>
      %add3A_2074 = arith.constant 16 : i32
      %add3A_2075 = arith.addi %mul3A_13, %add3A_2074 : i32
      %get3A_2076 = arith.constant 33 : i32
      %get3A_2077 = arith.index_cast %get3A_2076 : i32 to index
      %get3A_2078 = arith.index_cast %add3A_2075 : i32 to index
      %get3A_2079 = tpu.vector_load %arg7[%get3A_2077, %get3A_2078] {strides = array<i32>} : memref<64x1024xf32, #tpu.memory_space<vmem>>, vector<1x16xf32>,
      %get3A_2080 = vector.shape_cast %get3A_2079 : vector<1x16xf32> to vector<16xf32>
      %gt3A_2081 = arith.cmpf ogt, %get3A_2080, %select_n3A_2025 : vector<16xf32>
      %gt3A_2082 = arith.cmpf ogt, %get3A_2080, %select_n3A_2022 : vector<16xf32>
      %select_n3A_2083 = arith.select %gt3A_2082, %get3A_2080, %select_n3A_2022 : vector<16xi1>, vector<16xf32>
      %select_n3A_2084 = arith.select %gt3A_2081, %select_n3A_2025, %select_n3A_2083 : vector<16xi1>, vector<16xf32>
      %select_n3A_2085 = arith.select %gt3A_2082, %broadcast_in_dim3A_2058, %select_n3A_2024 : vector<16xi1>, vector<16xi32>
      %select_n3A_2086 = arith.select %gt3A_2081, %select_n3A_2026, %select_n3A_2085 : vector<16xi1>, vector<16xi32>
      %select_n3A_2087 = arith.select %gt3A_2081, %get3A_2080, %select_n3A_2025 : vector<16xi1>, vector<16xf32>
      %select_n3A_2088 = arith.select %gt3A_2081, %broadcast_in_dim3A_2058, %select_n3A_2026 : vector<16xi1>, vector<16xi32>
      %add3A_2089 = arith.constant 32 : i32
      %add3A_2090 = arith.addi %mul3A_13, %add3A_2089 : i32
      %get3A_2091 = arith.constant 33 : i32
      %get3A_2092 = arith.index_cast %get3A_2091 : i32 to index
      %get3A_2093 = arith.index_cast %add3A_2090 : i32 to index
      %get3A_2094 = tpu.vector_load %arg7[%get3A_2092, %get3A_2093] {strides = array<i32>} : memref<64x1024xf32, #tpu.memory_space<vmem>>, vector<1x16xf32>,
      %get3A_2095 = vector.shape_cast %get3A_2094 : vector<1x16xf32> to vector<16xf32>
      %gt3A_2096 = arith.cmpf ogt, %get3A_2095, %select_n3A_2040 : vector<16xf32>
      %gt3A_2097 = arith.cmpf ogt, %get3A_2095, %select_n3A_2037 : vector<16xf32>
      %select_n3A_2098 = arith.select %gt3A_2097, %get3A_2095, %select_n3A_2037 : vector<16xi1>, vector<16xf32>
      %select_n3A_2099 = arith.select %gt3A_2096, %select_n3A_2040, %select_n3A_2098 : vector<16xi1>, vector<16xf32>
      %select_n3A_2100 = arith.select %gt3A_2097, %broadcast_in_dim3A_2058, %select_n3A_2039 : vector<16xi1>, vector<16xi32>
      %select_n3A_2101 = arith.select %gt3A_2096, %select_n3A_2041, %select_n3A_2100 : vector<16xi1>, vector<16xi32>
      %select_n3A_2102 = arith.select %gt3A_2096, %get3A_2095, %select_n3A_2040 : vector<16xi1>, vector<16xf32>
      %select_n3A_2103 = arith.select %gt3A_2096, %broadcast_in_dim3A_2058, %select_n3A_2041 : vector<16xi1>, vector<16xi32>
      %add3A_2104 = arith.constant 48 : i32
      %add3A_2105 = arith.addi %mul3A_13, %add3A_2104 : i32
      %get3A_2106 = arith.constant 33 : i32
      %get3A_2107 = arith.index_cast %get3A_2106 : i32 to index
      %get3A_2108 = arith.index_cast %add3A_2105 : i32 to index
      %get3A_2109 = tpu.vector_load %arg7[%get3A_2107, %get3A_2108] {strides = array<i32>} : memref<64x1024xf32, #tpu.memory_space<vmem>>, vector<1x16xf32>,
      %get3A_2110 = vector.shape_cast %get3A_2109 : vector<1x16xf32> to vector<16xf32>
      %gt3A_2111 = arith.cmpf ogt, %get3A_2110, %select_n3A_2055 : vector<16xf32>
      %gt3A_2112 = arith.cmpf ogt, %get3A_2110, %select_n3A_2052 : vector<16xf32>
      %select_n3A_2113 = arith.select %gt3A_2112, %get3A_2110, %select_n3A_2052 : vector<16xi1>, vector<16xf32>
      %select_n3A_2114 = arith.select %gt3A_2111, %select_n3A_2055, %select_n3A_2113 : vector<16xi1>, vector<16xf32>
      %select_n3A_2115 = arith.select %gt3A_2112, %broadcast_in_dim3A_2058, %select_n3A_2054 : vector<16xi1>, vector<16xi32>
      %select_n3A_2116 = arith.select %gt3A_2111, %select_n3A_2056, %select_n3A_2115 : vector<16xi1>, vector<16xi32>
      %select_n3A_2117 = arith.select %gt3A_2111, %get3A_2110, %select_n3A_2055 : vector<16xi1>, vector<16xf32>
      %select_n3A_2118 = arith.select %gt3A_2111, %broadcast_in_dim3A_2058, %select_n3A_2056 : vector<16xi1>, vector<16xi32>
      %broadcast_in_dim3A_2119 = arith.constant 34 : i32
      %broadcast_in_dim3A_2120 = vector.broadcast %broadcast_in_dim3A_2119 : i32 to vector<16xi32>
      %add3A_2121 = arith.constant 0 : i32
      %add3A_2122 = arith.addi %mul3A_13, %add3A_2121 : i32
      %get3A_2123 = arith.constant 34 : i32
      %get3A_2124 = arith.index_cast %get3A_2123 : i32 to index
      %get3A_2125 = arith.index_cast %add3A_2122 : i32 to index
      %get3A_2126 = tpu.vector_load %arg7[%get3A_2124, %get3A_2125] {strides = array<i32>} : memref<64x1024xf32, #tpu.memory_space<vmem>>, vector<1x16xf32>,
      %get3A_2127 = vector.shape_cast %get3A_2126 : vector<1x16xf32> to vector<16xf32>
      %gt3A_2128 = arith.cmpf ogt, %get3A_2127, %select_n3A_2072 : vector<16xf32>
      %gt3A_2129 = arith.cmpf ogt, %get3A_2127, %select_n3A_2069 : vector<16xf32>
      %select_n3A_2130 = arith.select %gt3A_2129, %get3A_2127, %select_n3A_2069 : vector<16xi1>, vector<16xf32>
      %select_n3A_2131 = arith.select %gt3A_2128, %select_n3A_2072, %select_n3A_2130 : vector<16xi1>, vector<16xf32>
      %select_n3A_2132 = arith.select %gt3A_2129, %broadcast_in_dim3A_2120, %select_n3A_2071 : vector<16xi1>, vector<16xi32>
      %select_n3A_2133 = arith.select %gt3A_2128, %select_n3A_2073, %select_n3A_2132 : vector<16xi1>, vector<16xi32>
      %select_n3A_2134 = arith.select %gt3A_2128, %get3A_2127, %select_n3A_2072 : vector<16xi1>, vector<16xf32>
      %select_n3A_2135 = arith.select %gt3A_2128, %broadcast_in_dim3A_2120, %select_n3A_2073 : vector<16xi1>, vector<16xi32>
      %add3A_2136 = arith.constant 16 : i32
      %add3A_2137 = arith.addi %mul3A_13, %add3A_2136 : i32
      %get3A_2138 = arith.constant 34 : i32
      %get3A_2139 = arith.index_cast %get3A_2138 : i32 to index
      %get3A_2140 = arith.index_cast %add3A_2137 : i32 to index
      %get3A_2141 = tpu.vector_load %arg7[%get3A_2139, %get3A_2140] {strides = array<i32>} : memref<64x1024xf32, #tpu.memory_space<vmem>>, vector<1x16xf32>,
      %get3A_2142 = vector.shape_cast %get3A_2141 : vector<1x16xf32> to vector<16xf32>
      %gt3A_2143 = arith.cmpf ogt, %get3A_2142, %select_n3A_2087 : vector<16xf32>
      %gt3A_2144 = arith.cmpf ogt, %get3A_2142, %select_n3A_2084 : vector<16xf32>
      %select_n3A_2145 = arith.select %gt3A_2144, %get3A_2142, %select_n3A_2084 : vector<16xi1>, vector<16xf32>
      %select_n3A_2146 = arith.select %gt3A_2143, %select_n3A_2087, %select_n3A_2145 : vector<16xi1>, vector<16xf32>
      %select_n3A_2147 = arith.select %gt3A_2144, %broadcast_in_dim3A_2120, %select_n3A_2086 : vector<16xi1>, vector<16xi32>
      %select_n3A_2148 = arith.select %gt3A_2143, %select_n3A_2088, %select_n3A_2147 : vector<16xi1>, vector<16xi32>
      %select_n3A_2149 = arith.select %gt3A_2143, %get3A_2142, %select_n3A_2087 : vector<16xi1>, vector<16xf32>
      %select_n3A_2150 = arith.select %gt3A_2143, %broadcast_in_dim3A_2120, %select_n3A_2088 : vector<16xi1>, vector<16xi32>
      %add3A_2151 = arith.constant 32 : i32
      %add3A_2152 = arith.addi %mul3A_13, %add3A_2151 : i32
      %get3A_2153 = arith.constant 34 : i32
      %get3A_2154 = arith.index_cast %get3A_2153 : i32 to index
      %get3A_2155 = arith.index_cast %add3A_2152 : i32 to index
      %get3A_2156 = tpu.vector_load %arg7[%get3A_2154, %get3A_2155] {strides = array<i32>} : memref<64x1024xf32, #tpu.memory_space<vmem>>, vector<1x16xf32>,
      %get3A_2157 = vector.shape_cast %get3A_2156 : vector<1x16xf32> to vector<16xf32>
      %gt3A_2158 = arith.cmpf ogt, %get3A_2157, %select_n3A_2102 : vector<16xf32>
      %gt3A_2159 = arith.cmpf ogt, %get3A_2157, %select_n3A_2099 : vector<16xf32>
      %select_n3A_2160 = arith.select %gt3A_2159, %get3A_2157, %select_n3A_2099 : vector<16xi1>, vector<16xf32>
      %select_n3A_2161 = arith.select %gt3A_2158, %select_n3A_2102, %select_n3A_2160 : vector<16xi1>, vector<16xf32>
      %select_n3A_2162 = arith.select %gt3A_2159, %broadcast_in_dim3A_2120, %select_n3A_2101 : vector<16xi1>, vector<16xi32>
      %select_n3A_2163 = arith.select %gt3A_2158, %select_n3A_2103, %select_n3A_2162 : vector<16xi1>, vector<16xi32>
      %select_n3A_2164 = arith.select %gt3A_2158, %get3A_2157, %select_n3A_2102 : vector<16xi1>, vector<16xf32>
      %select_n3A_2165 = arith.select %gt3A_2158, %broadcast_in_dim3A_2120, %select_n3A_2103 : vector<16xi1>, vector<16xi32>
      %add3A_2166 = arith.constant 48 : i32
      %add3A_2167 = arith.addi %mul3A_13, %add3A_2166 : i32
      %get3A_2168 = arith.constant 34 : i32
      %get3A_2169 = arith.index_cast %get3A_2168 : i32 to index
      %get3A_2170 = arith.index_cast %add3A_2167 : i32 to index
      %get3A_2171 = tpu.vector_load %arg7[%get3A_2169, %get3A_2170] {strides = array<i32>} : memref<64x1024xf32, #tpu.memory_space<vmem>>, vector<1x16xf32>,
      %get3A_2172 = vector.shape_cast %get3A_2171 : vector<1x16xf32> to vector<16xf32>
      %gt3A_2173 = arith.cmpf ogt, %get3A_2172, %select_n3A_2117 : vector<16xf32>
      %gt3A_2174 = arith.cmpf ogt, %get3A_2172, %select_n3A_2114 : vector<16xf32>
      %select_n3A_2175 = arith.select %gt3A_2174, %get3A_2172, %select_n3A_2114 : vector<16xi1>, vector<16xf32>
      %select_n3A_2176 = arith.select %gt3A_2173, %select_n3A_2117, %select_n3A_2175 : vector<16xi1>, vector<16xf32>
      %select_n3A_2177 = arith.select %gt3A_2174, %broadcast_in_dim3A_2120, %select_n3A_2116 : vector<16xi1>, vector<16xi32>
      %select_n3A_2178 = arith.select %gt3A_2173, %select_n3A_2118, %select_n3A_2177 : vector<16xi1>, vector<16xi32>
      %select_n3A_2179 = arith.select %gt3A_2173, %get3A_2172, %select_n3A_2117 : vector<16xi1>, vector<16xf32>
      %select_n3A_2180 = arith.select %gt3A_2173, %broadcast_in_dim3A_2120, %select_n3A_2118 : vector<16xi1>, vector<16xi32>
      %broadcast_in_dim3A_2181 = arith.constant 35 : i32
      %broadcast_in_dim3A_2182 = vector.broadcast %broadcast_in_dim3A_2181 : i32 to vector<16xi32>
      %add3A_2183 = arith.constant 0 : i32
      %add3A_2184 = arith.addi %mul3A_13, %add3A_2183 : i32
      %get3A_2185 = arith.constant 35 : i32
      %get3A_2186 = arith.index_cast %get3A_2185 : i32 to index
      %get3A_2187 = arith.index_cast %add3A_2184 : i32 to index
      %get3A_2188 = tpu.vector_load %arg7[%get3A_2186, %get3A_2187] {strides = array<i32>} : memref<64x1024xf32, #tpu.memory_space<vmem>>, vector<1x16xf32>,
      %get3A_2189 = vector.shape_cast %get3A_2188 : vector<1x16xf32> to vector<16xf32>
      %gt3A_2190 = arith.cmpf ogt, %get3A_2189, %select_n3A_2134 : vector<16xf32>
      %gt3A_2191 = arith.cmpf ogt, %get3A_2189, %select_n3A_2131 : vector<16xf32>
      %select_n3A_2192 = arith.select %gt3A_2191, %get3A_2189, %select_n3A_2131 : vector<16xi1>, vector<16xf32>
      %select_n3A_2193 = arith.select %gt3A_2190, %select_n3A_2134, %select_n3A_2192 : vector<16xi1>, vector<16xf32>
      %select_n3A_2194 = arith.select %gt3A_2191, %broadcast_in_dim3A_2182, %select_n3A_2133 : vector<16xi1>, vector<16xi32>
      %select_n3A_2195 = arith.select %gt3A_2190, %select_n3A_2135, %select_n3A_2194 : vector<16xi1>, vector<16xi32>
      %select_n3A_2196 = arith.select %gt3A_2190, %get3A_2189, %select_n3A_2134 : vector<16xi1>, vector<16xf32>
      %select_n3A_2197 = arith.select %gt3A_2190, %broadcast_in_dim3A_2182, %select_n3A_2135 : vector<16xi1>, vector<16xi32>
      %add3A_2198 = arith.constant 16 : i32
      %add3A_2199 = arith.addi %mul3A_13, %add3A_2198 : i32
      %get3A_2200 = arith.constant 35 : i32
      %get3A_2201 = arith.index_cast %get3A_2200 : i32 to index
      %get3A_2202 = arith.index_cast %add3A_2199 : i32 to index
      %get3A_2203 = tpu.vector_load %arg7[%get3A_2201, %get3A_2202] {strides = array<i32>} : memref<64x1024xf32, #tpu.memory_space<vmem>>, vector<1x16xf32>,
      %get3A_2204 = vector.shape_cast %get3A_2203 : vector<1x16xf32> to vector<16xf32>
      %gt3A_2205 = arith.cmpf ogt, %get3A_2204, %select_n3A_2149 : vector<16xf32>
      %gt3A_2206 = arith.cmpf ogt, %get3A_2204, %select_n3A_2146 : vector<16xf32>
      %select_n3A_2207 = arith.select %gt3A_2206, %get3A_2204, %select_n3A_2146 : vector<16xi1>, vector<16xf32>
      %select_n3A_2208 = arith.select %gt3A_2205, %select_n3A_2149, %select_n3A_2207 : vector<16xi1>, vector<16xf32>
      %select_n3A_2209 = arith.select %gt3A_2206, %broadcast_in_dim3A_2182, %select_n3A_2148 : vector<16xi1>, vector<16xi32>
      %select_n3A_2210 = arith.select %gt3A_2205, %select_n3A_2150, %select_n3A_2209 : vector<16xi1>, vector<16xi32>
      %select_n3A_2211 = arith.select %gt3A_2205, %get3A_2204, %select_n3A_2149 : vector<16xi1>, vector<16xf32>
      %select_n3A_2212 = arith.select %gt3A_2205, %broadcast_in_dim3A_2182, %select_n3A_2150 : vector<16xi1>, vector<16xi32>
      %add3A_2213 = arith.constant 32 : i32
      %add3A_2214 = arith.addi %mul3A_13, %add3A_2213 : i32
      %get3A_2215 = arith.constant 35 : i32
      %get3A_2216 = arith.index_cast %get3A_2215 : i32 to index
      %get3A_2217 = arith.index_cast %add3A_2214 : i32 to index
      %get3A_2218 = tpu.vector_load %arg7[%get3A_2216, %get3A_2217] {strides = array<i32>} : memref<64x1024xf32, #tpu.memory_space<vmem>>, vector<1x16xf32>,
      %get3A_2219 = vector.shape_cast %get3A_2218 : vector<1x16xf32> to vector<16xf32>
      %gt3A_2220 = arith.cmpf ogt, %get3A_2219, %select_n3A_2164 : vector<16xf32>
      %gt3A_2221 = arith.cmpf ogt, %get3A_2219, %select_n3A_2161 : vector<16xf32>
      %select_n3A_2222 = arith.select %gt3A_2221, %get3A_2219, %select_n3A_2161 : vector<16xi1>, vector<16xf32>
      %select_n3A_2223 = arith.select %gt3A_2220, %select_n3A_2164, %select_n3A_2222 : vector<16xi1>, vector<16xf32>
      %select_n3A_2224 = arith.select %gt3A_2221, %broadcast_in_dim3A_2182, %select_n3A_2163 : vector<16xi1>, vector<16xi32>
      %select_n3A_2225 = arith.select %gt3A_2220, %select_n3A_2165, %select_n3A_2224 : vector<16xi1>, vector<16xi32>
      %select_n3A_2226 = arith.select %gt3A_2220, %get3A_2219, %select_n3A_2164 : vector<16xi1>, vector<16xf32>
      %select_n3A_2227 = arith.select %gt3A_2220, %broadcast_in_dim3A_2182, %select_n3A_2165 : vector<16xi1>, vector<16xi32>
      %add3A_2228 = arith.constant 48 : i32
      %add3A_2229 = arith.addi %mul3A_13, %add3A_2228 : i32
      %get3A_2230 = arith.constant 35 : i32
      %get3A_2231 = arith.index_cast %get3A_2230 : i32 to index
      %get3A_2232 = arith.index_cast %add3A_2229 : i32 to index
      %get3A_2233 = tpu.vector_load %arg7[%get3A_2231, %get3A_2232] {strides = array<i32>} : memref<64x1024xf32, #tpu.memory_space<vmem>>, vector<1x16xf32>,
      %get3A_2234 = vector.shape_cast %get3A_2233 : vector<1x16xf32> to vector<16xf32>
      %gt3A_2235 = arith.cmpf ogt, %get3A_2234, %select_n3A_2179 : vector<16xf32>
      %gt3A_2236 = arith.cmpf ogt, %get3A_2234, %select_n3A_2176 : vector<16xf32>
      %select_n3A_2237 = arith.select %gt3A_2236, %get3A_2234, %select_n3A_2176 : vector<16xi1>, vector<16xf32>
      %select_n3A_2238 = arith.select %gt3A_2235, %select_n3A_2179, %select_n3A_2237 : vector<16xi1>, vector<16xf32>
      %select_n3A_2239 = arith.select %gt3A_2236, %broadcast_in_dim3A_2182, %select_n3A_2178 : vector<16xi1>, vector<16xi32>
      %select_n3A_2240 = arith.select %gt3A_2235, %select_n3A_2180, %select_n3A_2239 : vector<16xi1>, vector<16xi32>
      %select_n3A_2241 = arith.select %gt3A_2235, %get3A_2234, %select_n3A_2179 : vector<16xi1>, vector<16xf32>
      %select_n3A_2242 = arith.select %gt3A_2235, %broadcast_in_dim3A_2182, %select_n3A_2180 : vector<16xi1>, vector<16xi32>
      %broadcast_in_dim3A_2243 = arith.constant 36 : i32
      %broadcast_in_dim3A_2244 = vector.broadcast %broadcast_in_dim3A_2243 : i32 to vector<16xi32>
      %add3A_2245 = arith.constant 0 : i32
      %add3A_2246 = arith.addi %mul3A_13, %add3A_2245 : i32
      %get3A_2247 = arith.constant 36 : i32
      %get3A_2248 = arith.index_cast %get3A_2247 : i32 to index
      %get3A_2249 = arith.index_cast %add3A_2246 : i32 to index
      %get3A_2250 = tpu.vector_load %arg7[%get3A_2248, %get3A_2249] {strides = array<i32>} : memref<64x1024xf32, #tpu.memory_space<vmem>>, vector<1x16xf32>,
      %get3A_2251 = vector.shape_cast %get3A_2250 : vector<1x16xf32> to vector<16xf32>
      %gt3A_2252 = arith.cmpf ogt, %get3A_2251, %select_n3A_2196 : vector<16xf32>
      %gt3A_2253 = arith.cmpf ogt, %get3A_2251, %select_n3A_2193 : vector<16xf32>
      %select_n3A_2254 = arith.select %gt3A_2253, %get3A_2251, %select_n3A_2193 : vector<16xi1>, vector<16xf32>
      %select_n3A_2255 = arith.select %gt3A_2252, %select_n3A_2196, %select_n3A_2254 : vector<16xi1>, vector<16xf32>
      %select_n3A_2256 = arith.select %gt3A_2253, %broadcast_in_dim3A_2244, %select_n3A_2195 : vector<16xi1>, vector<16xi32>
      %select_n3A_2257 = arith.select %gt3A_2252, %select_n3A_2197, %select_n3A_2256 : vector<16xi1>, vector<16xi32>
      %select_n3A_2258 = arith.select %gt3A_2252, %get3A_2251, %select_n3A_2196 : vector<16xi1>, vector<16xf32>
      %select_n3A_2259 = arith.select %gt3A_2252, %broadcast_in_dim3A_2244, %select_n3A_2197 : vector<16xi1>, vector<16xi32>
      %add3A_2260 = arith.constant 16 : i32
      %add3A_2261 = arith.addi %mul3A_13, %add3A_2260 : i32
      %get3A_2262 = arith.constant 36 : i32
      %get3A_2263 = arith.index_cast %get3A_2262 : i32 to index
      %get3A_2264 = arith.index_cast %add3A_2261 : i32 to index
      %get3A_2265 = tpu.vector_load %arg7[%get3A_2263, %get3A_2264] {strides = array<i32>} : memref<64x1024xf32, #tpu.memory_space<vmem>>, vector<1x16xf32>,
      %get3A_2266 = vector.shape_cast %get3A_2265 : vector<1x16xf32> to vector<16xf32>
      %gt3A_2267 = arith.cmpf ogt, %get3A_2266, %select_n3A_2211 : vector<16xf32>
      %gt3A_2268 = arith.cmpf ogt, %get3A_2266, %select_n3A_2208 : vector<16xf32>
      %select_n3A_2269 = arith.select %gt3A_2268, %get3A_2266, %select_n3A_2208 : vector<16xi1>, vector<16xf32>
      %select_n3A_2270 = arith.select %gt3A_2267, %select_n3A_2211, %select_n3A_2269 : vector<16xi1>, vector<16xf32>
      %select_n3A_2271 = arith.select %gt3A_2268, %broadcast_in_dim3A_2244, %select_n3A_2210 : vector<16xi1>, vector<16xi32>
      %select_n3A_2272 = arith.select %gt3A_2267, %select_n3A_2212, %select_n3A_2271 : vector<16xi1>, vector<16xi32>
      %select_n3A_2273 = arith.select %gt3A_2267, %get3A_2266, %select_n3A_2211 : vector<16xi1>, vector<16xf32>
      %select_n3A_2274 = arith.select %gt3A_2267, %broadcast_in_dim3A_2244, %select_n3A_2212 : vector<16xi1>, vector<16xi32>
      %add3A_2275 = arith.constant 32 : i32
      %add3A_2276 = arith.addi %mul3A_13, %add3A_2275 : i32
      %get3A_2277 = arith.constant 36 : i32
      %get3A_2278 = arith.index_cast %get3A_2277 : i32 to index
      %get3A_2279 = arith.index_cast %add3A_2276 : i32 to index
      %get3A_2280 = tpu.vector_load %arg7[%get3A_2278, %get3A_2279] {strides = array<i32>} : memref<64x1024xf32, #tpu.memory_space<vmem>>, vector<1x16xf32>,
      %get3A_2281 = vector.shape_cast %get3A_2280 : vector<1x16xf32> to vector<16xf32>
      %gt3A_2282 = arith.cmpf ogt, %get3A_2281, %select_n3A_2226 : vector<16xf32>
      %gt3A_2283 = arith.cmpf ogt, %get3A_2281, %select_n3A_2223 : vector<16xf32>
      %select_n3A_2284 = arith.select %gt3A_2283, %get3A_2281, %select_n3A_2223 : vector<16xi1>, vector<16xf32>
      %select_n3A_2285 = arith.select %gt3A_2282, %select_n3A_2226, %select_n3A_2284 : vector<16xi1>, vector<16xf32>
      %select_n3A_2286 = arith.select %gt3A_2283, %broadcast_in_dim3A_2244, %select_n3A_2225 : vector<16xi1>, vector<16xi32>
      %select_n3A_2287 = arith.select %gt3A_2282, %select_n3A_2227, %select_n3A_2286 : vector<16xi1>, vector<16xi32>
      %select_n3A_2288 = arith.select %gt3A_2282, %get3A_2281, %select_n3A_2226 : vector<16xi1>, vector<16xf32>
      %select_n3A_2289 = arith.select %gt3A_2282, %broadcast_in_dim3A_2244, %select_n3A_2227 : vector<16xi1>, vector<16xi32>
      %add3A_2290 = arith.constant 48 : i32
      %add3A_2291 = arith.addi %mul3A_13, %add3A_2290 : i32
      %get3A_2292 = arith.constant 36 : i32
      %get3A_2293 = arith.index_cast %get3A_2292 : i32 to index
      %get3A_2294 = arith.index_cast %add3A_2291 : i32 to index
      %get3A_2295 = tpu.vector_load %arg7[%get3A_2293, %get3A_2294] {strides = array<i32>} : memref<64x1024xf32, #tpu.memory_space<vmem>>, vector<1x16xf32>,
      %get3A_2296 = vector.shape_cast %get3A_2295 : vector<1x16xf32> to vector<16xf32>
      %gt3A_2297 = arith.cmpf ogt, %get3A_2296, %select_n3A_2241 : vector<16xf32>
      %gt3A_2298 = arith.cmpf ogt, %get3A_2296, %select_n3A_2238 : vector<16xf32>
      %select_n3A_2299 = arith.select %gt3A_2298, %get3A_2296, %select_n3A_2238 : vector<16xi1>, vector<16xf32>
      %select_n3A_2300 = arith.select %gt3A_2297, %select_n3A_2241, %select_n3A_2299 : vector<16xi1>, vector<16xf32>
      %select_n3A_2301 = arith.select %gt3A_2298, %broadcast_in_dim3A_2244, %select_n3A_2240 : vector<16xi1>, vector<16xi32>
      %select_n3A_2302 = arith.select %gt3A_2297, %select_n3A_2242, %select_n3A_2301 : vector<16xi1>, vector<16xi32>
      %select_n3A_2303 = arith.select %gt3A_2297, %get3A_2296, %select_n3A_2241 : vector<16xi1>, vector<16xf32>
      %select_n3A_2304 = arith.select %gt3A_2297, %broadcast_in_dim3A_2244, %select_n3A_2242 : vector<16xi1>, vector<16xi32>
      %broadcast_in_dim3A_2305 = arith.constant 37 : i32
      %broadcast_in_dim3A_2306 = vector.broadcast %broadcast_in_dim3A_2305 : i32 to vector<16xi32>
      %add3A_2307 = arith.constant 0 : i32
      %add3A_2308 = arith.addi %mul3A_13, %add3A_2307 : i32
      %get3A_2309 = arith.constant 37 : i32
      %get3A_2310 = arith.index_cast %get3A_2309 : i32 to index
      %get3A_2311 = arith.index_cast %add3A_2308 : i32 to index
      %get3A_2312 = tpu.vector_load %arg7[%get3A_2310, %get3A_2311] {strides = array<i32>} : memref<64x1024xf32, #tpu.memory_space<vmem>>, vector<1x16xf32>,
      %get3A_2313 = vector.shape_cast %get3A_2312 : vector<1x16xf32> to vector<16xf32>
      %gt3A_2314 = arith.cmpf ogt, %get3A_2313, %select_n3A_2258 : vector<16xf32>
      %gt3A_2315 = arith.cmpf ogt, %get3A_2313, %select_n3A_2255 : vector<16xf32>
      %select_n3A_2316 = arith.select %gt3A_2315, %get3A_2313, %select_n3A_2255 : vector<16xi1>, vector<16xf32>
      %select_n3A_2317 = arith.select %gt3A_2314, %select_n3A_2258, %select_n3A_2316 : vector<16xi1>, vector<16xf32>
      %select_n3A_2318 = arith.select %gt3A_2315, %broadcast_in_dim3A_2306, %select_n3A_2257 : vector<16xi1>, vector<16xi32>
      %select_n3A_2319 = arith.select %gt3A_2314, %select_n3A_2259, %select_n3A_2318 : vector<16xi1>, vector<16xi32>
      %select_n3A_2320 = arith.select %gt3A_2314, %get3A_2313, %select_n3A_2258 : vector<16xi1>, vector<16xf32>
      %select_n3A_2321 = arith.select %gt3A_2314, %broadcast_in_dim3A_2306, %select_n3A_2259 : vector<16xi1>, vector<16xi32>
      %add3A_2322 = arith.constant 16 : i32
      %add3A_2323 = arith.addi %mul3A_13, %add3A_2322 : i32
      %get3A_2324 = arith.constant 37 : i32
      %get3A_2325 = arith.index_cast %get3A_2324 : i32 to index
      %get3A_2326 = arith.index_cast %add3A_2323 : i32 to index
      %get3A_2327 = tpu.vector_load %arg7[%get3A_2325, %get3A_2326] {strides = array<i32>} : memref<64x1024xf32, #tpu.memory_space<vmem>>, vector<1x16xf32>,
      %get3A_2328 = vector.shape_cast %get3A_2327 : vector<1x16xf32> to vector<16xf32>
      %gt3A_2329 = arith.cmpf ogt, %get3A_2328, %select_n3A_2273 : vector<16xf32>
      %gt3A_2330 = arith.cmpf ogt, %get3A_2328, %select_n3A_2270 : vector<16xf32>
      %select_n3A_2331 = arith.select %gt3A_2330, %get3A_2328, %select_n3A_2270 : vector<16xi1>, vector<16xf32>
      %select_n3A_2332 = arith.select %gt3A_2329, %select_n3A_2273, %select_n3A_2331 : vector<16xi1>, vector<16xf32>
      %select_n3A_2333 = arith.select %gt3A_2330, %broadcast_in_dim3A_2306, %select_n3A_2272 : vector<16xi1>, vector<16xi32>
      %select_n3A_2334 = arith.select %gt3A_2329, %select_n3A_2274, %select_n3A_2333 : vector<16xi1>, vector<16xi32>
      %select_n3A_2335 = arith.select %gt3A_2329, %get3A_2328, %select_n3A_2273 : vector<16xi1>, vector<16xf32>
      %select_n3A_2336 = arith.select %gt3A_2329, %broadcast_in_dim3A_2306, %select_n3A_2274 : vector<16xi1>, vector<16xi32>
      %add3A_2337 = arith.constant 32 : i32
      %add3A_2338 = arith.addi %mul3A_13, %add3A_2337 : i32
      %get3A_2339 = arith.constant 37 : i32
      %get3A_2340 = arith.index_cast %get3A_2339 : i32 to index
      %get3A_2341 = arith.index_cast %add3A_2338 : i32 to index
      %get3A_2342 = tpu.vector_load %arg7[%get3A_2340, %get3A_2341] {strides = array<i32>} : memref<64x1024xf32, #tpu.memory_space<vmem>>, vector<1x16xf32>,
      %get3A_2343 = vector.shape_cast %get3A_2342 : vector<1x16xf32> to vector<16xf32>
      %gt3A_2344 = arith.cmpf ogt, %get3A_2343, %select_n3A_2288 : vector<16xf32>
      %gt3A_2345 = arith.cmpf ogt, %get3A_2343, %select_n3A_2285 : vector<16xf32>
      %select_n3A_2346 = arith.select %gt3A_2345, %get3A_2343, %select_n3A_2285 : vector<16xi1>, vector<16xf32>
      %select_n3A_2347 = arith.select %gt3A_2344, %select_n3A_2288, %select_n3A_2346 : vector<16xi1>, vector<16xf32>
      %select_n3A_2348 = arith.select %gt3A_2345, %broadcast_in_dim3A_2306, %select_n3A_2287 : vector<16xi1>, vector<16xi32>
      %select_n3A_2349 = arith.select %gt3A_2344, %select_n3A_2289, %select_n3A_2348 : vector<16xi1>, vector<16xi32>
      %select_n3A_2350 = arith.select %gt3A_2344, %get3A_2343, %select_n3A_2288 : vector<16xi1>, vector<16xf32>
      %select_n3A_2351 = arith.select %gt3A_2344, %broadcast_in_dim3A_2306, %select_n3A_2289 : vector<16xi1>, vector<16xi32>
      %add3A_2352 = arith.constant 48 : i32
      %add3A_2353 = arith.addi %mul3A_13, %add3A_2352 : i32
      %get3A_2354 = arith.constant 37 : i32
      %get3A_2355 = arith.index_cast %get3A_2354 : i32 to index
      %get3A_2356 = arith.index_cast %add3A_2353 : i32 to index
      %get3A_2357 = tpu.vector_load %arg7[%get3A_2355, %get3A_2356] {strides = array<i32>} : memref<64x1024xf32, #tpu.memory_space<vmem>>, vector<1x16xf32>,
      %get3A_2358 = vector.shape_cast %get3A_2357 : vector<1x16xf32> to vector<16xf32>
      %gt3A_2359 = arith.cmpf ogt, %get3A_2358, %select_n3A_2303 : vector<16xf32>
      %gt3A_2360 = arith.cmpf ogt, %get3A_2358, %select_n3A_2300 : vector<16xf32>
      %select_n3A_2361 = arith.select %gt3A_2360, %get3A_2358, %select_n3A_2300 : vector<16xi1>, vector<16xf32>
      %select_n3A_2362 = arith.select %gt3A_2359, %select_n3A_2303, %select_n3A_2361 : vector<16xi1>, vector<16xf32>
      %select_n3A_2363 = arith.select %gt3A_2360, %broadcast_in_dim3A_2306, %select_n3A_2302 : vector<16xi1>, vector<16xi32>
      %select_n3A_2364 = arith.select %gt3A_2359, %select_n3A_2304, %select_n3A_2363 : vector<16xi1>, vector<16xi32>
      %select_n3A_2365 = arith.select %gt3A_2359, %get3A_2358, %select_n3A_2303 : vector<16xi1>, vector<16xf32>
      %select_n3A_2366 = arith.select %gt3A_2359, %broadcast_in_dim3A_2306, %select_n3A_2304 : vector<16xi1>, vector<16xi32>
      %broadcast_in_dim3A_2367 = arith.constant 38 : i32
      %broadcast_in_dim3A_2368 = vector.broadcast %broadcast_in_dim3A_2367 : i32 to vector<16xi32>
      %add3A_2369 = arith.constant 0 : i32
      %add3A_2370 = arith.addi %mul3A_13, %add3A_2369 : i32
      %get3A_2371 = arith.constant 38 : i32
      %get3A_2372 = arith.index_cast %get3A_2371 : i32 to index
      %get3A_2373 = arith.index_cast %add3A_2370 : i32 to index
      %get3A_2374 = tpu.vector_load %arg7[%get3A_2372, %get3A_2373] {strides = array<i32>} : memref<64x1024xf32, #tpu.memory_space<vmem>>, vector<1x16xf32>,
      %get3A_2375 = vector.shape_cast %get3A_2374 : vector<1x16xf32> to vector<16xf32>
      %gt3A_2376 = arith.cmpf ogt, %get3A_2375, %select_n3A_2320 : vector<16xf32>
      %gt3A_2377 = arith.cmpf ogt, %get3A_2375, %select_n3A_2317 : vector<16xf32>
      %select_n3A_2378 = arith.select %gt3A_2377, %get3A_2375, %select_n3A_2317 : vector<16xi1>, vector<16xf32>
      %select_n3A_2379 = arith.select %gt3A_2376, %select_n3A_2320, %select_n3A_2378 : vector<16xi1>, vector<16xf32>
      %select_n3A_2380 = arith.select %gt3A_2377, %broadcast_in_dim3A_2368, %select_n3A_2319 : vector<16xi1>, vector<16xi32>
      %select_n3A_2381 = arith.select %gt3A_2376, %select_n3A_2321, %select_n3A_2380 : vector<16xi1>, vector<16xi32>
      %select_n3A_2382 = arith.select %gt3A_2376, %get3A_2375, %select_n3A_2320 : vector<16xi1>, vector<16xf32>
      %select_n3A_2383 = arith.select %gt3A_2376, %broadcast_in_dim3A_2368, %select_n3A_2321 : vector<16xi1>, vector<16xi32>
      %add3A_2384 = arith.constant 16 : i32
      %add3A_2385 = arith.addi %mul3A_13, %add3A_2384 : i32
      %get3A_2386 = arith.constant 38 : i32
      %get3A_2387 = arith.index_cast %get3A_2386 : i32 to index
      %get3A_2388 = arith.index_cast %add3A_2385 : i32 to index
      %get3A_2389 = tpu.vector_load %arg7[%get3A_2387, %get3A_2388] {strides = array<i32>} : memref<64x1024xf32, #tpu.memory_space<vmem>>, vector<1x16xf32>,
      %get3A_2390 = vector.shape_cast %get3A_2389 : vector<1x16xf32> to vector<16xf32>
      %gt3A_2391 = arith.cmpf ogt, %get3A_2390, %select_n3A_2335 : vector<16xf32>
      %gt3A_2392 = arith.cmpf ogt, %get3A_2390, %select_n3A_2332 : vector<16xf32>
      %select_n3A_2393 = arith.select %gt3A_2392, %get3A_2390, %select_n3A_2332 : vector<16xi1>, vector<16xf32>
      %select_n3A_2394 = arith.select %gt3A_2391, %select_n3A_2335, %select_n3A_2393 : vector<16xi1>, vector<16xf32>
      %select_n3A_2395 = arith.select %gt3A_2392, %broadcast_in_dim3A_2368, %select_n3A_2334 : vector<16xi1>, vector<16xi32>
      %select_n3A_2396 = arith.select %gt3A_2391, %select_n3A_2336, %select_n3A_2395 : vector<16xi1>, vector<16xi32>
      %select_n3A_2397 = arith.select %gt3A_2391, %get3A_2390, %select_n3A_2335 : vector<16xi1>, vector<16xf32>
      %select_n3A_2398 = arith.select %gt3A_2391, %broadcast_in_dim3A_2368, %select_n3A_2336 : vector<16xi1>, vector<16xi32>
      %add3A_2399 = arith.constant 32 : i32
      %add3A_2400 = arith.addi %mul3A_13, %add3A_2399 : i32
      %get3A_2401 = arith.constant 38 : i32
      %get3A_2402 = arith.index_cast %get3A_2401 : i32 to index
      %get3A_2403 = arith.index_cast %add3A_2400 : i32 to index
      %get3A_2404 = tpu.vector_load %arg7[%get3A_2402, %get3A_2403] {strides = array<i32>} : memref<64x1024xf32, #tpu.memory_space<vmem>>, vector<1x16xf32>,
      %get3A_2405 = vector.shape_cast %get3A_2404 : vector<1x16xf32> to vector<16xf32>
      %gt3A_2406 = arith.cmpf ogt, %get3A_2405, %select_n3A_2350 : vector<16xf32>
      %gt3A_2407 = arith.cmpf ogt, %get3A_2405, %select_n3A_2347 : vector<16xf32>
      %select_n3A_2408 = arith.select %gt3A_2407, %get3A_2405, %select_n3A_2347 : vector<16xi1>, vector<16xf32>
      %select_n3A_2409 = arith.select %gt3A_2406, %select_n3A_2350, %select_n3A_2408 : vector<16xi1>, vector<16xf32>
      %select_n3A_2410 = arith.select %gt3A_2407, %broadcast_in_dim3A_2368, %select_n3A_2349 : vector<16xi1>, vector<16xi32>
      %select_n3A_2411 = arith.select %gt3A_2406, %select_n3A_2351, %select_n3A_2410 : vector<16xi1>, vector<16xi32>
      %select_n3A_2412 = arith.select %gt3A_2406, %get3A_2405, %select_n3A_2350 : vector<16xi1>, vector<16xf32>
      %select_n3A_2413 = arith.select %gt3A_2406, %broadcast_in_dim3A_2368, %select_n3A_2351 : vector<16xi1>, vector<16xi32>
      %add3A_2414 = arith.constant 48 : i32
      %add3A_2415 = arith.addi %mul3A_13, %add3A_2414 : i32
      %get3A_2416 = arith.constant 38 : i32
      %get3A_2417 = arith.index_cast %get3A_2416 : i32 to index
      %get3A_2418 = arith.index_cast %add3A_2415 : i32 to index
      %get3A_2419 = tpu.vector_load %arg7[%get3A_2417, %get3A_2418] {strides = array<i32>} : memref<64x1024xf32, #tpu.memory_space<vmem>>, vector<1x16xf32>,
      %get3A_2420 = vector.shape_cast %get3A_2419 : vector<1x16xf32> to vector<16xf32>
      %gt3A_2421 = arith.cmpf ogt, %get3A_2420, %select_n3A_2365 : vector<16xf32>
      %gt3A_2422 = arith.cmpf ogt, %get3A_2420, %select_n3A_2362 : vector<16xf32>
      %select_n3A_2423 = arith.select %gt3A_2422, %get3A_2420, %select_n3A_2362 : vector<16xi1>, vector<16xf32>
      %select_n3A_2424 = arith.select %gt3A_2421, %select_n3A_2365, %select_n3A_2423 : vector<16xi1>, vector<16xf32>
      %select_n3A_2425 = arith.select %gt3A_2422, %broadcast_in_dim3A_2368, %select_n3A_2364 : vector<16xi1>, vector<16xi32>
      %select_n3A_2426 = arith.select %gt3A_2421, %select_n3A_2366, %select_n3A_2425 : vector<16xi1>, vector<16xi32>
      %select_n3A_2427 = arith.select %gt3A_2421, %get3A_2420, %select_n3A_2365 : vector<16xi1>, vector<16xf32>
      %select_n3A_2428 = arith.select %gt3A_2421, %broadcast_in_dim3A_2368, %select_n3A_2366 : vector<16xi1>, vector<16xi32>
      %broadcast_in_dim3A_2429 = arith.constant 39 : i32
      %broadcast_in_dim3A_2430 = vector.broadcast %broadcast_in_dim3A_2429 : i32 to vector<16xi32>
      %add3A_2431 = arith.constant 0 : i32
      %add3A_2432 = arith.addi %mul3A_13, %add3A_2431 : i32
      %get3A_2433 = arith.constant 39 : i32
      %get3A_2434 = arith.index_cast %get3A_2433 : i32 to index
      %get3A_2435 = arith.index_cast %add3A_2432 : i32 to index
      %get3A_2436 = tpu.vector_load %arg7[%get3A_2434, %get3A_2435] {strides = array<i32>} : memref<64x1024xf32, #tpu.memory_space<vmem>>, vector<1x16xf32>,
      %get3A_2437 = vector.shape_cast %get3A_2436 : vector<1x16xf32> to vector<16xf32>
      %gt3A_2438 = arith.cmpf ogt, %get3A_2437, %select_n3A_2382 : vector<16xf32>
      %gt3A_2439 = arith.cmpf ogt, %get3A_2437, %select_n3A_2379 : vector<16xf32>
      %select_n3A_2440 = arith.select %gt3A_2439, %get3A_2437, %select_n3A_2379 : vector<16xi1>, vector<16xf32>
      %select_n3A_2441 = arith.select %gt3A_2438, %select_n3A_2382, %select_n3A_2440 : vector<16xi1>, vector<16xf32>
      %select_n3A_2442 = arith.select %gt3A_2439, %broadcast_in_dim3A_2430, %select_n3A_2381 : vector<16xi1>, vector<16xi32>
      %select_n3A_2443 = arith.select %gt3A_2438, %select_n3A_2383, %select_n3A_2442 : vector<16xi1>, vector<16xi32>
      %select_n3A_2444 = arith.select %gt3A_2438, %get3A_2437, %select_n3A_2382 : vector<16xi1>, vector<16xf32>
      %select_n3A_2445 = arith.select %gt3A_2438, %broadcast_in_dim3A_2430, %select_n3A_2383 : vector<16xi1>, vector<16xi32>
      %add3A_2446 = arith.constant 16 : i32
      %add3A_2447 = arith.addi %mul3A_13, %add3A_2446 : i32
      %get3A_2448 = arith.constant 39 : i32
      %get3A_2449 = arith.index_cast %get3A_2448 : i32 to index
      %get3A_2450 = arith.index_cast %add3A_2447 : i32 to index
      %get3A_2451 = tpu.vector_load %arg7[%get3A_2449, %get3A_2450] {strides = array<i32>} : memref<64x1024xf32, #tpu.memory_space<vmem>>, vector<1x16xf32>,
      %get3A_2452 = vector.shape_cast %get3A_2451 : vector<1x16xf32> to vector<16xf32>
      %gt3A_2453 = arith.cmpf ogt, %get3A_2452, %select_n3A_2397 : vector<16xf32>
      %gt3A_2454 = arith.cmpf ogt, %get3A_2452, %select_n3A_2394 : vector<16xf32>
      %select_n3A_2455 = arith.select %gt3A_2454, %get3A_2452, %select_n3A_2394 : vector<16xi1>, vector<16xf32>
      %select_n3A_2456 = arith.select %gt3A_2453, %select_n3A_2397, %select_n3A_2455 : vector<16xi1>, vector<16xf32>
      %select_n3A_2457 = arith.select %gt3A_2454, %broadcast_in_dim3A_2430, %select_n3A_2396 : vector<16xi1>, vector<16xi32>
      %select_n3A_2458 = arith.select %gt3A_2453, %select_n3A_2398, %select_n3A_2457 : vector<16xi1>, vector<16xi32>
      %select_n3A_2459 = arith.select %gt3A_2453, %get3A_2452, %select_n3A_2397 : vector<16xi1>, vector<16xf32>
      %select_n3A_2460 = arith.select %gt3A_2453, %broadcast_in_dim3A_2430, %select_n3A_2398 : vector<16xi1>, vector<16xi32>
      %add3A_2461 = arith.constant 32 : i32
      %add3A_2462 = arith.addi %mul3A_13, %add3A_2461 : i32
      %get3A_2463 = arith.constant 39 : i32
      %get3A_2464 = arith.index_cast %get3A_2463 : i32 to index
      %get3A_2465 = arith.index_cast %add3A_2462 : i32 to index
      %get3A_2466 = tpu.vector_load %arg7[%get3A_2464, %get3A_2465] {strides = array<i32>} : memref<64x1024xf32, #tpu.memory_space<vmem>>, vector<1x16xf32>,
      %get3A_2467 = vector.shape_cast %get3A_2466 : vector<1x16xf32> to vector<16xf32>
      %gt3A_2468 = arith.cmpf ogt, %get3A_2467, %select_n3A_2412 : vector<16xf32>
      %gt3A_2469 = arith.cmpf ogt, %get3A_2467, %select_n3A_2409 : vector<16xf32>
      %select_n3A_2470 = arith.select %gt3A_2469, %get3A_2467, %select_n3A_2409 : vector<16xi1>, vector<16xf32>
      %select_n3A_2471 = arith.select %gt3A_2468, %select_n3A_2412, %select_n3A_2470 : vector<16xi1>, vector<16xf32>
      %select_n3A_2472 = arith.select %gt3A_2469, %broadcast_in_dim3A_2430, %select_n3A_2411 : vector<16xi1>, vector<16xi32>
      %select_n3A_2473 = arith.select %gt3A_2468, %select_n3A_2413, %select_n3A_2472 : vector<16xi1>, vector<16xi32>
      %select_n3A_2474 = arith.select %gt3A_2468, %get3A_2467, %select_n3A_2412 : vector<16xi1>, vector<16xf32>
      %select_n3A_2475 = arith.select %gt3A_2468, %broadcast_in_dim3A_2430, %select_n3A_2413 : vector<16xi1>, vector<16xi32>
      %add3A_2476 = arith.constant 48 : i32
      %add3A_2477 = arith.addi %mul3A_13, %add3A_2476 : i32
      %get3A_2478 = arith.constant 39 : i32
      %get3A_2479 = arith.index_cast %get3A_2478 : i32 to index
      %get3A_2480 = arith.index_cast %add3A_2477 : i32 to index
      %get3A_2481 = tpu.vector_load %arg7[%get3A_2479, %get3A_2480] {strides = array<i32>} : memref<64x1024xf32, #tpu.memory_space<vmem>>, vector<1x16xf32>,
      %get3A_2482 = vector.shape_cast %get3A_2481 : vector<1x16xf32> to vector<16xf32>
      %gt3A_2483 = arith.cmpf ogt, %get3A_2482, %select_n3A_2427 : vector<16xf32>
      %gt3A_2484 = arith.cmpf ogt, %get3A_2482, %select_n3A_2424 : vector<16xf32>
      %select_n3A_2485 = arith.select %gt3A_2484, %get3A_2482, %select_n3A_2424 : vector<16xi1>, vector<16xf32>
      %select_n3A_2486 = arith.select %gt3A_2483, %select_n3A_2427, %select_n3A_2485 : vector<16xi1>, vector<16xf32>
      %select_n3A_2487 = arith.select %gt3A_2484, %broadcast_in_dim3A_2430, %select_n3A_2426 : vector<16xi1>, vector<16xi32>
      %select_n3A_2488 = arith.select %gt3A_2483, %select_n3A_2428, %select_n3A_2487 : vector<16xi1>, vector<16xi32>
      %select_n3A_2489 = arith.select %gt3A_2483, %get3A_2482, %select_n3A_2427 : vector<16xi1>, vector<16xf32>
      %select_n3A_2490 = arith.select %gt3A_2483, %broadcast_in_dim3A_2430, %select_n3A_2428 : vector<16xi1>, vector<16xi32>
      %broadcast_in_dim3A_2491 = arith.constant 40 : i32
      %broadcast_in_dim3A_2492 = vector.broadcast %broadcast_in_dim3A_2491 : i32 to vector<16xi32>
      %add3A_2493 = arith.constant 0 : i32
      %add3A_2494 = arith.addi %mul3A_13, %add3A_2493 : i32
      %get3A_2495 = arith.constant 40 : i32
      %get3A_2496 = arith.index_cast %get3A_2495 : i32 to index
      %get3A_2497 = arith.index_cast %add3A_2494 : i32 to index
      %get3A_2498 = tpu.vector_load %arg7[%get3A_2496, %get3A_2497] {strides = array<i32>} : memref<64x1024xf32, #tpu.memory_space<vmem>>, vector<1x16xf32>,
      %get3A_2499 = vector.shape_cast %get3A_2498 : vector<1x16xf32> to vector<16xf32>
      %gt3A_2500 = arith.cmpf ogt, %get3A_2499, %select_n3A_2444 : vector<16xf32>
      %gt3A_2501 = arith.cmpf ogt, %get3A_2499, %select_n3A_2441 : vector<16xf32>
      %select_n3A_2502 = arith.select %gt3A_2501, %get3A_2499, %select_n3A_2441 : vector<16xi1>, vector<16xf32>
      %select_n3A_2503 = arith.select %gt3A_2500, %select_n3A_2444, %select_n3A_2502 : vector<16xi1>, vector<16xf32>
      %select_n3A_2504 = arith.select %gt3A_2501, %broadcast_in_dim3A_2492, %select_n3A_2443 : vector<16xi1>, vector<16xi32>
      %select_n3A_2505 = arith.select %gt3A_2500, %select_n3A_2445, %select_n3A_2504 : vector<16xi1>, vector<16xi32>
      %select_n3A_2506 = arith.select %gt3A_2500, %get3A_2499, %select_n3A_2444 : vector<16xi1>, vector<16xf32>
      %select_n3A_2507 = arith.select %gt3A_2500, %broadcast_in_dim3A_2492, %select_n3A_2445 : vector<16xi1>, vector<16xi32>
      %add3A_2508 = arith.constant 16 : i32
      %add3A_2509 = arith.addi %mul3A_13, %add3A_2508 : i32
      %get3A_2510 = arith.constant 40 : i32
      %get3A_2511 = arith.index_cast %get3A_2510 : i32 to index
      %get3A_2512 = arith.index_cast %add3A_2509 : i32 to index
      %get3A_2513 = tpu.vector_load %arg7[%get3A_2511, %get3A_2512] {strides = array<i32>} : memref<64x1024xf32, #tpu.memory_space<vmem>>, vector<1x16xf32>,
      %get3A_2514 = vector.shape_cast %get3A_2513 : vector<1x16xf32> to vector<16xf32>
      %gt3A_2515 = arith.cmpf ogt, %get3A_2514, %select_n3A_2459 : vector<16xf32>
      %gt3A_2516 = arith.cmpf ogt, %get3A_2514, %select_n3A_2456 : vector<16xf32>
      %select_n3A_2517 = arith.select %gt3A_2516, %get3A_2514, %select_n3A_2456 : vector<16xi1>, vector<16xf32>
      %select_n3A_2518 = arith.select %gt3A_2515, %select_n3A_2459, %select_n3A_2517 : vector<16xi1>, vector<16xf32>
      %select_n3A_2519 = arith.select %gt3A_2516, %broadcast_in_dim3A_2492, %select_n3A_2458 : vector<16xi1>, vector<16xi32>
      %select_n3A_2520 = arith.select %gt3A_2515, %select_n3A_2460, %select_n3A_2519 : vector<16xi1>, vector<16xi32>
      %select_n3A_2521 = arith.select %gt3A_2515, %get3A_2514, %select_n3A_2459 : vector<16xi1>, vector<16xf32>
      %select_n3A_2522 = arith.select %gt3A_2515, %broadcast_in_dim3A_2492, %select_n3A_2460 : vector<16xi1>, vector<16xi32>
      %add3A_2523 = arith.constant 32 : i32
      %add3A_2524 = arith.addi %mul3A_13, %add3A_2523 : i32
      %get3A_2525 = arith.constant 40 : i32
      %get3A_2526 = arith.index_cast %get3A_2525 : i32 to index
      %get3A_2527 = arith.index_cast %add3A_2524 : i32 to index
      %get3A_2528 = tpu.vector_load %arg7[%get3A_2526, %get3A_2527] {strides = array<i32>} : memref<64x1024xf32, #tpu.memory_space<vmem>>, vector<1x16xf32>,
      %get3A_2529 = vector.shape_cast %get3A_2528 : vector<1x16xf32> to vector<16xf32>
      %gt3A_2530 = arith.cmpf ogt, %get3A_2529, %select_n3A_2474 : vector<16xf32>
      %gt3A_2531 = arith.cmpf ogt, %get3A_2529, %select_n3A_2471 : vector<16xf32>
      %select_n3A_2532 = arith.select %gt3A_2531, %get3A_2529, %select_n3A_2471 : vector<16xi1>, vector<16xf32>
      %select_n3A_2533 = arith.select %gt3A_2530, %select_n3A_2474, %select_n3A_2532 : vector<16xi1>, vector<16xf32>
      %select_n3A_2534 = arith.select %gt3A_2531, %broadcast_in_dim3A_2492, %select_n3A_2473 : vector<16xi1>, vector<16xi32>
      %select_n3A_2535 = arith.select %gt3A_2530, %select_n3A_2475, %select_n3A_2534 : vector<16xi1>, vector<16xi32>
      %select_n3A_2536 = arith.select %gt3A_2530, %get3A_2529, %select_n3A_2474 : vector<16xi1>, vector<16xf32>
      %select_n3A_2537 = arith.select %gt3A_2530, %broadcast_in_dim3A_2492, %select_n3A_2475 : vector<16xi1>, vector<16xi32>
      %add3A_2538 = arith.constant 48 : i32
      %add3A_2539 = arith.addi %mul3A_13, %add3A_2538 : i32
      %get3A_2540 = arith.constant 40 : i32
      %get3A_2541 = arith.index_cast %get3A_2540 : i32 to index
      %get3A_2542 = arith.index_cast %add3A_2539 : i32 to index
      %get3A_2543 = tpu.vector_load %arg7[%get3A_2541, %get3A_2542] {strides = array<i32>} : memref<64x1024xf32, #tpu.memory_space<vmem>>, vector<1x16xf32>,
      %get3A_2544 = vector.shape_cast %get3A_2543 : vector<1x16xf32> to vector<16xf32>
      %gt3A_2545 = arith.cmpf ogt, %get3A_2544, %select_n3A_2489 : vector<16xf32>
      %gt3A_2546 = arith.cmpf ogt, %get3A_2544, %select_n3A_2486 : vector<16xf32>
      %select_n3A_2547 = arith.select %gt3A_2546, %get3A_2544, %select_n3A_2486 : vector<16xi1>, vector<16xf32>
      %select_n3A_2548 = arith.select %gt3A_2545, %select_n3A_2489, %select_n3A_2547 : vector<16xi1>, vector<16xf32>
      %select_n3A_2549 = arith.select %gt3A_2546, %broadcast_in_dim3A_2492, %select_n3A_2488 : vector<16xi1>, vector<16xi32>
      %select_n3A_2550 = arith.select %gt3A_2545, %select_n3A_2490, %select_n3A_2549 : vector<16xi1>, vector<16xi32>
      %select_n3A_2551 = arith.select %gt3A_2545, %get3A_2544, %select_n3A_2489 : vector<16xi1>, vector<16xf32>
      %select_n3A_2552 = arith.select %gt3A_2545, %broadcast_in_dim3A_2492, %select_n3A_2490 : vector<16xi1>, vector<16xi32>
      %broadcast_in_dim3A_2553 = arith.constant 41 : i32
      %broadcast_in_dim3A_2554 = vector.broadcast %broadcast_in_dim3A_2553 : i32 to vector<16xi32>
      %add3A_2555 = arith.constant 0 : i32
      %add3A_2556 = arith.addi %mul3A_13, %add3A_2555 : i32
      %get3A_2557 = arith.constant 41 : i32
      %get3A_2558 = arith.index_cast %get3A_2557 : i32 to index
      %get3A_2559 = arith.index_cast %add3A_2556 : i32 to index
      %get3A_2560 = tpu.vector_load %arg7[%get3A_2558, %get3A_2559] {strides = array<i32>} : memref<64x1024xf32, #tpu.memory_space<vmem>>, vector<1x16xf32>,
      %get3A_2561 = vector.shape_cast %get3A_2560 : vector<1x16xf32> to vector<16xf32>
      %gt3A_2562 = arith.cmpf ogt, %get3A_2561, %select_n3A_2506 : vector<16xf32>
      %gt3A_2563 = arith.cmpf ogt, %get3A_2561, %select_n3A_2503 : vector<16xf32>
      %select_n3A_2564 = arith.select %gt3A_2563, %get3A_2561, %select_n3A_2503 : vector<16xi1>, vector<16xf32>
      %select_n3A_2565 = arith.select %gt3A_2562, %select_n3A_2506, %select_n3A_2564 : vector<16xi1>, vector<16xf32>
      %select_n3A_2566 = arith.select %gt3A_2563, %broadcast_in_dim3A_2554, %select_n3A_2505 : vector<16xi1>, vector<16xi32>
      %select_n3A_2567 = arith.select %gt3A_2562, %select_n3A_2507, %select_n3A_2566 : vector<16xi1>, vector<16xi32>
      %select_n3A_2568 = arith.select %gt3A_2562, %get3A_2561, %select_n3A_2506 : vector<16xi1>, vector<16xf32>
      %select_n3A_2569 = arith.select %gt3A_2562, %broadcast_in_dim3A_2554, %select_n3A_2507 : vector<16xi1>, vector<16xi32>
      %add3A_2570 = arith.constant 16 : i32
      %add3A_2571 = arith.addi %mul3A_13, %add3A_2570 : i32
      %get3A_2572 = arith.constant 41 : i32
      %get3A_2573 = arith.index_cast %get3A_2572 : i32 to index
      %get3A_2574 = arith.index_cast %add3A_2571 : i32 to index
      %get3A_2575 = tpu.vector_load %arg7[%get3A_2573, %get3A_2574] {strides = array<i32>} : memref<64x1024xf32, #tpu.memory_space<vmem>>, vector<1x16xf32>,
      %get3A_2576 = vector.shape_cast %get3A_2575 : vector<1x16xf32> to vector<16xf32>
      %gt3A_2577 = arith.cmpf ogt, %get3A_2576, %select_n3A_2521 : vector<16xf32>
      %gt3A_2578 = arith.cmpf ogt, %get3A_2576, %select_n3A_2518 : vector<16xf32>
      %select_n3A_2579 = arith.select %gt3A_2578, %get3A_2576, %select_n3A_2518 : vector<16xi1>, vector<16xf32>
      %select_n3A_2580 = arith.select %gt3A_2577, %select_n3A_2521, %select_n3A_2579 : vector<16xi1>, vector<16xf32>
      %select_n3A_2581 = arith.select %gt3A_2578, %broadcast_in_dim3A_2554, %select_n3A_2520 : vector<16xi1>, vector<16xi32>
      %select_n3A_2582 = arith.select %gt3A_2577, %select_n3A_2522, %select_n3A_2581 : vector<16xi1>, vector<16xi32>
      %select_n3A_2583 = arith.select %gt3A_2577, %get3A_2576, %select_n3A_2521 : vector<16xi1>, vector<16xf32>
      %select_n3A_2584 = arith.select %gt3A_2577, %broadcast_in_dim3A_2554, %select_n3A_2522 : vector<16xi1>, vector<16xi32>
      %add3A_2585 = arith.constant 32 : i32
      %add3A_2586 = arith.addi %mul3A_13, %add3A_2585 : i32
      %get3A_2587 = arith.constant 41 : i32
      %get3A_2588 = arith.index_cast %get3A_2587 : i32 to index
      %get3A_2589 = arith.index_cast %add3A_2586 : i32 to index
      %get3A_2590 = tpu.vector_load %arg7[%get3A_2588, %get3A_2589] {strides = array<i32>} : memref<64x1024xf32, #tpu.memory_space<vmem>>, vector<1x16xf32>,
      %get3A_2591 = vector.shape_cast %get3A_2590 : vector<1x16xf32> to vector<16xf32>
      %gt3A_2592 = arith.cmpf ogt, %get3A_2591, %select_n3A_2536 : vector<16xf32>
      %gt3A_2593 = arith.cmpf ogt, %get3A_2591, %select_n3A_2533 : vector<16xf32>
      %select_n3A_2594 = arith.select %gt3A_2593, %get3A_2591, %select_n3A_2533 : vector<16xi1>, vector<16xf32>
      %select_n3A_2595 = arith.select %gt3A_2592, %select_n3A_2536, %select_n3A_2594 : vector<16xi1>, vector<16xf32>
      %select_n3A_2596 = arith.select %gt3A_2593, %broadcast_in_dim3A_2554, %select_n3A_2535 : vector<16xi1>, vector<16xi32>
      %select_n3A_2597 = arith.select %gt3A_2592, %select_n3A_2537, %select_n3A_2596 : vector<16xi1>, vector<16xi32>
      %select_n3A_2598 = arith.select %gt3A_2592, %get3A_2591, %select_n3A_2536 : vector<16xi1>, vector<16xf32>
      %select_n3A_2599 = arith.select %gt3A_2592, %broadcast_in_dim3A_2554, %select_n3A_2537 : vector<16xi1>, vector<16xi32>
      %add3A_2600 = arith.constant 48 : i32
      %add3A_2601 = arith.addi %mul3A_13, %add3A_2600 : i32
      %get3A_2602 = arith.constant 41 : i32
      %get3A_2603 = arith.index_cast %get3A_2602 : i32 to index
      %get3A_2604 = arith.index_cast %add3A_2601 : i32 to index
      %get3A_2605 = tpu.vector_load %arg7[%get3A_2603, %get3A_2604] {strides = array<i32>} : memref<64x1024xf32, #tpu.memory_space<vmem>>, vector<1x16xf32>,
      %get3A_2606 = vector.shape_cast %get3A_2605 : vector<1x16xf32> to vector<16xf32>
      %gt3A_2607 = arith.cmpf ogt, %get3A_2606, %select_n3A_2551 : vector<16xf32>
      %gt3A_2608 = arith.cmpf ogt, %get3A_2606, %select_n3A_2548 : vector<16xf32>
      %select_n3A_2609 = arith.select %gt3A_2608, %get3A_2606, %select_n3A_2548 : vector<16xi1>, vector<16xf32>
      %select_n3A_2610 = arith.select %gt3A_2607, %select_n3A_2551, %select_n3A_2609 : vector<16xi1>, vector<16xf32>
      %select_n3A_2611 = arith.select %gt3A_2608, %broadcast_in_dim3A_2554, %select_n3A_2550 : vector<16xi1>, vector<16xi32>
      %select_n3A_2612 = arith.select %gt3A_2607, %select_n3A_2552, %select_n3A_2611 : vector<16xi1>, vector<16xi32>
      %select_n3A_2613 = arith.select %gt3A_2607, %get3A_2606, %select_n3A_2551 : vector<16xi1>, vector<16xf32>
      %select_n3A_2614 = arith.select %gt3A_2607, %broadcast_in_dim3A_2554, %select_n3A_2552 : vector<16xi1>, vector<16xi32>
      %broadcast_in_dim3A_2615 = arith.constant 42 : i32
      %broadcast_in_dim3A_2616 = vector.broadcast %broadcast_in_dim3A_2615 : i32 to vector<16xi32>
      %add3A_2617 = arith.constant 0 : i32
      %add3A_2618 = arith.addi %mul3A_13, %add3A_2617 : i32
      %get3A_2619 = arith.constant 42 : i32
      %get3A_2620 = arith.index_cast %get3A_2619 : i32 to index
      %get3A_2621 = arith.index_cast %add3A_2618 : i32 to index
      %get3A_2622 = tpu.vector_load %arg7[%get3A_2620, %get3A_2621] {strides = array<i32>} : memref<64x1024xf32, #tpu.memory_space<vmem>>, vector<1x16xf32>,
      %get3A_2623 = vector.shape_cast %get3A_2622 : vector<1x16xf32> to vector<16xf32>
      %gt3A_2624 = arith.cmpf ogt, %get3A_2623, %select_n3A_2568 : vector<16xf32>
      %gt3A_2625 = arith.cmpf ogt, %get3A_2623, %select_n3A_2565 : vector<16xf32>
      %select_n3A_2626 = arith.select %gt3A_2625, %get3A_2623, %select_n3A_2565 : vector<16xi1>, vector<16xf32>
      %select_n3A_2627 = arith.select %gt3A_2624, %select_n3A_2568, %select_n3A_2626 : vector<16xi1>, vector<16xf32>
      %select_n3A_2628 = arith.select %gt3A_2625, %broadcast_in_dim3A_2616, %select_n3A_2567 : vector<16xi1>, vector<16xi32>
      %select_n3A_2629 = arith.select %gt3A_2624, %select_n3A_2569, %select_n3A_2628 : vector<16xi1>, vector<16xi32>
      %select_n3A_2630 = arith.select %gt3A_2624, %get3A_2623, %select_n3A_2568 : vector<16xi1>, vector<16xf32>
      %select_n3A_2631 = arith.select %gt3A_2624, %broadcast_in_dim3A_2616, %select_n3A_2569 : vector<16xi1>, vector<16xi32>
      %add3A_2632 = arith.constant 16 : i32
      %add3A_2633 = arith.addi %mul3A_13, %add3A_2632 : i32
      %get3A_2634 = arith.constant 42 : i32
      %get3A_2635 = arith.index_cast %get3A_2634 : i32 to index
      %get3A_2636 = arith.index_cast %add3A_2633 : i32 to index
      %get3A_2637 = tpu.vector_load %arg7[%get3A_2635, %get3A_2636] {strides = array<i32>} : memref<64x1024xf32, #tpu.memory_space<vmem>>, vector<1x16xf32>,
      %get3A_2638 = vector.shape_cast %get3A_2637 : vector<1x16xf32> to vector<16xf32>
      %gt3A_2639 = arith.cmpf ogt, %get3A_2638, %select_n3A_2583 : vector<16xf32>
      %gt3A_2640 = arith.cmpf ogt, %get3A_2638, %select_n3A_2580 : vector<16xf32>
      %select_n3A_2641 = arith.select %gt3A_2640, %get3A_2638, %select_n3A_2580 : vector<16xi1>, vector<16xf32>
      %select_n3A_2642 = arith.select %gt3A_2639, %select_n3A_2583, %select_n3A_2641 : vector<16xi1>, vector<16xf32>
      %select_n3A_2643 = arith.select %gt3A_2640, %broadcast_in_dim3A_2616, %select_n3A_2582 : vector<16xi1>, vector<16xi32>
      %select_n3A_2644 = arith.select %gt3A_2639, %select_n3A_2584, %select_n3A_2643 : vector<16xi1>, vector<16xi32>
      %select_n3A_2645 = arith.select %gt3A_2639, %get3A_2638, %select_n3A_2583 : vector<16xi1>, vector<16xf32>
      %select_n3A_2646 = arith.select %gt3A_2639, %broadcast_in_dim3A_2616, %select_n3A_2584 : vector<16xi1>, vector<16xi32>
      %add3A_2647 = arith.constant 32 : i32
      %add3A_2648 = arith.addi %mul3A_13, %add3A_2647 : i32
      %get3A_2649 = arith.constant 42 : i32
      %get3A_2650 = arith.index_cast %get3A_2649 : i32 to index
      %get3A_2651 = arith.index_cast %add3A_2648 : i32 to index
      %get3A_2652 = tpu.vector_load %arg7[%get3A_2650, %get3A_2651] {strides = array<i32>} : memref<64x1024xf32, #tpu.memory_space<vmem>>, vector<1x16xf32>,
      %get3A_2653 = vector.shape_cast %get3A_2652 : vector<1x16xf32> to vector<16xf32>
      %gt3A_2654 = arith.cmpf ogt, %get3A_2653, %select_n3A_2598 : vector<16xf32>
      %gt3A_2655 = arith.cmpf ogt, %get3A_2653, %select_n3A_2595 : vector<16xf32>
      %select_n3A_2656 = arith.select %gt3A_2655, %get3A_2653, %select_n3A_2595 : vector<16xi1>, vector<16xf32>
      %select_n3A_2657 = arith.select %gt3A_2654, %select_n3A_2598, %select_n3A_2656 : vector<16xi1>, vector<16xf32>
      %select_n3A_2658 = arith.select %gt3A_2655, %broadcast_in_dim3A_2616, %select_n3A_2597 : vector<16xi1>, vector<16xi32>
      %select_n3A_2659 = arith.select %gt3A_2654, %select_n3A_2599, %select_n3A_2658 : vector<16xi1>, vector<16xi32>
      %select_n3A_2660 = arith.select %gt3A_2654, %get3A_2653, %select_n3A_2598 : vector<16xi1>, vector<16xf32>
      %select_n3A_2661 = arith.select %gt3A_2654, %broadcast_in_dim3A_2616, %select_n3A_2599 : vector<16xi1>, vector<16xi32>
      %add3A_2662 = arith.constant 48 : i32
      %add3A_2663 = arith.addi %mul3A_13, %add3A_2662 : i32
      %get3A_2664 = arith.constant 42 : i32
      %get3A_2665 = arith.index_cast %get3A_2664 : i32 to index
      %get3A_2666 = arith.index_cast %add3A_2663 : i32 to index
      %get3A_2667 = tpu.vector_load %arg7[%get3A_2665, %get3A_2666] {strides = array<i32>} : memref<64x1024xf32, #tpu.memory_space<vmem>>, vector<1x16xf32>,
      %get3A_2668 = vector.shape_cast %get3A_2667 : vector<1x16xf32> to vector<16xf32>
      %gt3A_2669 = arith.cmpf ogt, %get3A_2668, %select_n3A_2613 : vector<16xf32>
      %gt3A_2670 = arith.cmpf ogt, %get3A_2668, %select_n3A_2610 : vector<16xf32>
      %select_n3A_2671 = arith.select %gt3A_2670, %get3A_2668, %select_n3A_2610 : vector<16xi1>, vector<16xf32>
      %select_n3A_2672 = arith.select %gt3A_2669, %select_n3A_2613, %select_n3A_2671 : vector<16xi1>, vector<16xf32>
      %select_n3A_2673 = arith.select %gt3A_2670, %broadcast_in_dim3A_2616, %select_n3A_2612 : vector<16xi1>, vector<16xi32>
      %select_n3A_2674 = arith.select %gt3A_2669, %select_n3A_2614, %select_n3A_2673 : vector<16xi1>, vector<16xi32>
      %select_n3A_2675 = arith.select %gt3A_2669, %get3A_2668, %select_n3A_2613 : vector<16xi1>, vector<16xf32>
      %select_n3A_2676 = arith.select %gt3A_2669, %broadcast_in_dim3A_2616, %select_n3A_2614 : vector<16xi1>, vector<16xi32>
      %broadcast_in_dim3A_2677 = arith.constant 43 : i32
      %broadcast_in_dim3A_2678 = vector.broadcast %broadcast_in_dim3A_2677 : i32 to vector<16xi32>
      %add3A_2679 = arith.constant 0 : i32
      %add3A_2680 = arith.addi %mul3A_13, %add3A_2679 : i32
      %get3A_2681 = arith.constant 43 : i32
      %get3A_2682 = arith.index_cast %get3A_2681 : i32 to index
      %get3A_2683 = arith.index_cast %add3A_2680 : i32 to index
      %get3A_2684 = tpu.vector_load %arg7[%get3A_2682, %get3A_2683] {strides = array<i32>} : memref<64x1024xf32, #tpu.memory_space<vmem>>, vector<1x16xf32>,
      %get3A_2685 = vector.shape_cast %get3A_2684 : vector<1x16xf32> to vector<16xf32>
      %gt3A_2686 = arith.cmpf ogt, %get3A_2685, %select_n3A_2630 : vector<16xf32>
      %gt3A_2687 = arith.cmpf ogt, %get3A_2685, %select_n3A_2627 : vector<16xf32>
      %select_n3A_2688 = arith.select %gt3A_2687, %get3A_2685, %select_n3A_2627 : vector<16xi1>, vector<16xf32>
      %select_n3A_2689 = arith.select %gt3A_2686, %select_n3A_2630, %select_n3A_2688 : vector<16xi1>, vector<16xf32>
      %select_n3A_2690 = arith.select %gt3A_2687, %broadcast_in_dim3A_2678, %select_n3A_2629 : vector<16xi1>, vector<16xi32>
      %select_n3A_2691 = arith.select %gt3A_2686, %select_n3A_2631, %select_n3A_2690 : vector<16xi1>, vector<16xi32>
      %select_n3A_2692 = arith.select %gt3A_2686, %get3A_2685, %select_n3A_2630 : vector<16xi1>, vector<16xf32>
      %select_n3A_2693 = arith.select %gt3A_2686, %broadcast_in_dim3A_2678, %select_n3A_2631 : vector<16xi1>, vector<16xi32>
      %add3A_2694 = arith.constant 16 : i32
      %add3A_2695 = arith.addi %mul3A_13, %add3A_2694 : i32
      %get3A_2696 = arith.constant 43 : i32
      %get3A_2697 = arith.index_cast %get3A_2696 : i32 to index
      %get3A_2698 = arith.index_cast %add3A_2695 : i32 to index
      %get3A_2699 = tpu.vector_load %arg7[%get3A_2697, %get3A_2698] {strides = array<i32>} : memref<64x1024xf32, #tpu.memory_space<vmem>>, vector<1x16xf32>,
      %get3A_2700 = vector.shape_cast %get3A_2699 : vector<1x16xf32> to vector<16xf32>
      %gt3A_2701 = arith.cmpf ogt, %get3A_2700, %select_n3A_2645 : vector<16xf32>
      %gt3A_2702 = arith.cmpf ogt, %get3A_2700, %select_n3A_2642 : vector<16xf32>
      %select_n3A_2703 = arith.select %gt3A_2702, %get3A_2700, %select_n3A_2642 : vector<16xi1>, vector<16xf32>
      %select_n3A_2704 = arith.select %gt3A_2701, %select_n3A_2645, %select_n3A_2703 : vector<16xi1>, vector<16xf32>
      %select_n3A_2705 = arith.select %gt3A_2702, %broadcast_in_dim3A_2678, %select_n3A_2644 : vector<16xi1>, vector<16xi32>
      %select_n3A_2706 = arith.select %gt3A_2701, %select_n3A_2646, %select_n3A_2705 : vector<16xi1>, vector<16xi32>
      %select_n3A_2707 = arith.select %gt3A_2701, %get3A_2700, %select_n3A_2645 : vector<16xi1>, vector<16xf32>
      %select_n3A_2708 = arith.select %gt3A_2701, %broadcast_in_dim3A_2678, %select_n3A_2646 : vector<16xi1>, vector<16xi32>
      %add3A_2709 = arith.constant 32 : i32
      %add3A_2710 = arith.addi %mul3A_13, %add3A_2709 : i32
      %get3A_2711 = arith.constant 43 : i32
      %get3A_2712 = arith.index_cast %get3A_2711 : i32 to index
      %get3A_2713 = arith.index_cast %add3A_2710 : i32 to index
      %get3A_2714 = tpu.vector_load %arg7[%get3A_2712, %get3A_2713] {strides = array<i32>} : memref<64x1024xf32, #tpu.memory_space<vmem>>, vector<1x16xf32>,
      %get3A_2715 = vector.shape_cast %get3A_2714 : vector<1x16xf32> to vector<16xf32>
      %gt3A_2716 = arith.cmpf ogt, %get3A_2715, %select_n3A_2660 : vector<16xf32>
      %gt3A_2717 = arith.cmpf ogt, %get3A_2715, %select_n3A_2657 : vector<16xf32>
      %select_n3A_2718 = arith.select %gt3A_2717, %get3A_2715, %select_n3A_2657 : vector<16xi1>, vector<16xf32>
      %select_n3A_2719 = arith.select %gt3A_2716, %select_n3A_2660, %select_n3A_2718 : vector<16xi1>, vector<16xf32>
      %select_n3A_2720 = arith.select %gt3A_2717, %broadcast_in_dim3A_2678, %select_n3A_2659 : vector<16xi1>, vector<16xi32>
      %select_n3A_2721 = arith.select %gt3A_2716, %select_n3A_2661, %select_n3A_2720 : vector<16xi1>, vector<16xi32>
      %select_n3A_2722 = arith.select %gt3A_2716, %get3A_2715, %select_n3A_2660 : vector<16xi1>, vector<16xf32>
      %select_n3A_2723 = arith.select %gt3A_2716, %broadcast_in_dim3A_2678, %select_n3A_2661 : vector<16xi1>, vector<16xi32>
      %add3A_2724 = arith.constant 48 : i32
      %add3A_2725 = arith.addi %mul3A_13, %add3A_2724 : i32
      %get3A_2726 = arith.constant 43 : i32
      %get3A_2727 = arith.index_cast %get3A_2726 : i32 to index
      %get3A_2728 = arith.index_cast %add3A_2725 : i32 to index
      %get3A_2729 = tpu.vector_load %arg7[%get3A_2727, %get3A_2728] {strides = array<i32>} : memref<64x1024xf32, #tpu.memory_space<vmem>>, vector<1x16xf32>,
      %get3A_2730 = vector.shape_cast %get3A_2729 : vector<1x16xf32> to vector<16xf32>
      %gt3A_2731 = arith.cmpf ogt, %get3A_2730, %select_n3A_2675 : vector<16xf32>
      %gt3A_2732 = arith.cmpf ogt, %get3A_2730, %select_n3A_2672 : vector<16xf32>
      %select_n3A_2733 = arith.select %gt3A_2732, %get3A_2730, %select_n3A_2672 : vector<16xi1>, vector<16xf32>
      %select_n3A_2734 = arith.select %gt3A_2731, %select_n3A_2675, %select_n3A_2733 : vector<16xi1>, vector<16xf32>
      %select_n3A_2735 = arith.select %gt3A_2732, %broadcast_in_dim3A_2678, %select_n3A_2674 : vector<16xi1>, vector<16xi32>
      %select_n3A_2736 = arith.select %gt3A_2731, %select_n3A_2676, %select_n3A_2735 : vector<16xi1>, vector<16xi32>
      %select_n3A_2737 = arith.select %gt3A_2731, %get3A_2730, %select_n3A_2675 : vector<16xi1>, vector<16xf32>
      %select_n3A_2738 = arith.select %gt3A_2731, %broadcast_in_dim3A_2678, %select_n3A_2676 : vector<16xi1>, vector<16xi32>
      %broadcast_in_dim3A_2739 = arith.constant 44 : i32
      %broadcast_in_dim3A_2740 = vector.broadcast %broadcast_in_dim3A_2739 : i32 to vector<16xi32>
      %add3A_2741 = arith.constant 0 : i32
      %add3A_2742 = arith.addi %mul3A_13, %add3A_2741 : i32
      %get3A_2743 = arith.constant 44 : i32
      %get3A_2744 = arith.index_cast %get3A_2743 : i32 to index
      %get3A_2745 = arith.index_cast %add3A_2742 : i32 to index
      %get3A_2746 = tpu.vector_load %arg7[%get3A_2744, %get3A_2745] {strides = array<i32>} : memref<64x1024xf32, #tpu.memory_space<vmem>>, vector<1x16xf32>,
      %get3A_2747 = vector.shape_cast %get3A_2746 : vector<1x16xf32> to vector<16xf32>
      %gt3A_2748 = arith.cmpf ogt, %get3A_2747, %select_n3A_2692 : vector<16xf32>
      %gt3A_2749 = arith.cmpf ogt, %get3A_2747, %select_n3A_2689 : vector<16xf32>
      %select_n3A_2750 = arith.select %gt3A_2749, %get3A_2747, %select_n3A_2689 : vector<16xi1>, vector<16xf32>
      %select_n3A_2751 = arith.select %gt3A_2748, %select_n3A_2692, %select_n3A_2750 : vector<16xi1>, vector<16xf32>
      %select_n3A_2752 = arith.select %gt3A_2749, %broadcast_in_dim3A_2740, %select_n3A_2691 : vector<16xi1>, vector<16xi32>
      %select_n3A_2753 = arith.select %gt3A_2748, %select_n3A_2693, %select_n3A_2752 : vector<16xi1>, vector<16xi32>
      %select_n3A_2754 = arith.select %gt3A_2748, %get3A_2747, %select_n3A_2692 : vector<16xi1>, vector<16xf32>
      %select_n3A_2755 = arith.select %gt3A_2748, %broadcast_in_dim3A_2740, %select_n3A_2693 : vector<16xi1>, vector<16xi32>
      %add3A_2756 = arith.constant 16 : i32
      %add3A_2757 = arith.addi %mul3A_13, %add3A_2756 : i32
      %get3A_2758 = arith.constant 44 : i32
      %get3A_2759 = arith.index_cast %get3A_2758 : i32 to index
      %get3A_2760 = arith.index_cast %add3A_2757 : i32 to index
      %get3A_2761 = tpu.vector_load %arg7[%get3A_2759, %get3A_2760] {strides = array<i32>} : memref<64x1024xf32, #tpu.memory_space<vmem>>, vector<1x16xf32>,
      %get3A_2762 = vector.shape_cast %get3A_2761 : vector<1x16xf32> to vector<16xf32>
      %gt3A_2763 = arith.cmpf ogt, %get3A_2762, %select_n3A_2707 : vector<16xf32>
      %gt3A_2764 = arith.cmpf ogt, %get3A_2762, %select_n3A_2704 : vector<16xf32>
      %select_n3A_2765 = arith.select %gt3A_2764, %get3A_2762, %select_n3A_2704 : vector<16xi1>, vector<16xf32>
      %select_n3A_2766 = arith.select %gt3A_2763, %select_n3A_2707, %select_n3A_2765 : vector<16xi1>, vector<16xf32>
      %select_n3A_2767 = arith.select %gt3A_2764, %broadcast_in_dim3A_2740, %select_n3A_2706 : vector<16xi1>, vector<16xi32>
      %select_n3A_2768 = arith.select %gt3A_2763, %select_n3A_2708, %select_n3A_2767 : vector<16xi1>, vector<16xi32>
      %select_n3A_2769 = arith.select %gt3A_2763, %get3A_2762, %select_n3A_2707 : vector<16xi1>, vector<16xf32>
      %select_n3A_2770 = arith.select %gt3A_2763, %broadcast_in_dim3A_2740, %select_n3A_2708 : vector<16xi1>, vector<16xi32>
      %add3A_2771 = arith.constant 32 : i32
      %add3A_2772 = arith.addi %mul3A_13, %add3A_2771 : i32
      %get3A_2773 = arith.constant 44 : i32
      %get3A_2774 = arith.index_cast %get3A_2773 : i32 to index
      %get3A_2775 = arith.index_cast %add3A_2772 : i32 to index
      %get3A_2776 = tpu.vector_load %arg7[%get3A_2774, %get3A_2775] {strides = array<i32>} : memref<64x1024xf32, #tpu.memory_space<vmem>>, vector<1x16xf32>,
      %get3A_2777 = vector.shape_cast %get3A_2776 : vector<1x16xf32> to vector<16xf32>
      %gt3A_2778 = arith.cmpf ogt, %get3A_2777, %select_n3A_2722 : vector<16xf32>
      %gt3A_2779 = arith.cmpf ogt, %get3A_2777, %select_n3A_2719 : vector<16xf32>
      %select_n3A_2780 = arith.select %gt3A_2779, %get3A_2777, %select_n3A_2719 : vector<16xi1>, vector<16xf32>
      %select_n3A_2781 = arith.select %gt3A_2778, %select_n3A_2722, %select_n3A_2780 : vector<16xi1>, vector<16xf32>
      %select_n3A_2782 = arith.select %gt3A_2779, %broadcast_in_dim3A_2740, %select_n3A_2721 : vector<16xi1>, vector<16xi32>
      %select_n3A_2783 = arith.select %gt3A_2778, %select_n3A_2723, %select_n3A_2782 : vector<16xi1>, vector<16xi32>
      %select_n3A_2784 = arith.select %gt3A_2778, %get3A_2777, %select_n3A_2722 : vector<16xi1>, vector<16xf32>
      %select_n3A_2785 = arith.select %gt3A_2778, %broadcast_in_dim3A_2740, %select_n3A_2723 : vector<16xi1>, vector<16xi32>
      %add3A_2786 = arith.constant 48 : i32
      %add3A_2787 = arith.addi %mul3A_13, %add3A_2786 : i32
      %get3A_2788 = arith.constant 44 : i32
      %get3A_2789 = arith.index_cast %get3A_2788 : i32 to index
      %get3A_2790 = arith.index_cast %add3A_2787 : i32 to index
      %get3A_2791 = tpu.vector_load %arg7[%get3A_2789, %get3A_2790] {strides = array<i32>} : memref<64x1024xf32, #tpu.memory_space<vmem>>, vector<1x16xf32>,
      %get3A_2792 = vector.shape_cast %get3A_2791 : vector<1x16xf32> to vector<16xf32>
      %gt3A_2793 = arith.cmpf ogt, %get3A_2792, %select_n3A_2737 : vector<16xf32>
      %gt3A_2794 = arith.cmpf ogt, %get3A_2792, %select_n3A_2734 : vector<16xf32>
      %select_n3A_2795 = arith.select %gt3A_2794, %get3A_2792, %select_n3A_2734 : vector<16xi1>, vector<16xf32>
      %select_n3A_2796 = arith.select %gt3A_2793, %select_n3A_2737, %select_n3A_2795 : vector<16xi1>, vector<16xf32>
      %select_n3A_2797 = arith.select %gt3A_2794, %broadcast_in_dim3A_2740, %select_n3A_2736 : vector<16xi1>, vector<16xi32>
      %select_n3A_2798 = arith.select %gt3A_2793, %select_n3A_2738, %select_n3A_2797 : vector<16xi1>, vector<16xi32>
      %select_n3A_2799 = arith.select %gt3A_2793, %get3A_2792, %select_n3A_2737 : vector<16xi1>, vector<16xf32>
      %select_n3A_2800 = arith.select %gt3A_2793, %broadcast_in_dim3A_2740, %select_n3A_2738 : vector<16xi1>, vector<16xi32>
      %broadcast_in_dim3A_2801 = arith.constant 45 : i32
      %broadcast_in_dim3A_2802 = vector.broadcast %broadcast_in_dim3A_2801 : i32 to vector<16xi32>
      %add3A_2803 = arith.constant 0 : i32
      %add3A_2804 = arith.addi %mul3A_13, %add3A_2803 : i32
      %get3A_2805 = arith.constant 45 : i32
      %get3A_2806 = arith.index_cast %get3A_2805 : i32 to index
      %get3A_2807 = arith.index_cast %add3A_2804 : i32 to index
      %get3A_2808 = tpu.vector_load %arg7[%get3A_2806, %get3A_2807] {strides = array<i32>} : memref<64x1024xf32, #tpu.memory_space<vmem>>, vector<1x16xf32>,
      %get3A_2809 = vector.shape_cast %get3A_2808 : vector<1x16xf32> to vector<16xf32>
      %gt3A_2810 = arith.cmpf ogt, %get3A_2809, %select_n3A_2754 : vector<16xf32>
      %gt3A_2811 = arith.cmpf ogt, %get3A_2809, %select_n3A_2751 : vector<16xf32>
      %select_n3A_2812 = arith.select %gt3A_2811, %get3A_2809, %select_n3A_2751 : vector<16xi1>, vector<16xf32>
      %select_n3A_2813 = arith.select %gt3A_2810, %select_n3A_2754, %select_n3A_2812 : vector<16xi1>, vector<16xf32>
      %select_n3A_2814 = arith.select %gt3A_2811, %broadcast_in_dim3A_2802, %select_n3A_2753 : vector<16xi1>, vector<16xi32>
      %select_n3A_2815 = arith.select %gt3A_2810, %select_n3A_2755, %select_n3A_2814 : vector<16xi1>, vector<16xi32>
      %select_n3A_2816 = arith.select %gt3A_2810, %get3A_2809, %select_n3A_2754 : vector<16xi1>, vector<16xf32>
      %select_n3A_2817 = arith.select %gt3A_2810, %broadcast_in_dim3A_2802, %select_n3A_2755 : vector<16xi1>, vector<16xi32>
      %add3A_2818 = arith.constant 16 : i32
      %add3A_2819 = arith.addi %mul3A_13, %add3A_2818 : i32
      %get3A_2820 = arith.constant 45 : i32
      %get3A_2821 = arith.index_cast %get3A_2820 : i32 to index
      %get3A_2822 = arith.index_cast %add3A_2819 : i32 to index
      %get3A_2823 = tpu.vector_load %arg7[%get3A_2821, %get3A_2822] {strides = array<i32>} : memref<64x1024xf32, #tpu.memory_space<vmem>>, vector<1x16xf32>,
      %get3A_2824 = vector.shape_cast %get3A_2823 : vector<1x16xf32> to vector<16xf32>
      %gt3A_2825 = arith.cmpf ogt, %get3A_2824, %select_n3A_2769 : vector<16xf32>
      %gt3A_2826 = arith.cmpf ogt, %get3A_2824, %select_n3A_2766 : vector<16xf32>
      %select_n3A_2827 = arith.select %gt3A_2826, %get3A_2824, %select_n3A_2766 : vector<16xi1>, vector<16xf32>
      %select_n3A_2828 = arith.select %gt3A_2825, %select_n3A_2769, %select_n3A_2827 : vector<16xi1>, vector<16xf32>
      %select_n3A_2829 = arith.select %gt3A_2826, %broadcast_in_dim3A_2802, %select_n3A_2768 : vector<16xi1>, vector<16xi32>
      %select_n3A_2830 = arith.select %gt3A_2825, %select_n3A_2770, %select_n3A_2829 : vector<16xi1>, vector<16xi32>
      %select_n3A_2831 = arith.select %gt3A_2825, %get3A_2824, %select_n3A_2769 : vector<16xi1>, vector<16xf32>
      %select_n3A_2832 = arith.select %gt3A_2825, %broadcast_in_dim3A_2802, %select_n3A_2770 : vector<16xi1>, vector<16xi32>
      %add3A_2833 = arith.constant 32 : i32
      %add3A_2834 = arith.addi %mul3A_13, %add3A_2833 : i32
      %get3A_2835 = arith.constant 45 : i32
      %get3A_2836 = arith.index_cast %get3A_2835 : i32 to index
      %get3A_2837 = arith.index_cast %add3A_2834 : i32 to index
      %get3A_2838 = tpu.vector_load %arg7[%get3A_2836, %get3A_2837] {strides = array<i32>} : memref<64x1024xf32, #tpu.memory_space<vmem>>, vector<1x16xf32>,
      %get3A_2839 = vector.shape_cast %get3A_2838 : vector<1x16xf32> to vector<16xf32>
      %gt3A_2840 = arith.cmpf ogt, %get3A_2839, %select_n3A_2784 : vector<16xf32>
      %gt3A_2841 = arith.cmpf ogt, %get3A_2839, %select_n3A_2781 : vector<16xf32>
      %select_n3A_2842 = arith.select %gt3A_2841, %get3A_2839, %select_n3A_2781 : vector<16xi1>, vector<16xf32>
      %select_n3A_2843 = arith.select %gt3A_2840, %select_n3A_2784, %select_n3A_2842 : vector<16xi1>, vector<16xf32>
      %select_n3A_2844 = arith.select %gt3A_2841, %broadcast_in_dim3A_2802, %select_n3A_2783 : vector<16xi1>, vector<16xi32>
      %select_n3A_2845 = arith.select %gt3A_2840, %select_n3A_2785, %select_n3A_2844 : vector<16xi1>, vector<16xi32>
      %select_n3A_2846 = arith.select %gt3A_2840, %get3A_2839, %select_n3A_2784 : vector<16xi1>, vector<16xf32>
      %select_n3A_2847 = arith.select %gt3A_2840, %broadcast_in_dim3A_2802, %select_n3A_2785 : vector<16xi1>, vector<16xi32>
      %add3A_2848 = arith.constant 48 : i32
      %add3A_2849 = arith.addi %mul3A_13, %add3A_2848 : i32
      %get3A_2850 = arith.constant 45 : i32
      %get3A_2851 = arith.index_cast %get3A_2850 : i32 to index
      %get3A_2852 = arith.index_cast %add3A_2849 : i32 to index
      %get3A_2853 = tpu.vector_load %arg7[%get3A_2851, %get3A_2852] {strides = array<i32>} : memref<64x1024xf32, #tpu.memory_space<vmem>>, vector<1x16xf32>,
      %get3A_2854 = vector.shape_cast %get3A_2853 : vector<1x16xf32> to vector<16xf32>
      %gt3A_2855 = arith.cmpf ogt, %get3A_2854, %select_n3A_2799 : vector<16xf32>
      %gt3A_2856 = arith.cmpf ogt, %get3A_2854, %select_n3A_2796 : vector<16xf32>
      %select_n3A_2857 = arith.select %gt3A_2856, %get3A_2854, %select_n3A_2796 : vector<16xi1>, vector<16xf32>
      %select_n3A_2858 = arith.select %gt3A_2855, %select_n3A_2799, %select_n3A_2857 : vector<16xi1>, vector<16xf32>
      %select_n3A_2859 = arith.select %gt3A_2856, %broadcast_in_dim3A_2802, %select_n3A_2798 : vector<16xi1>, vector<16xi32>
      %select_n3A_2860 = arith.select %gt3A_2855, %select_n3A_2800, %select_n3A_2859 : vector<16xi1>, vector<16xi32>
      %select_n3A_2861 = arith.select %gt3A_2855, %get3A_2854, %select_n3A_2799 : vector<16xi1>, vector<16xf32>
      %select_n3A_2862 = arith.select %gt3A_2855, %broadcast_in_dim3A_2802, %select_n3A_2800 : vector<16xi1>, vector<16xi32>
      %broadcast_in_dim3A_2863 = arith.constant 46 : i32
      %broadcast_in_dim3A_2864 = vector.broadcast %broadcast_in_dim3A_2863 : i32 to vector<16xi32>
      %add3A_2865 = arith.constant 0 : i32
      %add3A_2866 = arith.addi %mul3A_13, %add3A_2865 : i32
      %get3A_2867 = arith.constant 46 : i32
      %get3A_2868 = arith.index_cast %get3A_2867 : i32 to index
      %get3A_2869 = arith.index_cast %add3A_2866 : i32 to index
      %get3A_2870 = tpu.vector_load %arg7[%get3A_2868, %get3A_2869] {strides = array<i32>} : memref<64x1024xf32, #tpu.memory_space<vmem>>, vector<1x16xf32>,
      %get3A_2871 = vector.shape_cast %get3A_2870 : vector<1x16xf32> to vector<16xf32>
      %gt3A_2872 = arith.cmpf ogt, %get3A_2871, %select_n3A_2816 : vector<16xf32>
      %gt3A_2873 = arith.cmpf ogt, %get3A_2871, %select_n3A_2813 : vector<16xf32>
      %select_n3A_2874 = arith.select %gt3A_2873, %get3A_2871, %select_n3A_2813 : vector<16xi1>, vector<16xf32>
      %select_n3A_2875 = arith.select %gt3A_2872, %select_n3A_2816, %select_n3A_2874 : vector<16xi1>, vector<16xf32>
      %select_n3A_2876 = arith.select %gt3A_2873, %broadcast_in_dim3A_2864, %select_n3A_2815 : vector<16xi1>, vector<16xi32>
      %select_n3A_2877 = arith.select %gt3A_2872, %select_n3A_2817, %select_n3A_2876 : vector<16xi1>, vector<16xi32>
      %select_n3A_2878 = arith.select %gt3A_2872, %get3A_2871, %select_n3A_2816 : vector<16xi1>, vector<16xf32>
      %select_n3A_2879 = arith.select %gt3A_2872, %broadcast_in_dim3A_2864, %select_n3A_2817 : vector<16xi1>, vector<16xi32>
      %add3A_2880 = arith.constant 16 : i32
      %add3A_2881 = arith.addi %mul3A_13, %add3A_2880 : i32
      %get3A_2882 = arith.constant 46 : i32
      %get3A_2883 = arith.index_cast %get3A_2882 : i32 to index
      %get3A_2884 = arith.index_cast %add3A_2881 : i32 to index
      %get3A_2885 = tpu.vector_load %arg7[%get3A_2883, %get3A_2884] {strides = array<i32>} : memref<64x1024xf32, #tpu.memory_space<vmem>>, vector<1x16xf32>,
      %get3A_2886 = vector.shape_cast %get3A_2885 : vector<1x16xf32> to vector<16xf32>
      %gt3A_2887 = arith.cmpf ogt, %get3A_2886, %select_n3A_2831 : vector<16xf32>
      %gt3A_2888 = arith.cmpf ogt, %get3A_2886, %select_n3A_2828 : vector<16xf32>
      %select_n3A_2889 = arith.select %gt3A_2888, %get3A_2886, %select_n3A_2828 : vector<16xi1>, vector<16xf32>
      %select_n3A_2890 = arith.select %gt3A_2887, %select_n3A_2831, %select_n3A_2889 : vector<16xi1>, vector<16xf32>
      %select_n3A_2891 = arith.select %gt3A_2888, %broadcast_in_dim3A_2864, %select_n3A_2830 : vector<16xi1>, vector<16xi32>
      %select_n3A_2892 = arith.select %gt3A_2887, %select_n3A_2832, %select_n3A_2891 : vector<16xi1>, vector<16xi32>
      %select_n3A_2893 = arith.select %gt3A_2887, %get3A_2886, %select_n3A_2831 : vector<16xi1>, vector<16xf32>
      %select_n3A_2894 = arith.select %gt3A_2887, %broadcast_in_dim3A_2864, %select_n3A_2832 : vector<16xi1>, vector<16xi32>
      %add3A_2895 = arith.constant 32 : i32
      %add3A_2896 = arith.addi %mul3A_13, %add3A_2895 : i32
      %get3A_2897 = arith.constant 46 : i32
      %get3A_2898 = arith.index_cast %get3A_2897 : i32 to index
      %get3A_2899 = arith.index_cast %add3A_2896 : i32 to index
      %get3A_2900 = tpu.vector_load %arg7[%get3A_2898, %get3A_2899] {strides = array<i32>} : memref<64x1024xf32, #tpu.memory_space<vmem>>, vector<1x16xf32>,
      %get3A_2901 = vector.shape_cast %get3A_2900 : vector<1x16xf32> to vector<16xf32>
      %gt3A_2902 = arith.cmpf ogt, %get3A_2901, %select_n3A_2846 : vector<16xf32>
      %gt3A_2903 = arith.cmpf ogt, %get3A_2901, %select_n3A_2843 : vector<16xf32>
      %select_n3A_2904 = arith.select %gt3A_2903, %get3A_2901, %select_n3A_2843 : vector<16xi1>, vector<16xf32>
      %select_n3A_2905 = arith.select %gt3A_2902, %select_n3A_2846, %select_n3A_2904 : vector<16xi1>, vector<16xf32>
      %select_n3A_2906 = arith.select %gt3A_2903, %broadcast_in_dim3A_2864, %select_n3A_2845 : vector<16xi1>, vector<16xi32>
      %select_n3A_2907 = arith.select %gt3A_2902, %select_n3A_2847, %select_n3A_2906 : vector<16xi1>, vector<16xi32>
      %select_n3A_2908 = arith.select %gt3A_2902, %get3A_2901, %select_n3A_2846 : vector<16xi1>, vector<16xf32>
      %select_n3A_2909 = arith.select %gt3A_2902, %broadcast_in_dim3A_2864, %select_n3A_2847 : vector<16xi1>, vector<16xi32>
      %add3A_2910 = arith.constant 48 : i32
      %add3A_2911 = arith.addi %mul3A_13, %add3A_2910 : i32
      %get3A_2912 = arith.constant 46 : i32
      %get3A_2913 = arith.index_cast %get3A_2912 : i32 to index
      %get3A_2914 = arith.index_cast %add3A_2911 : i32 to index
      %get3A_2915 = tpu.vector_load %arg7[%get3A_2913, %get3A_2914] {strides = array<i32>} : memref<64x1024xf32, #tpu.memory_space<vmem>>, vector<1x16xf32>,
      %get3A_2916 = vector.shape_cast %get3A_2915 : vector<1x16xf32> to vector<16xf32>
      %gt3A_2917 = arith.cmpf ogt, %get3A_2916, %select_n3A_2861 : vector<16xf32>
      %gt3A_2918 = arith.cmpf ogt, %get3A_2916, %select_n3A_2858 : vector<16xf32>
      %select_n3A_2919 = arith.select %gt3A_2918, %get3A_2916, %select_n3A_2858 : vector<16xi1>, vector<16xf32>
      %select_n3A_2920 = arith.select %gt3A_2917, %select_n3A_2861, %select_n3A_2919 : vector<16xi1>, vector<16xf32>
      %select_n3A_2921 = arith.select %gt3A_2918, %broadcast_in_dim3A_2864, %select_n3A_2860 : vector<16xi1>, vector<16xi32>
      %select_n3A_2922 = arith.select %gt3A_2917, %select_n3A_2862, %select_n3A_2921 : vector<16xi1>, vector<16xi32>
      %select_n3A_2923 = arith.select %gt3A_2917, %get3A_2916, %select_n3A_2861 : vector<16xi1>, vector<16xf32>
      %select_n3A_2924 = arith.select %gt3A_2917, %broadcast_in_dim3A_2864, %select_n3A_2862 : vector<16xi1>, vector<16xi32>
      %broadcast_in_dim3A_2925 = arith.constant 47 : i32
      %broadcast_in_dim3A_2926 = vector.broadcast %broadcast_in_dim3A_2925 : i32 to vector<16xi32>
      %add3A_2927 = arith.constant 0 : i32
      %add3A_2928 = arith.addi %mul3A_13, %add3A_2927 : i32
      %get3A_2929 = arith.constant 47 : i32
      %get3A_2930 = arith.index_cast %get3A_2929 : i32 to index
      %get3A_2931 = arith.index_cast %add3A_2928 : i32 to index
      %get3A_2932 = tpu.vector_load %arg7[%get3A_2930, %get3A_2931] {strides = array<i32>} : memref<64x1024xf32, #tpu.memory_space<vmem>>, vector<1x16xf32>,
      %get3A_2933 = vector.shape_cast %get3A_2932 : vector<1x16xf32> to vector<16xf32>
      %gt3A_2934 = arith.cmpf ogt, %get3A_2933, %select_n3A_2878 : vector<16xf32>
      %gt3A_2935 = arith.cmpf ogt, %get3A_2933, %select_n3A_2875 : vector<16xf32>
      %select_n3A_2936 = arith.select %gt3A_2935, %get3A_2933, %select_n3A_2875 : vector<16xi1>, vector<16xf32>
      %select_n3A_2937 = arith.select %gt3A_2934, %select_n3A_2878, %select_n3A_2936 : vector<16xi1>, vector<16xf32>
      %select_n3A_2938 = arith.select %gt3A_2935, %broadcast_in_dim3A_2926, %select_n3A_2877 : vector<16xi1>, vector<16xi32>
      %select_n3A_2939 = arith.select %gt3A_2934, %select_n3A_2879, %select_n3A_2938 : vector<16xi1>, vector<16xi32>
      %select_n3A_2940 = arith.select %gt3A_2934, %get3A_2933, %select_n3A_2878 : vector<16xi1>, vector<16xf32>
      %select_n3A_2941 = arith.select %gt3A_2934, %broadcast_in_dim3A_2926, %select_n3A_2879 : vector<16xi1>, vector<16xi32>
      %add3A_2942 = arith.constant 16 : i32
      %add3A_2943 = arith.addi %mul3A_13, %add3A_2942 : i32
      %get3A_2944 = arith.constant 47 : i32
      %get3A_2945 = arith.index_cast %get3A_2944 : i32 to index
      %get3A_2946 = arith.index_cast %add3A_2943 : i32 to index
      %get3A_2947 = tpu.vector_load %arg7[%get3A_2945, %get3A_2946] {strides = array<i32>} : memref<64x1024xf32, #tpu.memory_space<vmem>>, vector<1x16xf32>,
      %get3A_2948 = vector.shape_cast %get3A_2947 : vector<1x16xf32> to vector<16xf32>
      %gt3A_2949 = arith.cmpf ogt, %get3A_2948, %select_n3A_2893 : vector<16xf32>
      %gt3A_2950 = arith.cmpf ogt, %get3A_2948, %select_n3A_2890 : vector<16xf32>
      %select_n3A_2951 = arith.select %gt3A_2950, %get3A_2948, %select_n3A_2890 : vector<16xi1>, vector<16xf32>
      %select_n3A_2952 = arith.select %gt3A_2949, %select_n3A_2893, %select_n3A_2951 : vector<16xi1>, vector<16xf32>
      %select_n3A_2953 = arith.select %gt3A_2950, %broadcast_in_dim3A_2926, %select_n3A_2892 : vector<16xi1>, vector<16xi32>
      %select_n3A_2954 = arith.select %gt3A_2949, %select_n3A_2894, %select_n3A_2953 : vector<16xi1>, vector<16xi32>
      %select_n3A_2955 = arith.select %gt3A_2949, %get3A_2948, %select_n3A_2893 : vector<16xi1>, vector<16xf32>
      %select_n3A_2956 = arith.select %gt3A_2949, %broadcast_in_dim3A_2926, %select_n3A_2894 : vector<16xi1>, vector<16xi32>
      %add3A_2957 = arith.constant 32 : i32
      %add3A_2958 = arith.addi %mul3A_13, %add3A_2957 : i32
      %get3A_2959 = arith.constant 47 : i32
      %get3A_2960 = arith.index_cast %get3A_2959 : i32 to index
      %get3A_2961 = arith.index_cast %add3A_2958 : i32 to index
      %get3A_2962 = tpu.vector_load %arg7[%get3A_2960, %get3A_2961] {strides = array<i32>} : memref<64x1024xf32, #tpu.memory_space<vmem>>, vector<1x16xf32>,
      %get3A_2963 = vector.shape_cast %get3A_2962 : vector<1x16xf32> to vector<16xf32>
      %gt3A_2964 = arith.cmpf ogt, %get3A_2963, %select_n3A_2908 : vector<16xf32>
      %gt3A_2965 = arith.cmpf ogt, %get3A_2963, %select_n3A_2905 : vector<16xf32>
      %select_n3A_2966 = arith.select %gt3A_2965, %get3A_2963, %select_n3A_2905 : vector<16xi1>, vector<16xf32>
      %select_n3A_2967 = arith.select %gt3A_2964, %select_n3A_2908, %select_n3A_2966 : vector<16xi1>, vector<16xf32>
      %select_n3A_2968 = arith.select %gt3A_2965, %broadcast_in_dim3A_2926, %select_n3A_2907 : vector<16xi1>, vector<16xi32>
      %select_n3A_2969 = arith.select %gt3A_2964, %select_n3A_2909, %select_n3A_2968 : vector<16xi1>, vector<16xi32>
      %select_n3A_2970 = arith.select %gt3A_2964, %get3A_2963, %select_n3A_2908 : vector<16xi1>, vector<16xf32>
      %select_n3A_2971 = arith.select %gt3A_2964, %broadcast_in_dim3A_2926, %select_n3A_2909 : vector<16xi1>, vector<16xi32>
      %add3A_2972 = arith.constant 48 : i32
      %add3A_2973 = arith.addi %mul3A_13, %add3A_2972 : i32
      %get3A_2974 = arith.constant 47 : i32
      %get3A_2975 = arith.index_cast %get3A_2974 : i32 to index
      %get3A_2976 = arith.index_cast %add3A_2973 : i32 to index
      %get3A_2977 = tpu.vector_load %arg7[%get3A_2975, %get3A_2976] {strides = array<i32>} : memref<64x1024xf32, #tpu.memory_space<vmem>>, vector<1x16xf32>,
      %get3A_2978 = vector.shape_cast %get3A_2977 : vector<1x16xf32> to vector<16xf32>
      %gt3A_2979 = arith.cmpf ogt, %get3A_2978, %select_n3A_2923 : vector<16xf32>
      %gt3A_2980 = arith.cmpf ogt, %get3A_2978, %select_n3A_2920 : vector<16xf32>
      %select_n3A_2981 = arith.select %gt3A_2980, %get3A_2978, %select_n3A_2920 : vector<16xi1>, vector<16xf32>
      %select_n3A_2982 = arith.select %gt3A_2979, %select_n3A_2923, %select_n3A_2981 : vector<16xi1>, vector<16xf32>
      %select_n3A_2983 = arith.select %gt3A_2980, %broadcast_in_dim3A_2926, %select_n3A_2922 : vector<16xi1>, vector<16xi32>
      %select_n3A_2984 = arith.select %gt3A_2979, %select_n3A_2924, %select_n3A_2983 : vector<16xi1>, vector<16xi32>
      %select_n3A_2985 = arith.select %gt3A_2979, %get3A_2978, %select_n3A_2923 : vector<16xi1>, vector<16xf32>
      %select_n3A_2986 = arith.select %gt3A_2979, %broadcast_in_dim3A_2926, %select_n3A_2924 : vector<16xi1>, vector<16xi32>
      %broadcast_in_dim3A_2987 = arith.constant 48 : i32
      %broadcast_in_dim3A_2988 = vector.broadcast %broadcast_in_dim3A_2987 : i32 to vector<16xi32>
      %add3A_2989 = arith.constant 0 : i32
      %add3A_2990 = arith.addi %mul3A_13, %add3A_2989 : i32
      %get3A_2991 = arith.constant 48 : i32
      %get3A_2992 = arith.index_cast %get3A_2991 : i32 to index
      %get3A_2993 = arith.index_cast %add3A_2990 : i32 to index
      %get3A_2994 = tpu.vector_load %arg7[%get3A_2992, %get3A_2993] {strides = array<i32>} : memref<64x1024xf32, #tpu.memory_space<vmem>>, vector<1x16xf32>,
      %get3A_2995 = vector.shape_cast %get3A_2994 : vector<1x16xf32> to vector<16xf32>
      %gt3A_2996 = arith.cmpf ogt, %get3A_2995, %select_n3A_2940 : vector<16xf32>
      %gt3A_2997 = arith.cmpf ogt, %get3A_2995, %select_n3A_2937 : vector<16xf32>
      %select_n3A_2998 = arith.select %gt3A_2997, %get3A_2995, %select_n3A_2937 : vector<16xi1>, vector<16xf32>
      %select_n3A_2999 = arith.select %gt3A_2996, %select_n3A_2940, %select_n3A_2998 : vector<16xi1>, vector<16xf32>
      %select_n3A_3000 = arith.select %gt3A_2997, %broadcast_in_dim3A_2988, %select_n3A_2939 : vector<16xi1>, vector<16xi32>
      %select_n3A_3001 = arith.select %gt3A_2996, %select_n3A_2941, %select_n3A_3000 : vector<16xi1>, vector<16xi32>
      %select_n3A_3002 = arith.select %gt3A_2996, %get3A_2995, %select_n3A_2940 : vector<16xi1>, vector<16xf32>
      %select_n3A_3003 = arith.select %gt3A_2996, %broadcast_in_dim3A_2988, %select_n3A_2941 : vector<16xi1>, vector<16xi32>
      %add3A_3004 = arith.constant 16 : i32
      %add3A_3005 = arith.addi %mul3A_13, %add3A_3004 : i32
      %get3A_3006 = arith.constant 48 : i32
      %get3A_3007 = arith.index_cast %get3A_3006 : i32 to index
      %get3A_3008 = arith.index_cast %add3A_3005 : i32 to index
      %get3A_3009 = tpu.vector_load %arg7[%get3A_3007, %get3A_3008] {strides = array<i32>} : memref<64x1024xf32, #tpu.memory_space<vmem>>, vector<1x16xf32>,
      %get3A_3010 = vector.shape_cast %get3A_3009 : vector<1x16xf32> to vector<16xf32>
      %gt3A_3011 = arith.cmpf ogt, %get3A_3010, %select_n3A_2955 : vector<16xf32>
      %gt3A_3012 = arith.cmpf ogt, %get3A_3010, %select_n3A_2952 : vector<16xf32>
      %select_n3A_3013 = arith.select %gt3A_3012, %get3A_3010, %select_n3A_2952 : vector<16xi1>, vector<16xf32>
      %select_n3A_3014 = arith.select %gt3A_3011, %select_n3A_2955, %select_n3A_3013 : vector<16xi1>, vector<16xf32>
      %select_n3A_3015 = arith.select %gt3A_3012, %broadcast_in_dim3A_2988, %select_n3A_2954 : vector<16xi1>, vector<16xi32>
      %select_n3A_3016 = arith.select %gt3A_3011, %select_n3A_2956, %select_n3A_3015 : vector<16xi1>, vector<16xi32>
      %select_n3A_3017 = arith.select %gt3A_3011, %get3A_3010, %select_n3A_2955 : vector<16xi1>, vector<16xf32>
      %select_n3A_3018 = arith.select %gt3A_3011, %broadcast_in_dim3A_2988, %select_n3A_2956 : vector<16xi1>, vector<16xi32>
      %add3A_3019 = arith.constant 32 : i32
      %add3A_3020 = arith.addi %mul3A_13, %add3A_3019 : i32
      %get3A_3021 = arith.constant 48 : i32
      %get3A_3022 = arith.index_cast %get3A_3021 : i32 to index
      %get3A_3023 = arith.index_cast %add3A_3020 : i32 to index
      %get3A_3024 = tpu.vector_load %arg7[%get3A_3022, %get3A_3023] {strides = array<i32>} : memref<64x1024xf32, #tpu.memory_space<vmem>>, vector<1x16xf32>,
      %get3A_3025 = vector.shape_cast %get3A_3024 : vector<1x16xf32> to vector<16xf32>
      %gt3A_3026 = arith.cmpf ogt, %get3A_3025, %select_n3A_2970 : vector<16xf32>
      %gt3A_3027 = arith.cmpf ogt, %get3A_3025, %select_n3A_2967 : vector<16xf32>
      %select_n3A_3028 = arith.select %gt3A_3027, %get3A_3025, %select_n3A_2967 : vector<16xi1>, vector<16xf32>
      %select_n3A_3029 = arith.select %gt3A_3026, %select_n3A_2970, %select_n3A_3028 : vector<16xi1>, vector<16xf32>
      %select_n3A_3030 = arith.select %gt3A_3027, %broadcast_in_dim3A_2988, %select_n3A_2969 : vector<16xi1>, vector<16xi32>
      %select_n3A_3031 = arith.select %gt3A_3026, %select_n3A_2971, %select_n3A_3030 : vector<16xi1>, vector<16xi32>
      %select_n3A_3032 = arith.select %gt3A_3026, %get3A_3025, %select_n3A_2970 : vector<16xi1>, vector<16xf32>
      %select_n3A_3033 = arith.select %gt3A_3026, %broadcast_in_dim3A_2988, %select_n3A_2971 : vector<16xi1>, vector<16xi32>
      %add3A_3034 = arith.constant 48 : i32
      %add3A_3035 = arith.addi %mul3A_13, %add3A_3034 : i32
      %get3A_3036 = arith.constant 48 : i32
      %get3A_3037 = arith.index_cast %get3A_3036 : i32 to index
      %get3A_3038 = arith.index_cast %add3A_3035 : i32 to index
      %get3A_3039 = tpu.vector_load %arg7[%get3A_3037, %get3A_3038] {strides = array<i32>} : memref<64x1024xf32, #tpu.memory_space<vmem>>, vector<1x16xf32>,
      %get3A_3040 = vector.shape_cast %get3A_3039 : vector<1x16xf32> to vector<16xf32>
      %gt3A_3041 = arith.cmpf ogt, %get3A_3040, %select_n3A_2985 : vector<16xf32>
      %gt3A_3042 = arith.cmpf ogt, %get3A_3040, %select_n3A_2982 : vector<16xf32>
      %select_n3A_3043 = arith.select %gt3A_3042, %get3A_3040, %select_n3A_2982 : vector<16xi1>, vector<16xf32>
      %select_n3A_3044 = arith.select %gt3A_3041, %select_n3A_2985, %select_n3A_3043 : vector<16xi1>, vector<16xf32>
      %select_n3A_3045 = arith.select %gt3A_3042, %broadcast_in_dim3A_2988, %select_n3A_2984 : vector<16xi1>, vector<16xi32>
      %select_n3A_3046 = arith.select %gt3A_3041, %select_n3A_2986, %select_n3A_3045 : vector<16xi1>, vector<16xi32>
      %select_n3A_3047 = arith.select %gt3A_3041, %get3A_3040, %select_n3A_2985 : vector<16xi1>, vector<16xf32>
      %select_n3A_3048 = arith.select %gt3A_3041, %broadcast_in_dim3A_2988, %select_n3A_2986 : vector<16xi1>, vector<16xi32>
      %broadcast_in_dim3A_3049 = arith.constant 49 : i32
      %broadcast_in_dim3A_3050 = vector.broadcast %broadcast_in_dim3A_3049 : i32 to vector<16xi32>
      %add3A_3051 = arith.constant 0 : i32
      %add3A_3052 = arith.addi %mul3A_13, %add3A_3051 : i32
      %get3A_3053 = arith.constant 49 : i32
      %get3A_3054 = arith.index_cast %get3A_3053 : i32 to index
      %get3A_3055 = arith.index_cast %add3A_3052 : i32 to index
      %get3A_3056 = tpu.vector_load %arg7[%get3A_3054, %get3A_3055] {strides = array<i32>} : memref<64x1024xf32, #tpu.memory_space<vmem>>, vector<1x16xf32>,
      %get3A_3057 = vector.shape_cast %get3A_3056 : vector<1x16xf32> to vector<16xf32>
      %gt3A_3058 = arith.cmpf ogt, %get3A_3057, %select_n3A_3002 : vector<16xf32>
      %gt3A_3059 = arith.cmpf ogt, %get3A_3057, %select_n3A_2999 : vector<16xf32>
      %select_n3A_3060 = arith.select %gt3A_3059, %get3A_3057, %select_n3A_2999 : vector<16xi1>, vector<16xf32>
      %select_n3A_3061 = arith.select %gt3A_3058, %select_n3A_3002, %select_n3A_3060 : vector<16xi1>, vector<16xf32>
      %select_n3A_3062 = arith.select %gt3A_3059, %broadcast_in_dim3A_3050, %select_n3A_3001 : vector<16xi1>, vector<16xi32>
      %select_n3A_3063 = arith.select %gt3A_3058, %select_n3A_3003, %select_n3A_3062 : vector<16xi1>, vector<16xi32>
      %select_n3A_3064 = arith.select %gt3A_3058, %get3A_3057, %select_n3A_3002 : vector<16xi1>, vector<16xf32>
      %select_n3A_3065 = arith.select %gt3A_3058, %broadcast_in_dim3A_3050, %select_n3A_3003 : vector<16xi1>, vector<16xi32>
      %add3A_3066 = arith.constant 16 : i32
      %add3A_3067 = arith.addi %mul3A_13, %add3A_3066 : i32
      %get3A_3068 = arith.constant 49 : i32
      %get3A_3069 = arith.index_cast %get3A_3068 : i32 to index
      %get3A_3070 = arith.index_cast %add3A_3067 : i32 to index
      %get3A_3071 = tpu.vector_load %arg7[%get3A_3069, %get3A_3070] {strides = array<i32>} : memref<64x1024xf32, #tpu.memory_space<vmem>>, vector<1x16xf32>,
      %get3A_3072 = vector.shape_cast %get3A_3071 : vector<1x16xf32> to vector<16xf32>
      %gt3A_3073 = arith.cmpf ogt, %get3A_3072, %select_n3A_3017 : vector<16xf32>
      %gt3A_3074 = arith.cmpf ogt, %get3A_3072, %select_n3A_3014 : vector<16xf32>
      %select_n3A_3075 = arith.select %gt3A_3074, %get3A_3072, %select_n3A_3014 : vector<16xi1>, vector<16xf32>
      %select_n3A_3076 = arith.select %gt3A_3073, %select_n3A_3017, %select_n3A_3075 : vector<16xi1>, vector<16xf32>
      %select_n3A_3077 = arith.select %gt3A_3074, %broadcast_in_dim3A_3050, %select_n3A_3016 : vector<16xi1>, vector<16xi32>
      %select_n3A_3078 = arith.select %gt3A_3073, %select_n3A_3018, %select_n3A_3077 : vector<16xi1>, vector<16xi32>
      %select_n3A_3079 = arith.select %gt3A_3073, %get3A_3072, %select_n3A_3017 : vector<16xi1>, vector<16xf32>
      %select_n3A_3080 = arith.select %gt3A_3073, %broadcast_in_dim3A_3050, %select_n3A_3018 : vector<16xi1>, vector<16xi32>
      %add3A_3081 = arith.constant 32 : i32
      %add3A_3082 = arith.addi %mul3A_13, %add3A_3081 : i32
      %get3A_3083 = arith.constant 49 : i32
      %get3A_3084 = arith.index_cast %get3A_3083 : i32 to index
      %get3A_3085 = arith.index_cast %add3A_3082 : i32 to index
      %get3A_3086 = tpu.vector_load %arg7[%get3A_3084, %get3A_3085] {strides = array<i32>} : memref<64x1024xf32, #tpu.memory_space<vmem>>, vector<1x16xf32>,
      %get3A_3087 = vector.shape_cast %get3A_3086 : vector<1x16xf32> to vector<16xf32>
      %gt3A_3088 = arith.cmpf ogt, %get3A_3087, %select_n3A_3032 : vector<16xf32>
      %gt3A_3089 = arith.cmpf ogt, %get3A_3087, %select_n3A_3029 : vector<16xf32>
      %select_n3A_3090 = arith.select %gt3A_3089, %get3A_3087, %select_n3A_3029 : vector<16xi1>, vector<16xf32>
      %select_n3A_3091 = arith.select %gt3A_3088, %select_n3A_3032, %select_n3A_3090 : vector<16xi1>, vector<16xf32>
      %select_n3A_3092 = arith.select %gt3A_3089, %broadcast_in_dim3A_3050, %select_n3A_3031 : vector<16xi1>, vector<16xi32>
      %select_n3A_3093 = arith.select %gt3A_3088, %select_n3A_3033, %select_n3A_3092 : vector<16xi1>, vector<16xi32>
      %select_n3A_3094 = arith.select %gt3A_3088, %get3A_3087, %select_n3A_3032 : vector<16xi1>, vector<16xf32>
      %select_n3A_3095 = arith.select %gt3A_3088, %broadcast_in_dim3A_3050, %select_n3A_3033 : vector<16xi1>, vector<16xi32>
      %add3A_3096 = arith.constant 48 : i32
      %add3A_3097 = arith.addi %mul3A_13, %add3A_3096 : i32
      %get3A_3098 = arith.constant 49 : i32
      %get3A_3099 = arith.index_cast %get3A_3098 : i32 to index
      %get3A_3100 = arith.index_cast %add3A_3097 : i32 to index
      %get3A_3101 = tpu.vector_load %arg7[%get3A_3099, %get3A_3100] {strides = array<i32>} : memref<64x1024xf32, #tpu.memory_space<vmem>>, vector<1x16xf32>,
      %get3A_3102 = vector.shape_cast %get3A_3101 : vector<1x16xf32> to vector<16xf32>
      %gt3A_3103 = arith.cmpf ogt, %get3A_3102, %select_n3A_3047 : vector<16xf32>
      %gt3A_3104 = arith.cmpf ogt, %get3A_3102, %select_n3A_3044 : vector<16xf32>
      %select_n3A_3105 = arith.select %gt3A_3104, %get3A_3102, %select_n3A_3044 : vector<16xi1>, vector<16xf32>
      %select_n3A_3106 = arith.select %gt3A_3103, %select_n3A_3047, %select_n3A_3105 : vector<16xi1>, vector<16xf32>
      %select_n3A_3107 = arith.select %gt3A_3104, %broadcast_in_dim3A_3050, %select_n3A_3046 : vector<16xi1>, vector<16xi32>
      %select_n3A_3108 = arith.select %gt3A_3103, %select_n3A_3048, %select_n3A_3107 : vector<16xi1>, vector<16xi32>
      %select_n3A_3109 = arith.select %gt3A_3103, %get3A_3102, %select_n3A_3047 : vector<16xi1>, vector<16xf32>
      %select_n3A_3110 = arith.select %gt3A_3103, %broadcast_in_dim3A_3050, %select_n3A_3048 : vector<16xi1>, vector<16xi32>
      %broadcast_in_dim3A_3111 = arith.constant 50 : i32
      %broadcast_in_dim3A_3112 = vector.broadcast %broadcast_in_dim3A_3111 : i32 to vector<16xi32>
      %add3A_3113 = arith.constant 0 : i32
      %add3A_3114 = arith.addi %mul3A_13, %add3A_3113 : i32
      %get3A_3115 = arith.constant 50 : i32
      %get3A_3116 = arith.index_cast %get3A_3115 : i32 to index
      %get3A_3117 = arith.index_cast %add3A_3114 : i32 to index
      %get3A_3118 = tpu.vector_load %arg7[%get3A_3116, %get3A_3117] {strides = array<i32>} : memref<64x1024xf32, #tpu.memory_space<vmem>>, vector<1x16xf32>,
      %get3A_3119 = vector.shape_cast %get3A_3118 : vector<1x16xf32> to vector<16xf32>
      %gt3A_3120 = arith.cmpf ogt, %get3A_3119, %select_n3A_3064 : vector<16xf32>
      %gt3A_3121 = arith.cmpf ogt, %get3A_3119, %select_n3A_3061 : vector<16xf32>
      %select_n3A_3122 = arith.select %gt3A_3121, %get3A_3119, %select_n3A_3061 : vector<16xi1>, vector<16xf32>
      %select_n3A_3123 = arith.select %gt3A_3120, %select_n3A_3064, %select_n3A_3122 : vector<16xi1>, vector<16xf32>
      %select_n3A_3124 = arith.select %gt3A_3121, %broadcast_in_dim3A_3112, %select_n3A_3063 : vector<16xi1>, vector<16xi32>
      %select_n3A_3125 = arith.select %gt3A_3120, %select_n3A_3065, %select_n3A_3124 : vector<16xi1>, vector<16xi32>
      %select_n3A_3126 = arith.select %gt3A_3120, %get3A_3119, %select_n3A_3064 : vector<16xi1>, vector<16xf32>
      %select_n3A_3127 = arith.select %gt3A_3120, %broadcast_in_dim3A_3112, %select_n3A_3065 : vector<16xi1>, vector<16xi32>
      %add3A_3128 = arith.constant 16 : i32
      %add3A_3129 = arith.addi %mul3A_13, %add3A_3128 : i32
      %get3A_3130 = arith.constant 50 : i32
      %get3A_3131 = arith.index_cast %get3A_3130 : i32 to index
      %get3A_3132 = arith.index_cast %add3A_3129 : i32 to index
      %get3A_3133 = tpu.vector_load %arg7[%get3A_3131, %get3A_3132] {strides = array<i32>} : memref<64x1024xf32, #tpu.memory_space<vmem>>, vector<1x16xf32>,
      %get3A_3134 = vector.shape_cast %get3A_3133 : vector<1x16xf32> to vector<16xf32>
      %gt3A_3135 = arith.cmpf ogt, %get3A_3134, %select_n3A_3079 : vector<16xf32>
      %gt3A_3136 = arith.cmpf ogt, %get3A_3134, %select_n3A_3076 : vector<16xf32>
      %select_n3A_3137 = arith.select %gt3A_3136, %get3A_3134, %select_n3A_3076 : vector<16xi1>, vector<16xf32>
      %select_n3A_3138 = arith.select %gt3A_3135, %select_n3A_3079, %select_n3A_3137 : vector<16xi1>, vector<16xf32>
      %select_n3A_3139 = arith.select %gt3A_3136, %broadcast_in_dim3A_3112, %select_n3A_3078 : vector<16xi1>, vector<16xi32>
      %select_n3A_3140 = arith.select %gt3A_3135, %select_n3A_3080, %select_n3A_3139 : vector<16xi1>, vector<16xi32>
      %select_n3A_3141 = arith.select %gt3A_3135, %get3A_3134, %select_n3A_3079 : vector<16xi1>, vector<16xf32>
      %select_n3A_3142 = arith.select %gt3A_3135, %broadcast_in_dim3A_3112, %select_n3A_3080 : vector<16xi1>, vector<16xi32>
      %add3A_3143 = arith.constant 32 : i32
      %add3A_3144 = arith.addi %mul3A_13, %add3A_3143 : i32
      %get3A_3145 = arith.constant 50 : i32
      %get3A_3146 = arith.index_cast %get3A_3145 : i32 to index
      %get3A_3147 = arith.index_cast %add3A_3144 : i32 to index
      %get3A_3148 = tpu.vector_load %arg7[%get3A_3146, %get3A_3147] {strides = array<i32>} : memref<64x1024xf32, #tpu.memory_space<vmem>>, vector<1x16xf32>,
      %get3A_3149 = vector.shape_cast %get3A_3148 : vector<1x16xf32> to vector<16xf32>
      %gt3A_3150 = arith.cmpf ogt, %get3A_3149, %select_n3A_3094 : vector<16xf32>
      %gt3A_3151 = arith.cmpf ogt, %get3A_3149, %select_n3A_3091 : vector<16xf32>
      %select_n3A_3152 = arith.select %gt3A_3151, %get3A_3149, %select_n3A_3091 : vector<16xi1>, vector<16xf32>
      %select_n3A_3153 = arith.select %gt3A_3150, %select_n3A_3094, %select_n3A_3152 : vector<16xi1>, vector<16xf32>
      %select_n3A_3154 = arith.select %gt3A_3151, %broadcast_in_dim3A_3112, %select_n3A_3093 : vector<16xi1>, vector<16xi32>
      %select_n3A_3155 = arith.select %gt3A_3150, %select_n3A_3095, %select_n3A_3154 : vector<16xi1>, vector<16xi32>
      %select_n3A_3156 = arith.select %gt3A_3150, %get3A_3149, %select_n3A_3094 : vector<16xi1>, vector<16xf32>
      %select_n3A_3157 = arith.select %gt3A_3150, %broadcast_in_dim3A_3112, %select_n3A_3095 : vector<16xi1>, vector<16xi32>
      %add3A_3158 = arith.constant 48 : i32
      %add3A_3159 = arith.addi %mul3A_13, %add3A_3158 : i32
      %get3A_3160 = arith.constant 50 : i32
      %get3A_3161 = arith.index_cast %get3A_3160 : i32 to index
      %get3A_3162 = arith.index_cast %add3A_3159 : i32 to index
      %get3A_3163 = tpu.vector_load %arg7[%get3A_3161, %get3A_3162] {strides = array<i32>} : memref<64x1024xf32, #tpu.memory_space<vmem>>, vector<1x16xf32>,
      %get3A_3164 = vector.shape_cast %get3A_3163 : vector<1x16xf32> to vector<16xf32>
      %gt3A_3165 = arith.cmpf ogt, %get3A_3164, %select_n3A_3109 : vector<16xf32>
      %gt3A_3166 = arith.cmpf ogt, %get3A_3164, %select_n3A_3106 : vector<16xf32>
      %select_n3A_3167 = arith.select %gt3A_3166, %get3A_3164, %select_n3A_3106 : vector<16xi1>, vector<16xf32>
      %select_n3A_3168 = arith.select %gt3A_3165, %select_n3A_3109, %select_n3A_3167 : vector<16xi1>, vector<16xf32>
      %select_n3A_3169 = arith.select %gt3A_3166, %broadcast_in_dim3A_3112, %select_n3A_3108 : vector<16xi1>, vector<16xi32>
      %select_n3A_3170 = arith.select %gt3A_3165, %select_n3A_3110, %select_n3A_3169 : vector<16xi1>, vector<16xi32>
      %select_n3A_3171 = arith.select %gt3A_3165, %get3A_3164, %select_n3A_3109 : vector<16xi1>, vector<16xf32>
      %select_n3A_3172 = arith.select %gt3A_3165, %broadcast_in_dim3A_3112, %select_n3A_3110 : vector<16xi1>, vector<16xi32>
      %broadcast_in_dim3A_3173 = arith.constant 51 : i32
      %broadcast_in_dim3A_3174 = vector.broadcast %broadcast_in_dim3A_3173 : i32 to vector<16xi32>
      %add3A_3175 = arith.constant 0 : i32
      %add3A_3176 = arith.addi %mul3A_13, %add3A_3175 : i32
      %get3A_3177 = arith.constant 51 : i32
      %get3A_3178 = arith.index_cast %get3A_3177 : i32 to index
      %get3A_3179 = arith.index_cast %add3A_3176 : i32 to index
      %get3A_3180 = tpu.vector_load %arg7[%get3A_3178, %get3A_3179] {strides = array<i32>} : memref<64x1024xf32, #tpu.memory_space<vmem>>, vector<1x16xf32>,
      %get3A_3181 = vector.shape_cast %get3A_3180 : vector<1x16xf32> to vector<16xf32>
      %gt3A_3182 = arith.cmpf ogt, %get3A_3181, %select_n3A_3126 : vector<16xf32>
      %gt3A_3183 = arith.cmpf ogt, %get3A_3181, %select_n3A_3123 : vector<16xf32>
      %select_n3A_3184 = arith.select %gt3A_3183, %get3A_3181, %select_n3A_3123 : vector<16xi1>, vector<16xf32>
      %select_n3A_3185 = arith.select %gt3A_3182, %select_n3A_3126, %select_n3A_3184 : vector<16xi1>, vector<16xf32>
      %select_n3A_3186 = arith.select %gt3A_3183, %broadcast_in_dim3A_3174, %select_n3A_3125 : vector<16xi1>, vector<16xi32>
      %select_n3A_3187 = arith.select %gt3A_3182, %select_n3A_3127, %select_n3A_3186 : vector<16xi1>, vector<16xi32>
      %select_n3A_3188 = arith.select %gt3A_3182, %get3A_3181, %select_n3A_3126 : vector<16xi1>, vector<16xf32>
      %select_n3A_3189 = arith.select %gt3A_3182, %broadcast_in_dim3A_3174, %select_n3A_3127 : vector<16xi1>, vector<16xi32>
      %add3A_3190 = arith.constant 16 : i32
      %add3A_3191 = arith.addi %mul3A_13, %add3A_3190 : i32
      %get3A_3192 = arith.constant 51 : i32
      %get3A_3193 = arith.index_cast %get3A_3192 : i32 to index
      %get3A_3194 = arith.index_cast %add3A_3191 : i32 to index
      %get3A_3195 = tpu.vector_load %arg7[%get3A_3193, %get3A_3194] {strides = array<i32>} : memref<64x1024xf32, #tpu.memory_space<vmem>>, vector<1x16xf32>,
      %get3A_3196 = vector.shape_cast %get3A_3195 : vector<1x16xf32> to vector<16xf32>
      %gt3A_3197 = arith.cmpf ogt, %get3A_3196, %select_n3A_3141 : vector<16xf32>
      %gt3A_3198 = arith.cmpf ogt, %get3A_3196, %select_n3A_3138 : vector<16xf32>
      %select_n3A_3199 = arith.select %gt3A_3198, %get3A_3196, %select_n3A_3138 : vector<16xi1>, vector<16xf32>
      %select_n3A_3200 = arith.select %gt3A_3197, %select_n3A_3141, %select_n3A_3199 : vector<16xi1>, vector<16xf32>
      %select_n3A_3201 = arith.select %gt3A_3198, %broadcast_in_dim3A_3174, %select_n3A_3140 : vector<16xi1>, vector<16xi32>
      %select_n3A_3202 = arith.select %gt3A_3197, %select_n3A_3142, %select_n3A_3201 : vector<16xi1>, vector<16xi32>
      %select_n3A_3203 = arith.select %gt3A_3197, %get3A_3196, %select_n3A_3141 : vector<16xi1>, vector<16xf32>
      %select_n3A_3204 = arith.select %gt3A_3197, %broadcast_in_dim3A_3174, %select_n3A_3142 : vector<16xi1>, vector<16xi32>
      %add3A_3205 = arith.constant 32 : i32
      %add3A_3206 = arith.addi %mul3A_13, %add3A_3205 : i32
      %get3A_3207 = arith.constant 51 : i32
      %get3A_3208 = arith.index_cast %get3A_3207 : i32 to index
      %get3A_3209 = arith.index_cast %add3A_3206 : i32 to index
      %get3A_3210 = tpu.vector_load %arg7[%get3A_3208, %get3A_3209] {strides = array<i32>} : memref<64x1024xf32, #tpu.memory_space<vmem>>, vector<1x16xf32>,
      %get3A_3211 = vector.shape_cast %get3A_3210 : vector<1x16xf32> to vector<16xf32>
      %gt3A_3212 = arith.cmpf ogt, %get3A_3211, %select_n3A_3156 : vector<16xf32>
      %gt3A_3213 = arith.cmpf ogt, %get3A_3211, %select_n3A_3153 : vector<16xf32>
      %select_n3A_3214 = arith.select %gt3A_3213, %get3A_3211, %select_n3A_3153 : vector<16xi1>, vector<16xf32>
      %select_n3A_3215 = arith.select %gt3A_3212, %select_n3A_3156, %select_n3A_3214 : vector<16xi1>, vector<16xf32>
      %select_n3A_3216 = arith.select %gt3A_3213, %broadcast_in_dim3A_3174, %select_n3A_3155 : vector<16xi1>, vector<16xi32>
      %select_n3A_3217 = arith.select %gt3A_3212, %select_n3A_3157, %select_n3A_3216 : vector<16xi1>, vector<16xi32>
      %select_n3A_3218 = arith.select %gt3A_3212, %get3A_3211, %select_n3A_3156 : vector<16xi1>, vector<16xf32>
      %select_n3A_3219 = arith.select %gt3A_3212, %broadcast_in_dim3A_3174, %select_n3A_3157 : vector<16xi1>, vector<16xi32>
      %add3A_3220 = arith.constant 48 : i32
      %add3A_3221 = arith.addi %mul3A_13, %add3A_3220 : i32
      %get3A_3222 = arith.constant 51 : i32
      %get3A_3223 = arith.index_cast %get3A_3222 : i32 to index
      %get3A_3224 = arith.index_cast %add3A_3221 : i32 to index
      %get3A_3225 = tpu.vector_load %arg7[%get3A_3223, %get3A_3224] {strides = array<i32>} : memref<64x1024xf32, #tpu.memory_space<vmem>>, vector<1x16xf32>,
      %get3A_3226 = vector.shape_cast %get3A_3225 : vector<1x16xf32> to vector<16xf32>
      %gt3A_3227 = arith.cmpf ogt, %get3A_3226, %select_n3A_3171 : vector<16xf32>
      %gt3A_3228 = arith.cmpf ogt, %get3A_3226, %select_n3A_3168 : vector<16xf32>
      %select_n3A_3229 = arith.select %gt3A_3228, %get3A_3226, %select_n3A_3168 : vector<16xi1>, vector<16xf32>
      %select_n3A_3230 = arith.select %gt3A_3227, %select_n3A_3171, %select_n3A_3229 : vector<16xi1>, vector<16xf32>
      %select_n3A_3231 = arith.select %gt3A_3228, %broadcast_in_dim3A_3174, %select_n3A_3170 : vector<16xi1>, vector<16xi32>
      %select_n3A_3232 = arith.select %gt3A_3227, %select_n3A_3172, %select_n3A_3231 : vector<16xi1>, vector<16xi32>
      %select_n3A_3233 = arith.select %gt3A_3227, %get3A_3226, %select_n3A_3171 : vector<16xi1>, vector<16xf32>
      %select_n3A_3234 = arith.select %gt3A_3227, %broadcast_in_dim3A_3174, %select_n3A_3172 : vector<16xi1>, vector<16xi32>
      %broadcast_in_dim3A_3235 = arith.constant 52 : i32
      %broadcast_in_dim3A_3236 = vector.broadcast %broadcast_in_dim3A_3235 : i32 to vector<16xi32>
      %add3A_3237 = arith.constant 0 : i32
      %add3A_3238 = arith.addi %mul3A_13, %add3A_3237 : i32
      %get3A_3239 = arith.constant 52 : i32
      %get3A_3240 = arith.index_cast %get3A_3239 : i32 to index
      %get3A_3241 = arith.index_cast %add3A_3238 : i32 to index
      %get3A_3242 = tpu.vector_load %arg7[%get3A_3240, %get3A_3241] {strides = array<i32>} : memref<64x1024xf32, #tpu.memory_space<vmem>>, vector<1x16xf32>,
      %get3A_3243 = vector.shape_cast %get3A_3242 : vector<1x16xf32> to vector<16xf32>
      %gt3A_3244 = arith.cmpf ogt, %get3A_3243, %select_n3A_3188 : vector<16xf32>
      %gt3A_3245 = arith.cmpf ogt, %get3A_3243, %select_n3A_3185 : vector<16xf32>
      %select_n3A_3246 = arith.select %gt3A_3245, %get3A_3243, %select_n3A_3185 : vector<16xi1>, vector<16xf32>
      %select_n3A_3247 = arith.select %gt3A_3244, %select_n3A_3188, %select_n3A_3246 : vector<16xi1>, vector<16xf32>
      %select_n3A_3248 = arith.select %gt3A_3245, %broadcast_in_dim3A_3236, %select_n3A_3187 : vector<16xi1>, vector<16xi32>
      %select_n3A_3249 = arith.select %gt3A_3244, %select_n3A_3189, %select_n3A_3248 : vector<16xi1>, vector<16xi32>
      %select_n3A_3250 = arith.select %gt3A_3244, %get3A_3243, %select_n3A_3188 : vector<16xi1>, vector<16xf32>
      %select_n3A_3251 = arith.select %gt3A_3244, %broadcast_in_dim3A_3236, %select_n3A_3189 : vector<16xi1>, vector<16xi32>
      %add3A_3252 = arith.constant 16 : i32
      %add3A_3253 = arith.addi %mul3A_13, %add3A_3252 : i32
      %get3A_3254 = arith.constant 52 : i32
      %get3A_3255 = arith.index_cast %get3A_3254 : i32 to index
      %get3A_3256 = arith.index_cast %add3A_3253 : i32 to index
      %get3A_3257 = tpu.vector_load %arg7[%get3A_3255, %get3A_3256] {strides = array<i32>} : memref<64x1024xf32, #tpu.memory_space<vmem>>, vector<1x16xf32>,
      %get3A_3258 = vector.shape_cast %get3A_3257 : vector<1x16xf32> to vector<16xf32>
      %gt3A_3259 = arith.cmpf ogt, %get3A_3258, %select_n3A_3203 : vector<16xf32>
      %gt3A_3260 = arith.cmpf ogt, %get3A_3258, %select_n3A_3200 : vector<16xf32>
      %select_n3A_3261 = arith.select %gt3A_3260, %get3A_3258, %select_n3A_3200 : vector<16xi1>, vector<16xf32>
      %select_n3A_3262 = arith.select %gt3A_3259, %select_n3A_3203, %select_n3A_3261 : vector<16xi1>, vector<16xf32>
      %select_n3A_3263 = arith.select %gt3A_3260, %broadcast_in_dim3A_3236, %select_n3A_3202 : vector<16xi1>, vector<16xi32>
      %select_n3A_3264 = arith.select %gt3A_3259, %select_n3A_3204, %select_n3A_3263 : vector<16xi1>, vector<16xi32>
      %select_n3A_3265 = arith.select %gt3A_3259, %get3A_3258, %select_n3A_3203 : vector<16xi1>, vector<16xf32>
      %select_n3A_3266 = arith.select %gt3A_3259, %broadcast_in_dim3A_3236, %select_n3A_3204 : vector<16xi1>, vector<16xi32>
      %add3A_3267 = arith.constant 32 : i32
      %add3A_3268 = arith.addi %mul3A_13, %add3A_3267 : i32
      %get3A_3269 = arith.constant 52 : i32
      %get3A_3270 = arith.index_cast %get3A_3269 : i32 to index
      %get3A_3271 = arith.index_cast %add3A_3268 : i32 to index
      %get3A_3272 = tpu.vector_load %arg7[%get3A_3270, %get3A_3271] {strides = array<i32>} : memref<64x1024xf32, #tpu.memory_space<vmem>>, vector<1x16xf32>,
      %get3A_3273 = vector.shape_cast %get3A_3272 : vector<1x16xf32> to vector<16xf32>
      %gt3A_3274 = arith.cmpf ogt, %get3A_3273, %select_n3A_3218 : vector<16xf32>
      %gt3A_3275 = arith.cmpf ogt, %get3A_3273, %select_n3A_3215 : vector<16xf32>
      %select_n3A_3276 = arith.select %gt3A_3275, %get3A_3273, %select_n3A_3215 : vector<16xi1>, vector<16xf32>
      %select_n3A_3277 = arith.select %gt3A_3274, %select_n3A_3218, %select_n3A_3276 : vector<16xi1>, vector<16xf32>
      %select_n3A_3278 = arith.select %gt3A_3275, %broadcast_in_dim3A_3236, %select_n3A_3217 : vector<16xi1>, vector<16xi32>
      %select_n3A_3279 = arith.select %gt3A_3274, %select_n3A_3219, %select_n3A_3278 : vector<16xi1>, vector<16xi32>
      %select_n3A_3280 = arith.select %gt3A_3274, %get3A_3273, %select_n3A_3218 : vector<16xi1>, vector<16xf32>
      %select_n3A_3281 = arith.select %gt3A_3274, %broadcast_in_dim3A_3236, %select_n3A_3219 : vector<16xi1>, vector<16xi32>
      %add3A_3282 = arith.constant 48 : i32
      %add3A_3283 = arith.addi %mul3A_13, %add3A_3282 : i32
      %get3A_3284 = arith.constant 52 : i32
      %get3A_3285 = arith.index_cast %get3A_3284 : i32 to index
      %get3A_3286 = arith.index_cast %add3A_3283 : i32 to index
      %get3A_3287 = tpu.vector_load %arg7[%get3A_3285, %get3A_3286] {strides = array<i32>} : memref<64x1024xf32, #tpu.memory_space<vmem>>, vector<1x16xf32>,
      %get3A_3288 = vector.shape_cast %get3A_3287 : vector<1x16xf32> to vector<16xf32>
      %gt3A_3289 = arith.cmpf ogt, %get3A_3288, %select_n3A_3233 : vector<16xf32>
      %gt3A_3290 = arith.cmpf ogt, %get3A_3288, %select_n3A_3230 : vector<16xf32>
      %select_n3A_3291 = arith.select %gt3A_3290, %get3A_3288, %select_n3A_3230 : vector<16xi1>, vector<16xf32>
      %select_n3A_3292 = arith.select %gt3A_3289, %select_n3A_3233, %select_n3A_3291 : vector<16xi1>, vector<16xf32>
      %select_n3A_3293 = arith.select %gt3A_3290, %broadcast_in_dim3A_3236, %select_n3A_3232 : vector<16xi1>, vector<16xi32>
      %select_n3A_3294 = arith.select %gt3A_3289, %select_n3A_3234, %select_n3A_3293 : vector<16xi1>, vector<16xi32>
      %select_n3A_3295 = arith.select %gt3A_3289, %get3A_3288, %select_n3A_3233 : vector<16xi1>, vector<16xf32>
      %select_n3A_3296 = arith.select %gt3A_3289, %broadcast_in_dim3A_3236, %select_n3A_3234 : vector<16xi1>, vector<16xi32>
      %broadcast_in_dim3A_3297 = arith.constant 53 : i32
      %broadcast_in_dim3A_3298 = vector.broadcast %broadcast_in_dim3A_3297 : i32 to vector<16xi32>
      %add3A_3299 = arith.constant 0 : i32
      %add3A_3300 = arith.addi %mul3A_13, %add3A_3299 : i32
      %get3A_3301 = arith.constant 53 : i32
      %get3A_3302 = arith.index_cast %get3A_3301 : i32 to index
      %get3A_3303 = arith.index_cast %add3A_3300 : i32 to index
      %get3A_3304 = tpu.vector_load %arg7[%get3A_3302, %get3A_3303] {strides = array<i32>} : memref<64x1024xf32, #tpu.memory_space<vmem>>, vector<1x16xf32>,
      %get3A_3305 = vector.shape_cast %get3A_3304 : vector<1x16xf32> to vector<16xf32>
      %gt3A_3306 = arith.cmpf ogt, %get3A_3305, %select_n3A_3250 : vector<16xf32>
      %gt3A_3307 = arith.cmpf ogt, %get3A_3305, %select_n3A_3247 : vector<16xf32>
      %select_n3A_3308 = arith.select %gt3A_3307, %get3A_3305, %select_n3A_3247 : vector<16xi1>, vector<16xf32>
      %select_n3A_3309 = arith.select %gt3A_3306, %select_n3A_3250, %select_n3A_3308 : vector<16xi1>, vector<16xf32>
      %select_n3A_3310 = arith.select %gt3A_3307, %broadcast_in_dim3A_3298, %select_n3A_3249 : vector<16xi1>, vector<16xi32>
      %select_n3A_3311 = arith.select %gt3A_3306, %select_n3A_3251, %select_n3A_3310 : vector<16xi1>, vector<16xi32>
      %select_n3A_3312 = arith.select %gt3A_3306, %get3A_3305, %select_n3A_3250 : vector<16xi1>, vector<16xf32>
      %select_n3A_3313 = arith.select %gt3A_3306, %broadcast_in_dim3A_3298, %select_n3A_3251 : vector<16xi1>, vector<16xi32>
      %add3A_3314 = arith.constant 16 : i32
      %add3A_3315 = arith.addi %mul3A_13, %add3A_3314 : i32
      %get3A_3316 = arith.constant 53 : i32
      %get3A_3317 = arith.index_cast %get3A_3316 : i32 to index
      %get3A_3318 = arith.index_cast %add3A_3315 : i32 to index
      %get3A_3319 = tpu.vector_load %arg7[%get3A_3317, %get3A_3318] {strides = array<i32>} : memref<64x1024xf32, #tpu.memory_space<vmem>>, vector<1x16xf32>,
      %get3A_3320 = vector.shape_cast %get3A_3319 : vector<1x16xf32> to vector<16xf32>
      %gt3A_3321 = arith.cmpf ogt, %get3A_3320, %select_n3A_3265 : vector<16xf32>
      %gt3A_3322 = arith.cmpf ogt, %get3A_3320, %select_n3A_3262 : vector<16xf32>
      %select_n3A_3323 = arith.select %gt3A_3322, %get3A_3320, %select_n3A_3262 : vector<16xi1>, vector<16xf32>
      %select_n3A_3324 = arith.select %gt3A_3321, %select_n3A_3265, %select_n3A_3323 : vector<16xi1>, vector<16xf32>
      %select_n3A_3325 = arith.select %gt3A_3322, %broadcast_in_dim3A_3298, %select_n3A_3264 : vector<16xi1>, vector<16xi32>
      %select_n3A_3326 = arith.select %gt3A_3321, %select_n3A_3266, %select_n3A_3325 : vector<16xi1>, vector<16xi32>
      %select_n3A_3327 = arith.select %gt3A_3321, %get3A_3320, %select_n3A_3265 : vector<16xi1>, vector<16xf32>
      %select_n3A_3328 = arith.select %gt3A_3321, %broadcast_in_dim3A_3298, %select_n3A_3266 : vector<16xi1>, vector<16xi32>
      %add3A_3329 = arith.constant 32 : i32
      %add3A_3330 = arith.addi %mul3A_13, %add3A_3329 : i32
      %get3A_3331 = arith.constant 53 : i32
      %get3A_3332 = arith.index_cast %get3A_3331 : i32 to index
      %get3A_3333 = arith.index_cast %add3A_3330 : i32 to index
      %get3A_3334 = tpu.vector_load %arg7[%get3A_3332, %get3A_3333] {strides = array<i32>} : memref<64x1024xf32, #tpu.memory_space<vmem>>, vector<1x16xf32>,
      %get3A_3335 = vector.shape_cast %get3A_3334 : vector<1x16xf32> to vector<16xf32>
      %gt3A_3336 = arith.cmpf ogt, %get3A_3335, %select_n3A_3280 : vector<16xf32>
      %gt3A_3337 = arith.cmpf ogt, %get3A_3335, %select_n3A_3277 : vector<16xf32>
      %select_n3A_3338 = arith.select %gt3A_3337, %get3A_3335, %select_n3A_3277 : vector<16xi1>, vector<16xf32>
      %select_n3A_3339 = arith.select %gt3A_3336, %select_n3A_3280, %select_n3A_3338 : vector<16xi1>, vector<16xf32>
      %select_n3A_3340 = arith.select %gt3A_3337, %broadcast_in_dim3A_3298, %select_n3A_3279 : vector<16xi1>, vector<16xi32>
      %select_n3A_3341 = arith.select %gt3A_3336, %select_n3A_3281, %select_n3A_3340 : vector<16xi1>, vector<16xi32>
      %select_n3A_3342 = arith.select %gt3A_3336, %get3A_3335, %select_n3A_3280 : vector<16xi1>, vector<16xf32>
      %select_n3A_3343 = arith.select %gt3A_3336, %broadcast_in_dim3A_3298, %select_n3A_3281 : vector<16xi1>, vector<16xi32>
      %add3A_3344 = arith.constant 48 : i32
      %add3A_3345 = arith.addi %mul3A_13, %add3A_3344 : i32
      %get3A_3346 = arith.constant 53 : i32
      %get3A_3347 = arith.index_cast %get3A_3346 : i32 to index
      %get3A_3348 = arith.index_cast %add3A_3345 : i32 to index
      %get3A_3349 = tpu.vector_load %arg7[%get3A_3347, %get3A_3348] {strides = array<i32>} : memref<64x1024xf32, #tpu.memory_space<vmem>>, vector<1x16xf32>,
      %get3A_3350 = vector.shape_cast %get3A_3349 : vector<1x16xf32> to vector<16xf32>
      %gt3A_3351 = arith.cmpf ogt, %get3A_3350, %select_n3A_3295 : vector<16xf32>
      %gt3A_3352 = arith.cmpf ogt, %get3A_3350, %select_n3A_3292 : vector<16xf32>
      %select_n3A_3353 = arith.select %gt3A_3352, %get3A_3350, %select_n3A_3292 : vector<16xi1>, vector<16xf32>
      %select_n3A_3354 = arith.select %gt3A_3351, %select_n3A_3295, %select_n3A_3353 : vector<16xi1>, vector<16xf32>
      %select_n3A_3355 = arith.select %gt3A_3352, %broadcast_in_dim3A_3298, %select_n3A_3294 : vector<16xi1>, vector<16xi32>
      %select_n3A_3356 = arith.select %gt3A_3351, %select_n3A_3296, %select_n3A_3355 : vector<16xi1>, vector<16xi32>
      %select_n3A_3357 = arith.select %gt3A_3351, %get3A_3350, %select_n3A_3295 : vector<16xi1>, vector<16xf32>
      %select_n3A_3358 = arith.select %gt3A_3351, %broadcast_in_dim3A_3298, %select_n3A_3296 : vector<16xi1>, vector<16xi32>
      %broadcast_in_dim3A_3359 = arith.constant 54 : i32
      %broadcast_in_dim3A_3360 = vector.broadcast %broadcast_in_dim3A_3359 : i32 to vector<16xi32>
      %add3A_3361 = arith.constant 0 : i32
      %add3A_3362 = arith.addi %mul3A_13, %add3A_3361 : i32
      %get3A_3363 = arith.constant 54 : i32
      %get3A_3364 = arith.index_cast %get3A_3363 : i32 to index
      %get3A_3365 = arith.index_cast %add3A_3362 : i32 to index
      %get3A_3366 = tpu.vector_load %arg7[%get3A_3364, %get3A_3365] {strides = array<i32>} : memref<64x1024xf32, #tpu.memory_space<vmem>>, vector<1x16xf32>,
      %get3A_3367 = vector.shape_cast %get3A_3366 : vector<1x16xf32> to vector<16xf32>
      %gt3A_3368 = arith.cmpf ogt, %get3A_3367, %select_n3A_3312 : vector<16xf32>
      %gt3A_3369 = arith.cmpf ogt, %get3A_3367, %select_n3A_3309 : vector<16xf32>
      %select_n3A_3370 = arith.select %gt3A_3369, %get3A_3367, %select_n3A_3309 : vector<16xi1>, vector<16xf32>
      %select_n3A_3371 = arith.select %gt3A_3368, %select_n3A_3312, %select_n3A_3370 : vector<16xi1>, vector<16xf32>
      %select_n3A_3372 = arith.select %gt3A_3369, %broadcast_in_dim3A_3360, %select_n3A_3311 : vector<16xi1>, vector<16xi32>
      %select_n3A_3373 = arith.select %gt3A_3368, %select_n3A_3313, %select_n3A_3372 : vector<16xi1>, vector<16xi32>
      %select_n3A_3374 = arith.select %gt3A_3368, %get3A_3367, %select_n3A_3312 : vector<16xi1>, vector<16xf32>
      %select_n3A_3375 = arith.select %gt3A_3368, %broadcast_in_dim3A_3360, %select_n3A_3313 : vector<16xi1>, vector<16xi32>
      %add3A_3376 = arith.constant 16 : i32
      %add3A_3377 = arith.addi %mul3A_13, %add3A_3376 : i32
      %get3A_3378 = arith.constant 54 : i32
      %get3A_3379 = arith.index_cast %get3A_3378 : i32 to index
      %get3A_3380 = arith.index_cast %add3A_3377 : i32 to index
      %get3A_3381 = tpu.vector_load %arg7[%get3A_3379, %get3A_3380] {strides = array<i32>} : memref<64x1024xf32, #tpu.memory_space<vmem>>, vector<1x16xf32>,
      %get3A_3382 = vector.shape_cast %get3A_3381 : vector<1x16xf32> to vector<16xf32>
      %gt3A_3383 = arith.cmpf ogt, %get3A_3382, %select_n3A_3327 : vector<16xf32>
      %gt3A_3384 = arith.cmpf ogt, %get3A_3382, %select_n3A_3324 : vector<16xf32>
      %select_n3A_3385 = arith.select %gt3A_3384, %get3A_3382, %select_n3A_3324 : vector<16xi1>, vector<16xf32>
      %select_n3A_3386 = arith.select %gt3A_3383, %select_n3A_3327, %select_n3A_3385 : vector<16xi1>, vector<16xf32>
      %select_n3A_3387 = arith.select %gt3A_3384, %broadcast_in_dim3A_3360, %select_n3A_3326 : vector<16xi1>, vector<16xi32>
      %select_n3A_3388 = arith.select %gt3A_3383, %select_n3A_3328, %select_n3A_3387 : vector<16xi1>, vector<16xi32>
      %select_n3A_3389 = arith.select %gt3A_3383, %get3A_3382, %select_n3A_3327 : vector<16xi1>, vector<16xf32>
      %select_n3A_3390 = arith.select %gt3A_3383, %broadcast_in_dim3A_3360, %select_n3A_3328 : vector<16xi1>, vector<16xi32>
      %add3A_3391 = arith.constant 32 : i32
      %add3A_3392 = arith.addi %mul3A_13, %add3A_3391 : i32
      %get3A_3393 = arith.constant 54 : i32
      %get3A_3394 = arith.index_cast %get3A_3393 : i32 to index
      %get3A_3395 = arith.index_cast %add3A_3392 : i32 to index
      %get3A_3396 = tpu.vector_load %arg7[%get3A_3394, %get3A_3395] {strides = array<i32>} : memref<64x1024xf32, #tpu.memory_space<vmem>>, vector<1x16xf32>,
      %get3A_3397 = vector.shape_cast %get3A_3396 : vector<1x16xf32> to vector<16xf32>
      %gt3A_3398 = arith.cmpf ogt, %get3A_3397, %select_n3A_3342 : vector<16xf32>
      %gt3A_3399 = arith.cmpf ogt, %get3A_3397, %select_n3A_3339 : vector<16xf32>
      %select_n3A_3400 = arith.select %gt3A_3399, %get3A_3397, %select_n3A_3339 : vector<16xi1>, vector<16xf32>
      %select_n3A_3401 = arith.select %gt3A_3398, %select_n3A_3342, %select_n3A_3400 : vector<16xi1>, vector<16xf32>
      %select_n3A_3402 = arith.select %gt3A_3399, %broadcast_in_dim3A_3360, %select_n3A_3341 : vector<16xi1>, vector<16xi32>
      %select_n3A_3403 = arith.select %gt3A_3398, %select_n3A_3343, %select_n3A_3402 : vector<16xi1>, vector<16xi32>
      %select_n3A_3404 = arith.select %gt3A_3398, %get3A_3397, %select_n3A_3342 : vector<16xi1>, vector<16xf32>
      %select_n3A_3405 = arith.select %gt3A_3398, %broadcast_in_dim3A_3360, %select_n3A_3343 : vector<16xi1>, vector<16xi32>
      %add3A_3406 = arith.constant 48 : i32
      %add3A_3407 = arith.addi %mul3A_13, %add3A_3406 : i32
      %get3A_3408 = arith.constant 54 : i32
      %get3A_3409 = arith.index_cast %get3A_3408 : i32 to index
      %get3A_3410 = arith.index_cast %add3A_3407 : i32 to index
      %get3A_3411 = tpu.vector_load %arg7[%get3A_3409, %get3A_3410] {strides = array<i32>} : memref<64x1024xf32, #tpu.memory_space<vmem>>, vector<1x16xf32>,
      %get3A_3412 = vector.shape_cast %get3A_3411 : vector<1x16xf32> to vector<16xf32>
      %gt3A_3413 = arith.cmpf ogt, %get3A_3412, %select_n3A_3357 : vector<16xf32>
      %gt3A_3414 = arith.cmpf ogt, %get3A_3412, %select_n3A_3354 : vector<16xf32>
      %select_n3A_3415 = arith.select %gt3A_3414, %get3A_3412, %select_n3A_3354 : vector<16xi1>, vector<16xf32>
      %select_n3A_3416 = arith.select %gt3A_3413, %select_n3A_3357, %select_n3A_3415 : vector<16xi1>, vector<16xf32>
      %select_n3A_3417 = arith.select %gt3A_3414, %broadcast_in_dim3A_3360, %select_n3A_3356 : vector<16xi1>, vector<16xi32>
      %select_n3A_3418 = arith.select %gt3A_3413, %select_n3A_3358, %select_n3A_3417 : vector<16xi1>, vector<16xi32>
      %select_n3A_3419 = arith.select %gt3A_3413, %get3A_3412, %select_n3A_3357 : vector<16xi1>, vector<16xf32>
      %select_n3A_3420 = arith.select %gt3A_3413, %broadcast_in_dim3A_3360, %select_n3A_3358 : vector<16xi1>, vector<16xi32>
      %broadcast_in_dim3A_3421 = arith.constant 55 : i32
      %broadcast_in_dim3A_3422 = vector.broadcast %broadcast_in_dim3A_3421 : i32 to vector<16xi32>
      %add3A_3423 = arith.constant 0 : i32
      %add3A_3424 = arith.addi %mul3A_13, %add3A_3423 : i32
      %get3A_3425 = arith.constant 55 : i32
      %get3A_3426 = arith.index_cast %get3A_3425 : i32 to index
      %get3A_3427 = arith.index_cast %add3A_3424 : i32 to index
      %get3A_3428 = tpu.vector_load %arg7[%get3A_3426, %get3A_3427] {strides = array<i32>} : memref<64x1024xf32, #tpu.memory_space<vmem>>, vector<1x16xf32>,
      %get3A_3429 = vector.shape_cast %get3A_3428 : vector<1x16xf32> to vector<16xf32>
      %gt3A_3430 = arith.cmpf ogt, %get3A_3429, %select_n3A_3374 : vector<16xf32>
      %gt3A_3431 = arith.cmpf ogt, %get3A_3429, %select_n3A_3371 : vector<16xf32>
      %select_n3A_3432 = arith.select %gt3A_3431, %get3A_3429, %select_n3A_3371 : vector<16xi1>, vector<16xf32>
      %select_n3A_3433 = arith.select %gt3A_3430, %select_n3A_3374, %select_n3A_3432 : vector<16xi1>, vector<16xf32>
      %select_n3A_3434 = arith.select %gt3A_3431, %broadcast_in_dim3A_3422, %select_n3A_3373 : vector<16xi1>, vector<16xi32>
      %select_n3A_3435 = arith.select %gt3A_3430, %select_n3A_3375, %select_n3A_3434 : vector<16xi1>, vector<16xi32>
      %select_n3A_3436 = arith.select %gt3A_3430, %get3A_3429, %select_n3A_3374 : vector<16xi1>, vector<16xf32>
      %select_n3A_3437 = arith.select %gt3A_3430, %broadcast_in_dim3A_3422, %select_n3A_3375 : vector<16xi1>, vector<16xi32>
      %add3A_3438 = arith.constant 16 : i32
      %add3A_3439 = arith.addi %mul3A_13, %add3A_3438 : i32
      %get3A_3440 = arith.constant 55 : i32
      %get3A_3441 = arith.index_cast %get3A_3440 : i32 to index
      %get3A_3442 = arith.index_cast %add3A_3439 : i32 to index
      %get3A_3443 = tpu.vector_load %arg7[%get3A_3441, %get3A_3442] {strides = array<i32>} : memref<64x1024xf32, #tpu.memory_space<vmem>>, vector<1x16xf32>,
      %get3A_3444 = vector.shape_cast %get3A_3443 : vector<1x16xf32> to vector<16xf32>
      %gt3A_3445 = arith.cmpf ogt, %get3A_3444, %select_n3A_3389 : vector<16xf32>
      %gt3A_3446 = arith.cmpf ogt, %get3A_3444, %select_n3A_3386 : vector<16xf32>
      %select_n3A_3447 = arith.select %gt3A_3446, %get3A_3444, %select_n3A_3386 : vector<16xi1>, vector<16xf32>
      %select_n3A_3448 = arith.select %gt3A_3445, %select_n3A_3389, %select_n3A_3447 : vector<16xi1>, vector<16xf32>
      %select_n3A_3449 = arith.select %gt3A_3446, %broadcast_in_dim3A_3422, %select_n3A_3388 : vector<16xi1>, vector<16xi32>
      %select_n3A_3450 = arith.select %gt3A_3445, %select_n3A_3390, %select_n3A_3449 : vector<16xi1>, vector<16xi32>
      %select_n3A_3451 = arith.select %gt3A_3445, %get3A_3444, %select_n3A_3389 : vector<16xi1>, vector<16xf32>
      %select_n3A_3452 = arith.select %gt3A_3445, %broadcast_in_dim3A_3422, %select_n3A_3390 : vector<16xi1>, vector<16xi32>
      %add3A_3453 = arith.constant 32 : i32
      %add3A_3454 = arith.addi %mul3A_13, %add3A_3453 : i32
      %get3A_3455 = arith.constant 55 : i32
      %get3A_3456 = arith.index_cast %get3A_3455 : i32 to index
      %get3A_3457 = arith.index_cast %add3A_3454 : i32 to index
      %get3A_3458 = tpu.vector_load %arg7[%get3A_3456, %get3A_3457] {strides = array<i32>} : memref<64x1024xf32, #tpu.memory_space<vmem>>, vector<1x16xf32>,
      %get3A_3459 = vector.shape_cast %get3A_3458 : vector<1x16xf32> to vector<16xf32>
      %gt3A_3460 = arith.cmpf ogt, %get3A_3459, %select_n3A_3404 : vector<16xf32>
      %gt3A_3461 = arith.cmpf ogt, %get3A_3459, %select_n3A_3401 : vector<16xf32>
      %select_n3A_3462 = arith.select %gt3A_3461, %get3A_3459, %select_n3A_3401 : vector<16xi1>, vector<16xf32>
      %select_n3A_3463 = arith.select %gt3A_3460, %select_n3A_3404, %select_n3A_3462 : vector<16xi1>, vector<16xf32>
      %select_n3A_3464 = arith.select %gt3A_3461, %broadcast_in_dim3A_3422, %select_n3A_3403 : vector<16xi1>, vector<16xi32>
      %select_n3A_3465 = arith.select %gt3A_3460, %select_n3A_3405, %select_n3A_3464 : vector<16xi1>, vector<16xi32>
      %select_n3A_3466 = arith.select %gt3A_3460, %get3A_3459, %select_n3A_3404 : vector<16xi1>, vector<16xf32>
      %select_n3A_3467 = arith.select %gt3A_3460, %broadcast_in_dim3A_3422, %select_n3A_3405 : vector<16xi1>, vector<16xi32>
      %add3A_3468 = arith.constant 48 : i32
      %add3A_3469 = arith.addi %mul3A_13, %add3A_3468 : i32
      %get3A_3470 = arith.constant 55 : i32
      %get3A_3471 = arith.index_cast %get3A_3470 : i32 to index
      %get3A_3472 = arith.index_cast %add3A_3469 : i32 to index
      %get3A_3473 = tpu.vector_load %arg7[%get3A_3471, %get3A_3472] {strides = array<i32>} : memref<64x1024xf32, #tpu.memory_space<vmem>>, vector<1x16xf32>,
      %get3A_3474 = vector.shape_cast %get3A_3473 : vector<1x16xf32> to vector<16xf32>
      %gt3A_3475 = arith.cmpf ogt, %get3A_3474, %select_n3A_3419 : vector<16xf32>
      %gt3A_3476 = arith.cmpf ogt, %get3A_3474, %select_n3A_3416 : vector<16xf32>
      %select_n3A_3477 = arith.select %gt3A_3476, %get3A_3474, %select_n3A_3416 : vector<16xi1>, vector<16xf32>
      %select_n3A_3478 = arith.select %gt3A_3475, %select_n3A_3419, %select_n3A_3477 : vector<16xi1>, vector<16xf32>
      %select_n3A_3479 = arith.select %gt3A_3476, %broadcast_in_dim3A_3422, %select_n3A_3418 : vector<16xi1>, vector<16xi32>
      %select_n3A_3480 = arith.select %gt3A_3475, %select_n3A_3420, %select_n3A_3479 : vector<16xi1>, vector<16xi32>
      %select_n3A_3481 = arith.select %gt3A_3475, %get3A_3474, %select_n3A_3419 : vector<16xi1>, vector<16xf32>
      %select_n3A_3482 = arith.select %gt3A_3475, %broadcast_in_dim3A_3422, %select_n3A_3420 : vector<16xi1>, vector<16xi32>
      %broadcast_in_dim3A_3483 = arith.constant 56 : i32
      %broadcast_in_dim3A_3484 = vector.broadcast %broadcast_in_dim3A_3483 : i32 to vector<16xi32>
      %add3A_3485 = arith.constant 0 : i32
      %add3A_3486 = arith.addi %mul3A_13, %add3A_3485 : i32
      %get3A_3487 = arith.constant 56 : i32
      %get3A_3488 = arith.index_cast %get3A_3487 : i32 to index
      %get3A_3489 = arith.index_cast %add3A_3486 : i32 to index
      %get3A_3490 = tpu.vector_load %arg7[%get3A_3488, %get3A_3489] {strides = array<i32>} : memref<64x1024xf32, #tpu.memory_space<vmem>>, vector<1x16xf32>,
      %get3A_3491 = vector.shape_cast %get3A_3490 : vector<1x16xf32> to vector<16xf32>
      %gt3A_3492 = arith.cmpf ogt, %get3A_3491, %select_n3A_3436 : vector<16xf32>
      %gt3A_3493 = arith.cmpf ogt, %get3A_3491, %select_n3A_3433 : vector<16xf32>
      %select_n3A_3494 = arith.select %gt3A_3493, %get3A_3491, %select_n3A_3433 : vector<16xi1>, vector<16xf32>
      %select_n3A_3495 = arith.select %gt3A_3492, %select_n3A_3436, %select_n3A_3494 : vector<16xi1>, vector<16xf32>
      %select_n3A_3496 = arith.select %gt3A_3493, %broadcast_in_dim3A_3484, %select_n3A_3435 : vector<16xi1>, vector<16xi32>
      %select_n3A_3497 = arith.select %gt3A_3492, %select_n3A_3437, %select_n3A_3496 : vector<16xi1>, vector<16xi32>
      %select_n3A_3498 = arith.select %gt3A_3492, %get3A_3491, %select_n3A_3436 : vector<16xi1>, vector<16xf32>
      %select_n3A_3499 = arith.select %gt3A_3492, %broadcast_in_dim3A_3484, %select_n3A_3437 : vector<16xi1>, vector<16xi32>
      %add3A_3500 = arith.constant 16 : i32
      %add3A_3501 = arith.addi %mul3A_13, %add3A_3500 : i32
      %get3A_3502 = arith.constant 56 : i32
      %get3A_3503 = arith.index_cast %get3A_3502 : i32 to index
      %get3A_3504 = arith.index_cast %add3A_3501 : i32 to index
      %get3A_3505 = tpu.vector_load %arg7[%get3A_3503, %get3A_3504] {strides = array<i32>} : memref<64x1024xf32, #tpu.memory_space<vmem>>, vector<1x16xf32>,
      %get3A_3506 = vector.shape_cast %get3A_3505 : vector<1x16xf32> to vector<16xf32>
      %gt3A_3507 = arith.cmpf ogt, %get3A_3506, %select_n3A_3451 : vector<16xf32>
      %gt3A_3508 = arith.cmpf ogt, %get3A_3506, %select_n3A_3448 : vector<16xf32>
      %select_n3A_3509 = arith.select %gt3A_3508, %get3A_3506, %select_n3A_3448 : vector<16xi1>, vector<16xf32>
      %select_n3A_3510 = arith.select %gt3A_3507, %select_n3A_3451, %select_n3A_3509 : vector<16xi1>, vector<16xf32>
      %select_n3A_3511 = arith.select %gt3A_3508, %broadcast_in_dim3A_3484, %select_n3A_3450 : vector<16xi1>, vector<16xi32>
      %select_n3A_3512 = arith.select %gt3A_3507, %select_n3A_3452, %select_n3A_3511 : vector<16xi1>, vector<16xi32>
      %select_n3A_3513 = arith.select %gt3A_3507, %get3A_3506, %select_n3A_3451 : vector<16xi1>, vector<16xf32>
      %select_n3A_3514 = arith.select %gt3A_3507, %broadcast_in_dim3A_3484, %select_n3A_3452 : vector<16xi1>, vector<16xi32>
      %add3A_3515 = arith.constant 32 : i32
      %add3A_3516 = arith.addi %mul3A_13, %add3A_3515 : i32
      %get3A_3517 = arith.constant 56 : i32
      %get3A_3518 = arith.index_cast %get3A_3517 : i32 to index
      %get3A_3519 = arith.index_cast %add3A_3516 : i32 to index
      %get3A_3520 = tpu.vector_load %arg7[%get3A_3518, %get3A_3519] {strides = array<i32>} : memref<64x1024xf32, #tpu.memory_space<vmem>>, vector<1x16xf32>,
      %get3A_3521 = vector.shape_cast %get3A_3520 : vector<1x16xf32> to vector<16xf32>
      %gt3A_3522 = arith.cmpf ogt, %get3A_3521, %select_n3A_3466 : vector<16xf32>
      %gt3A_3523 = arith.cmpf ogt, %get3A_3521, %select_n3A_3463 : vector<16xf32>
      %select_n3A_3524 = arith.select %gt3A_3523, %get3A_3521, %select_n3A_3463 : vector<16xi1>, vector<16xf32>
      %select_n3A_3525 = arith.select %gt3A_3522, %select_n3A_3466, %select_n3A_3524 : vector<16xi1>, vector<16xf32>
      %select_n3A_3526 = arith.select %gt3A_3523, %broadcast_in_dim3A_3484, %select_n3A_3465 : vector<16xi1>, vector<16xi32>
      %select_n3A_3527 = arith.select %gt3A_3522, %select_n3A_3467, %select_n3A_3526 : vector<16xi1>, vector<16xi32>
      %select_n3A_3528 = arith.select %gt3A_3522, %get3A_3521, %select_n3A_3466 : vector<16xi1>, vector<16xf32>
      %select_n3A_3529 = arith.select %gt3A_3522, %broadcast_in_dim3A_3484, %select_n3A_3467 : vector<16xi1>, vector<16xi32>
      %add3A_3530 = arith.constant 48 : i32
      %add3A_3531 = arith.addi %mul3A_13, %add3A_3530 : i32
      %get3A_3532 = arith.constant 56 : i32
      %get3A_3533 = arith.index_cast %get3A_3532 : i32 to index
      %get3A_3534 = arith.index_cast %add3A_3531 : i32 to index
      %get3A_3535 = tpu.vector_load %arg7[%get3A_3533, %get3A_3534] {strides = array<i32>} : memref<64x1024xf32, #tpu.memory_space<vmem>>, vector<1x16xf32>,
      %get3A_3536 = vector.shape_cast %get3A_3535 : vector<1x16xf32> to vector<16xf32>
      %gt3A_3537 = arith.cmpf ogt, %get3A_3536, %select_n3A_3481 : vector<16xf32>
      %gt3A_3538 = arith.cmpf ogt, %get3A_3536, %select_n3A_3478 : vector<16xf32>
      %select_n3A_3539 = arith.select %gt3A_3538, %get3A_3536, %select_n3A_3478 : vector<16xi1>, vector<16xf32>
      %select_n3A_3540 = arith.select %gt3A_3537, %select_n3A_3481, %select_n3A_3539 : vector<16xi1>, vector<16xf32>
      %select_n3A_3541 = arith.select %gt3A_3538, %broadcast_in_dim3A_3484, %select_n3A_3480 : vector<16xi1>, vector<16xi32>
      %select_n3A_3542 = arith.select %gt3A_3537, %select_n3A_3482, %select_n3A_3541 : vector<16xi1>, vector<16xi32>
      %select_n3A_3543 = arith.select %gt3A_3537, %get3A_3536, %select_n3A_3481 : vector<16xi1>, vector<16xf32>
      %select_n3A_3544 = arith.select %gt3A_3537, %broadcast_in_dim3A_3484, %select_n3A_3482 : vector<16xi1>, vector<16xi32>
      %broadcast_in_dim3A_3545 = arith.constant 57 : i32
      %broadcast_in_dim3A_3546 = vector.broadcast %broadcast_in_dim3A_3545 : i32 to vector<16xi32>
      %add3A_3547 = arith.constant 0 : i32
      %add3A_3548 = arith.addi %mul3A_13, %add3A_3547 : i32
      %get3A_3549 = arith.constant 57 : i32
      %get3A_3550 = arith.index_cast %get3A_3549 : i32 to index
      %get3A_3551 = arith.index_cast %add3A_3548 : i32 to index
      %get3A_3552 = tpu.vector_load %arg7[%get3A_3550, %get3A_3551] {strides = array<i32>} : memref<64x1024xf32, #tpu.memory_space<vmem>>, vector<1x16xf32>,
      %get3A_3553 = vector.shape_cast %get3A_3552 : vector<1x16xf32> to vector<16xf32>
      %gt3A_3554 = arith.cmpf ogt, %get3A_3553, %select_n3A_3498 : vector<16xf32>
      %gt3A_3555 = arith.cmpf ogt, %get3A_3553, %select_n3A_3495 : vector<16xf32>
      %select_n3A_3556 = arith.select %gt3A_3555, %get3A_3553, %select_n3A_3495 : vector<16xi1>, vector<16xf32>
      %select_n3A_3557 = arith.select %gt3A_3554, %select_n3A_3498, %select_n3A_3556 : vector<16xi1>, vector<16xf32>
      %select_n3A_3558 = arith.select %gt3A_3555, %broadcast_in_dim3A_3546, %select_n3A_3497 : vector<16xi1>, vector<16xi32>
      %select_n3A_3559 = arith.select %gt3A_3554, %select_n3A_3499, %select_n3A_3558 : vector<16xi1>, vector<16xi32>
      %select_n3A_3560 = arith.select %gt3A_3554, %get3A_3553, %select_n3A_3498 : vector<16xi1>, vector<16xf32>
      %select_n3A_3561 = arith.select %gt3A_3554, %broadcast_in_dim3A_3546, %select_n3A_3499 : vector<16xi1>, vector<16xi32>
      %add3A_3562 = arith.constant 16 : i32
      %add3A_3563 = arith.addi %mul3A_13, %add3A_3562 : i32
      %get3A_3564 = arith.constant 57 : i32
      %get3A_3565 = arith.index_cast %get3A_3564 : i32 to index
      %get3A_3566 = arith.index_cast %add3A_3563 : i32 to index
      %get3A_3567 = tpu.vector_load %arg7[%get3A_3565, %get3A_3566] {strides = array<i32>} : memref<64x1024xf32, #tpu.memory_space<vmem>>, vector<1x16xf32>,
      %get3A_3568 = vector.shape_cast %get3A_3567 : vector<1x16xf32> to vector<16xf32>
      %gt3A_3569 = arith.cmpf ogt, %get3A_3568, %select_n3A_3513 : vector<16xf32>
      %gt3A_3570 = arith.cmpf ogt, %get3A_3568, %select_n3A_3510 : vector<16xf32>
      %select_n3A_3571 = arith.select %gt3A_3570, %get3A_3568, %select_n3A_3510 : vector<16xi1>, vector<16xf32>
      %select_n3A_3572 = arith.select %gt3A_3569, %select_n3A_3513, %select_n3A_3571 : vector<16xi1>, vector<16xf32>
      %select_n3A_3573 = arith.select %gt3A_3570, %broadcast_in_dim3A_3546, %select_n3A_3512 : vector<16xi1>, vector<16xi32>
      %select_n3A_3574 = arith.select %gt3A_3569, %select_n3A_3514, %select_n3A_3573 : vector<16xi1>, vector<16xi32>
      %select_n3A_3575 = arith.select %gt3A_3569, %get3A_3568, %select_n3A_3513 : vector<16xi1>, vector<16xf32>
      %select_n3A_3576 = arith.select %gt3A_3569, %broadcast_in_dim3A_3546, %select_n3A_3514 : vector<16xi1>, vector<16xi32>
      %add3A_3577 = arith.constant 32 : i32
      %add3A_3578 = arith.addi %mul3A_13, %add3A_3577 : i32
      %get3A_3579 = arith.constant 57 : i32
      %get3A_3580 = arith.index_cast %get3A_3579 : i32 to index
      %get3A_3581 = arith.index_cast %add3A_3578 : i32 to index
      %get3A_3582 = tpu.vector_load %arg7[%get3A_3580, %get3A_3581] {strides = array<i32>} : memref<64x1024xf32, #tpu.memory_space<vmem>>, vector<1x16xf32>,
      %get3A_3583 = vector.shape_cast %get3A_3582 : vector<1x16xf32> to vector<16xf32>
      %gt3A_3584 = arith.cmpf ogt, %get3A_3583, %select_n3A_3528 : vector<16xf32>
      %gt3A_3585 = arith.cmpf ogt, %get3A_3583, %select_n3A_3525 : vector<16xf32>
      %select_n3A_3586 = arith.select %gt3A_3585, %get3A_3583, %select_n3A_3525 : vector<16xi1>, vector<16xf32>
      %select_n3A_3587 = arith.select %gt3A_3584, %select_n3A_3528, %select_n3A_3586 : vector<16xi1>, vector<16xf32>
      %select_n3A_3588 = arith.select %gt3A_3585, %broadcast_in_dim3A_3546, %select_n3A_3527 : vector<16xi1>, vector<16xi32>
      %select_n3A_3589 = arith.select %gt3A_3584, %select_n3A_3529, %select_n3A_3588 : vector<16xi1>, vector<16xi32>
      %select_n3A_3590 = arith.select %gt3A_3584, %get3A_3583, %select_n3A_3528 : vector<16xi1>, vector<16xf32>
      %select_n3A_3591 = arith.select %gt3A_3584, %broadcast_in_dim3A_3546, %select_n3A_3529 : vector<16xi1>, vector<16xi32>
      %add3A_3592 = arith.constant 48 : i32
      %add3A_3593 = arith.addi %mul3A_13, %add3A_3592 : i32
      %get3A_3594 = arith.constant 57 : i32
      %get3A_3595 = arith.index_cast %get3A_3594 : i32 to index
      %get3A_3596 = arith.index_cast %add3A_3593 : i32 to index
      %get3A_3597 = tpu.vector_load %arg7[%get3A_3595, %get3A_3596] {strides = array<i32>} : memref<64x1024xf32, #tpu.memory_space<vmem>>, vector<1x16xf32>,
      %get3A_3598 = vector.shape_cast %get3A_3597 : vector<1x16xf32> to vector<16xf32>
      %gt3A_3599 = arith.cmpf ogt, %get3A_3598, %select_n3A_3543 : vector<16xf32>
      %gt3A_3600 = arith.cmpf ogt, %get3A_3598, %select_n3A_3540 : vector<16xf32>
      %select_n3A_3601 = arith.select %gt3A_3600, %get3A_3598, %select_n3A_3540 : vector<16xi1>, vector<16xf32>
      %select_n3A_3602 = arith.select %gt3A_3599, %select_n3A_3543, %select_n3A_3601 : vector<16xi1>, vector<16xf32>
      %select_n3A_3603 = arith.select %gt3A_3600, %broadcast_in_dim3A_3546, %select_n3A_3542 : vector<16xi1>, vector<16xi32>
      %select_n3A_3604 = arith.select %gt3A_3599, %select_n3A_3544, %select_n3A_3603 : vector<16xi1>, vector<16xi32>
      %select_n3A_3605 = arith.select %gt3A_3599, %get3A_3598, %select_n3A_3543 : vector<16xi1>, vector<16xf32>
      %select_n3A_3606 = arith.select %gt3A_3599, %broadcast_in_dim3A_3546, %select_n3A_3544 : vector<16xi1>, vector<16xi32>
      %broadcast_in_dim3A_3607 = arith.constant 58 : i32
      %broadcast_in_dim3A_3608 = vector.broadcast %broadcast_in_dim3A_3607 : i32 to vector<16xi32>
      %add3A_3609 = arith.constant 0 : i32
      %add3A_3610 = arith.addi %mul3A_13, %add3A_3609 : i32
      %get3A_3611 = arith.constant 58 : i32
      %get3A_3612 = arith.index_cast %get3A_3611 : i32 to index
      %get3A_3613 = arith.index_cast %add3A_3610 : i32 to index
      %get3A_3614 = tpu.vector_load %arg7[%get3A_3612, %get3A_3613] {strides = array<i32>} : memref<64x1024xf32, #tpu.memory_space<vmem>>, vector<1x16xf32>,
      %get3A_3615 = vector.shape_cast %get3A_3614 : vector<1x16xf32> to vector<16xf32>
      %gt3A_3616 = arith.cmpf ogt, %get3A_3615, %select_n3A_3560 : vector<16xf32>
      %gt3A_3617 = arith.cmpf ogt, %get3A_3615, %select_n3A_3557 : vector<16xf32>
      %select_n3A_3618 = arith.select %gt3A_3617, %get3A_3615, %select_n3A_3557 : vector<16xi1>, vector<16xf32>
      %select_n3A_3619 = arith.select %gt3A_3616, %select_n3A_3560, %select_n3A_3618 : vector<16xi1>, vector<16xf32>
      %select_n3A_3620 = arith.select %gt3A_3617, %broadcast_in_dim3A_3608, %select_n3A_3559 : vector<16xi1>, vector<16xi32>
      %select_n3A_3621 = arith.select %gt3A_3616, %select_n3A_3561, %select_n3A_3620 : vector<16xi1>, vector<16xi32>
      %select_n3A_3622 = arith.select %gt3A_3616, %get3A_3615, %select_n3A_3560 : vector<16xi1>, vector<16xf32>
      %select_n3A_3623 = arith.select %gt3A_3616, %broadcast_in_dim3A_3608, %select_n3A_3561 : vector<16xi1>, vector<16xi32>
      %add3A_3624 = arith.constant 16 : i32
      %add3A_3625 = arith.addi %mul3A_13, %add3A_3624 : i32
      %get3A_3626 = arith.constant 58 : i32
      %get3A_3627 = arith.index_cast %get3A_3626 : i32 to index
      %get3A_3628 = arith.index_cast %add3A_3625 : i32 to index
      %get3A_3629 = tpu.vector_load %arg7[%get3A_3627, %get3A_3628] {strides = array<i32>} : memref<64x1024xf32, #tpu.memory_space<vmem>>, vector<1x16xf32>,
      %get3A_3630 = vector.shape_cast %get3A_3629 : vector<1x16xf32> to vector<16xf32>
      %gt3A_3631 = arith.cmpf ogt, %get3A_3630, %select_n3A_3575 : vector<16xf32>
      %gt3A_3632 = arith.cmpf ogt, %get3A_3630, %select_n3A_3572 : vector<16xf32>
      %select_n3A_3633 = arith.select %gt3A_3632, %get3A_3630, %select_n3A_3572 : vector<16xi1>, vector<16xf32>
      %select_n3A_3634 = arith.select %gt3A_3631, %select_n3A_3575, %select_n3A_3633 : vector<16xi1>, vector<16xf32>
      %select_n3A_3635 = arith.select %gt3A_3632, %broadcast_in_dim3A_3608, %select_n3A_3574 : vector<16xi1>, vector<16xi32>
      %select_n3A_3636 = arith.select %gt3A_3631, %select_n3A_3576, %select_n3A_3635 : vector<16xi1>, vector<16xi32>
      %select_n3A_3637 = arith.select %gt3A_3631, %get3A_3630, %select_n3A_3575 : vector<16xi1>, vector<16xf32>
      %select_n3A_3638 = arith.select %gt3A_3631, %broadcast_in_dim3A_3608, %select_n3A_3576 : vector<16xi1>, vector<16xi32>
      %add3A_3639 = arith.constant 32 : i32
      %add3A_3640 = arith.addi %mul3A_13, %add3A_3639 : i32
      %get3A_3641 = arith.constant 58 : i32
      %get3A_3642 = arith.index_cast %get3A_3641 : i32 to index
      %get3A_3643 = arith.index_cast %add3A_3640 : i32 to index
      %get3A_3644 = tpu.vector_load %arg7[%get3A_3642, %get3A_3643] {strides = array<i32>} : memref<64x1024xf32, #tpu.memory_space<vmem>>, vector<1x16xf32>,
      %get3A_3645 = vector.shape_cast %get3A_3644 : vector<1x16xf32> to vector<16xf32>
      %gt3A_3646 = arith.cmpf ogt, %get3A_3645, %select_n3A_3590 : vector<16xf32>
      %gt3A_3647 = arith.cmpf ogt, %get3A_3645, %select_n3A_3587 : vector<16xf32>
      %select_n3A_3648 = arith.select %gt3A_3647, %get3A_3645, %select_n3A_3587 : vector<16xi1>, vector<16xf32>
      %select_n3A_3649 = arith.select %gt3A_3646, %select_n3A_3590, %select_n3A_3648 : vector<16xi1>, vector<16xf32>
      %select_n3A_3650 = arith.select %gt3A_3647, %broadcast_in_dim3A_3608, %select_n3A_3589 : vector<16xi1>, vector<16xi32>
      %select_n3A_3651 = arith.select %gt3A_3646, %select_n3A_3591, %select_n3A_3650 : vector<16xi1>, vector<16xi32>
      %select_n3A_3652 = arith.select %gt3A_3646, %get3A_3645, %select_n3A_3590 : vector<16xi1>, vector<16xf32>
      %select_n3A_3653 = arith.select %gt3A_3646, %broadcast_in_dim3A_3608, %select_n3A_3591 : vector<16xi1>, vector<16xi32>
      %add3A_3654 = arith.constant 48 : i32
      %add3A_3655 = arith.addi %mul3A_13, %add3A_3654 : i32
      %get3A_3656 = arith.constant 58 : i32
      %get3A_3657 = arith.index_cast %get3A_3656 : i32 to index
      %get3A_3658 = arith.index_cast %add3A_3655 : i32 to index
      %get3A_3659 = tpu.vector_load %arg7[%get3A_3657, %get3A_3658] {strides = array<i32>} : memref<64x1024xf32, #tpu.memory_space<vmem>>, vector<1x16xf32>,
      %get3A_3660 = vector.shape_cast %get3A_3659 : vector<1x16xf32> to vector<16xf32>
      %gt3A_3661 = arith.cmpf ogt, %get3A_3660, %select_n3A_3605 : vector<16xf32>
      %gt3A_3662 = arith.cmpf ogt, %get3A_3660, %select_n3A_3602 : vector<16xf32>
      %select_n3A_3663 = arith.select %gt3A_3662, %get3A_3660, %select_n3A_3602 : vector<16xi1>, vector<16xf32>
      %select_n3A_3664 = arith.select %gt3A_3661, %select_n3A_3605, %select_n3A_3663 : vector<16xi1>, vector<16xf32>
      %select_n3A_3665 = arith.select %gt3A_3662, %broadcast_in_dim3A_3608, %select_n3A_3604 : vector<16xi1>, vector<16xi32>
      %select_n3A_3666 = arith.select %gt3A_3661, %select_n3A_3606, %select_n3A_3665 : vector<16xi1>, vector<16xi32>
      %select_n3A_3667 = arith.select %gt3A_3661, %get3A_3660, %select_n3A_3605 : vector<16xi1>, vector<16xf32>
      %select_n3A_3668 = arith.select %gt3A_3661, %broadcast_in_dim3A_3608, %select_n3A_3606 : vector<16xi1>, vector<16xi32>
      %broadcast_in_dim3A_3669 = arith.constant 59 : i32
      %broadcast_in_dim3A_3670 = vector.broadcast %broadcast_in_dim3A_3669 : i32 to vector<16xi32>
      %add3A_3671 = arith.constant 0 : i32
      %add3A_3672 = arith.addi %mul3A_13, %add3A_3671 : i32
      %get3A_3673 = arith.constant 59 : i32
      %get3A_3674 = arith.index_cast %get3A_3673 : i32 to index
      %get3A_3675 = arith.index_cast %add3A_3672 : i32 to index
      %get3A_3676 = tpu.vector_load %arg7[%get3A_3674, %get3A_3675] {strides = array<i32>} : memref<64x1024xf32, #tpu.memory_space<vmem>>, vector<1x16xf32>,
      %get3A_3677 = vector.shape_cast %get3A_3676 : vector<1x16xf32> to vector<16xf32>
      %gt3A_3678 = arith.cmpf ogt, %get3A_3677, %select_n3A_3622 : vector<16xf32>
      %gt3A_3679 = arith.cmpf ogt, %get3A_3677, %select_n3A_3619 : vector<16xf32>
      %select_n3A_3680 = arith.select %gt3A_3679, %get3A_3677, %select_n3A_3619 : vector<16xi1>, vector<16xf32>
      %select_n3A_3681 = arith.select %gt3A_3678, %select_n3A_3622, %select_n3A_3680 : vector<16xi1>, vector<16xf32>
      %select_n3A_3682 = arith.select %gt3A_3679, %broadcast_in_dim3A_3670, %select_n3A_3621 : vector<16xi1>, vector<16xi32>
      %select_n3A_3683 = arith.select %gt3A_3678, %select_n3A_3623, %select_n3A_3682 : vector<16xi1>, vector<16xi32>
      %select_n3A_3684 = arith.select %gt3A_3678, %get3A_3677, %select_n3A_3622 : vector<16xi1>, vector<16xf32>
      %select_n3A_3685 = arith.select %gt3A_3678, %broadcast_in_dim3A_3670, %select_n3A_3623 : vector<16xi1>, vector<16xi32>
      %add3A_3686 = arith.constant 16 : i32
      %add3A_3687 = arith.addi %mul3A_13, %add3A_3686 : i32
      %get3A_3688 = arith.constant 59 : i32
      %get3A_3689 = arith.index_cast %get3A_3688 : i32 to index
      %get3A_3690 = arith.index_cast %add3A_3687 : i32 to index
      %get3A_3691 = tpu.vector_load %arg7[%get3A_3689, %get3A_3690] {strides = array<i32>} : memref<64x1024xf32, #tpu.memory_space<vmem>>, vector<1x16xf32>,
      %get3A_3692 = vector.shape_cast %get3A_3691 : vector<1x16xf32> to vector<16xf32>
      %gt3A_3693 = arith.cmpf ogt, %get3A_3692, %select_n3A_3637 : vector<16xf32>
      %gt3A_3694 = arith.cmpf ogt, %get3A_3692, %select_n3A_3634 : vector<16xf32>
      %select_n3A_3695 = arith.select %gt3A_3694, %get3A_3692, %select_n3A_3634 : vector<16xi1>, vector<16xf32>
      %select_n3A_3696 = arith.select %gt3A_3693, %select_n3A_3637, %select_n3A_3695 : vector<16xi1>, vector<16xf32>
      %select_n3A_3697 = arith.select %gt3A_3694, %broadcast_in_dim3A_3670, %select_n3A_3636 : vector<16xi1>, vector<16xi32>
      %select_n3A_3698 = arith.select %gt3A_3693, %select_n3A_3638, %select_n3A_3697 : vector<16xi1>, vector<16xi32>
      %select_n3A_3699 = arith.select %gt3A_3693, %get3A_3692, %select_n3A_3637 : vector<16xi1>, vector<16xf32>
      %select_n3A_3700 = arith.select %gt3A_3693, %broadcast_in_dim3A_3670, %select_n3A_3638 : vector<16xi1>, vector<16xi32>
      %add3A_3701 = arith.constant 32 : i32
      %add3A_3702 = arith.addi %mul3A_13, %add3A_3701 : i32
      %get3A_3703 = arith.constant 59 : i32
      %get3A_3704 = arith.index_cast %get3A_3703 : i32 to index
      %get3A_3705 = arith.index_cast %add3A_3702 : i32 to index
      %get3A_3706 = tpu.vector_load %arg7[%get3A_3704, %get3A_3705] {strides = array<i32>} : memref<64x1024xf32, #tpu.memory_space<vmem>>, vector<1x16xf32>,
      %get3A_3707 = vector.shape_cast %get3A_3706 : vector<1x16xf32> to vector<16xf32>
      %gt3A_3708 = arith.cmpf ogt, %get3A_3707, %select_n3A_3652 : vector<16xf32>
      %gt3A_3709 = arith.cmpf ogt, %get3A_3707, %select_n3A_3649 : vector<16xf32>
      %select_n3A_3710 = arith.select %gt3A_3709, %get3A_3707, %select_n3A_3649 : vector<16xi1>, vector<16xf32>
      %select_n3A_3711 = arith.select %gt3A_3708, %select_n3A_3652, %select_n3A_3710 : vector<16xi1>, vector<16xf32>
      %select_n3A_3712 = arith.select %gt3A_3709, %broadcast_in_dim3A_3670, %select_n3A_3651 : vector<16xi1>, vector<16xi32>
      %select_n3A_3713 = arith.select %gt3A_3708, %select_n3A_3653, %select_n3A_3712 : vector<16xi1>, vector<16xi32>
      %select_n3A_3714 = arith.select %gt3A_3708, %get3A_3707, %select_n3A_3652 : vector<16xi1>, vector<16xf32>
      %select_n3A_3715 = arith.select %gt3A_3708, %broadcast_in_dim3A_3670, %select_n3A_3653 : vector<16xi1>, vector<16xi32>
      %add3A_3716 = arith.constant 48 : i32
      %add3A_3717 = arith.addi %mul3A_13, %add3A_3716 : i32
      %get3A_3718 = arith.constant 59 : i32
      %get3A_3719 = arith.index_cast %get3A_3718 : i32 to index
      %get3A_3720 = arith.index_cast %add3A_3717 : i32 to index
      %get3A_3721 = tpu.vector_load %arg7[%get3A_3719, %get3A_3720] {strides = array<i32>} : memref<64x1024xf32, #tpu.memory_space<vmem>>, vector<1x16xf32>,
      %get3A_3722 = vector.shape_cast %get3A_3721 : vector<1x16xf32> to vector<16xf32>
      %gt3A_3723 = arith.cmpf ogt, %get3A_3722, %select_n3A_3667 : vector<16xf32>
      %gt3A_3724 = arith.cmpf ogt, %get3A_3722, %select_n3A_3664 : vector<16xf32>
      %select_n3A_3725 = arith.select %gt3A_3724, %get3A_3722, %select_n3A_3664 : vector<16xi1>, vector<16xf32>
      %select_n3A_3726 = arith.select %gt3A_3723, %select_n3A_3667, %select_n3A_3725 : vector<16xi1>, vector<16xf32>
      %select_n3A_3727 = arith.select %gt3A_3724, %broadcast_in_dim3A_3670, %select_n3A_3666 : vector<16xi1>, vector<16xi32>
      %select_n3A_3728 = arith.select %gt3A_3723, %select_n3A_3668, %select_n3A_3727 : vector<16xi1>, vector<16xi32>
      %select_n3A_3729 = arith.select %gt3A_3723, %get3A_3722, %select_n3A_3667 : vector<16xi1>, vector<16xf32>
      %select_n3A_3730 = arith.select %gt3A_3723, %broadcast_in_dim3A_3670, %select_n3A_3668 : vector<16xi1>, vector<16xi32>
      %broadcast_in_dim3A_3731 = arith.constant 60 : i32
      %broadcast_in_dim3A_3732 = vector.broadcast %broadcast_in_dim3A_3731 : i32 to vector<16xi32>
      %add3A_3733 = arith.constant 0 : i32
      %add3A_3734 = arith.addi %mul3A_13, %add3A_3733 : i32
      %get3A_3735 = arith.constant 60 : i32
      %get3A_3736 = arith.index_cast %get3A_3735 : i32 to index
      %get3A_3737 = arith.index_cast %add3A_3734 : i32 to index
      %get3A_3738 = tpu.vector_load %arg7[%get3A_3736, %get3A_3737] {strides = array<i32>} : memref<64x1024xf32, #tpu.memory_space<vmem>>, vector<1x16xf32>,
      %get3A_3739 = vector.shape_cast %get3A_3738 : vector<1x16xf32> to vector<16xf32>
      %gt3A_3740 = arith.cmpf ogt, %get3A_3739, %select_n3A_3684 : vector<16xf32>
      %gt3A_3741 = arith.cmpf ogt, %get3A_3739, %select_n3A_3681 : vector<16xf32>
      %select_n3A_3742 = arith.select %gt3A_3741, %get3A_3739, %select_n3A_3681 : vector<16xi1>, vector<16xf32>
      %select_n3A_3743 = arith.select %gt3A_3740, %select_n3A_3684, %select_n3A_3742 : vector<16xi1>, vector<16xf32>
      %select_n3A_3744 = arith.select %gt3A_3741, %broadcast_in_dim3A_3732, %select_n3A_3683 : vector<16xi1>, vector<16xi32>
      %select_n3A_3745 = arith.select %gt3A_3740, %select_n3A_3685, %select_n3A_3744 : vector<16xi1>, vector<16xi32>
      %select_n3A_3746 = arith.select %gt3A_3740, %get3A_3739, %select_n3A_3684 : vector<16xi1>, vector<16xf32>
      %select_n3A_3747 = arith.select %gt3A_3740, %broadcast_in_dim3A_3732, %select_n3A_3685 : vector<16xi1>, vector<16xi32>
      %add3A_3748 = arith.constant 16 : i32
      %add3A_3749 = arith.addi %mul3A_13, %add3A_3748 : i32
      %get3A_3750 = arith.constant 60 : i32
      %get3A_3751 = arith.index_cast %get3A_3750 : i32 to index
      %get3A_3752 = arith.index_cast %add3A_3749 : i32 to index
      %get3A_3753 = tpu.vector_load %arg7[%get3A_3751, %get3A_3752] {strides = array<i32>} : memref<64x1024xf32, #tpu.memory_space<vmem>>, vector<1x16xf32>,
      %get3A_3754 = vector.shape_cast %get3A_3753 : vector<1x16xf32> to vector<16xf32>
      %gt3A_3755 = arith.cmpf ogt, %get3A_3754, %select_n3A_3699 : vector<16xf32>
      %gt3A_3756 = arith.cmpf ogt, %get3A_3754, %select_n3A_3696 : vector<16xf32>
      %select_n3A_3757 = arith.select %gt3A_3756, %get3A_3754, %select_n3A_3696 : vector<16xi1>, vector<16xf32>
      %select_n3A_3758 = arith.select %gt3A_3755, %select_n3A_3699, %select_n3A_3757 : vector<16xi1>, vector<16xf32>
      %select_n3A_3759 = arith.select %gt3A_3756, %broadcast_in_dim3A_3732, %select_n3A_3698 : vector<16xi1>, vector<16xi32>
      %select_n3A_3760 = arith.select %gt3A_3755, %select_n3A_3700, %select_n3A_3759 : vector<16xi1>, vector<16xi32>
      %select_n3A_3761 = arith.select %gt3A_3755, %get3A_3754, %select_n3A_3699 : vector<16xi1>, vector<16xf32>
      %select_n3A_3762 = arith.select %gt3A_3755, %broadcast_in_dim3A_3732, %select_n3A_3700 : vector<16xi1>, vector<16xi32>
      %add3A_3763 = arith.constant 32 : i32
      %add3A_3764 = arith.addi %mul3A_13, %add3A_3763 : i32
      %get3A_3765 = arith.constant 60 : i32
      %get3A_3766 = arith.index_cast %get3A_3765 : i32 to index
      %get3A_3767 = arith.index_cast %add3A_3764 : i32 to index
      %get3A_3768 = tpu.vector_load %arg7[%get3A_3766, %get3A_3767] {strides = array<i32>} : memref<64x1024xf32, #tpu.memory_space<vmem>>, vector<1x16xf32>,
      %get3A_3769 = vector.shape_cast %get3A_3768 : vector<1x16xf32> to vector<16xf32>
      %gt3A_3770 = arith.cmpf ogt, %get3A_3769, %select_n3A_3714 : vector<16xf32>
      %gt3A_3771 = arith.cmpf ogt, %get3A_3769, %select_n3A_3711 : vector<16xf32>
      %select_n3A_3772 = arith.select %gt3A_3771, %get3A_3769, %select_n3A_3711 : vector<16xi1>, vector<16xf32>
      %select_n3A_3773 = arith.select %gt3A_3770, %select_n3A_3714, %select_n3A_3772 : vector<16xi1>, vector<16xf32>
      %select_n3A_3774 = arith.select %gt3A_3771, %broadcast_in_dim3A_3732, %select_n3A_3713 : vector<16xi1>, vector<16xi32>
      %select_n3A_3775 = arith.select %gt3A_3770, %select_n3A_3715, %select_n3A_3774 : vector<16xi1>, vector<16xi32>
      %select_n3A_3776 = arith.select %gt3A_3770, %get3A_3769, %select_n3A_3714 : vector<16xi1>, vector<16xf32>
      %select_n3A_3777 = arith.select %gt3A_3770, %broadcast_in_dim3A_3732, %select_n3A_3715 : vector<16xi1>, vector<16xi32>
      %add3A_3778 = arith.constant 48 : i32
      %add3A_3779 = arith.addi %mul3A_13, %add3A_3778 : i32
      %get3A_3780 = arith.constant 60 : i32
      %get3A_3781 = arith.index_cast %get3A_3780 : i32 to index
      %get3A_3782 = arith.index_cast %add3A_3779 : i32 to index
      %get3A_3783 = tpu.vector_load %arg7[%get3A_3781, %get3A_3782] {strides = array<i32>} : memref<64x1024xf32, #tpu.memory_space<vmem>>, vector<1x16xf32>,
      %get3A_3784 = vector.shape_cast %get3A_3783 : vector<1x16xf32> to vector<16xf32>
      %gt3A_3785 = arith.cmpf ogt, %get3A_3784, %select_n3A_3729 : vector<16xf32>
      %gt3A_3786 = arith.cmpf ogt, %get3A_3784, %select_n3A_3726 : vector<16xf32>
      %select_n3A_3787 = arith.select %gt3A_3786, %get3A_3784, %select_n3A_3726 : vector<16xi1>, vector<16xf32>
      %select_n3A_3788 = arith.select %gt3A_3785, %select_n3A_3729, %select_n3A_3787 : vector<16xi1>, vector<16xf32>
      %select_n3A_3789 = arith.select %gt3A_3786, %broadcast_in_dim3A_3732, %select_n3A_3728 : vector<16xi1>, vector<16xi32>
      %select_n3A_3790 = arith.select %gt3A_3785, %select_n3A_3730, %select_n3A_3789 : vector<16xi1>, vector<16xi32>
      %select_n3A_3791 = arith.select %gt3A_3785, %get3A_3784, %select_n3A_3729 : vector<16xi1>, vector<16xf32>
      %select_n3A_3792 = arith.select %gt3A_3785, %broadcast_in_dim3A_3732, %select_n3A_3730 : vector<16xi1>, vector<16xi32>
      %broadcast_in_dim3A_3793 = arith.constant 61 : i32
      %broadcast_in_dim3A_3794 = vector.broadcast %broadcast_in_dim3A_3793 : i32 to vector<16xi32>
      %add3A_3795 = arith.constant 0 : i32
      %add3A_3796 = arith.addi %mul3A_13, %add3A_3795 : i32
      %get3A_3797 = arith.constant 61 : i32
      %get3A_3798 = arith.index_cast %get3A_3797 : i32 to index
      %get3A_3799 = arith.index_cast %add3A_3796 : i32 to index
      %get3A_3800 = tpu.vector_load %arg7[%get3A_3798, %get3A_3799] {strides = array<i32>} : memref<64x1024xf32, #tpu.memory_space<vmem>>, vector<1x16xf32>,
      %get3A_3801 = vector.shape_cast %get3A_3800 : vector<1x16xf32> to vector<16xf32>
      %gt3A_3802 = arith.cmpf ogt, %get3A_3801, %select_n3A_3746 : vector<16xf32>
      %gt3A_3803 = arith.cmpf ogt, %get3A_3801, %select_n3A_3743 : vector<16xf32>
      %select_n3A_3804 = arith.select %gt3A_3803, %get3A_3801, %select_n3A_3743 : vector<16xi1>, vector<16xf32>
      %select_n3A_3805 = arith.select %gt3A_3802, %select_n3A_3746, %select_n3A_3804 : vector<16xi1>, vector<16xf32>
      %select_n3A_3806 = arith.select %gt3A_3803, %broadcast_in_dim3A_3794, %select_n3A_3745 : vector<16xi1>, vector<16xi32>
      %select_n3A_3807 = arith.select %gt3A_3802, %select_n3A_3747, %select_n3A_3806 : vector<16xi1>, vector<16xi32>
      %select_n3A_3808 = arith.select %gt3A_3802, %get3A_3801, %select_n3A_3746 : vector<16xi1>, vector<16xf32>
      %select_n3A_3809 = arith.select %gt3A_3802, %broadcast_in_dim3A_3794, %select_n3A_3747 : vector<16xi1>, vector<16xi32>
      %add3A_3810 = arith.constant 16 : i32
      %add3A_3811 = arith.addi %mul3A_13, %add3A_3810 : i32
      %get3A_3812 = arith.constant 61 : i32
      %get3A_3813 = arith.index_cast %get3A_3812 : i32 to index
      %get3A_3814 = arith.index_cast %add3A_3811 : i32 to index
      %get3A_3815 = tpu.vector_load %arg7[%get3A_3813, %get3A_3814] {strides = array<i32>} : memref<64x1024xf32, #tpu.memory_space<vmem>>, vector<1x16xf32>,
      %get3A_3816 = vector.shape_cast %get3A_3815 : vector<1x16xf32> to vector<16xf32>
      %gt3A_3817 = arith.cmpf ogt, %get3A_3816, %select_n3A_3761 : vector<16xf32>
      %gt3A_3818 = arith.cmpf ogt, %get3A_3816, %select_n3A_3758 : vector<16xf32>
      %select_n3A_3819 = arith.select %gt3A_3818, %get3A_3816, %select_n3A_3758 : vector<16xi1>, vector<16xf32>
      %select_n3A_3820 = arith.select %gt3A_3817, %select_n3A_3761, %select_n3A_3819 : vector<16xi1>, vector<16xf32>
      %select_n3A_3821 = arith.select %gt3A_3818, %broadcast_in_dim3A_3794, %select_n3A_3760 : vector<16xi1>, vector<16xi32>
      %select_n3A_3822 = arith.select %gt3A_3817, %select_n3A_3762, %select_n3A_3821 : vector<16xi1>, vector<16xi32>
      %select_n3A_3823 = arith.select %gt3A_3817, %get3A_3816, %select_n3A_3761 : vector<16xi1>, vector<16xf32>
      %select_n3A_3824 = arith.select %gt3A_3817, %broadcast_in_dim3A_3794, %select_n3A_3762 : vector<16xi1>, vector<16xi32>
      %add3A_3825 = arith.constant 32 : i32
      %add3A_3826 = arith.addi %mul3A_13, %add3A_3825 : i32
      %get3A_3827 = arith.constant 61 : i32
      %get3A_3828 = arith.index_cast %get3A_3827 : i32 to index
      %get3A_3829 = arith.index_cast %add3A_3826 : i32 to index
      %get3A_3830 = tpu.vector_load %arg7[%get3A_3828, %get3A_3829] {strides = array<i32>} : memref<64x1024xf32, #tpu.memory_space<vmem>>, vector<1x16xf32>,
      %get3A_3831 = vector.shape_cast %get3A_3830 : vector<1x16xf32> to vector<16xf32>
      %gt3A_3832 = arith.cmpf ogt, %get3A_3831, %select_n3A_3776 : vector<16xf32>
      %gt3A_3833 = arith.cmpf ogt, %get3A_3831, %select_n3A_3773 : vector<16xf32>
      %select_n3A_3834 = arith.select %gt3A_3833, %get3A_3831, %select_n3A_3773 : vector<16xi1>, vector<16xf32>
      %select_n3A_3835 = arith.select %gt3A_3832, %select_n3A_3776, %select_n3A_3834 : vector<16xi1>, vector<16xf32>
      %select_n3A_3836 = arith.select %gt3A_3833, %broadcast_in_dim3A_3794, %select_n3A_3775 : vector<16xi1>, vector<16xi32>
      %select_n3A_3837 = arith.select %gt3A_3832, %select_n3A_3777, %select_n3A_3836 : vector<16xi1>, vector<16xi32>
      %select_n3A_3838 = arith.select %gt3A_3832, %get3A_3831, %select_n3A_3776 : vector<16xi1>, vector<16xf32>
      %select_n3A_3839 = arith.select %gt3A_3832, %broadcast_in_dim3A_3794, %select_n3A_3777 : vector<16xi1>, vector<16xi32>
      %add3A_3840 = arith.constant 48 : i32
      %add3A_3841 = arith.addi %mul3A_13, %add3A_3840 : i32
      %get3A_3842 = arith.constant 61 : i32
      %get3A_3843 = arith.index_cast %get3A_3842 : i32 to index
      %get3A_3844 = arith.index_cast %add3A_3841 : i32 to index
      %get3A_3845 = tpu.vector_load %arg7[%get3A_3843, %get3A_3844] {strides = array<i32>} : memref<64x1024xf32, #tpu.memory_space<vmem>>, vector<1x16xf32>,
      %get3A_3846 = vector.shape_cast %get3A_3845 : vector<1x16xf32> to vector<16xf32>
      %gt3A_3847 = arith.cmpf ogt, %get3A_3846, %select_n3A_3791 : vector<16xf32>
      %gt3A_3848 = arith.cmpf ogt, %get3A_3846, %select_n3A_3788 : vector<16xf32>
      %select_n3A_3849 = arith.select %gt3A_3848, %get3A_3846, %select_n3A_3788 : vector<16xi1>, vector<16xf32>
      %select_n3A_3850 = arith.select %gt3A_3847, %select_n3A_3791, %select_n3A_3849 : vector<16xi1>, vector<16xf32>
      %select_n3A_3851 = arith.select %gt3A_3848, %broadcast_in_dim3A_3794, %select_n3A_3790 : vector<16xi1>, vector<16xi32>
      %select_n3A_3852 = arith.select %gt3A_3847, %select_n3A_3792, %select_n3A_3851 : vector<16xi1>, vector<16xi32>
      %select_n3A_3853 = arith.select %gt3A_3847, %get3A_3846, %select_n3A_3791 : vector<16xi1>, vector<16xf32>
      %select_n3A_3854 = arith.select %gt3A_3847, %broadcast_in_dim3A_3794, %select_n3A_3792 : vector<16xi1>, vector<16xi32>
      %broadcast_in_dim3A_3855 = arith.constant 62 : i32
      %broadcast_in_dim3A_3856 = vector.broadcast %broadcast_in_dim3A_3855 : i32 to vector<16xi32>
      %add3A_3857 = arith.constant 0 : i32
      %add3A_3858 = arith.addi %mul3A_13, %add3A_3857 : i32
      %get3A_3859 = arith.constant 62 : i32
      %get3A_3860 = arith.index_cast %get3A_3859 : i32 to index
      %get3A_3861 = arith.index_cast %add3A_3858 : i32 to index
      %get3A_3862 = tpu.vector_load %arg7[%get3A_3860, %get3A_3861] {strides = array<i32>} : memref<64x1024xf32, #tpu.memory_space<vmem>>, vector<1x16xf32>,
      %get3A_3863 = vector.shape_cast %get3A_3862 : vector<1x16xf32> to vector<16xf32>
      %gt3A_3864 = arith.cmpf ogt, %get3A_3863, %select_n3A_3808 : vector<16xf32>
      %gt3A_3865 = arith.cmpf ogt, %get3A_3863, %select_n3A_3805 : vector<16xf32>
      %select_n3A_3866 = arith.select %gt3A_3865, %get3A_3863, %select_n3A_3805 : vector<16xi1>, vector<16xf32>
      %select_n3A_3867 = arith.select %gt3A_3864, %select_n3A_3808, %select_n3A_3866 : vector<16xi1>, vector<16xf32>
      %select_n3A_3868 = arith.select %gt3A_3865, %broadcast_in_dim3A_3856, %select_n3A_3807 : vector<16xi1>, vector<16xi32>
      %select_n3A_3869 = arith.select %gt3A_3864, %select_n3A_3809, %select_n3A_3868 : vector<16xi1>, vector<16xi32>
      %select_n3A_3870 = arith.select %gt3A_3864, %get3A_3863, %select_n3A_3808 : vector<16xi1>, vector<16xf32>
      %select_n3A_3871 = arith.select %gt3A_3864, %broadcast_in_dim3A_3856, %select_n3A_3809 : vector<16xi1>, vector<16xi32>
      %add3A_3872 = arith.constant 16 : i32
      %add3A_3873 = arith.addi %mul3A_13, %add3A_3872 : i32
      %get3A_3874 = arith.constant 62 : i32
      %get3A_3875 = arith.index_cast %get3A_3874 : i32 to index
      %get3A_3876 = arith.index_cast %add3A_3873 : i32 to index
      %get3A_3877 = tpu.vector_load %arg7[%get3A_3875, %get3A_3876] {strides = array<i32>} : memref<64x1024xf32, #tpu.memory_space<vmem>>, vector<1x16xf32>,
      %get3A_3878 = vector.shape_cast %get3A_3877 : vector<1x16xf32> to vector<16xf32>
      %gt3A_3879 = arith.cmpf ogt, %get3A_3878, %select_n3A_3823 : vector<16xf32>
      %gt3A_3880 = arith.cmpf ogt, %get3A_3878, %select_n3A_3820 : vector<16xf32>
      %select_n3A_3881 = arith.select %gt3A_3880, %get3A_3878, %select_n3A_3820 : vector<16xi1>, vector<16xf32>
      %select_n3A_3882 = arith.select %gt3A_3879, %select_n3A_3823, %select_n3A_3881 : vector<16xi1>, vector<16xf32>
      %select_n3A_3883 = arith.select %gt3A_3880, %broadcast_in_dim3A_3856, %select_n3A_3822 : vector<16xi1>, vector<16xi32>
      %select_n3A_3884 = arith.select %gt3A_3879, %select_n3A_3824, %select_n3A_3883 : vector<16xi1>, vector<16xi32>
      %select_n3A_3885 = arith.select %gt3A_3879, %get3A_3878, %select_n3A_3823 : vector<16xi1>, vector<16xf32>
      %select_n3A_3886 = arith.select %gt3A_3879, %broadcast_in_dim3A_3856, %select_n3A_3824 : vector<16xi1>, vector<16xi32>
      %add3A_3887 = arith.constant 32 : i32
      %add3A_3888 = arith.addi %mul3A_13, %add3A_3887 : i32
      %get3A_3889 = arith.constant 62 : i32
      %get3A_3890 = arith.index_cast %get3A_3889 : i32 to index
      %get3A_3891 = arith.index_cast %add3A_3888 : i32 to index
      %get3A_3892 = tpu.vector_load %arg7[%get3A_3890, %get3A_3891] {strides = array<i32>} : memref<64x1024xf32, #tpu.memory_space<vmem>>, vector<1x16xf32>,
      %get3A_3893 = vector.shape_cast %get3A_3892 : vector<1x16xf32> to vector<16xf32>
      %gt3A_3894 = arith.cmpf ogt, %get3A_3893, %select_n3A_3838 : vector<16xf32>
      %gt3A_3895 = arith.cmpf ogt, %get3A_3893, %select_n3A_3835 : vector<16xf32>
      %select_n3A_3896 = arith.select %gt3A_3895, %get3A_3893, %select_n3A_3835 : vector<16xi1>, vector<16xf32>
      %select_n3A_3897 = arith.select %gt3A_3894, %select_n3A_3838, %select_n3A_3896 : vector<16xi1>, vector<16xf32>
      %select_n3A_3898 = arith.select %gt3A_3895, %broadcast_in_dim3A_3856, %select_n3A_3837 : vector<16xi1>, vector<16xi32>
      %select_n3A_3899 = arith.select %gt3A_3894, %select_n3A_3839, %select_n3A_3898 : vector<16xi1>, vector<16xi32>
      %select_n3A_3900 = arith.select %gt3A_3894, %get3A_3893, %select_n3A_3838 : vector<16xi1>, vector<16xf32>
      %select_n3A_3901 = arith.select %gt3A_3894, %broadcast_in_dim3A_3856, %select_n3A_3839 : vector<16xi1>, vector<16xi32>
      %add3A_3902 = arith.constant 48 : i32
      %add3A_3903 = arith.addi %mul3A_13, %add3A_3902 : i32
      %get3A_3904 = arith.constant 62 : i32
      %get3A_3905 = arith.index_cast %get3A_3904 : i32 to index
      %get3A_3906 = arith.index_cast %add3A_3903 : i32 to index
      %get3A_3907 = tpu.vector_load %arg7[%get3A_3905, %get3A_3906] {strides = array<i32>} : memref<64x1024xf32, #tpu.memory_space<vmem>>, vector<1x16xf32>,
      %get3A_3908 = vector.shape_cast %get3A_3907 : vector<1x16xf32> to vector<16xf32>
      %gt3A_3909 = arith.cmpf ogt, %get3A_3908, %select_n3A_3853 : vector<16xf32>
      %gt3A_3910 = arith.cmpf ogt, %get3A_3908, %select_n3A_3850 : vector<16xf32>
      %select_n3A_3911 = arith.select %gt3A_3910, %get3A_3908, %select_n3A_3850 : vector<16xi1>, vector<16xf32>
      %select_n3A_3912 = arith.select %gt3A_3909, %select_n3A_3853, %select_n3A_3911 : vector<16xi1>, vector<16xf32>
      %select_n3A_3913 = arith.select %gt3A_3910, %broadcast_in_dim3A_3856, %select_n3A_3852 : vector<16xi1>, vector<16xi32>
      %select_n3A_3914 = arith.select %gt3A_3909, %select_n3A_3854, %select_n3A_3913 : vector<16xi1>, vector<16xi32>
      %select_n3A_3915 = arith.select %gt3A_3909, %get3A_3908, %select_n3A_3853 : vector<16xi1>, vector<16xf32>
      %select_n3A_3916 = arith.select %gt3A_3909, %broadcast_in_dim3A_3856, %select_n3A_3854 : vector<16xi1>, vector<16xi32>
      %broadcast_in_dim3A_3917 = arith.constant 63 : i32
      %broadcast_in_dim3A_3918 = vector.broadcast %broadcast_in_dim3A_3917 : i32 to vector<16xi32>
      %add3A_3919 = arith.constant 0 : i32
      %add3A_3920 = arith.addi %mul3A_13, %add3A_3919 : i32
      %get3A_3921 = arith.constant 63 : i32
      %get3A_3922 = arith.index_cast %get3A_3921 : i32 to index
      %get3A_3923 = arith.index_cast %add3A_3920 : i32 to index
      %get3A_3924 = tpu.vector_load %arg7[%get3A_3922, %get3A_3923] {strides = array<i32>} : memref<64x1024xf32, #tpu.memory_space<vmem>>, vector<1x16xf32>,
      %get3A_3925 = vector.shape_cast %get3A_3924 : vector<1x16xf32> to vector<16xf32>
      %gt3A_3926 = arith.cmpf ogt, %get3A_3925, %select_n3A_3870 : vector<16xf32>
      %gt3A_3927 = arith.cmpf ogt, %get3A_3925, %select_n3A_3867 : vector<16xf32>
      %select_n3A_3928 = arith.select %gt3A_3927, %get3A_3925, %select_n3A_3867 : vector<16xi1>, vector<16xf32>
      %select_n3A_3929 = arith.select %gt3A_3926, %select_n3A_3870, %select_n3A_3928 : vector<16xi1>, vector<16xf32>
      %select_n3A_3930 = arith.select %gt3A_3927, %broadcast_in_dim3A_3918, %select_n3A_3869 : vector<16xi1>, vector<16xi32>
      %select_n3A_3931 = arith.select %gt3A_3926, %select_n3A_3871, %select_n3A_3930 : vector<16xi1>, vector<16xi32>
      %select_n3A_3932 = arith.select %gt3A_3926, %get3A_3925, %select_n3A_3870 : vector<16xi1>, vector<16xf32>
      %select_n3A_3933 = arith.select %gt3A_3926, %broadcast_in_dim3A_3918, %select_n3A_3871 : vector<16xi1>, vector<16xi32>
      %add3A_3934 = arith.constant 16 : i32
      %add3A_3935 = arith.addi %mul3A_13, %add3A_3934 : i32
      %get3A_3936 = arith.constant 63 : i32
      %get3A_3937 = arith.index_cast %get3A_3936 : i32 to index
      %get3A_3938 = arith.index_cast %add3A_3935 : i32 to index
      %get3A_3939 = tpu.vector_load %arg7[%get3A_3937, %get3A_3938] {strides = array<i32>} : memref<64x1024xf32, #tpu.memory_space<vmem>>, vector<1x16xf32>,
      %get3A_3940 = vector.shape_cast %get3A_3939 : vector<1x16xf32> to vector<16xf32>
      %gt3A_3941 = arith.cmpf ogt, %get3A_3940, %select_n3A_3885 : vector<16xf32>
      %gt3A_3942 = arith.cmpf ogt, %get3A_3940, %select_n3A_3882 : vector<16xf32>
      %select_n3A_3943 = arith.select %gt3A_3942, %get3A_3940, %select_n3A_3882 : vector<16xi1>, vector<16xf32>
      %select_n3A_3944 = arith.select %gt3A_3941, %select_n3A_3885, %select_n3A_3943 : vector<16xi1>, vector<16xf32>
      %select_n3A_3945 = arith.select %gt3A_3942, %broadcast_in_dim3A_3918, %select_n3A_3884 : vector<16xi1>, vector<16xi32>
      %select_n3A_3946 = arith.select %gt3A_3941, %select_n3A_3886, %select_n3A_3945 : vector<16xi1>, vector<16xi32>
      %select_n3A_3947 = arith.select %gt3A_3941, %get3A_3940, %select_n3A_3885 : vector<16xi1>, vector<16xf32>
      %select_n3A_3948 = arith.select %gt3A_3941, %broadcast_in_dim3A_3918, %select_n3A_3886 : vector<16xi1>, vector<16xi32>
      %add3A_3949 = arith.constant 32 : i32
      %add3A_3950 = arith.addi %mul3A_13, %add3A_3949 : i32
      %get3A_3951 = arith.constant 63 : i32
      %get3A_3952 = arith.index_cast %get3A_3951 : i32 to index
      %get3A_3953 = arith.index_cast %add3A_3950 : i32 to index
      %get3A_3954 = tpu.vector_load %arg7[%get3A_3952, %get3A_3953] {strides = array<i32>} : memref<64x1024xf32, #tpu.memory_space<vmem>>, vector<1x16xf32>,
      %get3A_3955 = vector.shape_cast %get3A_3954 : vector<1x16xf32> to vector<16xf32>
      %gt3A_3956 = arith.cmpf ogt, %get3A_3955, %select_n3A_3900 : vector<16xf32>
      %gt3A_3957 = arith.cmpf ogt, %get3A_3955, %select_n3A_3897 : vector<16xf32>
      %select_n3A_3958 = arith.select %gt3A_3957, %get3A_3955, %select_n3A_3897 : vector<16xi1>, vector<16xf32>
      %select_n3A_3959 = arith.select %gt3A_3956, %select_n3A_3900, %select_n3A_3958 : vector<16xi1>, vector<16xf32>
      %select_n3A_3960 = arith.select %gt3A_3957, %broadcast_in_dim3A_3918, %select_n3A_3899 : vector<16xi1>, vector<16xi32>
      %select_n3A_3961 = arith.select %gt3A_3956, %select_n3A_3901, %select_n3A_3960 : vector<16xi1>, vector<16xi32>
      %select_n3A_3962 = arith.select %gt3A_3956, %get3A_3955, %select_n3A_3900 : vector<16xi1>, vector<16xf32>
      %select_n3A_3963 = arith.select %gt3A_3956, %broadcast_in_dim3A_3918, %select_n3A_3901 : vector<16xi1>, vector<16xi32>
      %add3A_3964 = arith.constant 48 : i32
      %add3A_3965 = arith.addi %mul3A_13, %add3A_3964 : i32
      %get3A_3966 = arith.constant 63 : i32
      %get3A_3967 = arith.index_cast %get3A_3966 : i32 to index
      %get3A_3968 = arith.index_cast %add3A_3965 : i32 to index
      %get3A_3969 = tpu.vector_load %arg7[%get3A_3967, %get3A_3968] {strides = array<i32>} : memref<64x1024xf32, #tpu.memory_space<vmem>>, vector<1x16xf32>,
      %get3A_3970 = vector.shape_cast %get3A_3969 : vector<1x16xf32> to vector<16xf32>
      %gt3A_3971 = arith.cmpf ogt, %get3A_3970, %select_n3A_3915 : vector<16xf32>
      %gt3A_3972 = arith.cmpf ogt, %get3A_3970, %select_n3A_3912 : vector<16xf32>
      %select_n3A_3973 = arith.select %gt3A_3972, %get3A_3970, %select_n3A_3912 : vector<16xi1>, vector<16xf32>
      %select_n3A_3974 = arith.select %gt3A_3971, %select_n3A_3915, %select_n3A_3973 : vector<16xi1>, vector<16xf32>
      %select_n3A_3975 = arith.select %gt3A_3972, %broadcast_in_dim3A_3918, %select_n3A_3914 : vector<16xi1>, vector<16xi32>
      %select_n3A_3976 = arith.select %gt3A_3971, %select_n3A_3916, %select_n3A_3975 : vector<16xi1>, vector<16xi32>
      %select_n3A_3977 = arith.select %gt3A_3971, %get3A_3970, %select_n3A_3915 : vector<16xi1>, vector<16xf32>
      %select_n3A_3978 = arith.select %gt3A_3971, %broadcast_in_dim3A_3918, %select_n3A_3916 : vector<16xi1>, vector<16xi32>
      %add3A_3979 = arith.constant 0 : i32
      %add3A_3980 = arith.addi %mul3A_13, %add3A_3979 : i32
      %sub3A = arith.subf %select_n3A_3929, %select_n3A_3932 : vector<16xf32>
      %exp3A = math.exp %sub3A : vector<16xf32>
      %add3A_3981 = arith.constant 1.000000e+00 : f32
      %add3A_3982 = vector.broadcast %add3A_3981 : f32 to vector<16xf32>
      %add3A_3983 = arith.addf %add3A_3982, %exp3A : vector<16xf32>
      %div3A = arith.constant 1.000000e+00 : f32
      %div3A_3984 = vector.broadcast %div3A : f32 to vector<16xf32>
      %div3A_3985 = arith.divf %div3A_3984, %add3A_3983 : vector<16xf32>
      %swap3A = arith.index_cast %add3A_3980 : i32 to index
      %swap3A_3986 = tpu.vector_load %arg8[%swap3A] {strides = array<i32>} : memref<1024xi32, #tpu.memory_space<vmem>>, vector<16xi32>,
      %swap3A_3987 = vector.shape_cast %swap3A_3986 : vector<16xi32> to vector<16xi32>
      %swap3A_3988 = vector.shape_cast %select_n3A_3933 : vector<16xi32> to vector<16xi32>
      tpu.vector_store %arg8[%swap3A], %swap3A_3988 {strides = array<i32>} : memref<1024xi32, #tpu.memory_space<vmem>>, vector<16xi32>,
      %swap3A_3989 = arith.index_cast %add3A_3980 : i32 to index
      %swap3A_3990 = tpu.vector_load %arg9[%swap3A_3989] {strides = array<i32>} : memref<1024xi32, #tpu.memory_space<vmem>>, vector<16xi32>,
      %swap3A_3991 = vector.shape_cast %swap3A_3990 : vector<16xi32> to vector<16xi32>
      %swap3A_3992 = vector.shape_cast %select_n3A_3931 : vector<16xi32> to vector<16xi32>
      tpu.vector_store %arg9[%swap3A_3989], %swap3A_3992 {strides = array<i32>} : memref<1024xi32, #tpu.memory_space<vmem>>, vector<16xi32>,
      %swap3A_3993 = arith.index_cast %add3A_3980 : i32 to index
      %swap3A_3994 = tpu.vector_load %arg10[%swap3A_3993] {strides = array<i32>} : memref<1024xf32, #tpu.memory_space<vmem>>, vector<16xf32>,
      %swap3A_3995 = vector.shape_cast %swap3A_3994 : vector<16xf32> to vector<16xf32>
      %swap3A_3996 = vector.shape_cast %div3A_3985 : vector<16xf32> to vector<16xf32>
      tpu.vector_store %arg10[%swap3A_3993], %swap3A_3996 {strides = array<i32>} : memref<1024xf32, #tpu.memory_space<vmem>>, vector<16xf32>,
      %sub3A_3997 = arith.constant 1.000000e+00 : f32
      %sub3A_3998 = vector.broadcast %sub3A_3997 : f32 to vector<16xf32>
      %sub3A_3999 = arith.subf %sub3A_3998, %div3A_3985 : vector<16xf32>
      %swap3A_4000 = arith.index_cast %add3A_3980 : i32 to index
      %swap3A_4001 = tpu.vector_load %arg11[%swap3A_4000] {strides = array<i32>} : memref<1024xf32, #tpu.memory_space<vmem>>, vector<16xf32>,
      %swap3A_4002 = vector.shape_cast %swap3A_4001 : vector<16xf32> to vector<16xf32>
      %swap3A_4003 = vector.shape_cast %sub3A_3999 : vector<16xf32> to vector<16xf32>
      tpu.vector_store %arg11[%swap3A_4000], %swap3A_4003 {strides = array<i32>} : memref<1024xf32, #tpu.memory_space<vmem>>, vector<16xf32>,
      %add3A_4004 = arith.constant 16 : i32
      %add3A_4005 = arith.addi %mul3A_13, %add3A_4004 : i32
      %sub3A_4006 = arith.subf %select_n3A_3944, %select_n3A_3947 : vector<16xf32>
      %exp3A_4007 = math.exp %sub3A_4006 : vector<16xf32>
      %add3A_4008 = arith.constant 1.000000e+00 : f32
      %add3A_4009 = vector.broadcast %add3A_4008 : f32 to vector<16xf32>
      %add3A_4010 = arith.addf %add3A_4009, %exp3A_4007 : vector<16xf32>
      %div3A_4011 = arith.constant 1.000000e+00 : f32
      %div3A_4012 = vector.broadcast %div3A_4011 : f32 to vector<16xf32>
      %div3A_4013 = arith.divf %div3A_4012, %add3A_4010 : vector<16xf32>
      %swap3A_4014 = arith.index_cast %add3A_4005 : i32 to index
      %swap3A_4015 = tpu.vector_load %arg8[%swap3A_4014] {strides = array<i32>} : memref<1024xi32, #tpu.memory_space<vmem>>, vector<16xi32>,
      %swap3A_4016 = vector.shape_cast %swap3A_4015 : vector<16xi32> to vector<16xi32>
      %swap3A_4017 = vector.shape_cast %select_n3A_3948 : vector<16xi32> to vector<16xi32>
      tpu.vector_store %arg8[%swap3A_4014], %swap3A_4017 {strides = array<i32>} : memref<1024xi32, #tpu.memory_space<vmem>>, vector<16xi32>,
      %swap3A_4018 = arith.index_cast %add3A_4005 : i32 to index
      %swap3A_4019 = tpu.vector_load %arg9[%swap3A_4018] {strides = array<i32>} : memref<1024xi32, #tpu.memory_space<vmem>>, vector<16xi32>,
      %swap3A_4020 = vector.shape_cast %swap3A_4019 : vector<16xi32> to vector<16xi32>
      %swap3A_4021 = vector.shape_cast %select_n3A_3946 : vector<16xi32> to vector<16xi32>
      tpu.vector_store %arg9[%swap3A_4018], %swap3A_4021 {strides = array<i32>} : memref<1024xi32, #tpu.memory_space<vmem>>, vector<16xi32>,
      %swap3A_4022 = arith.index_cast %add3A_4005 : i32 to index
      %swap3A_4023 = tpu.vector_load %arg10[%swap3A_4022] {strides = array<i32>} : memref<1024xf32, #tpu.memory_space<vmem>>, vector<16xf32>,
      %swap3A_4024 = vector.shape_cast %swap3A_4023 : vector<16xf32> to vector<16xf32>
      %swap3A_4025 = vector.shape_cast %div3A_4013 : vector<16xf32> to vector<16xf32>
      tpu.vector_store %arg10[%swap3A_4022], %swap3A_4025 {strides = array<i32>} : memref<1024xf32, #tpu.memory_space<vmem>>, vector<16xf32>,
      %sub3A_4026 = arith.constant 1.000000e+00 : f32
      %sub3A_4027 = vector.broadcast %sub3A_4026 : f32 to vector<16xf32>
      %sub3A_4028 = arith.subf %sub3A_4027, %div3A_4013 : vector<16xf32>
      %swap3A_4029 = arith.index_cast %add3A_4005 : i32 to index
      %swap3A_4030 = tpu.vector_load %arg11[%swap3A_4029] {strides = array<i32>} : memref<1024xf32, #tpu.memory_space<vmem>>, vector<16xf32>,
      %swap3A_4031 = vector.shape_cast %swap3A_4030 : vector<16xf32> to vector<16xf32>
      %swap3A_4032 = vector.shape_cast %sub3A_4028 : vector<16xf32> to vector<16xf32>
      tpu.vector_store %arg11[%swap3A_4029], %swap3A_4032 {strides = array<i32>} : memref<1024xf32, #tpu.memory_space<vmem>>, vector<16xf32>,
      %add3A_4033 = arith.constant 32 : i32
      %add3A_4034 = arith.addi %mul3A_13, %add3A_4033 : i32
      %sub3A_4035 = arith.subf %select_n3A_3959, %select_n3A_3962 : vector<16xf32>
      %exp3A_4036 = math.exp %sub3A_4035 : vector<16xf32>
      %add3A_4037 = arith.constant 1.000000e+00 : f32
      %add3A_4038 = vector.broadcast %add3A_4037 : f32 to vector<16xf32>
      %add3A_4039 = arith.addf %add3A_4038, %exp3A_4036 : vector<16xf32>
      %div3A_4040 = arith.constant 1.000000e+00 : f32
      %div3A_4041 = vector.broadcast %div3A_4040 : f32 to vector<16xf32>
      %div3A_4042 = arith.divf %div3A_4041, %add3A_4039 : vector<16xf32>
      %swap3A_4043 = arith.index_cast %add3A_4034 : i32 to index
      %swap3A_4044 = tpu.vector_load %arg8[%swap3A_4043] {strides = array<i32>} : memref<1024xi32, #tpu.memory_space<vmem>>, vector<16xi32>,
      %swap3A_4045 = vector.shape_cast %swap3A_4044 : vector<16xi32> to vector<16xi32>
      %swap3A_4046 = vector.shape_cast %select_n3A_3963 : vector<16xi32> to vector<16xi32>
      tpu.vector_store %arg8[%swap3A_4043], %swap3A_4046 {strides = array<i32>} : memref<1024xi32, #tpu.memory_space<vmem>>, vector<16xi32>,
      %swap3A_4047 = arith.index_cast %add3A_4034 : i32 to index
      %swap3A_4048 = tpu.vector_load %arg9[%swap3A_4047] {strides = array<i32>} : memref<1024xi32, #tpu.memory_space<vmem>>, vector<16xi32>,
      %swap3A_4049 = vector.shape_cast %swap3A_4048 : vector<16xi32> to vector<16xi32>
      %swap3A_4050 = vector.shape_cast %select_n3A_3961 : vector<16xi32> to vector<16xi32>
      tpu.vector_store %arg9[%swap3A_4047], %swap3A_4050 {strides = array<i32>} : memref<1024xi32, #tpu.memory_space<vmem>>, vector<16xi32>,
      %swap3A_4051 = arith.index_cast %add3A_4034 : i32 to index
      %swap3A_4052 = tpu.vector_load %arg10[%swap3A_4051] {strides = array<i32>} : memref<1024xf32, #tpu.memory_space<vmem>>, vector<16xf32>,
      %swap3A_4053 = vector.shape_cast %swap3A_4052 : vector<16xf32> to vector<16xf32>
      %swap3A_4054 = vector.shape_cast %div3A_4042 : vector<16xf32> to vector<16xf32>
      tpu.vector_store %arg10[%swap3A_4051], %swap3A_4054 {strides = array<i32>} : memref<1024xf32, #tpu.memory_space<vmem>>, vector<16xf32>,
      %sub3A_4055 = arith.constant 1.000000e+00 : f32
      %sub3A_4056 = vector.broadcast %sub3A_4055 : f32 to vector<16xf32>
      %sub3A_4057 = arith.subf %sub3A_4056, %div3A_4042 : vector<16xf32>
      %swap3A_4058 = arith.index_cast %add3A_4034 : i32 to index
      %swap3A_4059 = tpu.vector_load %arg11[%swap3A_4058] {strides = array<i32>} : memref<1024xf32, #tpu.memory_space<vmem>>, vector<16xf32>,
      %swap3A_4060 = vector.shape_cast %swap3A_4059 : vector<16xf32> to vector<16xf32>
      %swap3A_4061 = vector.shape_cast %sub3A_4057 : vector<16xf32> to vector<16xf32>
      tpu.vector_store %arg11[%swap3A_4058], %swap3A_4061 {strides = array<i32>} : memref<1024xf32, #tpu.memory_space<vmem>>, vector<16xf32>,
      %add3A_4062 = arith.constant 48 : i32
      %add3A_4063 = arith.addi %mul3A_13, %add3A_4062 : i32
      %sub3A_4064 = arith.subf %select_n3A_3974, %select_n3A_3977 : vector<16xf32>
      %exp3A_4065 = math.exp %sub3A_4064 : vector<16xf32>
      %add3A_4066 = arith.constant 1.000000e+00 : f32
      %add3A_4067 = vector.broadcast %add3A_4066 : f32 to vector<16xf32>
      %add3A_4068 = arith.addf %add3A_4067, %exp3A_4065 : vector<16xf32>
      %div3A_4069 = arith.constant 1.000000e+00 : f32
      %div3A_4070 = vector.broadcast %div3A_4069 : f32 to vector<16xf32>
      %div3A_4071 = arith.divf %div3A_4070, %add3A_4068 : vector<16xf32>
      %swap3A_4072 = arith.index_cast %add3A_4063 : i32 to index
      %swap3A_4073 = tpu.vector_load %arg8[%swap3A_4072] {strides = array<i32>} : memref<1024xi32, #tpu.memory_space<vmem>>, vector<16xi32>,
      %swap3A_4074 = vector.shape_cast %swap3A_4073 : vector<16xi32> to vector<16xi32>
      %swap3A_4075 = vector.shape_cast %select_n3A_3978 : vector<16xi32> to vector<16xi32>
      tpu.vector_store %arg8[%swap3A_4072], %swap3A_4075 {strides = array<i32>} : memref<1024xi32, #tpu.memory_space<vmem>>, vector<16xi32>,
      %swap3A_4076 = arith.index_cast %add3A_4063 : i32 to index
      %swap3A_4077 = tpu.vector_load %arg9[%swap3A_4076] {strides = array<i32>} : memref<1024xi32, #tpu.memory_space<vmem>>, vector<16xi32>,
      %swap3A_4078 = vector.shape_cast %swap3A_4077 : vector<16xi32> to vector<16xi32>
      %swap3A_4079 = vector.shape_cast %select_n3A_3976 : vector<16xi32> to vector<16xi32>
      tpu.vector_store %arg9[%swap3A_4076], %swap3A_4079 {strides = array<i32>} : memref<1024xi32, #tpu.memory_space<vmem>>, vector<16xi32>,
      %swap3A_4080 = arith.index_cast %add3A_4063 : i32 to index
      %swap3A_4081 = tpu.vector_load %arg10[%swap3A_4080] {strides = array<i32>} : memref<1024xf32, #tpu.memory_space<vmem>>, vector<16xf32>,
      %swap3A_4082 = vector.shape_cast %swap3A_4081 : vector<16xf32> to vector<16xf32>
      %swap3A_4083 = vector.shape_cast %div3A_4071 : vector<16xf32> to vector<16xf32>
      tpu.vector_store %arg10[%swap3A_4080], %swap3A_4083 {strides = array<i32>} : memref<1024xf32, #tpu.memory_space<vmem>>, vector<16xf32>,
      %sub3A_4084 = arith.constant 1.000000e+00 : f32
      %sub3A_4085 = vector.broadcast %sub3A_4084 : f32 to vector<16xf32>
      %sub3A_4086 = arith.subf %sub3A_4085, %div3A_4071 : vector<16xf32>
      %swap3A_4087 = arith.index_cast %add3A_4063 : i32 to index
      %swap3A_4088 = tpu.vector_load %arg11[%swap3A_4087] {strides = array<i32>} : memref<1024xf32, #tpu.memory_space<vmem>>, vector<16xf32>,
      %swap3A_4089 = vector.shape_cast %swap3A_4088 : vector<16xf32> to vector<16xf32>
      %swap3A_4090 = vector.shape_cast %sub3A_4086 : vector<16xf32> to vector<16xf32>
      tpu.vector_store %arg11[%swap3A_4087], %swap3A_4090 {strides = array<i32>} : memref<1024xf32, #tpu.memory_space<vmem>>, vector<16xf32>,
    }
    %scan3A_10 = arith.constant 16 : i32
    "tpu.region"() ({
      %run_scoped3A = tpu.sem_alloc : memref<!tpu.dma_semaphore, #tpu.memory_space<semaphore_mem>>
      %dma_start3A = tpu.memref_slice %arg3[%mul3A_2] : memref<32768xi32, #tpu.memory_space<hbm>> -> memref<1024xi32, #tpu.memory_space<hbm>>
      %dma_start3A_11 = tpu.memref_slice %arg3[%mul3A_2] : memref<32768xi32, #tpu.memory_space<hbm>> -> memref<1024xi32, #tpu.memory_space<hbm>>
      tpu.enqueue_dma source(%arg8 : memref<1024xi32, #tpu.memory_space<vmem>>) target(%dma_start3A_11 : memref<1024xi32, #tpu.memory_space<hbm>>) target_semaphore(%run_scoped3A : memref<!tpu.dma_semaphore, #tpu.memory_space<semaphore_mem>>)
      %dma_wait3A = tpu.memref_slice %arg3[%mul3A_2] : memref<32768xi32, #tpu.memory_space<hbm>> -> memref<1024xi32, #tpu.memory_space<hbm>>
      %dma_wait3A_12 = tpu.memref_slice %arg3[%mul3A_2] : memref<32768xi32, #tpu.memory_space<hbm>> -> memref<1024xi32, #tpu.memory_space<hbm>>
      tpu.wait_dma2 semaphore(%run_scoped3A : memref<!tpu.dma_semaphore, #tpu.memory_space<semaphore_mem>>) src(%arg8 : memref<1024xi32, #tpu.memory_space<vmem>>) dst(%dma_wait3A_12 : memref<1024xi32, #tpu.memory_space<hbm>>)
      tpu.yield
    }) : () -> ()
    "tpu.region"() ({
      %run_scoped3A = tpu.sem_alloc : memref<!tpu.dma_semaphore, #tpu.memory_space<semaphore_mem>>
      %dma_start3A = tpu.memref_slice %arg4[%mul3A_2] : memref<32768xi32, #tpu.memory_space<hbm>> -> memref<1024xi32, #tpu.memory_space<hbm>>
      %dma_start3A_11 = tpu.memref_slice %arg4[%mul3A_2] : memref<32768xi32, #tpu.memory_space<hbm>> -> memref<1024xi32, #tpu.memory_space<hbm>>
      tpu.enqueue_dma source(%arg9 : memref<1024xi32, #tpu.memory_space<vmem>>) target(%dma_start3A_11 : memref<1024xi32, #tpu.memory_space<hbm>>) target_semaphore(%run_scoped3A : memref<!tpu.dma_semaphore, #tpu.memory_space<semaphore_mem>>)
      %dma_wait3A = tpu.memref_slice %arg4[%mul3A_2] : memref<32768xi32, #tpu.memory_space<hbm>> -> memref<1024xi32, #tpu.memory_space<hbm>>
      %dma_wait3A_12 = tpu.memref_slice %arg4[%mul3A_2] : memref<32768xi32, #tpu.memory_space<hbm>> -> memref<1024xi32, #tpu.memory_space<hbm>>
      tpu.wait_dma2 semaphore(%run_scoped3A : memref<!tpu.dma_semaphore, #tpu.memory_space<semaphore_mem>>) src(%arg9 : memref<1024xi32, #tpu.memory_space<vmem>>) dst(%dma_wait3A_12 : memref<1024xi32, #tpu.memory_space<hbm>>)
      tpu.yield
    }) : () -> ()
    "tpu.region"() ({
      %run_scoped3A = tpu.sem_alloc : memref<!tpu.dma_semaphore, #tpu.memory_space<semaphore_mem>>
      %dma_start3A = tpu.memref_slice %arg5[%mul3A_2] : memref<32768xf32, #tpu.memory_space<hbm>> -> memref<1024xf32, #tpu.memory_space<hbm>>
      %dma_start3A_11 = tpu.memref_slice %arg5[%mul3A_2] : memref<32768xf32, #tpu.memory_space<hbm>> -> memref<1024xf32, #tpu.memory_space<hbm>>
      tpu.enqueue_dma source(%arg10 : memref<1024xf32, #tpu.memory_space<vmem>>) target(%dma_start3A_11 : memref<1024xf32, #tpu.memory_space<hbm>>) target_semaphore(%run_scoped3A : memref<!tpu.dma_semaphore, #tpu.memory_space<semaphore_mem>>)
      %dma_wait3A = tpu.memref_slice %arg5[%mul3A_2] : memref<32768xf32, #tpu.memory_space<hbm>> -> memref<1024xf32, #tpu.memory_space<hbm>>
      %dma_wait3A_12 = tpu.memref_slice %arg5[%mul3A_2] : memref<32768xf32, #tpu.memory_space<hbm>> -> memref<1024xf32, #tpu.memory_space<hbm>>
      tpu.wait_dma2 semaphore(%run_scoped3A : memref<!tpu.dma_semaphore, #tpu.memory_space<semaphore_mem>>) src(%arg10 : memref<1024xf32, #tpu.memory_space<vmem>>) dst(%dma_wait3A_12 : memref<1024xf32, #tpu.memory_space<hbm>>)
      tpu.yield
    }) : () -> ()
    "tpu.region"() ({
      %run_scoped3A = tpu.sem_alloc : memref<!tpu.dma_semaphore, #tpu.memory_space<semaphore_mem>>
      %dma_start3A = tpu.memref_slice %arg6[%mul3A_2] : memref<32768xf32, #tpu.memory_space<hbm>> -> memref<1024xf32, #tpu.memory_space<hbm>>
      %dma_start3A_11 = tpu.memref_slice %arg6[%mul3A_2] : memref<32768xf32, #tpu.memory_space<hbm>> -> memref<1024xf32, #tpu.memory_space<hbm>>
      tpu.enqueue_dma source(%arg11 : memref<1024xf32, #tpu.memory_space<vmem>>) target(%dma_start3A_11 : memref<1024xf32, #tpu.memory_space<hbm>>) target_semaphore(%run_scoped3A : memref<!tpu.dma_semaphore, #tpu.memory_space<semaphore_mem>>)
      %dma_wait3A = tpu.memref_slice %arg6[%mul3A_2] : memref<32768xf32, #tpu.memory_space<hbm>> -> memref<1024xf32, #tpu.memory_space<hbm>>
      %dma_wait3A_12 = tpu.memref_slice %arg6[%mul3A_2] : memref<32768xf32, #tpu.memory_space<hbm>> -> memref<1024xf32, #tpu.memory_space<hbm>>
      tpu.wait_dma2 semaphore(%run_scoped3A : memref<!tpu.dma_semaphore, #tpu.memory_space<semaphore_mem>>) src(%arg11 : memref<1024xf32, #tpu.memory_space<vmem>>) dst(%dma_wait3A_12 : memref<1024xf32, #tpu.memory_space<hbm>>)
      tpu.yield
    }) : () -> ()
    return
  }
}

module attributes {stable_mosaic.version = 14 : i64} {
  func.func @_mm_body(%arg0: i32, %arg1: memref<4096x768xf32, #tpu.memory_space<vmem>>, %arg2: memref<64x768xf32, #tpu.memory_space<vmem>>, %arg3: memref<64x4096xf32, #tpu.memory_space<vmem>>) attributes {dimension_semantics = [#tpu.dimension_semantics<arbitrary>], iteration_bounds = array<i64: 8>, scalar_prefetch = 0 : i64, scratch_operands = 0 : i64, tpu.core_type = #tpu.core_type<tc>, window_params = [{transform_indices = @transform_0, window_bounds = array<i64: 4096, 768>}, {pipeline_mode = #tpu.pipeline_mode<synchronous>, transform_indices = @transform_1, window_bounds = array<i64: 64, 768>}, {transform_indices = @transform_2, window_bounds = array<i64: 64, 4096>}]} {
    %get3A = arith.constant 0 : index
    %get3A_0 = arith.constant 0 : index
    %get3A_1 = vector.load %arg2[%get3A, %get3A_0] : memref<64x768xf32, #tpu.memory_space<vmem>>, vector<64x768xf32>
    %get3A_2 = arith.constant 0 : index
    %get3A_3 = arith.constant 0 : index
    %get3A_4 = vector.load %arg1[%get3A_2, %get3A_3] : memref<4096x768xf32, #tpu.memory_space<vmem>>, vector<4096x768xf32>
    %dot_general3A = arith.constant dense<0.000000e+00> : vector<64x4096xf32>
    %dot_general3A_5 = tpu.matmul %get3A_1, %get3A_4, %dot_general3A {dimension_numbers = #tpu.dot_dimension_numbers<[1], [1], [0], [0], [0, 0, 1, 0], [], []>, transpose_lhs_hint = false} : vector<64x768xf32>, vector<4096x768xf32>, vector<64x4096xf32> -> vector<64x4096xf32>
    %swap3A = arith.constant 0 : index
    %swap3A_6 = arith.constant 0 : index
    %swap3A_7 = vector.load %arg3[%swap3A, %swap3A_6] : memref<64x4096xf32, #tpu.memory_space<vmem>>, vector<64x4096xf32>
    tpu.vector_store %arg3[%swap3A, %swap3A_6], %dot_general3A_5 {strides = array<i32>} : memref<64x4096xf32, #tpu.memory_space<vmem>>, vector<64x4096xf32>,
    return
  }
  func.func @transform_0(%arg0: i32) -> (i32, i32) {
    %c0_i32 = arith.constant 0 : i32
    %c0_i32_0 = arith.constant 0 : i32
    return %arg0, %c0_i32 : i32, i32
  }
  func.func @transform_1(%arg0: i32) -> (i32, i32) {
    %c0_i32 = arith.constant 0 : i32
    %c0_i32_0 = arith.constant 0 : i32
    %c0_i32_1 = arith.constant 0 : i32
    return %c0_i32, %c0_i32_0 : i32, i32
  }
  func.func @transform_2(%arg0: i32) -> (i32, i32) {
    %c0_i32 = arith.constant 0 : i32
    %c0_i32_0 = arith.constant 0 : i32
    return %c0_i32, %arg0 : i32, i32
  }
}

</mosaic_0001>

<sc_bundles>
// kernel: kernel.4.cloned.1.call-start
scs
__scs_entry_jumppad:
0x0: {  	(pc) =	sbr.rel $0x88, $3  }
0x1: {  	(tag) =	ssettag $0x0;
	lr =	simm.s32 $0x1  }
0x2: {  	[smem:$0x3F9F] =	sst lr;
	_ =	strace $0xD0000000  }
0x3: {  	_ = 	snop  }
0x4: {  	_ = 	snop  }
0x5: {  	_ = 	snop  }
0x6: {  	_ = 	snop  }
0x7: {  	_ = 	snop  }
__scs_overlays_trampoline_lowered:
0x8: {  	[smem:$0x3FAE] =	sst s0  }
0x9: {  	[smem:$0x3FAF] =	sst s1  }
0xa: {  	[smem:$0x3FB0] =	sst s2  }
0xb: {  	[smem:$0x3FB1] =	sst s3  }
0xc: {  	[smem:$0x3FB2] =	sst s4  }
0xd: {  	[smem:$0x3FB3] =	sst s5  }
0xe: {  	[smem:$0x3FB4] =	sst s6  }
0xf: {  	[smem:$0x3FB5] =	sst s7  }
0x10: {  	[smem:$0x3FB6] =	sst s8  }
0x11: {  	[smem:$0x3FB7] =	sst s9;
	s0 =	simm.s32 @!p0 $0x0  }
0x12: {  	s1 =	sld [smem:$0x3F9D];
	s0 =	simm.s32 @p0 $0x1  }
0x13: {  	[smem:$0x3FB8] =	sst s0;
	s0 =	simm.s32 @!p1 $0x0  }
0x14: {  	s2 =	sld [smem:$0x3F9C];
	s0 =	simm.s32 @p1 $0x1  }
0x15: {  	[smem:$0x3FB9] =	sst s0;
	s0 =	simm.s32 @!p2 $0x0  }
0x16: {  	s3 =	sld [smem:$0x3FDB];
	s0 =	simm.s32 @p2 $0x1  }
0x17: {  	s4 =	simm.s32 $0x1BF5;
	[smem:$0x3FBB] =	sst s0  }
0x18: {  	s0 =	sld [smem:$0x3F9E];
	_ =	swait.ge [sflag:s4], $0x0  }
0x19: {  	s7 =	sld [smem:$0x3F9F]  }
0x1a: {  	s8 =	sadd.s32 $0xFFFFE003, lr  }
0x1b: {  	s9 =	sadd.s32 $0xFFFFFEF7, lr;
	s5 =	simm.s32 $0xFFFFFFFF;
	p2 =	slt.u32 s8, $0xFFFFF086  }
0x1c: {  	p1 =	slt.u32 s9, $0xF7A;
	s5 =	simm.s32 @!p2 $0x0  }
0x1d: {  	s5 =	simm.s32 @p1 $0x1;
	p0 =	seq.s32 s7, s2  }
0x1e: {  	s7 =	smul.u32 @!p0 $0xF7A, s2;
	p2 =	seq.s32 @!p0 s5, $0x0  }
0x1f: {  	s9 =	smul.u32 $0xF7A, s1;
	s8 =	simm.s32 @!p0 $0x1BF5;
	p2 =	por !p2, p0  }
0x20: {  	[sflag:s8] =	ssyncset.s32 @!p0 $0xFFFFF086;
	s6 =	sadd.s32 @!p0 s3, s7;
	s7 =	simm.s32 @!p0 $0x108  }
0x21: {  	s3 =	sadd.s32 s3, s9;
	s6 =	sadd.s32 @!p0 $0x88, s6;
	s7 =	simm.s32 @p2 $0x1082  }
0x22: {  	[simem:s7], [sflag:s8] =	dma.local @!p0 [hbm:s6], $0xF7A  }
0x23: {  	s9 =	sor.u32 $0xD0000000, s2;
	s6 =	simm.s32 $0x108;
	_ =	swait.ge @!p0 [sflag:s8], $0x0  }
0x24: {  	s3 =	sadd.s32 $0x88, s3;
	s6 =	simm.s32 @!p1 $0x1082;
	[sflag:s4] =	ssyncset.s32 $0xFFFFF086  }
0x25: {  	[simem:s6], [sflag:s4] =	dma.local [hbm:s3], $0xF7A  }
0x26: {  	[smem:$0x3F9F] =	sst s1;
	(tag) =	ssettag s2;
	_ =	strace s9  }
0x27: {  	s1 =	sld [smem:$0x3FAF]  }
0x28: {  	s2 =	sld [smem:$0x3FB0]  }
0x29: {  	s4 =	sld [smem:$0x3FB2]  }
0x2a: {  	p0 =	seq.s32 s5, $0x0;
	s5 =	sld [smem:$0x3FB3]  }
0x2b: {  	s6 =	sld [smem:$0x3FB4]  }
0x2c: {  	s7 =	sld [smem:$0x3FB5]  }
0x2d: {  	s3 =	simm.s32 $0x108;
	s8 =	sld [smem:$0x3FB6]  }
0x2e: {  	s3 =	simm.s32 @!p0 $0x1082;
	s9 =	sld [smem:$0x3FB7]  }
0x2f: {  	lr =	sadd.s32 s0, s3;
	s0 =	sld [smem:$0x3FAE]  }
0x30: {  	s3 =	sld [smem:$0x3FB1]  }
0x31: {  	[smem:$0x3FBA] =	sst s10  }
0x32: {  	s10 =	sld [smem:$0x3FB8];
	_ =	sdelay $0x3  }
0x33: {  	p0 =	seq.s32 s10, $0x1;
	s10 =	sld [smem:$0x3FBA];
	_ =	sdelay $0x3  }
0x34: {  	[smem:$0x3FBA] =	sst s10  }
0x35: {  	s10 =	sld [smem:$0x3FB9];
	_ =	sdelay $0x3  }
0x36: {  	p1 =	seq.s32 s10, $0x1;
	s10 =	sld [smem:$0x3FBA];
	_ =	sdelay $0x3  }
0x37: {  	[smem:$0x3FBA] =	sst s10  }
0x38: {  	s10 =	sld [smem:$0x3FBB]  }
0x39: {  	_ = 	snop;
	(pc) =	sbr.ind lr, $3  }
0x3a: {  	_ = 	snop  }
0x3b: {  	_ = 	snop  }
0x3c: {  	p2 =	seq.s32 s10, $0x1;
	s10 =	sld [smem:$0x3FBA]  }
0x3d: {  	_ =	shalt  }
0x3e: {  	_ =	shalt  }
0x3f: {  	_ =	shalt  }
0x40: {  	_ =	shalt  }
0x41: {  	_ =	shalt  }
0x42: {  	_ =	shalt  }
0x43: {  	_ =	shalt  }
0x44: {  	_ =	shalt  }
0x45: {  	_ =	shalt  }
0x46: {  	_ =	shalt  }
0x47: {  	_ =	shalt  }
0x48: {  	_ =	shalt  }
0x49: {  	_ =	shalt  }
0x4a: {  	_ =	shalt  }
0x4b: {  	_ =	shalt  }
0x4c: {  	_ =	shalt  }
0x4d: {  	_ =	shalt  }
0x4e: {  	_ =	shalt  }
0x4f: {  	_ =	shalt  }
0x50: {  	_ =	shalt  }
0x51: {  	_ =	shalt  }
0x52: {  	_ =	shalt  }
0x53: {  	_ =	shalt  }
0x54: {  	_ =	shalt  }
0x55: {  	_ =	shalt  }
0x56: {  	_ =	shalt  }
0x57: {  	_ =	shalt  }
0x58: {  	_ =	shalt  }
0x59: {  	_ =	shalt  }
0x5a: {  	_ =	shalt  }
0x5b: {  	_ =	shalt  }
0x5c: {  	_ =	shalt  }
0x5d: {  	_ =	shalt  }
0x5e: {  	_ =	shalt  }
0x5f: {  	_ =	shalt  }
0x60: {  	_ =	shalt  }
0x61: {  	_ =	shalt  }
0x62: {  	_ =	shalt  }
0x63: {  	_ =	shalt  }
0x64: {  	_ =	shalt  }
0x65: {  	_ =	shalt  }
0x66: {  	_ =	shalt  }
0x67: {  	_ =	shalt  }
0x68: {  	_ =	shalt  }
0x69: {  	_ =	shalt  }
0x6a: {  	_ =	shalt  }
0x6b: {  	_ =	shalt  }
0x6c: {  	_ =	shalt  }
0x6d: {  	_ =	shalt  }
0x6e: {  	_ =	shalt  }
0x6f: {  	_ =	shalt  }
0x70: {  	_ =	shalt  }
0x71: {  	_ =	shalt  }
0x72: {  	_ =	shalt  }
0x73: {  	_ =	shalt  }
0x74: {  	_ =	shalt  }
0x75: {  	_ =	shalt  }
0x76: {  	_ =	shalt  }
0x77: {  	_ =	shalt  }
0x78: {  	_ =	shalt  }
0x79: {  	_ =	shalt  }
0x7a: {  	_ =	shalt  }
0x7b: {  	_ =	shalt  }
0x7c: {  	_ =	shalt  }
0x7d: {  	_ =	shalt  }
0x7e: {  	_ =	shalt  }
0x7f: {  	_ =	shalt  }
0x80: {  	_ =	shalt  }
0x81: {  	_ =	shalt  }
0x82: {  	_ =	shalt  }
0x83: {  	_ =	shalt  }
0x84: {  	_ =	shalt  }
0x85: {  	_ =	shalt  }
0x86: {  	_ =	shalt  }
0x87: {  	_ =	shalt  }
.Lfunc_end0:
.L_simem_size_0:
called_computation_lowered:
.L_overlay_start_0:
0x88: {  	s2 =	sld [smem:$0x3FD9]  }
0x89: {  	s3 =	sld [smem:$0x3FFE];
	_ =	sdelay $0x1  }
0x8a: {  	s1 =	srdreg.scid  }
0x8b: {  	s0 =	sand.u32 $0x1, s1  }
0x8c: {  	s14 =	sshll.u32 s0, $0xA;
	s2 =	sadd.s32 s3, s2  }
0x8d: {  	s2 =	sadd.s32 s2, s14  }
0x8e: {  	[smem:$0x3FC6] =	sst s2  }
0x8f: {  	_ = 	snop  }
0x90: {  	s2 =	sld [smem:$0x3FD0];
	_ =	sdelay $0x2  }
0x91: {  	s15 =	simm.s32 $0xA;
	s4 =	simm.s32 $0x10  }
0x92: {  	[smem:s4], [sflag:s15] =	dma.local [hbm:s2], $0x1  }
0x93: {  	_ =	swait.eq [sflag:s15], $0x1  }
0x94: {  	s16 =	sld [smem:$0x10]  }
0x95: {  	s17 =	sld [smem:$0x11];
	[sflag:s15] =	ssyncset.done $0x0  }
0x96: {  	s5 =	sld [smem:$0x12];
	[sflag:s15] =	ssyncadd.s32 $0xFFFFFFFF  }
0x97: {  	s18 =	sld [smem:$0x13];
	(tm) =	ssettm $0x1  }
0x98: {  	s6 =	sld [smem:$0x3FFB];
	_ =	sdelay $0x3  }
0x99: {  	_ =	strace s6  }
0x9a: {  	s6 =	sld [smem:$0x3FFC];
	_ =	sdelay $0x3  }
0x9b: {  	_ =	strace s6  }
0x9c: {  	s6 =	sld [smem:$0x3FFD];
	_ =	sdelay $0x3  }
0x9d: {  	_ =	strace s6  }
0x9e: {  	_ =	strace $0x8FFFFFFF  }
0x9f: {  	s19 =	sld [smem:$0x3FDB];
	_ =	sdelay $0x1  }
0xa0: {  	s7 =	simm.s32 $_scs_section_size  }
0xa1: {  	s8 =	simm.s32 $_size__tile_overlayer_lowered;
	s9 =	simm.s32 $_tile_overlayer_lowered  }
0xa2: {  	s22 =	simm.s32 $0x1BFF;
	s21 =	sshll.u32 s9, $0x1;
	s6 =	sadd.s32 s7, s19  }
0xa3: {  	s10 =	simm.s32 $0x0;
	s20 =	sshll.u32 s8, $0x1;
	s8 =	sadd.s32 s21, s6  }
0xa4: {  	[timem:s10], [sflag:s22] =	dma.local [hbm:s8], s20  }
0xa5: {  	_ =	swait.ge [sflag:s22], s20  }
0xa6: {  	s7 =	ssub.s32 $0x0, s20;
	[sflag:s22] =	ssyncset.done $0x0  }
0xa7: {  	[sflag:s22] =	ssyncadd.s32 s7;
	_ =	sdelay $0x1  }
0xa8: {  	s23 =	simm.s32 $0x1B8B  }
0xa9: {  	_ =	swait.ge [sflag:s23], $0x1  }
0xaa: {  	[sflag:s23] =	ssyncset.done $0x0  }
0xab: {  	s25 =	simm.s32 $0x1B8E;
	s24 =	sld [smem:$0x3FFE];
	[sflag:s23] =	ssyncadd.s32 $0xFFFFFFFF  }
0xac: {  	s26 =	simm.s32 $execute0_lowered;
	[smem:$0x3FD2] =	sst s25  }
0xad: {  	s8 =	sshll.u32 s26, $0x1;
	_ =	strace $0x80000046;
	[dreg:$0x1] =	wrdreg $0xFFFFFFFF  }
0xae: {  	s28 =	simm.s32 $_size_execute0_lowered;
	s6 =	sadd.s32 s6, s8;
	[dreg:$0x0] =	wrdreg $0x0  }
0xaf: {  	s8 =	sshll.u32 s28, $0x1;
	[dreg:$0x2] =	wrdreg s6  }
0xb0: {  	[dreg:$0x3] =	wrdreg s8  }
0xb1: {  	[dreg:$0x4] =	wrdreg $0xC0  }
0xb2: {  	_ =	task [dreg:s10], $0x5FFFF  }
0xb3: {  	[dreg:$0x1] =	wrdreg $0xFFFFFFFF  }
0xb4: {  	[dreg:$0x0] =	wrdreg $0x60  }
0xb5: {  	[dreg:$0x2] =	wrdreg s24  }
0xb6: {  	[dreg:$0x3] =	wrdreg s16  }
0xb7: {  	[dreg:$0x4] =	wrdreg s17  }
0xb8: {  	[dreg:$0x5] =	wrdreg s5  }
0xb9: {  	[dreg:$0x6] =	wrdreg s18  }
0xba: {  	[dreg:$0x7] =	wrdreg $0x9  }
0xbb: {  	_ =	task.clear_ibuf [dreg:s10], $0x8FFFF;
	_ =	strace $0x90000046  }
0xbc: {  	s29 =	simm.s32 $0x9;
	_ =	strace $0x80000048  }
0xbd: {  	_ =	swait.ge [sflag:s29], $0x1  }
0xbe: {  	[sflag:s29] =	ssyncadd.s32 $0xFFFFFFFF  }
0xbf: {  	_ =	strace $0x90000048  }
0xc0: {  	_ =	sfence  }
0xc1: {  	s30 =	sld [smem:$0x0];
	_ =	sdelay $0x2  }
0xc2: {  	s31 =	sshll.u32 s1, $0xD;
	s1 =	sshrl.u32 s1, $0x2  }
0xc3: {  	s3 =	sand.u32 $0x4000, s31;
	s1 =	sadd.s32 s1, s30  }
0xc4: {  	s0 =	sor.u32 s3, s0;
	s1 =	sshll.u32 s1, $0x11  }
0xc5: {  	s0 =	sor.u32 s1, s0  }
0xc6: {  	s0 =	sadd.s32 $0x8F2B, s0  }
0xc7: {  	[sflag:s0] =	ssyncadd.remote.s32 $0x1  }
0xc8: {  	_ =	sfence.sel $0xFFFF  }
0xc9: {  	[dreg:$0x0] =	wrdreg $0xFFFFFFFF;
	(pc) =	sbr.abs _section_cstart, $3  }
0xca: {  	[dreg:$0x1] =	wrdreg $0xFFFFFFFF  }
0xcb: {  	_ =	task.clear_ibuf [dreg:s10], $0x2FFFF;
	_ =	strace $0x9FFFFFFF  }
0xcc: {  	(tm) =	ssettm $0x7FFFFFFF  }
0xcd: {  	_ =	shalt  }
tec
execute0_lowered:
.L_overlay_start_1:
0x0: {  	(tag) =	ssettag $0x1  }
0x1: {  	s0 =	rddreg [dreg:$0x0]  }
0x2: {  	s1 =	rddreg [dreg:$0x1]  }
0x3: {  	s5 =	rddreg [dreg:$0x2]  }
0x4: {  	s6 =	rddreg [dreg:$0x3]  }
0x5: {  	s7 =	rddreg [dreg:$0x4];
	s3 =	srdreg.scid;
	s2 =	simm.s32 $0x0  }
0x6: {  	s4 =	stileid.u32;
	s11 =	simm.s32 $0x1;
	s12 =	simm.s32 $0x10000  }
0x7: {  	s13 =	simm.s32 $0x10400;
	s14 =	simm.s32 $0x10800;
	s15 =	simm.s32 $0x10C00  }
0x8: {  	s16 =	simm.s32 $0x0;
	s3 =	sand.u32 $0x1, s3;
	[smem:$0x7FF] =	sst s2  }
0x9: {  	s4 =	sshll.u32 s4, $0xB;
	s8 =	sshll.u32 s3, $0xA;
	s3 =	ssub.s32 $0x2, s3  }
0xa: {  	_ =	strace $0x80000047;
	s4 =	sor.u32 s8, s4;
	s31 =	sshrl.u32 s3, $0x1  }
0xb: {  	s0 =	sadd.s32 s4, s0;
	s9 =	sshrl.u32 s4, $0x3;
	s8 =	ssub.s32 s3, s31  }
0xc: {  	s3 =	sadd.s32 $0xA00, s0;
	s4 =	sadd.s32 s1, s9;
	s5 =	sadd.s32 s5, s9  }
0xd: {  	v0 =	vimm.s32 $0x0;
	s6 =	sadd.s32 s6, s9;
	s7 =	sadd.s32 s7, s9;
	s8 =	smax.u32 s8, $0x1  }
.LBB2_1:
0xe: {  	s0 =	simm.s32 $0x2000;
	s1 =	simm.s32 $0x40000  }
0xf: {  	[tilespmem:s2], [sflag:$0x1] =	stream.strided.gather [hbm4b:s3+s0], $0x10000, s1, s0, $0x38;
	[tilespmem:$0x11000] =	vst v63  }
0x10: {  	s17 =	simm.s32 $0x10C00;
	s18 =	simm.s32 $0x10800;
	_ =	swait.ge [sflag:s11], $0x10000  }
0x11: {  	s19 =	simm.s32 $0x10400;
	s20 =	simm.s32 $0x10000;
	[sflag:s11] =	ssyncset.done $0x0  }
0x12: {  	s21 =	simm.s32 $0x0;
	s22 =	simm.s32 $0x0;
	[sflag:s11] =	ssyncadd.s32 $0xFFFF0000  }
.LBB2_2:
0x13: {  	s26 =	sand.u32 $0x40, s22;
	s28 =	sand.u32 $0x1C00, s21  }
0x14: {  	s0 =	sor.u32 s26, s28  }
0x15: {  	s25 =	sor.u32 $0x10, s26;
	v1 =	vld [tilespmem:s0+$0x0]  }
0x16: {  	s24 =	sor.u32 $0x20, s26;
	s31 =	sor.u32 s25, s28;
	v3 =	vld [tilespmem:s0+$0x80]  }
0x17: {  	s23 =	sor.u32 $0x30, s26;
	s30 =	sor.u32 s24, s28;
	v2 =	vld [tilespmem:s31+$0x0]  }
0x18: {  	s29 =	sor.u32 s23, s28;
	v4 =	vld [tilespmem:s30+$0x0]  }
0x19: {  	v5 =	vld [tilespmem:s29+$0x0]  }
0x1a: {  	v6 =	vld [tilespmem:s31+$0x80]  }
0x1b: {  	v8 =	vld [tilespmem:s30+$0x80];
	_ =	sdelay $0x1  }
0x1c: {  	vm0 =	vgt.f32 v1, $-Inf;
	vm10 =	vlt.f32 v3, $-Inf;
	vm1 =	vgt.f32 v3, $-Inf  }
0x1d: {  	v11 =	vld [tilespmem:s29+$0x80];
	v1 =	vnsel vm0, $0xFF800000, v1;
	vm9 =	vgt.f32 v2, $-Inf;
	vm2 =	vgt.f32 v4, $-Inf  }
0x1e: {  	vm0 =	vmor vm1, vm10;
	vm11 =	vgt.f32 v5, $-Inf;
	vm12 =	vlt.f32 v6, $-Inf  }
0x1f: {  	vm13 =	vgt.f32 v6, $-Inf;
	vm5 =	vgt.f32 v8, $-Inf;
	v2 =	vnsel vm9, $0xFF800000, v2  }
0x20: {  	vm3 =	vgt.f32 v3, v1;
	v7 =	vnsel vm0, $0xFF800000, v3;
	v4 =	vnsel vm2, $0xFF800000, v4  }
0x21: {  	v5 =	vnsel vm11, $0xFF800000, v5;
	vm1 =	vmor vm13, vm12;
	vm9 =	vlt.f32 v8, $-Inf  }
0x22: {  	vm13 =	vlt.f32 v11, $-Inf;
	vm4 =	vmneg vm3;
	vm14 =	vgt.f32 v6, v2  }
0x23: {  	v10 =	vsel vm3, $0x1, v0;
	vm8 =	vgt.f32 v8, v4;
	vm12 =	vgt.f32 v11, v5  }
0x24: {  	v7 =	vsel vm4, v7, v1;
	vm0 =	vmand vm4, vm0;
	v1 =	vsel vm4, v1, v3  }
0x25: {  	v13 =	vld [tilespmem:s0+$0x100];
	vm15 =	vmneg vm14;
	v3 =	vnsel vm1, $0xFF800000, v6;
	vm10 =	vmneg vm8  }
0x26: {  	vm4 =	vmor vm5, vm9;
	v14 =	vsel vm14, $0x1, v0;
	vm14 =	vgt.f32 v11, $-Inf  }
0x27: {  	v16 =	vsel vm8, $0x1, v0;
	v19 =	vsel vm12, $0x1, v0;
	v9 =	vsel vm0, $0x1, v0  }
0x28: {  	v24 =	vld [tilespmem:s31+$0x100];
	v3 =	vsel vm15, v3, v2;
	vm1 =	vmand vm15, vm1;
	v2 =	vsel vm15, v2, v6  }
0x29: {  	v23 =	vnsel vm4, $0xFF800000, v8;
	vm11 =	vmand vm10, vm4;
	vm15 =	vmneg vm12  }
0x2a: {  	vm2 =	vmor vm14, vm13;
	vm5 =	vgt.f32 v13, v7;
	vm6 =	vgt.f32 v13, v1  }
0x2b: {  	v12 =	vsel vm1, $0x1, v0;
	v6 =	vsel vm10, v23, v4;
	v15 =	vsel vm11, $0x1, v0  }
0x2c: {  	v25 =	vld [tilespmem:s30+$0x100];
	v4 =	vsel vm10, v4, v8;
	v17 =	vnsel vm2, $0xFF800000, v11;
	vm2 =	vmand vm15, vm2  }
0x2d: {  	v7 =	vsel vm5, v13, v7;
	v9 =	vsel vm5, $0x2, v9;
	vm7 =	vgt.f32 v24, v3  }
0x2e: {  	v28 =	vld [tilespmem:s0+$0x180];
	vm8 =	vgt.f32 v24, v2;
	v17 =	vsel vm15, v17, v5;
	v18 =	vsel vm2, $0x1, v0  }
0x2f: {  	v26 =	vld [tilespmem:s29+$0x100];
	v5 =	vsel vm15, v5, v11;
	v7 =	vsel vm6, v1, v7;
	v9 =	vsel vm6, v10, v9  }
0x30: {  	v1 =	vsel vm6, v13, v1;
	v3 =	vsel vm7, v24, v3;
	v12 =	vsel vm7, $0x2, v12  }
0x31: {  	v10 =	vsel vm6, $0x2, v10;
	v27 =	vsel vm8, $0x2, v14;
	vm9 =	vgt.f32 v25, v6  }
0x32: {  	vm10 =	vgt.f32 v25, v4;
	v3 =	vsel vm8, v2, v3;
	v12 =	vsel vm8, v14, v12  }
0x33: {  	v30 =	vld [tilespmem:s31+$0x180];
	v2 =	vsel vm8, v24, v2;
	v6 =	vsel vm9, v25, v6;
	v15 =	vsel vm9, $0x2, v15  }
0x34: {  	vm11 =	vgt.f32 v26, v17;
	vm12 =	vgt.f32 v26, v5;
	vm13 =	vgt.f32 v28, v7  }
0x35: {  	vm14 =	vgt.f32 v28, v1;
	v6 =	vsel vm10, v4, v6;
	v15 =	vsel vm10, v16, v15  }
0x36: {  	v4 =	vsel vm10, v25, v4;
	v29 =	vsel vm11, v26, v17;
	v16 =	vsel vm10, $0x2, v16  }
0x37: {  	v31 =	vld [tilespmem:s30+$0x180];
	v18 =	vsel vm11, $0x2, v18;
	v7 =	vsel vm13, v28, v7;
	v9 =	vsel vm13, $0x3, v9  }
0x38: {  	vm15 =	vgt.f32 v30, v3;
	vm4 =	vgt.f32 v30, v2;
	v11 =	vsel vm12, v5, v29  }
0x39: {  	v32 =	vld [tilespmem:s29+$0x180];
	v18 =	vsel vm12, v19, v18;
	v5 =	vsel vm12, v26, v5;
	v19 =	vsel vm12, $0x2, v19  }
0x3a: {  	v33 =	vld [tilespmem:s0+$0x200];
	v7 =	vsel vm14, v1, v7;
	v9 =	vsel vm14, v10, v9;
	v1 =	vsel vm14, v28, v1  }
0x3b: {  	v10 =	vsel vm14, $0x3, v10;
	v3 =	vsel vm15, v30, v3;
	v12 =	vsel vm15, $0x3, v12  }
0x3c: {  	vm5 =	vgt.f32 v31, v6;
	vm6 =	vgt.f32 v31, v4;
	v8 =	vsel vm4, $0x3, v27  }
0x3d: {  	v3 =	vsel vm4, v2, v3;
	v12 =	vsel vm4, v27, v12;
	v2 =	vsel vm4, v30, v2  }
0x3e: {  	v34 =	vld [tilespmem:s31+$0x200];
	v6 =	vsel vm5, v31, v6;
	v15 =	vsel vm5, $0x3, v15;
	vm7 =	vgt.f32 v32, v11  }
0x3f: {  	vm8 =	vgt.f32 v32, v5;
	vm9 =	vgt.f32 v33, v7;
	vm10 =	vgt.f32 v33, v1  }
0x40: {  	v6 =	vsel vm6, v4, v6;
	v15 =	vsel vm6, v16, v15;
	v4 =	vsel vm6, v31, v4  }
0x41: {  	v36 =	vld [tilespmem:s30+$0x200];
	v11 =	vsel vm7, v32, v11;
	v18 =	vsel vm7, $0x3, v18;
	v16 =	vsel vm6, $0x3, v16  }
0x42: {  	v35 =	vsel vm8, $0x3, v19;
	v7 =	vsel vm9, v33, v7;
	v9 =	vsel vm9, $0x4, v9  }
0x43: {  	vm11 =	vgt.f32 v34, v3;
	vm12 =	vgt.f32 v34, v2;
	v11 =	vsel vm8, v5, v11  }
0x44: {  	v37 =	vld [tilespmem:s29+$0x200];
	v18 =	vsel vm8, v19, v18;
	v5 =	vsel vm8, v32, v5;
	v7 =	vsel vm10, v1, v7  }
0x45: {  	v38 =	vld [tilespmem:s0+$0x280];
	v9 =	vsel vm10, v10, v9;
	v1 =	vsel vm10, v33, v1;
	v3 =	vsel vm11, v34, v3  }
0x46: {  	v10 =	vsel vm10, $0x4, v10;
	v12 =	vsel vm11, $0x4, v12;
	vm13 =	vgt.f32 v36, v6  }
0x47: {  	vm14 =	vgt.f32 v36, v4;
	v3 =	vsel vm12, v2, v3;
	v12 =	vsel vm12, v8, v12  }
0x48: {  	v39 =	vld [tilespmem:s31+$0x280];
	v2 =	vsel vm12, v34, v2;
	v6 =	vsel vm13, v36, v6;
	v15 =	vsel vm13, $0x4, v15  }
0x49: {  	v8 =	vsel vm12, $0x4, v8;
	vm15 =	vgt.f32 v37, v11;
	vm4 =	vgt.f32 v37, v5  }
0x4a: {  	vm5 =	vgt.f32 v38, v7;
	vm6 =	vgt.f32 v38, v1;
	v6 =	vsel vm14, v4, v6  }
0x4b: {  	v15 =	vsel vm14, v16, v15;
	v4 =	vsel vm14, v36, v4;
	v16 =	vsel vm14, $0x4, v16  }
0x4c: {  	v40 =	vld [tilespmem:s30+$0x280];
	v11 =	vsel vm15, v37, v11;
	v18 =	vsel vm15, $0x4, v18;
	v7 =	vsel vm5, v38, v7  }
0x4d: {  	v14 =	vsel vm4, $0x4, v35;
	v9 =	vsel vm5, $0x5, v9;
	vm7 =	vgt.f32 v39, v3  }
0x4e: {  	v42 =	vld [tilespmem:s0+$0x300];
	vm8 =	vgt.f32 v39, v2;
	v11 =	vsel vm4, v5, v11;
	v18 =	vsel vm4, v35, v18  }
0x4f: {  	v41 =	vld [tilespmem:s29+$0x280];
	v5 =	vsel vm4, v37, v5;
	v7 =	vsel vm6, v1, v7;
	v9 =	vsel vm6, v10, v9  }
0x50: {  	v1 =	vsel vm6, v38, v1;
	v3 =	vsel vm7, v39, v3;
	v12 =	vsel vm7, $0x5, v12  }
0x51: {  	v10 =	vsel vm6, $0x5, v10;
	vm9 =	vgt.f32 v40, v6;
	vm10 =	vgt.f32 v40, v4  }
0x52: {  	v3 =	vsel vm8, v2, v3;
	v12 =	vsel vm8, v8, v12;
	v2 =	vsel vm8, v39, v2  }
0x53: {  	v43 =	vld [tilespmem:s31+$0x300];
	v8 =	vsel vm8, $0x5, v8;
	v6 =	vsel vm9, v40, v6;
	v15 =	vsel vm9, $0x5, v15  }
0x54: {  	vm11 =	vgt.f32 v41, v11;
	vm12 =	vgt.f32 v41, v5;
	vm13 =	vgt.f32 v42, v7  }
0x55: {  	vm14 =	vgt.f32 v42, v1;
	v6 =	vsel vm10, v4, v6;
	v15 =	vsel vm10, v16, v15  }
0x56: {  	v4 =	vsel vm10, v40, v4;
	v11 =	vsel vm11, v41, v11;
	v16 =	vsel vm10, $0x5, v16  }
0x57: {  	v44 =	vld [tilespmem:s30+$0x300];
	v18 =	vsel vm11, $0x5, v18;
	v7 =	vsel vm13, v42, v7;
	v9 =	vsel vm13, $0x6, v9  }
0x58: {  	vm15 =	vgt.f32 v43, v3;
	vm4 =	vgt.f32 v43, v2;
	v11 =	vsel vm12, v5, v11  }
0x59: {  	v45 =	vld [tilespmem:s29+$0x300];
	v18 =	vsel vm12, v14, v18;
	v5 =	vsel vm12, v41, v5;
	v14 =	vsel vm12, $0x5, v14  }
0x5a: {  	v46 =	vld [tilespmem:s0+$0x380];
	v7 =	vsel vm14, v1, v7;
	v9 =	vsel vm14, v10, v9;
	v1 =	vsel vm14, v42, v1  }
0x5b: {  	v10 =	vsel vm14, $0x6, v10;
	v3 =	vsel vm15, v43, v3;
	v12 =	vsel vm15, $0x6, v12  }
0x5c: {  	vm5 =	vgt.f32 v44, v6;
	vm6 =	vgt.f32 v44, v4;
	v3 =	vsel vm4, v2, v3  }
0x5d: {  	v47 =	vld [tilespmem:s31+$0x380];
	v12 =	vsel vm4, v8, v12;
	v2 =	vsel vm4, v43, v2;
	v6 =	vsel vm5, v44, v6  }
0x5e: {  	v8 =	vsel vm4, $0x6, v8;
	v15 =	vsel vm5, $0x6, v15;
	vm7 =	vgt.f32 v45, v11  }
0x5f: {  	vm8 =	vgt.f32 v45, v5;
	vm9 =	vgt.f32 v46, v7;
	vm10 =	vgt.f32 v46, v1  }
0x60: {  	v6 =	vsel vm6, v4, v6;
	v15 =	vsel vm6, v16, v15;
	v4 =	vsel vm6, v44, v4  }
0x61: {  	v48 =	vld [tilespmem:s30+$0x380];
	v11 =	vsel vm7, v45, v11;
	v18 =	vsel vm7, $0x6, v18;
	v16 =	vsel vm6, $0x6, v16  }
0x62: {  	v7 =	vsel vm9, v46, v7;
	v9 =	vsel vm9, $0x7, v9;
	vm11 =	vgt.f32 v47, v3  }
0x63: {  	s9 =	sor.u32 $0x2000, s28;
	vm12 =	vgt.f32 v47, v2;
	v11 =	vsel vm8, v5, v11;
	v18 =	vsel vm8, v14, v18  }
0x64: {  	s1 =	sor.u32 s26, s9;
	v49 =	vld [tilespmem:s29+$0x380];
	v5 =	vsel vm8, v45, v5;
	v14 =	vsel vm8, $0x6, v14;
	v7 =	vsel vm10, v1, v7  }
0x65: {  	v50 =	vld [tilespmem:s1+$0x0];
	v9 =	vsel vm10, v10, v9;
	v1 =	vsel vm10, v46, v1;
	v3 =	vsel vm11, v47, v3  }
0x66: {  	v10 =	vsel vm10, $0x7, v10;
	v12 =	vsel vm11, $0x7, v12;
	vm13 =	vgt.f32 v48, v6  }
0x67: {  	s10 =	sor.u32 s25, s9;
	vm14 =	vgt.f32 v48, v4;
	v3 =	vsel vm12, v2, v3;
	v12 =	vsel vm12, v8, v12  }
0x68: {  	v51 =	vld [tilespmem:s10+$0x0];
	v2 =	vsel vm12, v47, v2;
	v6 =	vsel vm13, v48, v6;
	v15 =	vsel vm13, $0x7, v15  }
0x69: {  	v8 =	vsel vm12, $0x7, v8;
	vm15 =	vgt.f32 v49, v11;
	vm4 =	vgt.f32 v49, v5  }
0x6a: {  	vm5 =	vgt.f32 v50, v7;
	vm6 =	vgt.f32 v50, v1;
	v6 =	vsel vm14, v4, v6  }
0x6b: {  	s29 =	sor.u32 s24, s9;
	v15 =	vsel vm14, v16, v15;
	v4 =	vsel vm14, v48, v4;
	v16 =	vsel vm14, $0x7, v16  }
0x6c: {  	v52 =	vld [tilespmem:s29+$0x0];
	v11 =	vsel vm15, v49, v11;
	v18 =	vsel vm15, $0x7, v18;
	v7 =	vsel vm5, v50, v7  }
0x6d: {  	s0 =	sor.u32 s23, s9;
	s30 =	sor.u32 $0x2080, s28;
	v9 =	vsel vm5, $0x8, v9;
	vm7 =	vgt.f32 v51, v3;
	vm8 =	vgt.f32 v51, v2  }
0x6e: {  	v53 =	vld [tilespmem:s0+$0x0];
	s31 =	sor.u32 s26, s30;
	v11 =	vsel vm4, v5, v11;
	v18 =	vsel vm4, v14, v18;
	v5 =	vsel vm4, v49, v5  }
0x6f: {  	v54 =	vld [tilespmem:s31+$0x0];
	v14 =	vsel vm4, $0x7, v14;
	v7 =	vsel vm6, v1, v7;
	v9 =	vsel vm6, v10, v9  }
0x70: {  	v1 =	vsel vm6, v50, v1;
	v3 =	vsel vm7, v51, v3;
	v12 =	vsel vm7, $0x8, v12  }
0x71: {  	v10 =	vsel vm6, $0x8, v10;
	vm9 =	vgt.f32 v52, v6;
	vm10 =	vgt.f32 v52, v4  }
0x72: {  	s9 =	sor.u32 s25, s30;
	v3 =	vsel vm8, v2, v3;
	v12 =	vsel vm8, v8, v12;
	v2 =	vsel vm8, v51, v2  }
0x73: {  	v55 =	vld [tilespmem:s9+$0x0];
	v8 =	vsel vm8, $0x8, v8;
	v6 =	vsel vm9, v52, v6;
	v15 =	vsel vm9, $0x8, v15  }
0x74: {  	vm11 =	vgt.f32 v53, v11;
	vm12 =	vgt.f32 v53, v5;
	vm13 =	vgt.f32 v54, v7  }
0x75: {  	vm14 =	vgt.f32 v54, v1;
	v6 =	vsel vm10, v4, v6;
	v15 =	vsel vm10, v16, v15  }
0x76: {  	s10 =	sor.u32 s24, s30;
	v4 =	vsel vm10, v52, v4;
	v11 =	vsel vm11, v53, v11;
	v16 =	vsel vm10, $0x8, v16  }
0x77: {  	v56 =	vld [tilespmem:s10+$0x0];
	v18 =	vsel vm11, $0x8, v18;
	v7 =	vsel vm13, v54, v7;
	v9 =	vsel vm13, $0x9, v9  }
0x78: {  	s0 =	sor.u32 s23, s30;
	s29 =	sor.u32 $0x2100, s28;
	vm15 =	vgt.f32 v55, v3;
	vm4 =	vgt.f32 v55, v2;
	v11 =	vsel vm12, v5, v11  }
0x79: {  	v57 =	vld [tilespmem:s0+$0x0];
	s30 =	sor.u32 s26, s29;
	v18 =	vsel vm12, v14, v18;
	v5 =	vsel vm12, v53, v5;
	v14 =	vsel vm12, $0x8, v14  }
0x7a: {  	v58 =	vld [tilespmem:s30+$0x0];
	v7 =	vsel vm14, v1, v7;
	v9 =	vsel vm14, v10, v9;
	v1 =	vsel vm14, v54, v1  }
0x7b: {  	v10 =	vsel vm14, $0x9, v10;
	v3 =	vsel vm15, v55, v3;
	v12 =	vsel vm15, $0x9, v12  }
0x7c: {  	s31 =	sor.u32 s25, s29;
	vm5 =	vgt.f32 v56, v6;
	vm6 =	vgt.f32 v56, v4;
	v3 =	vsel vm4, v2, v3  }
0x7d: {  	v59 =	vld [tilespmem:s31+$0x0];
	v12 =	vsel vm4, v8, v12;
	v2 =	vsel vm4, v55, v2;
	v6 =	vsel vm5, v56, v6  }
0x7e: {  	v8 =	vsel vm4, $0x9, v8;
	v15 =	vsel vm5, $0x9, v15;
	vm7 =	vgt.f32 v57, v11  }
0x7f: {  	vm8 =	vgt.f32 v57, v5;
	vm9 =	vgt.f32 v58, v7;
	vm10 =	vgt.f32 v58, v1  }
0x80: {  	s9 =	sor.u32 s24, s29;
	v6 =	vsel vm6, v4, v6;
	v15 =	vsel vm6, v16, v15;
	v4 =	vsel vm6, v56, v4  }
0x81: {  	v60 =	vld [tilespmem:s9+$0x0];
	v11 =	vsel vm7, v57, v11;
	v18 =	vsel vm7, $0x9, v18;
	v16 =	vsel vm6, $0x9, v16  }
0x82: {  	v7 =	vsel vm9, v58, v7;
	v9 =	vsel vm9, $0xA, v9;
	vm11 =	vgt.f32 v59, v3  }
0x83: {  	s0 =	sor.u32 s23, s29;
	s10 =	sor.u32 $0x2180, s28;
	vm12 =	vgt.f32 v59, v2;
	v11 =	vsel vm8, v5, v11;
	v18 =	vsel vm8, v14, v18  }
0x84: {  	v61 =	vld [tilespmem:s0+$0x0];
	s29 =	sor.u32 s26, s10;
	v5 =	vsel vm8, v57, v5;
	v14 =	vsel vm8, $0x9, v14;
	v7 =	vsel vm10, v1, v7  }
0x85: {  	v62 =	vld [tilespmem:s29+$0x0];
	v9 =	vsel vm10, v10, v9;
	v1 =	vsel vm10, v58, v1;
	v3 =	vsel vm11, v59, v3  }
0x86: {  	v10 =	vsel vm10, $0xA, v10;
	v12 =	vsel vm11, $0xA, v12;
	vm13 =	vgt.f32 v60, v6  }
0x87: {  	s30 =	sor.u32 s25, s10;
	vm14 =	vgt.f32 v60, v4;
	v3 =	vsel vm12, v2, v3;
	v12 =	vsel vm12, v8, v12  }
0x88: {  	v63 =	vld [tilespmem:s30+$0x0];
	v2 =	vsel vm12, v59, v2;
	v6 =	vsel vm13, v60, v6;
	v15 =	vsel vm13, $0xA, v15  }
0x89: {  	v8 =	vsel vm12, $0xA, v8;
	vm15 =	vgt.f32 v61, v11;
	vm4 =	vgt.f32 v61, v5  }
0x8a: {  	vm5 =	vgt.f32 v62, v7;
	vm6 =	vgt.f32 v62, v1;
	v6 =	vsel vm14, v4, v6  }
0x8b: {  	s31 =	sor.u32 s24, s10;
	v15 =	vsel vm14, v16, v15;
	v4 =	vsel vm14, v60, v4;
	v16 =	vsel vm14, $0xA, v16  }
0x8c: {  	v21 =	vld [tilespmem:s31+$0x0];
	v11 =	vsel vm15, v61, v11;
	v18 =	vsel vm15, $0xA, v18;
	v7 =	vsel vm5, v62, v7  }
0x8d: {  	s0 =	sor.u32 s23, s10;
	s9 =	sor.u32 $0x2200, s28;
	v9 =	vsel vm5, $0xB, v9;
	vm7 =	vgt.f32 v63, v3;
	vm8 =	vgt.f32 v63, v2  }
0x8e: {  	v22 =	vld [tilespmem:s0+$0x0];
	s10 =	sor.u32 s26, s9;
	v11 =	vsel vm4, v5, v11;
	v18 =	vsel vm4, v14, v18;
	v5 =	vsel vm4, v61, v5  }
0x8f: {  	v23 =	vld [tilespmem:s10+$0x0];
	v14 =	vsel vm4, $0xA, v14;
	v7 =	vsel vm6, v1, v7;
	v9 =	vsel vm6, v10, v9  }
0x90: {  	v1 =	vsel vm6, v62, v1;
	v3 =	vsel vm7, v63, v3;
	v12 =	vsel vm7, $0xB, v12  }
0x91: {  	v10 =	vsel vm6, $0xB, v10;
	vm9 =	vgt.f32 v21, v6;
	vm10 =	vgt.f32 v21, v4  }
0x92: {  	s29 =	sor.u32 s25, s9;
	v3 =	vsel vm8, v2, v3;
	v12 =	vsel vm8, v8, v12;
	v2 =	vsel vm8, v63, v2  }
0x93: {  	v24 =	vld [tilespmem:s29+$0x0];
	v8 =	vsel vm8, $0xB, v8;
	v6 =	vsel vm9, v21, v6;
	v15 =	vsel vm9, $0xB, v15  }
0x94: {  	vm11 =	vgt.f32 v22, v11;
	vm12 =	vgt.f32 v22, v5;
	vm13 =	vgt.f32 v23, v7  }
0x95: {  	vm14 =	vgt.f32 v23, v1;
	v6 =	vsel vm10, v4, v6;
	v15 =	vsel vm10, v16, v15  }
0x96: {  	s30 =	sor.u32 s24, s9;
	v4 =	vsel vm10, v21, v4;
	v11 =	vsel vm11, v22, v11;
	v16 =	vsel vm10, $0xB, v16  }
0x97: {  	v25 =	vld [tilespmem:s30+$0x0];
	v18 =	vsel vm11, $0xB, v18;
	v7 =	vsel vm13, v23, v7;
	v9 =	vsel vm13, $0xC, v9  }
0x98: {  	s0 =	sor.u32 s23, s9;
	s31 =	sor.u32 $0x2280, s28;
	vm15 =	vgt.f32 v24, v3;
	vm4 =	vgt.f32 v24, v2;
	v11 =	vsel vm12, v5, v11  }
0x99: {  	s9 =	sor.u32 s26, s31;
	v26 =	vld [tilespmem:s0+$0x0];
	v18 =	vsel vm12, v14, v18;
	v5 =	vsel vm12, v22, v5;
	v14 =	vsel vm12, $0xB, v14  }
0x9a: {  	v27 =	vld [tilespmem:s9+$0x0];
	v7 =	vsel vm14, v1, v7;
	v9 =	vsel vm14, v10, v9;
	v1 =	vsel vm14, v23, v1  }
0x9b: {  	v10 =	vsel vm14, $0xC, v10;
	v3 =	vsel vm15, v24, v3;
	v12 =	vsel vm15, $0xC, v12  }
0x9c: {  	s10 =	sor.u32 s25, s31;
	vm5 =	vgt.f32 v25, v6;
	vm6 =	vgt.f32 v25, v4;
	v3 =	vsel vm4, v2, v3  }
0x9d: {  	v28 =	vld [tilespmem:s10+$0x0];
	v12 =	vsel vm4, v8, v12;
	v2 =	vsel vm4, v24, v2;
	v6 =	vsel vm5, v25, v6  }
0x9e: {  	v8 =	vsel vm4, $0xC, v8;
	v15 =	vsel vm5, $0xC, v15;
	vm7 =	vgt.f32 v26, v11  }
0x9f: {  	vm8 =	vgt.f32 v26, v5;
	vm9 =	vgt.f32 v27, v7;
	vm10 =	vgt.f32 v27, v1  }
0xa0: {  	s29 =	sor.u32 s24, s31;
	v6 =	vsel vm6, v4, v6;
	v15 =	vsel vm6, v16, v15;
	v4 =	vsel vm6, v25, v4  }
0xa1: {  	v29 =	vld [tilespmem:s29+$0x0];
	v11 =	vsel vm7, v26, v11;
	v18 =	vsel vm7, $0xC, v18;
	v16 =	vsel vm6, $0xC, v16  }
0xa2: {  	v7 =	vsel vm9, v27, v7;
	v9 =	vsel vm9, $0xD, v9;
	vm11 =	vgt.f32 v28, v3  }
0xa3: {  	s30 =	sor.u32 $0x2300, s28;
	s0 =	sor.u32 s23, s31;
	vm12 =	vgt.f32 v28, v2;
	v11 =	vsel vm8, v5, v11;
	v18 =	vsel vm8, v14, v18  }
0xa4: {  	s31 =	sor.u32 s26, s30;
	v30 =	vld [tilespmem:s0+$0x0];
	v5 =	vsel vm8, v26, v5;
	v14 =	vsel vm8, $0xC, v14;
	v7 =	vsel vm10, v1, v7  }
0xa5: {  	v31 =	vld [tilespmem:s31+$0x0];
	v9 =	vsel vm10, v10, v9;
	v1 =	vsel vm10, v27, v1;
	v3 =	vsel vm11, v28, v3  }
0xa6: {  	v10 =	vsel vm10, $0xD, v10;
	v12 =	vsel vm11, $0xD, v12;
	vm13 =	vgt.f32 v29, v6  }
0xa7: {  	s9 =	sor.u32 s25, s30;
	vm14 =	vgt.f32 v29, v4;
	v3 =	vsel vm12, v2, v3;
	v12 =	vsel vm12, v8, v12  }
0xa8: {  	v32 =	vld [tilespmem:s9+$0x0];
	v2 =	vsel vm12, v28, v2;
	v6 =	vsel vm13, v29, v6;
	v15 =	vsel vm13, $0xD, v15  }
0xa9: {  	v8 =	vsel vm12, $0xD, v8;
	vm15 =	vgt.f32 v30, v11;
	vm4 =	vgt.f32 v30, v5  }
0xaa: {  	vm5 =	vgt.f32 v31, v7;
	vm6 =	vgt.f32 v31, v1;
	v6 =	vsel vm14, v4, v6  }
0xab: {  	s10 =	sor.u32 s24, s30;
	v15 =	vsel vm14, v16, v15;
	v4 =	vsel vm14, v29, v4;
	v16 =	vsel vm14, $0xD, v16  }
0xac: {  	v33 =	vld [tilespmem:s10+$0x0];
	v11 =	vsel vm15, v30, v11;
	v18 =	vsel vm15, $0xD, v18;
	v7 =	vsel vm5, v31, v7  }
0xad: {  	s29 =	sor.u32 $0x2380, s28;
	s0 =	sor.u32 s23, s30;
	v9 =	vsel vm5, $0xE, v9;
	vm7 =	vgt.f32 v32, v3;
	vm8 =	vgt.f32 v32, v2  }
0xae: {  	s30 =	sor.u32 s26, s29;
	v34 =	vld [tilespmem:s0+$0x0];
	v11 =	vsel vm4, v5, v11;
	v18 =	vsel vm4, v14, v18;
	v5 =	vsel vm4, v30, v5  }
0xaf: {  	v35 =	vld [tilespmem:s30+$0x0];
	v14 =	vsel vm4, $0xD, v14;
	v7 =	vsel vm6, v1, v7;
	v9 =	vsel vm6, v10, v9  }
0xb0: {  	v1 =	vsel vm6, v31, v1;
	v3 =	vsel vm7, v32, v3;
	v12 =	vsel vm7, $0xE, v12  }
0xb1: {  	v10 =	vsel vm6, $0xE, v10;
	vm9 =	vgt.f32 v33, v6;
	vm10 =	vgt.f32 v33, v4  }
0xb2: {  	s31 =	sor.u32 s25, s29;
	v3 =	vsel vm8, v2, v3;
	v12 =	vsel vm8, v8, v12;
	v2 =	vsel vm8, v32, v2  }
0xb3: {  	v36 =	vld [tilespmem:s31+$0x0];
	v8 =	vsel vm8, $0xE, v8;
	v6 =	vsel vm9, v33, v6;
	v15 =	vsel vm9, $0xE, v15  }
0xb4: {  	vm11 =	vgt.f32 v34, v11;
	vm12 =	vgt.f32 v34, v5;
	vm13 =	vgt.f32 v35, v7  }
0xb5: {  	vm14 =	vgt.f32 v35, v1;
	v6 =	vsel vm10, v4, v6;
	v15 =	vsel vm10, v16, v15  }
0xb6: {  	s9 =	sor.u32 s24, s29;
	v4 =	vsel vm10, v33, v4;
	v11 =	vsel vm11, v34, v11;
	v16 =	vsel vm10, $0xE, v16  }
0xb7: {  	v37 =	vld [tilespmem:s9+$0x0];
	v18 =	vsel vm11, $0xE, v18;
	v7 =	vsel vm13, v35, v7;
	v9 =	vsel vm13, $0xF, v9  }
0xb8: {  	s10 =	sor.u32 $0x4000, s28;
	s0 =	sor.u32 s23, s29;
	vm15 =	vgt.f32 v36, v3;
	vm4 =	vgt.f32 v36, v2;
	v11 =	vsel vm12, v5, v11  }
0xb9: {  	s29 =	sor.u32 s26, s10;
	v38 =	vld [tilespmem:s0+$0x0];
	v18 =	vsel vm12, v14, v18;
	v5 =	vsel vm12, v34, v5;
	v14 =	vsel vm12, $0xE, v14  }
0xba: {  	v39 =	vld [tilespmem:s29+$0x0];
	v7 =	vsel vm14, v1, v7;
	v9 =	vsel vm14, v10, v9;
	v1 =	vsel vm14, v35, v1  }
0xbb: {  	v10 =	vsel vm14, $0xF, v10;
	v3 =	vsel vm15, v36, v3;
	v12 =	vsel vm15, $0xF, v12  }
0xbc: {  	s30 =	sor.u32 s25, s10;
	vm5 =	vgt.f32 v37, v6;
	vm6 =	vgt.f32 v37, v4;
	v3 =	vsel vm4, v2, v3  }
0xbd: {  	v40 =	vld [tilespmem:s30+$0x0];
	v12 =	vsel vm4, v8, v12;
	v2 =	vsel vm4, v36, v2;
	v6 =	vsel vm5, v37, v6  }
0xbe: {  	v8 =	vsel vm4, $0xF, v8;
	v15 =	vsel vm5, $0xF, v15;
	vm7 =	vgt.f32 v38, v11  }
0xbf: {  	vm8 =	vgt.f32 v38, v5;
	vm9 =	vgt.f32 v39, v7;
	vm10 =	vgt.f32 v39, v1  }
0xc0: {  	s31 =	sor.u32 s24, s10;
	v6 =	vsel vm6, v4, v6;
	v15 =	vsel vm6, v16, v15;
	v4 =	vsel vm6, v37, v4  }
0xc1: {  	v41 =	vld [tilespmem:s31+$0x0];
	v11 =	vsel vm7, v38, v11;
	v18 =	vsel vm7, $0xF, v18;
	v16 =	vsel vm6, $0xF, v16  }
0xc2: {  	v7 =	vsel vm9, v39, v7;
	v9 =	vsel vm9, $0x10, v9;
	vm11 =	vgt.f32 v40, v3  }
0xc3: {  	s0 =	sor.u32 s23, s10;
	s9 =	sor.u32 $0x4080, s28;
	vm12 =	vgt.f32 v40, v2;
	v11 =	vsel vm8, v5, v11;
	v18 =	vsel vm8, v14, v18  }
0xc4: {  	s10 =	sor.u32 s26, s9;
	v42 =	vld [tilespmem:s0+$0x0];
	v5 =	vsel vm8, v38, v5;
	v14 =	vsel vm8, $0xF, v14;
	v7 =	vsel vm10, v1, v7  }
0xc5: {  	v43 =	vld [tilespmem:s10+$0x0];
	v9 =	vsel vm10, v10, v9;
	v1 =	vsel vm10, v39, v1;
	v3 =	vsel vm11, v40, v3  }
0xc6: {  	v10 =	vsel vm10, $0x10, v10;
	v12 =	vsel vm11, $0x10, v12;
	vm13 =	vgt.f32 v41, v6  }
0xc7: {  	s29 =	sor.u32 s25, s9;
	vm14 =	vgt.f32 v41, v4;
	v3 =	vsel vm12, v2, v3;
	v12 =	vsel vm12, v8, v12  }
0xc8: {  	v44 =	vld [tilespmem:s29+$0x0];
	v2 =	vsel vm12, v40, v2;
	v6 =	vsel vm13, v41, v6;
	v15 =	vsel vm13, $0x10, v15  }
0xc9: {  	v8 =	vsel vm12, $0x10, v8;
	vm15 =	vgt.f32 v42, v11;
	vm4 =	vgt.f32 v42, v5  }
0xca: {  	vm5 =	vgt.f32 v43, v7;
	vm6 =	vgt.f32 v43, v1;
	v6 =	vsel vm14, v4, v6  }
0xcb: {  	s30 =	sor.u32 s24, s9;
	v15 =	vsel vm14, v16, v15;
	v4 =	vsel vm14, v41, v4;
	v16 =	vsel vm14, $0x10, v16  }
0xcc: {  	v45 =	vld [tilespmem:s30+$0x0];
	v11 =	vsel vm15, v42, v11;
	v18 =	vsel vm15, $0x10, v18;
	v7 =	vsel vm5, v43, v7  }
0xcd: {  	s0 =	sor.u32 s23, s9;
	s31 =	sor.u32 $0x4100, s28;
	v9 =	vsel vm5, $0x11, v9;
	vm7 =	vgt.f32 v44, v3;
	vm8 =	vgt.f32 v44, v2  }
0xce: {  	s9 =	sor.u32 s26, s31;
	v46 =	vld [tilespmem:s0+$0x0];
	v11 =	vsel vm4, v5, v11;
	v18 =	vsel vm4, v14, v18;
	v5 =	vsel vm4, v42, v5  }
0xcf: {  	v47 =	vld [tilespmem:s9+$0x0];
	v14 =	vsel vm4, $0x10, v14;
	v7 =	vsel vm6, v1, v7;
	v9 =	vsel vm6, v10, v9  }
0xd0: {  	v1 =	vsel vm6, v43, v1;
	v3 =	vsel vm7, v44, v3;
	v12 =	vsel vm7, $0x11, v12  }
0xd1: {  	v10 =	vsel vm6, $0x11, v10;
	vm9 =	vgt.f32 v45, v6;
	vm10 =	vgt.f32 v45, v4  }
0xd2: {  	s10 =	sor.u32 s25, s31;
	v3 =	vsel vm8, v2, v3;
	v12 =	vsel vm8, v8, v12;
	v2 =	vsel vm8, v44, v2  }
0xd3: {  	v48 =	vld [tilespmem:s10+$0x0];
	v8 =	vsel vm8, $0x11, v8;
	v6 =	vsel vm9, v45, v6;
	v15 =	vsel vm9, $0x11, v15  }
0xd4: {  	vm11 =	vgt.f32 v46, v11;
	vm12 =	vgt.f32 v46, v5;
	vm13 =	vgt.f32 v47, v7  }
0xd5: {  	vm14 =	vgt.f32 v47, v1;
	v6 =	vsel vm10, v4, v6;
	v15 =	vsel vm10, v16, v15  }
0xd6: {  	s29 =	sor.u32 s24, s31;
	v4 =	vsel vm10, v45, v4;
	v11 =	vsel vm11, v46, v11;
	v16 =	vsel vm10, $0x11, v16  }
0xd7: {  	v49 =	vld [tilespmem:s29+$0x0];
	v18 =	vsel vm11, $0x11, v18;
	v7 =	vsel vm13, v47, v7;
	v9 =	vsel vm13, $0x12, v9  }
0xd8: {  	s0 =	sor.u32 s23, s31;
	s30 =	sor.u32 $0x4180, s28;
	vm15 =	vgt.f32 v48, v3;
	vm4 =	vgt.f32 v48, v2;
	v11 =	vsel vm12, v5, v11  }
0xd9: {  	s31 =	sor.u32 s26, s30;
	v50 =	vld [tilespmem:s0+$0x0];
	v18 =	vsel vm12, v14, v18;
	v5 =	vsel vm12, v46, v5;
	v14 =	vsel vm12, $0x11, v14  }
0xda: {  	v51 =	vld [tilespmem:s31+$0x0];
	v7 =	vsel vm14, v1, v7;
	v9 =	vsel vm14, v10, v9;
	v1 =	vsel vm14, v47, v1  }
0xdb: {  	v10 =	vsel vm14, $0x12, v10;
	v3 =	vsel vm15, v48, v3;
	v12 =	vsel vm15, $0x12, v12  }
0xdc: {  	s9 =	sor.u32 s25, s30;
	vm5 =	vgt.f32 v49, v6;
	vm6 =	vgt.f32 v49, v4;
	v3 =	vsel vm4, v2, v3  }
0xdd: {  	v52 =	vld [tilespmem:s9+$0x0];
	v12 =	vsel vm4, v8, v12;
	v2 =	vsel vm4, v48, v2;
	v6 =	vsel vm5, v49, v6  }
0xde: {  	v8 =	vsel vm4, $0x12, v8;
	v15 =	vsel vm5, $0x12, v15;
	vm7 =	vgt.f32 v50, v11  }
0xdf: {  	vm8 =	vgt.f32 v50, v5;
	vm9 =	vgt.f32 v51, v7;
	vm10 =	vgt.f32 v51, v1  }
0xe0: {  	s10 =	sor.u32 s24, s30;
	v6 =	vsel vm6, v4, v6;
	v15 =	vsel vm6, v16, v15;
	v4 =	vsel vm6, v49, v4  }
0xe1: {  	v53 =	vld [tilespmem:s10+$0x0];
	v11 =	vsel vm7, v50, v11;
	v18 =	vsel vm7, $0x12, v18;
	v16 =	vsel vm6, $0x12, v16  }
0xe2: {  	v7 =	vsel vm9, v51, v7;
	v9 =	vsel vm9, $0x13, v9;
	vm11 =	vgt.f32 v52, v3  }
0xe3: {  	s0 =	sor.u32 s23, s30;
	s29 =	sor.u32 $0x4200, s28;
	vm12 =	vgt.f32 v52, v2;
	v11 =	vsel vm8, v5, v11;
	v18 =	vsel vm8, v14, v18  }
0xe4: {  	s30 =	sor.u32 s26, s29;
	v54 =	vld [tilespmem:s0+$0x0];
	v5 =	vsel vm8, v50, v5;
	v14 =	vsel vm8, $0x12, v14;
	v7 =	vsel vm10, v1, v7  }
0xe5: {  	v55 =	vld [tilespmem:s30+$0x0];
	v9 =	vsel vm10, v10, v9;
	v1 =	vsel vm10, v51, v1;
	v3 =	vsel vm11, v52, v3  }
0xe6: {  	v10 =	vsel vm10, $0x13, v10;
	v12 =	vsel vm11, $0x13, v12;
	vm13 =	vgt.f32 v53, v6  }
0xe7: {  	s31 =	sor.u32 s25, s29;
	vm14 =	vgt.f32 v53, v4;
	v3 =	vsel vm12, v2, v3;
	v12 =	vsel vm12, v8, v12  }
0xe8: {  	v56 =	vld [tilespmem:s31+$0x0];
	v2 =	vsel vm12, v52, v2;
	v6 =	vsel vm13, v53, v6;
	v15 =	vsel vm13, $0x13, v15  }
0xe9: {  	v8 =	vsel vm12, $0x13, v8;
	vm15 =	vgt.f32 v54, v11;
	vm4 =	vgt.f32 v54, v5  }
0xea: {  	vm5 =	vgt.f32 v55, v7;
	vm6 =	vgt.f32 v55, v1;
	v6 =	vsel vm14, v4, v6  }
0xeb: {  	s9 =	sor.u32 s24, s29;
	v15 =	vsel vm14, v16, v15;
	v4 =	vsel vm14, v53, v4;
	v16 =	vsel vm14, $0x13, v16  }
0xec: {  	v57 =	vld [tilespmem:s9+$0x0];
	v11 =	vsel vm15, v54, v11;
	v18 =	vsel vm15, $0x13, v18;
	v7 =	vsel vm5, v55, v7  }
0xed: {  	s0 =	sor.u32 s23, s29;
	s10 =	sor.u32 $0x4280, s28;
	v9 =	vsel vm5, $0x14, v9;
	vm7 =	vgt.f32 v56, v3;
	vm8 =	vgt.f32 v56, v2  }
0xee: {  	s29 =	sor.u32 s26, s10;
	v58 =	vld [tilespmem:s0+$0x0];
	v11 =	vsel vm4, v5, v11;
	v18 =	vsel vm4, v14, v18;
	v5 =	vsel vm4, v54, v5  }
0xef: {  	v59 =	vld [tilespmem:s29+$0x0];
	v14 =	vsel vm4, $0x13, v14;
	v7 =	vsel vm6, v1, v7;
	v9 =	vsel vm6, v10, v9  }
0xf0: {  	v1 =	vsel vm6, v55, v1;
	v3 =	vsel vm7, v56, v3;
	v12 =	vsel vm7, $0x14, v12  }
0xf1: {  	v10 =	vsel vm6, $0x14, v10;
	vm9 =	vgt.f32 v57, v6;
	vm10 =	vgt.f32 v57, v4  }
0xf2: {  	s30 =	sor.u32 s25, s10;
	v3 =	vsel vm8, v2, v3;
	v12 =	vsel vm8, v8, v12;
	v2 =	vsel vm8, v56, v2  }
0xf3: {  	v60 =	vld [tilespmem:s30+$0x0];
	v8 =	vsel vm8, $0x14, v8;
	v6 =	vsel vm9, v57, v6;
	v15 =	vsel vm9, $0x14, v15  }
0xf4: {  	vm11 =	vgt.f32 v58, v11;
	vm12 =	vgt.f32 v58, v5;
	vm13 =	vgt.f32 v59, v7  }
0xf5: {  	vm14 =	vgt.f32 v59, v1;
	v6 =	vsel vm10, v4, v6;
	v15 =	vsel vm10, v16, v15  }
0xf6: {  	s31 =	sor.u32 s24, s10;
	v4 =	vsel vm10, v57, v4;
	v11 =	vsel vm11, v58, v11;
	v16 =	vsel vm10, $0x14, v16  }
0xf7: {  	v61 =	vld [tilespmem:s31+$0x0];
	v18 =	vsel vm11, $0x14, v18;
	v7 =	vsel vm13, v59, v7;
	v9 =	vsel vm13, $0x15, v9  }
0xf8: {  	s0 =	sor.u32 s23, s10;
	s9 =	sor.u32 $0x4300, s28;
	vm15 =	vgt.f32 v60, v3;
	vm4 =	vgt.f32 v60, v2;
	v11 =	vsel vm12, v5, v11  }
0xf9: {  	s10 =	sor.u32 s26, s9;
	v62 =	vld [tilespmem:s0+$0x0];
	v18 =	vsel vm12, v14, v18;
	v5 =	vsel vm12, v58, v5;
	v14 =	vsel vm12, $0x14, v14  }
0xfa: {  	v63 =	vld [tilespmem:s10+$0x0];
	v7 =	vsel vm14, v1, v7;
	v9 =	vsel vm14, v10, v9;
	v1 =	vsel vm14, v59, v1  }
0xfb: {  	v10 =	vsel vm14, $0x15, v10;
	v3 =	vsel vm15, v60, v3;
	v12 =	vsel vm15, $0x15, v12  }
0xfc: {  	s29 =	sor.u32 s25, s9;
	vm5 =	vgt.f32 v61, v6;
	vm6 =	vgt.f32 v61, v4;
	v3 =	vsel vm4, v2, v3  }
0xfd: {  	v21 =	vld [tilespmem:s29+$0x0];
	v12 =	vsel vm4, v8, v12;
	v2 =	vsel vm4, v60, v2;
	v6 =	vsel vm5, v61, v6  }
0xfe: {  	v8 =	vsel vm4, $0x15, v8;
	v15 =	vsel vm5, $0x15, v15;
	vm7 =	vgt.f32 v62, v11  }
0xff: {  	vm8 =	vgt.f32 v62, v5;
	vm9 =	vgt.f32 v63, v7;
	vm10 =	vgt.f32 v63, v1  }
0x100: {  	s30 =	sor.u32 s24, s9;
	v6 =	vsel vm6, v4, v6;
	v15 =	vsel vm6, v16, v15;
	v4 =	vsel vm6, v61, v4  }
0x101: {  	v22 =	vld [tilespmem:s30+$0x0];
	v11 =	vsel vm7, v62, v11;
	v18 =	vsel vm7, $0x15, v18;
	v16 =	vsel vm6, $0x15, v16  }
0x102: {  	v7 =	vsel vm9, v63, v7;
	v9 =	vsel vm9, $0x16, v9;
	vm11 =	vgt.f32 v21, v3  }
0x103: {  	s0 =	sor.u32 s23, s9;
	s31 =	sor.u32 $0x4380, s28;
	vm12 =	vgt.f32 v21, v2;
	v11 =	vsel vm8, v5, v11;
	v18 =	vsel vm8, v14, v18  }
0x104: {  	s9 =	sor.u32 s26, s31;
	v23 =	vld [tilespmem:s0+$0x0];
	v5 =	vsel vm8, v62, v5;
	v14 =	vsel vm8, $0x15, v14;
	v7 =	vsel vm10, v1, v7  }
0x105: {  	v24 =	vld [tilespmem:s9+$0x0];
	v9 =	vsel vm10, v10, v9;
	v1 =	vsel vm10, v63, v1;
	v3 =	vsel vm11, v21, v3  }
0x106: {  	v10 =	vsel vm10, $0x16, v10;
	v12 =	vsel vm11, $0x16, v12;
	vm13 =	vgt.f32 v22, v6  }
0x107: {  	s10 =	sor.u32 s25, s31;
	vm14 =	vgt.f32 v22, v4;
	v3 =	vsel vm12, v2, v3;
	v12 =	vsel vm12, v8, v12  }
0x108: {  	v25 =	vld [tilespmem:s10+$0x0];
	v2 =	vsel vm12, v21, v2;
	v6 =	vsel vm13, v22, v6;
	v15 =	vsel vm13, $0x16, v15  }
0x109: {  	v8 =	vsel vm12, $0x16, v8;
	vm15 =	vgt.f32 v23, v11;
	vm4 =	vgt.f32 v23, v5  }
0x10a: {  	vm5 =	vgt.f32 v24, v7;
	vm6 =	vgt.f32 v24, v1;
	v6 =	vsel vm14, v4, v6  }
0x10b: {  	s29 =	sor.u32 s24, s31;
	v15 =	vsel vm14, v16, v15;
	v4 =	vsel vm14, v22, v4;
	v16 =	vsel vm14, $0x16, v16  }
0x10c: {  	v26 =	vld [tilespmem:s29+$0x0];
	v11 =	vsel vm15, v23, v11;
	v18 =	vsel vm15, $0x16, v18;
	v7 =	vsel vm5, v24, v7  }
0x10d: {  	s0 =	sor.u32 s23, s31;
	s30 =	sor.u32 $0x6000, s28;
	v9 =	vsel vm5, $0x17, v9;
	vm7 =	vgt.f32 v25, v3;
	vm8 =	vgt.f32 v25, v2  }
0x10e: {  	s31 =	sor.u32 s26, s30;
	v27 =	vld [tilespmem:s0+$0x0];
	v11 =	vsel vm4, v5, v11;
	v18 =	vsel vm4, v14, v18;
	v5 =	vsel vm4, v23, v5  }
0x10f: {  	v28 =	vld [tilespmem:s31+$0x0];
	v14 =	vsel vm4, $0x16, v14;
	v7 =	vsel vm6, v1, v7;
	v9 =	vsel vm6, v10, v9  }
0x110: {  	v1 =	vsel vm6, v24, v1;
	v3 =	vsel vm7, v25, v3;
	v12 =	vsel vm7, $0x17, v12  }
0x111: {  	v10 =	vsel vm6, $0x17, v10;
	vm9 =	vgt.f32 v26, v6;
	vm10 =	vgt.f32 v26, v4  }
0x112: {  	s9 =	sor.u32 s25, s30;
	v3 =	vsel vm8, v2, v3;
	v12 =	vsel vm8, v8, v12;
	v2 =	vsel vm8, v25, v2  }
0x113: {  	v29 =	vld [tilespmem:s9+$0x0];
	v8 =	vsel vm8, $0x17, v8;
	v6 =	vsel vm9, v26, v6;
	v15 =	vsel vm9, $0x17, v15  }
0x114: {  	vm11 =	vgt.f32 v27, v11;
	vm12 =	vgt.f32 v27, v5;
	vm13 =	vgt.f32 v28, v7  }
0x115: {  	vm14 =	vgt.f32 v28, v1;
	v6 =	vsel vm10, v4, v6;
	v15 =	vsel vm10, v16, v15  }
0x116: {  	s10 =	sor.u32 s24, s30;
	v4 =	vsel vm10, v26, v4;
	v11 =	vsel vm11, v27, v11;
	v16 =	vsel vm10, $0x17, v16  }
0x117: {  	v30 =	vld [tilespmem:s10+$0x0];
	v18 =	vsel vm11, $0x17, v18;
	v7 =	vsel vm13, v28, v7;
	v9 =	vsel vm13, $0x18, v9  }
0x118: {  	s0 =	sor.u32 s23, s30;
	s29 =	sor.u32 $0x6080, s28;
	vm15 =	vgt.f32 v29, v3;
	vm4 =	vgt.f32 v29, v2;
	v11 =	vsel vm12, v5, v11  }
0x119: {  	s30 =	sor.u32 s26, s29;
	v31 =	vld [tilespmem:s0+$0x0];
	v18 =	vsel vm12, v14, v18;
	v5 =	vsel vm12, v27, v5;
	v14 =	vsel vm12, $0x17, v14  }
0x11a: {  	v32 =	vld [tilespmem:s30+$0x0];
	v7 =	vsel vm14, v1, v7;
	v9 =	vsel vm14, v10, v9;
	v1 =	vsel vm14, v28, v1  }
0x11b: {  	v10 =	vsel vm14, $0x18, v10;
	v3 =	vsel vm15, v29, v3;
	v12 =	vsel vm15, $0x18, v12  }
0x11c: {  	s31 =	sor.u32 s25, s29;
	vm5 =	vgt.f32 v30, v6;
	vm6 =	vgt.f32 v30, v4;
	v3 =	vsel vm4, v2, v3  }
0x11d: {  	v33 =	vld [tilespmem:s31+$0x0];
	v12 =	vsel vm4, v8, v12;
	v2 =	vsel vm4, v29, v2;
	v6 =	vsel vm5, v30, v6  }
0x11e: {  	v8 =	vsel vm4, $0x18, v8;
	v15 =	vsel vm5, $0x18, v15;
	vm7 =	vgt.f32 v31, v11  }
0x11f: {  	vm8 =	vgt.f32 v31, v5;
	vm9 =	vgt.f32 v32, v7;
	vm10 =	vgt.f32 v32, v1  }
0x120: {  	s9 =	sor.u32 s24, s29;
	v6 =	vsel vm6, v4, v6;
	v15 =	vsel vm6, v16, v15;
	v4 =	vsel vm6, v30, v4  }
0x121: {  	v34 =	vld [tilespmem:s9+$0x0];
	v11 =	vsel vm7, v31, v11;
	v18 =	vsel vm7, $0x18, v18;
	v16 =	vsel vm6, $0x18, v16  }
0x122: {  	v7 =	vsel vm9, v32, v7;
	v9 =	vsel vm9, $0x19, v9;
	vm11 =	vgt.f32 v33, v3  }
0x123: {  	s0 =	sor.u32 s23, s29;
	s10 =	sor.u32 $0x6100, s28;
	vm12 =	vgt.f32 v33, v2;
	v11 =	vsel vm8, v5, v11;
	v18 =	vsel vm8, v14, v18  }
0x124: {  	s29 =	sor.u32 s26, s10;
	v35 =	vld [tilespmem:s0+$0x0];
	v5 =	vsel vm8, v31, v5;
	v14 =	vsel vm8, $0x18, v14;
	v7 =	vsel vm10, v1, v7  }
0x125: {  	v36 =	vld [tilespmem:s29+$0x0];
	v9 =	vsel vm10, v10, v9;
	v1 =	vsel vm10, v32, v1;
	v3 =	vsel vm11, v33, v3  }
0x126: {  	v10 =	vsel vm10, $0x19, v10;
	v12 =	vsel vm11, $0x19, v12;
	vm13 =	vgt.f32 v34, v6  }
0x127: {  	s30 =	sor.u32 s25, s10;
	vm14 =	vgt.f32 v34, v4;
	v3 =	vsel vm12, v2, v3;
	v12 =	vsel vm12, v8, v12  }
0x128: {  	v37 =	vld [tilespmem:s30+$0x0];
	v2 =	vsel vm12, v33, v2;
	v6 =	vsel vm13, v34, v6;
	v15 =	vsel vm13, $0x19, v15  }
0x129: {  	v8 =	vsel vm12, $0x19, v8;
	vm15 =	vgt.f32 v35, v11;
	vm4 =	vgt.f32 v35, v5  }
0x12a: {  	vm5 =	vgt.f32 v36, v7;
	vm6 =	vgt.f32 v36, v1;
	v6 =	vsel vm14, v4, v6  }
0x12b: {  	s31 =	sor.u32 s24, s10;
	v15 =	vsel vm14, v16, v15;
	v4 =	vsel vm14, v34, v4;
	v16 =	vsel vm14, $0x19, v16  }
0x12c: {  	v38 =	vld [tilespmem:s31+$0x0];
	v11 =	vsel vm15, v35, v11;
	v18 =	vsel vm15, $0x19, v18;
	v7 =	vsel vm5, v36, v7  }
0x12d: {  	s0 =	sor.u32 s23, s10;
	s9 =	sor.u32 $0x6180, s28;
	v9 =	vsel vm5, $0x1A, v9;
	vm7 =	vgt.f32 v37, v3;
	vm8 =	vgt.f32 v37, v2  }
0x12e: {  	s10 =	sor.u32 s26, s9;
	v39 =	vld [tilespmem:s0+$0x0];
	v11 =	vsel vm4, v5, v11;
	v18 =	vsel vm4, v14, v18;
	v5 =	vsel vm4, v35, v5  }
0x12f: {  	v40 =	vld [tilespmem:s10+$0x0];
	v14 =	vsel vm4, $0x19, v14;
	v7 =	vsel vm6, v1, v7;
	v9 =	vsel vm6, v10, v9  }
0x130: {  	v1 =	vsel vm6, v36, v1;
	v3 =	vsel vm7, v37, v3;
	v12 =	vsel vm7, $0x1A, v12  }
0x131: {  	v10 =	vsel vm6, $0x1A, v10;
	vm9 =	vgt.f32 v38, v6;
	vm10 =	vgt.f32 v38, v4  }
0x132: {  	s29 =	sor.u32 s25, s9;
	v3 =	vsel vm8, v2, v3;
	v12 =	vsel vm8, v8, v12;
	v2 =	vsel vm8, v37, v2  }
0x133: {  	v41 =	vld [tilespmem:s29+$0x0];
	v8 =	vsel vm8, $0x1A, v8;
	v6 =	vsel vm9, v38, v6;
	v15 =	vsel vm9, $0x1A, v15  }
0x134: {  	vm11 =	vgt.f32 v39, v11;
	vm12 =	vgt.f32 v39, v5;
	vm13 =	vgt.f32 v40, v7  }
0x135: {  	vm14 =	vgt.f32 v40, v1;
	v6 =	vsel vm10, v4, v6;
	v15 =	vsel vm10, v16, v15  }
0x136: {  	s30 =	sor.u32 s24, s9;
	v4 =	vsel vm10, v38, v4;
	v11 =	vsel vm11, v39, v11;
	v16 =	vsel vm10, $0x1A, v16  }
0x137: {  	v42 =	vld [tilespmem:s30+$0x0];
	v18 =	vsel vm11, $0x1A, v18;
	v7 =	vsel vm13, v40, v7;
	v9 =	vsel vm13, $0x1B, v9  }
0x138: {  	s0 =	sor.u32 s23, s9;
	s31 =	sor.u32 $0x6200, s28;
	vm15 =	vgt.f32 v41, v3;
	vm4 =	vgt.f32 v41, v2;
	v11 =	vsel vm12, v5, v11  }
0x139: {  	s9 =	sor.u32 s26, s31;
	v43 =	vld [tilespmem:s0+$0x0];
	v18 =	vsel vm12, v14, v18;
	v5 =	vsel vm12, v39, v5;
	v14 =	vsel vm12, $0x1A, v14  }
0x13a: {  	v44 =	vld [tilespmem:s9+$0x0];
	v7 =	vsel vm14, v1, v7;
	v9 =	vsel vm14, v10, v9;
	v1 =	vsel vm14, v40, v1  }
0x13b: {  	v10 =	vsel vm14, $0x1B, v10;
	v3 =	vsel vm15, v41, v3;
	v12 =	vsel vm15, $0x1B, v12  }
0x13c: {  	s10 =	sor.u32 s25, s31;
	vm5 =	vgt.f32 v42, v6;
	vm6 =	vgt.f32 v42, v4;
	v3 =	vsel vm4, v2, v3  }
0x13d: {  	v45 =	vld [tilespmem:s10+$0x0];
	v12 =	vsel vm4, v8, v12;
	v2 =	vsel vm4, v41, v2;
	v6 =	vsel vm5, v42, v6  }
0x13e: {  	v8 =	vsel vm4, $0x1B, v8;
	v15 =	vsel vm5, $0x1B, v15;
	vm7 =	vgt.f32 v43, v11  }
0x13f: {  	vm8 =	vgt.f32 v43, v5;
	vm9 =	vgt.f32 v44, v7;
	vm10 =	vgt.f32 v44, v1  }
0x140: {  	s29 =	sor.u32 s24, s31;
	v6 =	vsel vm6, v4, v6;
	v15 =	vsel vm6, v16, v15;
	v4 =	vsel vm6, v42, v4  }
0x141: {  	v46 =	vld [tilespmem:s29+$0x0];
	v11 =	vsel vm7, v43, v11;
	v18 =	vsel vm7, $0x1B, v18;
	v16 =	vsel vm6, $0x1B, v16  }
0x142: {  	v7 =	vsel vm9, v44, v7;
	v9 =	vsel vm9, $0x1C, v9;
	vm11 =	vgt.f32 v45, v3  }
0x143: {  	s0 =	sor.u32 s23, s31;
	s30 =	sor.u32 $0x6280, s28;
	vm12 =	vgt.f32 v45, v2;
	v11 =	vsel vm8, v5, v11;
	v18 =	vsel vm8, v14, v18  }
0x144: {  	s31 =	sor.u32 s26, s30;
	v47 =	vld [tilespmem:s0+$0x0];
	v5 =	vsel vm8, v43, v5;
	v14 =	vsel vm8, $0x1B, v14;
	v7 =	vsel vm10, v1, v7  }
0x145: {  	v48 =	vld [tilespmem:s31+$0x0];
	v9 =	vsel vm10, v10, v9;
	v1 =	vsel vm10, v44, v1;
	v3 =	vsel vm11, v45, v3  }
0x146: {  	v10 =	vsel vm10, $0x1C, v10;
	v12 =	vsel vm11, $0x1C, v12;
	vm13 =	vgt.f32 v46, v6  }
0x147: {  	s9 =	sor.u32 s25, s30;
	vm14 =	vgt.f32 v46, v4;
	v3 =	vsel vm12, v2, v3;
	v12 =	vsel vm12, v8, v12  }
0x148: {  	v49 =	vld [tilespmem:s9+$0x0];
	v2 =	vsel vm12, v45, v2;
	v6 =	vsel vm13, v46, v6;
	v15 =	vsel vm13, $0x1C, v15  }
0x149: {  	v8 =	vsel vm12, $0x1C, v8;
	vm15 =	vgt.f32 v47, v11;
	vm4 =	vgt.f32 v47, v5  }
0x14a: {  	vm5 =	vgt.f32 v48, v7;
	vm6 =	vgt.f32 v48, v1;
	v6 =	vsel vm14, v4, v6  }
0x14b: {  	s10 =	sor.u32 s24, s30;
	v15 =	vsel vm14, v16, v15;
	v4 =	vsel vm14, v46, v4;
	v16 =	vsel vm14, $0x1C, v16  }
0x14c: {  	v50 =	vld [tilespmem:s10+$0x0];
	v11 =	vsel vm15, v47, v11;
	v18 =	vsel vm15, $0x1C, v18;
	v7 =	vsel vm5, v48, v7  }
0x14d: {  	s0 =	sor.u32 s23, s30;
	s29 =	sor.u32 $0x6300, s28;
	v9 =	vsel vm5, $0x1D, v9;
	vm7 =	vgt.f32 v49, v3;
	vm8 =	vgt.f32 v49, v2  }
0x14e: {  	s30 =	sor.u32 s26, s29;
	v51 =	vld [tilespmem:s0+$0x0];
	v11 =	vsel vm4, v5, v11;
	v18 =	vsel vm4, v14, v18;
	v5 =	vsel vm4, v47, v5  }
0x14f: {  	v52 =	vld [tilespmem:s30+$0x0];
	v14 =	vsel vm4, $0x1C, v14;
	v7 =	vsel vm6, v1, v7;
	v9 =	vsel vm6, v10, v9  }
0x150: {  	v1 =	vsel vm6, v48, v1;
	v3 =	vsel vm7, v49, v3;
	v12 =	vsel vm7, $0x1D, v12  }
0x151: {  	v10 =	vsel vm6, $0x1D, v10;
	vm9 =	vgt.f32 v50, v6;
	vm10 =	vgt.f32 v50, v4  }
0x152: {  	s31 =	sor.u32 s25, s29;
	v3 =	vsel vm8, v2, v3;
	v12 =	vsel vm8, v8, v12;
	v2 =	vsel vm8, v49, v2  }
0x153: {  	v53 =	vld [tilespmem:s31+$0x0];
	v8 =	vsel vm8, $0x1D, v8;
	v6 =	vsel vm9, v50, v6;
	v15 =	vsel vm9, $0x1D, v15  }
0x154: {  	vm11 =	vgt.f32 v51, v11;
	vm12 =	vgt.f32 v51, v5;
	vm13 =	vgt.f32 v52, v7  }
0x155: {  	vm14 =	vgt.f32 v52, v1;
	v6 =	vsel vm10, v4, v6;
	v15 =	vsel vm10, v16, v15  }
0x156: {  	s9 =	sor.u32 s24, s29;
	v4 =	vsel vm10, v50, v4;
	v11 =	vsel vm11, v51, v11;
	v16 =	vsel vm10, $0x1D, v16  }
0x157: {  	v54 =	vld [tilespmem:s9+$0x0];
	v18 =	vsel vm11, $0x1D, v18;
	v7 =	vsel vm13, v52, v7;
	v9 =	vsel vm13, $0x1E, v9  }
0x158: {  	s0 =	sor.u32 s23, s29;
	s10 =	sor.u32 $0x6380, s28;
	vm15 =	vgt.f32 v53, v3;
	vm4 =	vgt.f32 v53, v2;
	v11 =	vsel vm12, v5, v11  }
0x159: {  	s29 =	sor.u32 s26, s10;
	v55 =	vld [tilespmem:s0+$0x0];
	v18 =	vsel vm12, v14, v18;
	v5 =	vsel vm12, v51, v5;
	v14 =	vsel vm12, $0x1D, v14  }
0x15a: {  	v56 =	vld [tilespmem:s29+$0x0];
	v7 =	vsel vm14, v1, v7;
	v9 =	vsel vm14, v10, v9;
	v1 =	vsel vm14, v52, v1  }
0x15b: {  	v10 =	vsel vm14, $0x1E, v10;
	v3 =	vsel vm15, v53, v3;
	v12 =	vsel vm15, $0x1E, v12  }
0x15c: {  	s30 =	sor.u32 s25, s10;
	vm5 =	vgt.f32 v54, v6;
	vm6 =	vgt.f32 v54, v4;
	v3 =	vsel vm4, v2, v3  }
0x15d: {  	v57 =	vld [tilespmem:s30+$0x0];
	v12 =	vsel vm4, v8, v12;
	v2 =	vsel vm4, v53, v2;
	v6 =	vsel vm5, v54, v6  }
0x15e: {  	v8 =	vsel vm4, $0x1E, v8;
	v15 =	vsel vm5, $0x1E, v15;
	vm7 =	vgt.f32 v55, v11  }
0x15f: {  	vm8 =	vgt.f32 v55, v5;
	vm9 =	vgt.f32 v56, v7;
	vm10 =	vgt.f32 v56, v1  }
0x160: {  	s31 =	sor.u32 s24, s10;
	v6 =	vsel vm6, v4, v6;
	v15 =	vsel vm6, v16, v15;
	v4 =	vsel vm6, v54, v4  }
0x161: {  	v58 =	vld [tilespmem:s31+$0x0];
	v11 =	vsel vm7, v55, v11;
	v18 =	vsel vm7, $0x1E, v18;
	v16 =	vsel vm6, $0x1E, v16  }
0x162: {  	v7 =	vsel vm9, v56, v7;
	v9 =	vsel vm9, $0x1F, v9;
	vm11 =	vgt.f32 v57, v3  }
0x163: {  	s0 =	sor.u32 s23, s10;
	s9 =	sor.u32 $0x8000, s28;
	vm12 =	vgt.f32 v57, v2;
	v11 =	vsel vm8, v5, v11;
	v18 =	vsel vm8, v14, v18  }
0x164: {  	s10 =	sor.u32 s26, s9;
	v59 =	vld [tilespmem:s0+$0x0];
	v5 =	vsel vm8, v55, v5;
	v14 =	vsel vm8, $0x1E, v14;
	v7 =	vsel vm10, v1, v7  }
0x165: {  	v60 =	vld [tilespmem:s10+$0x0];
	v9 =	vsel vm10, v10, v9;
	v1 =	vsel vm10, v56, v1;
	v3 =	vsel vm11, v57, v3  }
0x166: {  	v10 =	vsel vm10, $0x1F, v10;
	v12 =	vsel vm11, $0x1F, v12;
	vm13 =	vgt.f32 v58, v6  }
0x167: {  	s29 =	sor.u32 s25, s9;
	vm14 =	vgt.f32 v58, v4;
	v3 =	vsel vm12, v2, v3;
	v12 =	vsel vm12, v8, v12  }
0x168: {  	v61 =	vld [tilespmem:s29+$0x0];
	v2 =	vsel vm12, v57, v2;
	v6 =	vsel vm13, v58, v6;
	v15 =	vsel vm13, $0x1F, v15  }
0x169: {  	v8 =	vsel vm12, $0x1F, v8;
	vm15 =	vgt.f32 v59, v11;
	vm4 =	vgt.f32 v59, v5  }
0x16a: {  	vm5 =	vgt.f32 v60, v7;
	vm6 =	vgt.f32 v60, v1;
	v6 =	vsel vm14, v4, v6  }
0x16b: {  	s30 =	sor.u32 s24, s9;
	v15 =	vsel vm14, v16, v15;
	v4 =	vsel vm14, v58, v4;
	v16 =	vsel vm14, $0x1F, v16  }
0x16c: {  	v62 =	vld [tilespmem:s30+$0x0];
	v11 =	vsel vm15, v59, v11;
	v18 =	vsel vm15, $0x1F, v18;
	v7 =	vsel vm5, v60, v7  }
0x16d: {  	s0 =	sor.u32 s23, s9;
	s31 =	sor.u32 $0x8080, s28;
	v9 =	vsel vm5, $0x20, v9;
	vm7 =	vgt.f32 v61, v3;
	vm8 =	vgt.f32 v61, v2  }
0x16e: {  	s9 =	sor.u32 s26, s31;
	v63 =	vld [tilespmem:s0+$0x0];
	v11 =	vsel vm4, v5, v11;
	v18 =	vsel vm4, v14, v18;
	v5 =	vsel vm4, v59, v5  }
0x16f: {  	v21 =	vld [tilespmem:s9+$0x0];
	v14 =	vsel vm4, $0x1F, v14;
	v7 =	vsel vm6, v1, v7;
	v9 =	vsel vm6, v10, v9  }
0x170: {  	v1 =	vsel vm6, v60, v1;
	v3 =	vsel vm7, v61, v3;
	v12 =	vsel vm7, $0x20, v12  }
0x171: {  	v10 =	vsel vm6, $0x20, v10;
	vm9 =	vgt.f32 v62, v6;
	vm10 =	vgt.f32 v62, v4  }
0x172: {  	s10 =	sor.u32 s25, s31;
	v3 =	vsel vm8, v2, v3;
	v12 =	vsel vm8, v8, v12;
	v2 =	vsel vm8, v61, v2  }
0x173: {  	v22 =	vld [tilespmem:s10+$0x0];
	v8 =	vsel vm8, $0x20, v8;
	v6 =	vsel vm9, v62, v6;
	v15 =	vsel vm9, $0x20, v15  }
0x174: {  	vm11 =	vgt.f32 v63, v11;
	vm12 =	vgt.f32 v63, v5;
	vm13 =	vgt.f32 v21, v7  }
0x175: {  	vm14 =	vgt.f32 v21, v1;
	v6 =	vsel vm10, v4, v6;
	v15 =	vsel vm10, v16, v15  }
0x176: {  	s29 =	sor.u32 s24, s31;
	v4 =	vsel vm10, v62, v4;
	v11 =	vsel vm11, v63, v11;
	v16 =	vsel vm10, $0x20, v16  }
0x177: {  	v23 =	vld [tilespmem:s29+$0x0];
	v18 =	vsel vm11, $0x20, v18;
	v7 =	vsel vm13, v21, v7;
	v9 =	vsel vm13, $0x21, v9  }
0x178: {  	s0 =	sor.u32 s23, s31;
	s30 =	sor.u32 $0x8100, s28;
	vm15 =	vgt.f32 v22, v3;
	vm4 =	vgt.f32 v22, v2;
	v11 =	vsel vm12, v5, v11  }
0x179: {  	s31 =	sor.u32 s26, s30;
	v24 =	vld [tilespmem:s0+$0x0];
	v18 =	vsel vm12, v14, v18;
	v5 =	vsel vm12, v63, v5;
	v14 =	vsel vm12, $0x20, v14  }
0x17a: {  	v25 =	vld [tilespmem:s31+$0x0];
	v7 =	vsel vm14, v1, v7;
	v9 =	vsel vm14, v10, v9;
	v1 =	vsel vm14, v21, v1  }
0x17b: {  	v10 =	vsel vm14, $0x21, v10;
	v3 =	vsel vm15, v22, v3;
	v12 =	vsel vm15, $0x21, v12  }
0x17c: {  	s9 =	sor.u32 s25, s30;
	vm5 =	vgt.f32 v23, v6;
	vm6 =	vgt.f32 v23, v4;
	v3 =	vsel vm4, v2, v3  }
0x17d: {  	v26 =	vld [tilespmem:s9+$0x0];
	v12 =	vsel vm4, v8, v12;
	v2 =	vsel vm4, v22, v2;
	v6 =	vsel vm5, v23, v6  }
0x17e: {  	v8 =	vsel vm4, $0x21, v8;
	v15 =	vsel vm5, $0x21, v15;
	vm7 =	vgt.f32 v24, v11  }
0x17f: {  	vm8 =	vgt.f32 v24, v5;
	vm9 =	vgt.f32 v25, v7;
	vm10 =	vgt.f32 v25, v1  }
0x180: {  	s10 =	sor.u32 s24, s30;
	v6 =	vsel vm6, v4, v6;
	v15 =	vsel vm6, v16, v15;
	v4 =	vsel vm6, v23, v4  }
0x181: {  	v27 =	vld [tilespmem:s10+$0x0];
	v11 =	vsel vm7, v24, v11;
	v18 =	vsel vm7, $0x21, v18;
	v16 =	vsel vm6, $0x21, v16  }
0x182: {  	v7 =	vsel vm9, v25, v7;
	v9 =	vsel vm9, $0x22, v9;
	vm11 =	vgt.f32 v26, v3  }
0x183: {  	s0 =	sor.u32 s23, s30;
	s29 =	sor.u32 $0x8180, s28;
	vm12 =	vgt.f32 v26, v2;
	v11 =	vsel vm8, v5, v11;
	v18 =	vsel vm8, v14, v18  }
0x184: {  	s30 =	sor.u32 s26, s29;
	v28 =	vld [tilespmem:s0+$0x0];
	v5 =	vsel vm8, v24, v5;
	v14 =	vsel vm8, $0x21, v14;
	v7 =	vsel vm10, v1, v7  }
0x185: {  	v29 =	vld [tilespmem:s30+$0x0];
	v9 =	vsel vm10, v10, v9;
	v1 =	vsel vm10, v25, v1;
	v3 =	vsel vm11, v26, v3  }
0x186: {  	v10 =	vsel vm10, $0x22, v10;
	v12 =	vsel vm11, $0x22, v12;
	vm13 =	vgt.f32 v27, v6  }
0x187: {  	s31 =	sor.u32 s25, s29;
	vm14 =	vgt.f32 v27, v4;
	v3 =	vsel vm12, v2, v3;
	v12 =	vsel vm12, v8, v12  }
0x188: {  	v30 =	vld [tilespmem:s31+$0x0];
	v2 =	vsel vm12, v26, v2;
	v6 =	vsel vm13, v27, v6;
	v15 =	vsel vm13, $0x22, v15  }
0x189: {  	v8 =	vsel vm12, $0x22, v8;
	vm15 =	vgt.f32 v28, v11;
	vm4 =	vgt.f32 v28, v5  }
0x18a: {  	vm5 =	vgt.f32 v29, v7;
	vm6 =	vgt.f32 v29, v1;
	v6 =	vsel vm14, v4, v6  }
0x18b: {  	s9 =	sor.u32 s24, s29;
	v15 =	vsel vm14, v16, v15;
	v4 =	vsel vm14, v27, v4;
	v16 =	vsel vm14, $0x22, v16  }
0x18c: {  	v31 =	vld [tilespmem:s9+$0x0];
	v11 =	vsel vm15, v28, v11;
	v18 =	vsel vm15, $0x22, v18;
	v7 =	vsel vm5, v29, v7  }
0x18d: {  	s0 =	sor.u32 s23, s29;
	s10 =	sor.u32 $0x8200, s28;
	v9 =	vsel vm5, $0x23, v9;
	vm7 =	vgt.f32 v30, v3;
	vm8 =	vgt.f32 v30, v2  }
0x18e: {  	s29 =	sor.u32 s26, s10;
	v32 =	vld [tilespmem:s0+$0x0];
	v11 =	vsel vm4, v5, v11;
	v18 =	vsel vm4, v14, v18;
	v5 =	vsel vm4, v28, v5  }
0x18f: {  	v33 =	vld [tilespmem:s29+$0x0];
	v14 =	vsel vm4, $0x22, v14;
	v7 =	vsel vm6, v1, v7;
	v9 =	vsel vm6, v10, v9  }
0x190: {  	v1 =	vsel vm6, v29, v1;
	v3 =	vsel vm7, v30, v3;
	v12 =	vsel vm7, $0x23, v12  }
0x191: {  	v10 =	vsel vm6, $0x23, v10;
	vm9 =	vgt.f32 v31, v6;
	vm10 =	vgt.f32 v31, v4  }
0x192: {  	s30 =	sor.u32 s25, s10;
	v3 =	vsel vm8, v2, v3;
	v12 =	vsel vm8, v8, v12;
	v2 =	vsel vm8, v30, v2  }
0x193: {  	v34 =	vld [tilespmem:s30+$0x0];
	v8 =	vsel vm8, $0x23, v8;
	v6 =	vsel vm9, v31, v6;
	v15 =	vsel vm9, $0x23, v15  }
0x194: {  	vm11 =	vgt.f32 v32, v11;
	vm12 =	vgt.f32 v32, v5;
	vm13 =	vgt.f32 v33, v7  }
0x195: {  	vm14 =	vgt.f32 v33, v1;
	v6 =	vsel vm10, v4, v6;
	v15 =	vsel vm10, v16, v15  }
0x196: {  	s31 =	sor.u32 s24, s10;
	v4 =	vsel vm10, v31, v4;
	v11 =	vsel vm11, v32, v11;
	v16 =	vsel vm10, $0x23, v16  }
0x197: {  	v35 =	vld [tilespmem:s31+$0x0];
	v18 =	vsel vm11, $0x23, v18;
	v7 =	vsel vm13, v33, v7;
	v9 =	vsel vm13, $0x24, v9  }
0x198: {  	s0 =	sor.u32 s23, s10;
	s9 =	sor.u32 $0x8280, s28;
	vm15 =	vgt.f32 v34, v3;
	vm4 =	vgt.f32 v34, v2;
	v11 =	vsel vm12, v5, v11  }
0x199: {  	s10 =	sor.u32 s26, s9;
	v36 =	vld [tilespmem:s0+$0x0];
	v18 =	vsel vm12, v14, v18;
	v5 =	vsel vm12, v32, v5;
	v14 =	vsel vm12, $0x23, v14  }
0x19a: {  	v37 =	vld [tilespmem:s10+$0x0];
	v7 =	vsel vm14, v1, v7;
	v9 =	vsel vm14, v10, v9;
	v1 =	vsel vm14, v33, v1  }
0x19b: {  	v10 =	vsel vm14, $0x24, v10;
	v3 =	vsel vm15, v34, v3;
	v12 =	vsel vm15, $0x24, v12  }
0x19c: {  	s29 =	sor.u32 s25, s9;
	vm5 =	vgt.f32 v35, v6;
	vm6 =	vgt.f32 v35, v4;
	v3 =	vsel vm4, v2, v3  }
0x19d: {  	v38 =	vld [tilespmem:s29+$0x0];
	v12 =	vsel vm4, v8, v12;
	v2 =	vsel vm4, v34, v2;
	v6 =	vsel vm5, v35, v6  }
0x19e: {  	v8 =	vsel vm4, $0x24, v8;
	v15 =	vsel vm5, $0x24, v15;
	vm7 =	vgt.f32 v36, v11  }
0x19f: {  	vm8 =	vgt.f32 v36, v5;
	vm9 =	vgt.f32 v37, v7;
	vm10 =	vgt.f32 v37, v1  }
0x1a0: {  	s30 =	sor.u32 s24, s9;
	v6 =	vsel vm6, v4, v6;
	v15 =	vsel vm6, v16, v15;
	v4 =	vsel vm6, v35, v4  }
0x1a1: {  	v39 =	vld [tilespmem:s30+$0x0];
	v11 =	vsel vm7, v36, v11;
	v18 =	vsel vm7, $0x24, v18;
	v16 =	vsel vm6, $0x24, v16  }
0x1a2: {  	v7 =	vsel vm9, v37, v7;
	v9 =	vsel vm9, $0x25, v9;
	vm11 =	vgt.f32 v38, v3  }
0x1a3: {  	s0 =	sor.u32 s23, s9;
	s31 =	sor.u32 $0x8300, s28;
	vm12 =	vgt.f32 v38, v2;
	v11 =	vsel vm8, v5, v11;
	v18 =	vsel vm8, v14, v18  }
0x1a4: {  	s9 =	sor.u32 s26, s31;
	v40 =	vld [tilespmem:s0+$0x0];
	v5 =	vsel vm8, v36, v5;
	v14 =	vsel vm8, $0x24, v14;
	v7 =	vsel vm10, v1, v7  }
0x1a5: {  	v41 =	vld [tilespmem:s9+$0x0];
	v9 =	vsel vm10, v10, v9;
	v1 =	vsel vm10, v37, v1;
	v3 =	vsel vm11, v38, v3  }
0x1a6: {  	v10 =	vsel vm10, $0x25, v10;
	v12 =	vsel vm11, $0x25, v12;
	vm13 =	vgt.f32 v39, v6  }
0x1a7: {  	s10 =	sor.u32 s25, s31;
	vm14 =	vgt.f32 v39, v4;
	v3 =	vsel vm12, v2, v3;
	v12 =	vsel vm12, v8, v12  }
0x1a8: {  	v42 =	vld [tilespmem:s10+$0x0];
	v2 =	vsel vm12, v38, v2;
	v6 =	vsel vm13, v39, v6;
	v15 =	vsel vm13, $0x25, v15  }
0x1a9: {  	v8 =	vsel vm12, $0x25, v8;
	vm15 =	vgt.f32 v40, v11;
	vm4 =	vgt.f32 v40, v5  }
0x1aa: {  	vm5 =	vgt.f32 v41, v7;
	vm6 =	vgt.f32 v41, v1;
	v6 =	vsel vm14, v4, v6  }
0x1ab: {  	s29 =	sor.u32 s24, s31;
	v15 =	vsel vm14, v16, v15;
	v4 =	vsel vm14, v39, v4;
	v16 =	vsel vm14, $0x25, v16  }
0x1ac: {  	v43 =	vld [tilespmem:s29+$0x0];
	v11 =	vsel vm15, v40, v11;
	v18 =	vsel vm15, $0x25, v18;
	v7 =	vsel vm5, v41, v7  }
0x1ad: {  	s0 =	sor.u32 s23, s31;
	s30 =	sor.u32 $0x8380, s28;
	v9 =	vsel vm5, $0x26, v9;
	vm7 =	vgt.f32 v42, v3;
	vm8 =	vgt.f32 v42, v2  }
0x1ae: {  	s31 =	sor.u32 s26, s30;
	v44 =	vld [tilespmem:s0+$0x0];
	v11 =	vsel vm4, v5, v11;
	v18 =	vsel vm4, v14, v18;
	v5 =	vsel vm4, v40, v5  }
0x1af: {  	v45 =	vld [tilespmem:s31+$0x0];
	v14 =	vsel vm4, $0x25, v14;
	v7 =	vsel vm6, v1, v7;
	v9 =	vsel vm6, v10, v9  }
0x1b0: {  	v1 =	vsel vm6, v41, v1;
	v3 =	vsel vm7, v42, v3;
	v12 =	vsel vm7, $0x26, v12  }
0x1b1: {  	v10 =	vsel vm6, $0x26, v10;
	vm9 =	vgt.f32 v43, v6;
	vm10 =	vgt.f32 v43, v4  }
0x1b2: {  	s9 =	sor.u32 s25, s30;
	v3 =	vsel vm8, v2, v3;
	v12 =	vsel vm8, v8, v12;
	v2 =	vsel vm8, v42, v2  }
0x1b3: {  	v46 =	vld [tilespmem:s9+$0x0];
	v8 =	vsel vm8, $0x26, v8;
	v6 =	vsel vm9, v43, v6;
	v15 =	vsel vm9, $0x26, v15  }
0x1b4: {  	vm11 =	vgt.f32 v44, v11;
	vm12 =	vgt.f32 v44, v5;
	vm13 =	vgt.f32 v45, v7  }
0x1b5: {  	vm14 =	vgt.f32 v45, v1;
	v6 =	vsel vm10, v4, v6;
	v15 =	vsel vm10, v16, v15  }
0x1b6: {  	s10 =	sor.u32 s24, s30;
	v4 =	vsel vm10, v43, v4;
	v11 =	vsel vm11, v44, v11;
	v16 =	vsel vm10, $0x26, v16  }
0x1b7: {  	v47 =	vld [tilespmem:s10+$0x0];
	v18 =	vsel vm11, $0x26, v18;
	v7 =	vsel vm13, v45, v7;
	v9 =	vsel vm13, $0x27, v9  }
0x1b8: {  	s0 =	sor.u32 s23, s30;
	s29 =	sor.u32 $0xA000, s28;
	vm15 =	vgt.f32 v46, v3;
	vm4 =	vgt.f32 v46, v2;
	v11 =	vsel vm12, v5, v11  }
0x1b9: {  	s30 =	sor.u32 s26, s29;
	v48 =	vld [tilespmem:s0+$0x0];
	v18 =	vsel vm12, v14, v18;
	v5 =	vsel vm12, v44, v5;
	v14 =	vsel vm12, $0x26, v14  }
0x1ba: {  	v49 =	vld [tilespmem:s30+$0x0];
	v7 =	vsel vm14, v1, v7;
	v9 =	vsel vm14, v10, v9;
	v1 =	vsel vm14, v45, v1  }
0x1bb: {  	v10 =	vsel vm14, $0x27, v10;
	v3 =	vsel vm15, v46, v3;
	v12 =	vsel vm15, $0x27, v12  }
0x1bc: {  	s31 =	sor.u32 s25, s29;
	vm5 =	vgt.f32 v47, v6;
	vm6 =	vgt.f32 v47, v4;
	v3 =	vsel vm4, v2, v3  }
0x1bd: {  	v50 =	vld [tilespmem:s31+$0x0];
	v12 =	vsel vm4, v8, v12;
	v2 =	vsel vm4, v46, v2;
	v6 =	vsel vm5, v47, v6  }
0x1be: {  	v8 =	vsel vm4, $0x27, v8;
	v15 =	vsel vm5, $0x27, v15;
	vm7 =	vgt.f32 v48, v11  }
0x1bf: {  	vm8 =	vgt.f32 v48, v5;
	vm9 =	vgt.f32 v49, v7;
	vm10 =	vgt.f32 v49, v1  }
0x1c0: {  	s9 =	sor.u32 s24, s29;
	v6 =	vsel vm6, v4, v6;
	v15 =	vsel vm6, v16, v15;
	v4 =	vsel vm6, v47, v4  }
0x1c1: {  	v51 =	vld [tilespmem:s9+$0x0];
	v11 =	vsel vm7, v48, v11;
	v18 =	vsel vm7, $0x27, v18;
	v16 =	vsel vm6, $0x27, v16  }
0x1c2: {  	v7 =	vsel vm9, v49, v7;
	v9 =	vsel vm9, $0x28, v9;
	vm11 =	vgt.f32 v50, v3  }
0x1c3: {  	s0 =	sor.u32 s23, s29;
	s10 =	sor.u32 $0xA080, s28;
	vm12 =	vgt.f32 v50, v2;
	v11 =	vsel vm8, v5, v11;
	v18 =	vsel vm8, v14, v18  }
0x1c4: {  	s29 =	sor.u32 s26, s10;
	v52 =	vld [tilespmem:s0+$0x0];
	v5 =	vsel vm8, v48, v5;
	v14 =	vsel vm8, $0x27, v14;
	v7 =	vsel vm10, v1, v7  }
0x1c5: {  	v53 =	vld [tilespmem:s29+$0x0];
	v9 =	vsel vm10, v10, v9;
	v1 =	vsel vm10, v49, v1;
	v3 =	vsel vm11, v50, v3  }
0x1c6: {  	v10 =	vsel vm10, $0x28, v10;
	v12 =	vsel vm11, $0x28, v12;
	vm13 =	vgt.f32 v51, v6  }
0x1c7: {  	s30 =	sor.u32 s25, s10;
	vm14 =	vgt.f32 v51, v4;
	v3 =	vsel vm12, v2, v3;
	v12 =	vsel vm12, v8, v12  }
0x1c8: {  	v54 =	vld [tilespmem:s30+$0x0];
	v2 =	vsel vm12, v50, v2;
	v6 =	vsel vm13, v51, v6;
	v15 =	vsel vm13, $0x28, v15  }
0x1c9: {  	v8 =	vsel vm12, $0x28, v8;
	vm15 =	vgt.f32 v52, v11;
	vm4 =	vgt.f32 v52, v5  }
0x1ca: {  	vm5 =	vgt.f32 v53, v7;
	vm6 =	vgt.f32 v53, v1;
	v6 =	vsel vm14, v4, v6  }
0x1cb: {  	s31 =	sor.u32 s24, s10;
	v15 =	vsel vm14, v16, v15;
	v4 =	vsel vm14, v51, v4;
	v16 =	vsel vm14, $0x28, v16  }
0x1cc: {  	v55 =	vld [tilespmem:s31+$0x0];
	v11 =	vsel vm15, v52, v11;
	v18 =	vsel vm15, $0x28, v18;
	v7 =	vsel vm5, v53, v7  }
0x1cd: {  	s0 =	sor.u32 s23, s10;
	s9 =	sor.u32 $0xA100, s28;
	v9 =	vsel vm5, $0x29, v9;
	vm7 =	vgt.f32 v54, v3;
	vm8 =	vgt.f32 v54, v2  }
0x1ce: {  	s10 =	sor.u32 s26, s9;
	v56 =	vld [tilespmem:s0+$0x0];
	v11 =	vsel vm4, v5, v11;
	v18 =	vsel vm4, v14, v18;
	v5 =	vsel vm4, v52, v5  }
0x1cf: {  	v57 =	vld [tilespmem:s10+$0x0];
	v14 =	vsel vm4, $0x28, v14;
	v7 =	vsel vm6, v1, v7;
	v9 =	vsel vm6, v10, v9  }
0x1d0: {  	v1 =	vsel vm6, v53, v1;
	v3 =	vsel vm7, v54, v3;
	v12 =	vsel vm7, $0x29, v12  }
0x1d1: {  	v10 =	vsel vm6, $0x29, v10;
	vm9 =	vgt.f32 v55, v6;
	vm10 =	vgt.f32 v55, v4  }
0x1d2: {  	s29 =	sor.u32 s25, s9;
	v3 =	vsel vm8, v2, v3;
	v12 =	vsel vm8, v8, v12;
	v2 =	vsel vm8, v54, v2  }
0x1d3: {  	v58 =	vld [tilespmem:s29+$0x0];
	v8 =	vsel vm8, $0x29, v8;
	v6 =	vsel vm9, v55, v6;
	v15 =	vsel vm9, $0x29, v15  }
0x1d4: {  	vm11 =	vgt.f32 v56, v11;
	vm12 =	vgt.f32 v56, v5;
	vm13 =	vgt.f32 v57, v7  }
0x1d5: {  	vm14 =	vgt.f32 v57, v1;
	v6 =	vsel vm10, v4, v6;
	v15 =	vsel vm10, v16, v15  }
0x1d6: {  	s30 =	sor.u32 s24, s9;
	v4 =	vsel vm10, v55, v4;
	v11 =	vsel vm11, v56, v11;
	v16 =	vsel vm10, $0x29, v16  }
0x1d7: {  	v59 =	vld [tilespmem:s30+$0x0];
	v18 =	vsel vm11, $0x29, v18;
	v7 =	vsel vm13, v57, v7;
	v9 =	vsel vm13, $0x2A, v9  }
0x1d8: {  	s0 =	sor.u32 s23, s9;
	s31 =	sor.u32 $0xA180, s28;
	vm15 =	vgt.f32 v58, v3;
	vm4 =	vgt.f32 v58, v2;
	v11 =	vsel vm12, v5, v11  }
0x1d9: {  	s9 =	sor.u32 s26, s31;
	v60 =	vld [tilespmem:s0+$0x0];
	v18 =	vsel vm12, v14, v18;
	v5 =	vsel vm12, v56, v5;
	v14 =	vsel vm12, $0x29, v14  }
0x1da: {  	v61 =	vld [tilespmem:s9+$0x0];
	v7 =	vsel vm14, v1, v7;
	v9 =	vsel vm14, v10, v9;
	v1 =	vsel vm14, v57, v1  }
0x1db: {  	v10 =	vsel vm14, $0x2A, v10;
	v3 =	vsel vm15, v58, v3;
	v12 =	vsel vm15, $0x2A, v12  }
0x1dc: {  	s10 =	sor.u32 s25, s31;
	vm5 =	vgt.f32 v59, v6;
	vm6 =	vgt.f32 v59, v4;
	v3 =	vsel vm4, v2, v3  }
0x1dd: {  	v62 =	vld [tilespmem:s10+$0x0];
	v12 =	vsel vm4, v8, v12;
	v2 =	vsel vm4, v58, v2;
	v6 =	vsel vm5, v59, v6  }
0x1de: {  	v8 =	vsel vm4, $0x2A, v8;
	v15 =	vsel vm5, $0x2A, v15;
	vm7 =	vgt.f32 v60, v11  }
0x1df: {  	vm8 =	vgt.f32 v60, v5;
	vm9 =	vgt.f32 v61, v7;
	vm10 =	vgt.f32 v61, v1  }
0x1e0: {  	s29 =	sor.u32 s24, s31;
	v6 =	vsel vm6, v4, v6;
	v15 =	vsel vm6, v16, v15;
	v4 =	vsel vm6, v59, v4  }
0x1e1: {  	v63 =	vld [tilespmem:s29+$0x0];
	v11 =	vsel vm7, v60, v11;
	v18 =	vsel vm7, $0x2A, v18;
	v16 =	vsel vm6, $0x2A, v16  }
0x1e2: {  	v7 =	vsel vm9, v61, v7;
	v9 =	vsel vm9, $0x2B, v9;
	vm11 =	vgt.f32 v62, v3  }
0x1e3: {  	s0 =	sor.u32 s23, s31;
	s30 =	sor.u32 $0xA200, s28;
	vm12 =	vgt.f32 v62, v2;
	v11 =	vsel vm8, v5, v11;
	v18 =	vsel vm8, v14, v18  }
0x1e4: {  	s31 =	sor.u32 s26, s30;
	v21 =	vld [tilespmem:s0+$0x0];
	v5 =	vsel vm8, v60, v5;
	v14 =	vsel vm8, $0x2A, v14;
	v7 =	vsel vm10, v1, v7  }
0x1e5: {  	v22 =	vld [tilespmem:s31+$0x0];
	v9 =	vsel vm10, v10, v9;
	v1 =	vsel vm10, v61, v1;
	v3 =	vsel vm11, v62, v3  }
0x1e6: {  	v10 =	vsel vm10, $0x2B, v10;
	v12 =	vsel vm11, $0x2B, v12;
	vm13 =	vgt.f32 v63, v6  }
0x1e7: {  	s9 =	sor.u32 s25, s30;
	vm14 =	vgt.f32 v63, v4;
	v3 =	vsel vm12, v2, v3;
	v12 =	vsel vm12, v8, v12  }
0x1e8: {  	v23 =	vld [tilespmem:s9+$0x0];
	v2 =	vsel vm12, v62, v2;
	v6 =	vsel vm13, v63, v6;
	v15 =	vsel vm13, $0x2B, v15  }
0x1e9: {  	v8 =	vsel vm12, $0x2B, v8;
	vm15 =	vgt.f32 v21, v11;
	vm4 =	vgt.f32 v21, v5  }
0x1ea: {  	vm5 =	vgt.f32 v22, v7;
	vm6 =	vgt.f32 v22, v1;
	v6 =	vsel vm14, v4, v6  }
0x1eb: {  	s10 =	sor.u32 s24, s30;
	v15 =	vsel vm14, v16, v15;
	v4 =	vsel vm14, v63, v4;
	v16 =	vsel vm14, $0x2B, v16  }
0x1ec: {  	v24 =	vld [tilespmem:s10+$0x0];
	v11 =	vsel vm15, v21, v11;
	v18 =	vsel vm15, $0x2B, v18;
	v7 =	vsel vm5, v22, v7  }
0x1ed: {  	s0 =	sor.u32 s23, s30;
	s29 =	sor.u32 $0xA280, s28;
	v9 =	vsel vm5, $0x2C, v9;
	vm7 =	vgt.f32 v23, v3;
	vm8 =	vgt.f32 v23, v2  }
0x1ee: {  	s30 =	sor.u32 s26, s29;
	v25 =	vld [tilespmem:s0+$0x0];
	v11 =	vsel vm4, v5, v11;
	v18 =	vsel vm4, v14, v18;
	v5 =	vsel vm4, v21, v5  }
0x1ef: {  	v26 =	vld [tilespmem:s30+$0x0];
	v14 =	vsel vm4, $0x2B, v14;
	v7 =	vsel vm6, v1, v7;
	v9 =	vsel vm6, v10, v9  }
0x1f0: {  	v1 =	vsel vm6, v22, v1;
	v3 =	vsel vm7, v23, v3;
	v12 =	vsel vm7, $0x2C, v12  }
0x1f1: {  	v10 =	vsel vm6, $0x2C, v10;
	vm9 =	vgt.f32 v24, v6;
	vm10 =	vgt.f32 v24, v4  }
0x1f2: {  	s31 =	sor.u32 s25, s29;
	v3 =	vsel vm8, v2, v3;
	v12 =	vsel vm8, v8, v12;
	v2 =	vsel vm8, v23, v2  }
0x1f3: {  	v27 =	vld [tilespmem:s31+$0x0];
	v8 =	vsel vm8, $0x2C, v8;
	v6 =	vsel vm9, v24, v6;
	v15 =	vsel vm9, $0x2C, v15  }
0x1f4: {  	vm11 =	vgt.f32 v25, v11;
	vm12 =	vgt.f32 v25, v5;
	vm13 =	vgt.f32 v26, v7  }
0x1f5: {  	vm14 =	vgt.f32 v26, v1;
	v6 =	vsel vm10, v4, v6;
	v15 =	vsel vm10, v16, v15  }
0x1f6: {  	s9 =	sor.u32 s24, s29;
	v4 =	vsel vm10, v24, v4;
	v11 =	vsel vm11, v25, v11;
	v16 =	vsel vm10, $0x2C, v16  }
0x1f7: {  	v28 =	vld [tilespmem:s9+$0x0];
	v18 =	vsel vm11, $0x2C, v18;
	v7 =	vsel vm13, v26, v7;
	v9 =	vsel vm13, $0x2D, v9  }
0x1f8: {  	s0 =	sor.u32 s23, s29;
	s10 =	sor.u32 $0xA300, s28;
	vm15 =	vgt.f32 v27, v3;
	vm4 =	vgt.f32 v27, v2;
	v11 =	vsel vm12, v5, v11  }
0x1f9: {  	s29 =	sor.u32 s26, s10;
	v29 =	vld [tilespmem:s0+$0x0];
	v18 =	vsel vm12, v14, v18;
	v5 =	vsel vm12, v25, v5;
	v14 =	vsel vm12, $0x2C, v14  }
0x1fa: {  	v30 =	vld [tilespmem:s29+$0x0];
	v7 =	vsel vm14, v1, v7;
	v9 =	vsel vm14, v10, v9;
	v1 =	vsel vm14, v26, v1  }
0x1fb: {  	v10 =	vsel vm14, $0x2D, v10;
	v3 =	vsel vm15, v27, v3;
	v12 =	vsel vm15, $0x2D, v12  }
0x1fc: {  	s30 =	sor.u32 s25, s10;
	vm5 =	vgt.f32 v28, v6;
	vm6 =	vgt.f32 v28, v4;
	v3 =	vsel vm4, v2, v3  }
0x1fd: {  	v31 =	vld [tilespmem:s30+$0x0];
	v12 =	vsel vm4, v8, v12;
	v2 =	vsel vm4, v27, v2;
	v6 =	vsel vm5, v28, v6  }
0x1fe: {  	v8 =	vsel vm4, $0x2D, v8;
	v15 =	vsel vm5, $0x2D, v15;
	vm7 =	vgt.f32 v29, v11  }
0x1ff: {  	vm8 =	vgt.f32 v29, v5;
	vm9 =	vgt.f32 v30, v7;
	vm10 =	vgt.f32 v30, v1  }
0x200: {  	s31 =	sor.u32 s24, s10;
	v6 =	vsel vm6, v4, v6;
	v15 =	vsel vm6, v16, v15;
	v4 =	vsel vm6, v28, v4  }
0x201: {  	v32 =	vld [tilespmem:s31+$0x0];
	v11 =	vsel vm7, v29, v11;
	v18 =	vsel vm7, $0x2D, v18;
	v16 =	vsel vm6, $0x2D, v16  }
0x202: {  	v7 =	vsel vm9, v30, v7;
	v9 =	vsel vm9, $0x2E, v9;
	vm11 =	vgt.f32 v31, v3  }
0x203: {  	s0 =	sor.u32 s23, s10;
	s9 =	sor.u32 $0xA380, s28;
	vm12 =	vgt.f32 v31, v2;
	v11 =	vsel vm8, v5, v11;
	v18 =	vsel vm8, v14, v18  }
0x204: {  	s10 =	sor.u32 s26, s9;
	v33 =	vld [tilespmem:s0+$0x0];
	v5 =	vsel vm8, v29, v5;
	v14 =	vsel vm8, $0x2D, v14;
	v7 =	vsel vm10, v1, v7  }
0x205: {  	v34 =	vld [tilespmem:s10+$0x0];
	v9 =	vsel vm10, v10, v9;
	v1 =	vsel vm10, v30, v1;
	v3 =	vsel vm11, v31, v3  }
0x206: {  	v10 =	vsel vm10, $0x2E, v10;
	v12 =	vsel vm11, $0x2E, v12;
	vm13 =	vgt.f32 v32, v6  }
0x207: {  	s29 =	sor.u32 s25, s9;
	vm14 =	vgt.f32 v32, v4;
	v3 =	vsel vm12, v2, v3;
	v12 =	vsel vm12, v8, v12  }
0x208: {  	v35 =	vld [tilespmem:s29+$0x0];
	v2 =	vsel vm12, v31, v2;
	v6 =	vsel vm13, v32, v6;
	v15 =	vsel vm13, $0x2E, v15  }
0x209: {  	v8 =	vsel vm12, $0x2E, v8;
	vm15 =	vgt.f32 v33, v11;
	vm4 =	vgt.f32 v33, v5  }
0x20a: {  	vm5 =	vgt.f32 v34, v7;
	vm6 =	vgt.f32 v34, v1;
	v6 =	vsel vm14, v4, v6  }
0x20b: {  	s30 =	sor.u32 s24, s9;
	v15 =	vsel vm14, v16, v15;
	v4 =	vsel vm14, v32, v4;
	v16 =	vsel vm14, $0x2E, v16  }
0x20c: {  	v36 =	vld [tilespmem:s30+$0x0];
	v11 =	vsel vm15, v33, v11;
	v18 =	vsel vm15, $0x2E, v18;
	v7 =	vsel vm5, v34, v7  }
0x20d: {  	s0 =	sor.u32 s23, s9;
	s31 =	sor.u32 $0xC000, s28;
	v9 =	vsel vm5, $0x2F, v9;
	vm7 =	vgt.f32 v35, v3;
	vm8 =	vgt.f32 v35, v2  }
0x20e: {  	s9 =	sor.u32 s26, s31;
	v37 =	vld [tilespmem:s0+$0x0];
	v11 =	vsel vm4, v5, v11;
	v18 =	vsel vm4, v14, v18;
	v5 =	vsel vm4, v33, v5  }
0x20f: {  	v38 =	vld [tilespmem:s9+$0x0];
	v14 =	vsel vm4, $0x2E, v14;
	v7 =	vsel vm6, v1, v7;
	v9 =	vsel vm6, v10, v9  }
0x210: {  	v1 =	vsel vm6, v34, v1;
	v3 =	vsel vm7, v35, v3;
	v12 =	vsel vm7, $0x2F, v12  }
0x211: {  	v10 =	vsel vm6, $0x2F, v10;
	vm9 =	vgt.f32 v36, v6;
	vm10 =	vgt.f32 v36, v4  }
0x212: {  	s10 =	sor.u32 s25, s31;
	v3 =	vsel vm8, v2, v3;
	v12 =	vsel vm8, v8, v12;
	v2 =	vsel vm8, v35, v2  }
0x213: {  	v39 =	vld [tilespmem:s10+$0x0];
	v8 =	vsel vm8, $0x2F, v8;
	v6 =	vsel vm9, v36, v6;
	v15 =	vsel vm9, $0x2F, v15  }
0x214: {  	vm11 =	vgt.f32 v37, v11;
	vm12 =	vgt.f32 v37, v5;
	vm13 =	vgt.f32 v38, v7  }
0x215: {  	vm14 =	vgt.f32 v38, v1;
	v6 =	vsel vm10, v4, v6;
	v15 =	vsel vm10, v16, v15  }
0x216: {  	s29 =	sor.u32 s24, s31;
	v4 =	vsel vm10, v36, v4;
	v11 =	vsel vm11, v37, v11;
	v16 =	vsel vm10, $0x2F, v16  }
0x217: {  	v40 =	vld [tilespmem:s29+$0x0];
	v18 =	vsel vm11, $0x2F, v18;
	v7 =	vsel vm13, v38, v7;
	v9 =	vsel vm13, $0x30, v9  }
0x218: {  	s0 =	sor.u32 s23, s31;
	s30 =	sor.u32 $0xC080, s28;
	vm15 =	vgt.f32 v39, v3;
	vm4 =	vgt.f32 v39, v2;
	v11 =	vsel vm12, v5, v11  }
0x219: {  	s31 =	sor.u32 s26, s30;
	v41 =	vld [tilespmem:s0+$0x0];
	v18 =	vsel vm12, v14, v18;
	v5 =	vsel vm12, v37, v5;
	v14 =	vsel vm12, $0x2F, v14  }
0x21a: {  	v42 =	vld [tilespmem:s31+$0x0];
	v7 =	vsel vm14, v1, v7;
	v9 =	vsel vm14, v10, v9;
	v1 =	vsel vm14, v38, v1  }
0x21b: {  	v10 =	vsel vm14, $0x30, v10;
	v3 =	vsel vm15, v39, v3;
	v12 =	vsel vm15, $0x30, v12  }
0x21c: {  	vm5 =	vgt.f32 v40, v6;
	vm6 =	vgt.f32 v40, v4;
	v38 =	vimm.s32 $0x0  }
0x21d: {  	s9 =	sor.u32 s25, s30;
	v3 =	vsel vm4, v2, v3;
	v12 =	vsel vm4, v8, v12;
	v2 =	vsel vm4, v39, v2  }
0x21e: {  	v43 =	vld [tilespmem:s9+$0x0];
	v6 =	vsel vm5, v40, v6;
	v8 =	vsel vm4, $0x30, v8;
	v15 =	vsel vm5, $0x30, v15  }
0x21f: {  	vm7 =	vgt.f32 v41, v11;
	vm8 =	vgt.f32 v41, v5;
	vm9 =	vgt.f32 v42, v7  }
0x220: {  	vm10 =	vgt.f32 v42, v1;
	v39 =	vimm.s32 $0x0;
	v6 =	vsel vm6, v4, v6  }
0x221: {  	s10 =	sor.u32 s24, s30;
	v15 =	vsel vm6, v16, v15;
	v4 =	vsel vm6, v40, v4;
	v11 =	vsel vm7, v41, v11  }
0x222: {  	v44 =	vld [tilespmem:s10+$0x0];
	v18 =	vsel vm7, $0x30, v18;
	v16 =	vsel vm6, $0x30, v16;
	v7 =	vsel vm9, v42, v7  }
0x223: {  	s0 =	sor.u32 s23, s30;
	s29 =	sor.u32 $0xC100, s28;
	v9 =	vsel vm9, $0x31, v9;
	vm11 =	vgt.f32 v43, v3;
	vm12 =	vgt.f32 v43, v2  }
0x224: {  	s30 =	sor.u32 s26, s29;
	v45 =	vld [tilespmem:s0+$0x0];
	v11 =	vsel vm8, v5, v11;
	v18 =	vsel vm8, v14, v18;
	v5 =	vsel vm8, v41, v5  }
0x225: {  	v46 =	vld [tilespmem:s30+$0x0];
	v14 =	vsel vm8, $0x30, v14;
	v7 =	vsel vm10, v1, v7;
	v9 =	vsel vm10, v10, v9  }
0x226: {  	v1 =	vsel vm10, v42, v1;
	v3 =	vsel vm11, v43, v3;
	v10 =	vsel vm10, $0x31, v10  }
0x227: {  	v12 =	vsel vm11, $0x31, v12;
	vm13 =	vgt.f32 v44, v6;
	vm14 =	vgt.f32 v44, v4  }
0x228: {  	s31 =	sor.u32 s25, s29;
	v3 =	vsel vm12, v2, v3;
	v12 =	vsel vm12, v8, v12;
	v2 =	vsel vm12, v43, v2  }
0x229: {  	v47 =	vld [tilespmem:s31+$0x0];
	v6 =	vsel vm13, v44, v6;
	v15 =	vsel vm13, $0x31, v15;
	v8 =	vsel vm12, $0x31, v8  }
0x22a: {  	vm15 =	vgt.f32 v45, v11;
	vm4 =	vgt.f32 v45, v5;
	vm5 =	vgt.f32 v46, v7  }
0x22b: {  	vm6 =	vgt.f32 v46, v1;
	v6 =	vsel vm14, v4, v6;
	v15 =	vsel vm14, v16, v15  }
0x22c: {  	s9 =	sor.u32 s24, s29;
	v4 =	vsel vm14, v44, v4;
	v16 =	vsel vm14, $0x31, v16;
	v11 =	vsel vm15, v45, v11  }
0x22d: {  	v48 =	vld [tilespmem:s9+$0x0];
	v18 =	vsel vm15, $0x31, v18;
	v7 =	vsel vm5, v46, v7;
	v9 =	vsel vm5, $0x32, v9  }
0x22e: {  	s0 =	sor.u32 s23, s29;
	s10 =	sor.u32 $0xC180, s28;
	vm7 =	vgt.f32 v47, v3;
	vm8 =	vgt.f32 v47, v2;
	v11 =	vsel vm4, v5, v11  }
0x22f: {  	s29 =	sor.u32 s26, s10;
	v49 =	vld [tilespmem:s0+$0x0];
	v18 =	vsel vm4, v14, v18;
	v5 =	vsel vm4, v45, v5;
	v14 =	vsel vm4, $0x31, v14  }
0x230: {  	v50 =	vld [tilespmem:s29+$0x0];
	v7 =	vsel vm6, v1, v7;
	v9 =	vsel vm6, v10, v9;
	v1 =	vsel vm6, v46, v1  }
0x231: {  	v3 =	vsel vm7, v47, v3;
	v12 =	vsel vm7, $0x32, v12;
	v10 =	vsel vm6, $0x32, v10  }
0x232: {  	vm9 =	vgt.f32 v48, v6;
	vm10 =	vgt.f32 v48, v4;
	v3 =	vsel vm8, v2, v3  }
0x233: {  	s30 =	sor.u32 s25, s10;
	v12 =	vsel vm8, v8, v12;
	v2 =	vsel vm8, v47, v2;
	v8 =	vsel vm8, $0x32, v8  }
0x234: {  	v51 =	vld [tilespmem:s30+$0x0];
	v6 =	vsel vm9, v48, v6;
	v15 =	vsel vm9, $0x32, v15;
	vm11 =	vgt.f32 v49, v11  }
0x235: {  	vm12 =	vgt.f32 v49, v5;
	vm13 =	vgt.f32 v50, v7;
	vm14 =	vgt.f32 v50, v1  }
0x236: {  	v47 =	vimm.s32 $0x0;
	v6 =	vsel vm10, v4, v6;
	v15 =	vsel vm10, v16, v15  }
0x237: {  	s31 =	sor.u32 s24, s10;
	v4 =	vsel vm10, v48, v4;
	v11 =	vsel vm11, v49, v11;
	v16 =	vsel vm10, $0x32, v16  }
0x238: {  	v52 =	vld [tilespmem:s31+$0x0];
	v18 =	vsel vm11, $0x32, v18;
	v7 =	vsel vm13, v50, v7;
	v9 =	vsel vm13, $0x33, v9  }
0x239: {  	s0 =	sor.u32 s23, s10;
	s9 =	sor.u32 $0xC200, s28;
	vm15 =	vgt.f32 v51, v3;
	vm4 =	vgt.f32 v51, v2;
	v48 =	vimm.s32 $0x0  }
0x23a: {  	s10 =	sor.u32 s26, s9;
	v53 =	vld [tilespmem:s0+$0x0];
	v11 =	vsel vm12, v5, v11;
	v18 =	vsel vm12, v14, v18;
	v5 =	vsel vm12, v49, v5  }
0x23b: {  	v54 =	vld [tilespmem:s10+$0x0];
	v14 =	vsel vm12, $0x32, v14;
	v7 =	vsel vm14, v1, v7;
	v9 =	vsel vm14, v10, v9  }
0x23c: {  	v1 =	vsel vm14, v50, v1;
	v10 =	vsel vm14, $0x33, v10;
	v3 =	vsel vm15, v51, v3  }
0x23d: {  	v12 =	vsel vm15, $0x33, v12;
	vm5 =	vgt.f32 v52, v6;
	vm6 =	vgt.f32 v52, v4  }
0x23e: {  	s29 =	sor.u32 s25, s9;
	v3 =	vsel vm4, v2, v3;
	v12 =	vsel vm4, v8, v12;
	v2 =	vsel vm4, v51, v2  }
0x23f: {  	v55 =	vld [tilespmem:s29+$0x0];
	v6 =	vsel vm5, v52, v6;
	v8 =	vsel vm4, $0x33, v8;
	v15 =	vsel vm5, $0x33, v15  }
0x240: {  	vm7 =	vgt.f32 v53, v11;
	vm8 =	vgt.f32 v53, v5;
	vm9 =	vgt.f32 v54, v7  }
0x241: {  	vm10 =	vgt.f32 v54, v1;
	v51 =	vimm.s32 $0x0;
	v6 =	vsel vm6, v4, v6  }
0x242: {  	s30 =	sor.u32 s24, s9;
	v15 =	vsel vm6, v16, v15;
	v4 =	vsel vm6, v52, v4;
	v11 =	vsel vm7, v53, v11  }
0x243: {  	v56 =	vld [tilespmem:s30+$0x0];
	v18 =	vsel vm7, $0x33, v18;
	v16 =	vsel vm6, $0x33, v16;
	v7 =	vsel vm9, v54, v7  }
0x244: {  	v9 =	vsel vm9, $0x34, v9;
	vm11 =	vgt.f32 v55, v3;
	vm12 =	vgt.f32 v55, v2  }
0x245: {  	s0 =	sor.u32 s23, s9;
	s31 =	sor.u32 $0xC280, s28;
	v11 =	vsel vm8, v5, v11;
	v18 =	vsel vm8, v14, v18;
	v5 =	vsel vm8, v53, v5  }
0x246: {  	s9 =	sor.u32 s26, s31;
	v57 =	vld [tilespmem:s0+$0x0];
	v14 =	vsel vm8, $0x33, v14;
	v7 =	vsel vm10, v1, v7;
	v9 =	vsel vm10, v10, v9  }
0x247: {  	v58 =	vld [tilespmem:s9+$0x0];
	v1 =	vsel vm10, v54, v1;
	v3 =	vsel vm11, v55, v3;
	v10 =	vsel vm10, $0x34, v10  }
0x248: {  	v12 =	vsel vm11, $0x34, v12;
	vm13 =	vgt.f32 v56, v6;
	vm14 =	vgt.f32 v56, v4  }
0x249: {  	s10 =	sor.u32 s25, s31;
	v53 =	vimm.s32 $0x0;
	v54 =	vimm.s32 $0x0;
	v3 =	vsel vm12, v2, v3  }
0x24a: {  	v59 =	vld [tilespmem:s10+$0x0];
	v12 =	vsel vm12, v8, v12;
	v2 =	vsel vm12, v55, v2;
	v6 =	vsel vm13, v56, v6  }
0x24b: {  	v15 =	vsel vm13, $0x34, v15;
	v8 =	vsel vm12, $0x34, v8;
	vm15 =	vgt.f32 v57, v11  }
0x24c: {  	vm4 =	vgt.f32 v57, v5;
	vm5 =	vgt.f32 v58, v7;
	vm6 =	vgt.f32 v58, v1  }
0x24d: {  	s29 =	sor.u32 s24, s31;
	v6 =	vsel vm14, v4, v6;
	v15 =	vsel vm14, v16, v15;
	v4 =	vsel vm14, v56, v4  }
0x24e: {  	v60 =	vld [tilespmem:s29+$0x0];
	v16 =	vsel vm14, $0x34, v16;
	v11 =	vsel vm15, v57, v11;
	v18 =	vsel vm15, $0x34, v18  }
0x24f: {  	v7 =	vsel vm5, v58, v7;
	v9 =	vsel vm5, $0x35, v9;
	vm7 =	vgt.f32 v59, v3  }
0x250: {  	s0 =	sor.u32 s23, s31;
	s30 =	sor.u32 $0xC300, s28;
	vm8 =	vgt.f32 v59, v2;
	v11 =	vsel vm4, v5, v11;
	v18 =	vsel vm4, v14, v18  }
0x251: {  	s31 =	sor.u32 s26, s30;
	v61 =	vld [tilespmem:s0+$0x0];
	v5 =	vsel vm4, v57, v5;
	v14 =	vsel vm4, $0x34, v14;
	v7 =	vsel vm6, v1, v7  }
0x252: {  	v62 =	vld [tilespmem:s31+$0x0];
	v9 =	vsel vm6, v10, v9;
	v1 =	vsel vm6, v58, v1;
	v3 =	vsel vm7, v59, v3  }
0x253: {  	v12 =	vsel vm7, $0x35, v12;
	v10 =	vsel vm6, $0x35, v10;
	vm9 =	vgt.f32 v60, v6  }
0x254: {  	s9 =	sor.u32 s25, s30;
	vm10 =	vgt.f32 v60, v4;
	v3 =	vsel vm8, v2, v3;
	v12 =	vsel vm8, v8, v12  }
0x255: {  	v63 =	vld [tilespmem:s9+$0x0];
	v2 =	vsel vm8, v59, v2;
	v8 =	vsel vm8, $0x35, v8;
	v6 =	vsel vm9, v60, v6  }
0x256: {  	v15 =	vsel vm9, $0x35, v15;
	vm11 =	vgt.f32 v61, v11;
	vm12 =	vgt.f32 v61, v5  }
0x257: {  	vm13 =	vgt.f32 v62, v7;
	vm14 =	vgt.f32 v62, v1;
	v6 =	vsel vm10, v4, v6  }
0x258: {  	s10 =	sor.u32 s24, s30;
	v15 =	vsel vm10, v16, v15;
	v4 =	vsel vm10, v60, v4;
	v11 =	vsel vm11, v61, v11  }
0x259: {  	v21 =	vld [tilespmem:s10+$0x0];
	v16 =	vsel vm10, $0x35, v16;
	v18 =	vsel vm11, $0x35, v18;
	v7 =	vsel vm13, v62, v7  }
0x25a: {  	v9 =	vsel vm13, $0x36, v9;
	vm15 =	vgt.f32 v63, v3;
	vm4 =	vgt.f32 v63, v2  }
0x25b: {  	s0 =	sor.u32 s23, s30;
	s29 =	sor.u32 $0xC380, s28;
	v60 =	vimm.s32 $0x0;
	v11 =	vsel vm12, v5, v11;
	v18 =	vsel vm12, v14, v18  }
0x25c: {  	s30 =	sor.u32 s26, s29;
	v22 =	vld [tilespmem:s0+$0x0];
	v5 =	vsel vm12, v61, v5;
	v14 =	vsel vm12, $0x35, v14;
	v7 =	vsel vm14, v1, v7  }
0x25d: {  	v23 =	vld [tilespmem:s30+$0x0];
	v9 =	vsel vm14, v10, v9;
	v1 =	vsel vm14, v62, v1;
	v10 =	vsel vm14, $0x36, v10  }
0x25e: {  	v3 =	vsel vm15, v63, v3;
	v12 =	vsel vm15, $0x36, v12;
	vm5 =	vgt.f32 v21, v6  }
0x25f: {  	s31 =	sor.u32 s25, s29;
	vm6 =	vgt.f32 v21, v4;
	v62 =	vimm.s32 $0x0;
	v3 =	vsel vm4, v2, v3  }
0x260: {  	v24 =	vld [tilespmem:s31+$0x0];
	v12 =	vsel vm4, v8, v12;
	v2 =	vsel vm4, v63, v2;
	v6 =	vsel vm5, v21, v6  }
0x261: {  	v8 =	vsel vm4, $0x36, v8;
	v15 =	vsel vm5, $0x36, v15;
	vm7 =	vgt.f32 v22, v11  }
0x262: {  	vm8 =	vgt.f32 v22, v5;
	vm9 =	vgt.f32 v23, v7;
	vm10 =	vgt.f32 v23, v1  }
0x263: {  	s9 =	sor.u32 s24, s29;
	v6 =	vsel vm6, v4, v6;
	v15 =	vsel vm6, v16, v15;
	v4 =	vsel vm6, v21, v4  }
0x264: {  	v25 =	vld [tilespmem:s9+$0x0];
	v11 =	vsel vm7, v22, v11;
	v18 =	vsel vm7, $0x36, v18;
	v16 =	vsel vm6, $0x36, v16  }
0x265: {  	v7 =	vsel vm9, v23, v7;
	v9 =	vsel vm9, $0x37, v9;
	vm11 =	vgt.f32 v24, v3  }
0x266: {  	s0 =	sor.u32 s23, s29;
	s10 =	sor.u32 $0xE000, s28;
	vm12 =	vgt.f32 v24, v2;
	v11 =	vsel vm8, v5, v11;
	v18 =	vsel vm8, v14, v18  }
0x267: {  	s29 =	sor.u32 s26, s10;
	v26 =	vld [tilespmem:s0+$0x0];
	v5 =	vsel vm8, v22, v5;
	v14 =	vsel vm8, $0x36, v14;
	v7 =	vsel vm10, v1, v7  }
0x268: {  	v27 =	vld [tilespmem:s29+$0x0];
	v9 =	vsel vm10, v10, v9;
	v1 =	vsel vm10, v23, v1;
	v3 =	vsel vm11, v24, v3  }
0x269: {  	v10 =	vsel vm10, $0x37, v10;
	v12 =	vsel vm11, $0x37, v12;
	vm13 =	vgt.f32 v25, v6  }
0x26a: {  	s30 =	sor.u32 s25, s10;
	vm14 =	vgt.f32 v25, v4;
	v3 =	vsel vm12, v2, v3;
	v12 =	vsel vm12, v8, v12  }
0x26b: {  	v28 =	vld [tilespmem:s30+$0x0];
	v2 =	vsel vm12, v24, v2;
	v6 =	vsel vm13, v25, v6;
	v15 =	vsel vm13, $0x37, v15  }
0x26c: {  	v8 =	vsel vm12, $0x37, v8;
	vm15 =	vgt.f32 v26, v11;
	vm4 =	vgt.f32 v26, v5  }
0x26d: {  	vm5 =	vgt.f32 v27, v7;
	vm6 =	vgt.f32 v27, v1;
	v24 =	vimm.s32 $0x0  }
0x26e: {  	s31 =	sor.u32 s24, s10;
	v6 =	vsel vm14, v4, v6;
	v15 =	vsel vm14, v16, v15;
	v4 =	vsel vm14, v25, v4  }
0x26f: {  	v20 =	vld [tilespmem:s31+$0x0];
	v16 =	vsel vm14, $0x37, v16;
	v11 =	vsel vm15, v26, v11;
	v18 =	vsel vm15, $0x37, v18  }
0x270: {  	v7 =	vsel vm5, v27, v7;
	v9 =	vsel vm5, $0x38, v9;
	vm7 =	vgt.f32 v28, v3  }
0x271: {  	s0 =	sor.u32 s23, s10;
	s9 =	sor.u32 $0xE080, s28;
	vm8 =	vgt.f32 v28, v2;
	v11 =	vsel vm4, v5, v11;
	v18 =	vsel vm4, v14, v18  }
0x272: {  	s1 =	sor.u32 s26, s9;
	v29 =	vld [tilespmem:s0+$0x0];
	v5 =	vsel vm4, v26, v5;
	v14 =	vsel vm4, $0x37, v14;
	v7 =	vsel vm6, v1, v7  }
0x273: {  	v30 =	vld [tilespmem:s1+$0x0];
	v9 =	vsel vm6, v10, v9;
	v1 =	vsel vm6, v27, v1;
	v10 =	vsel vm6, $0x38, v10  }
0x274: {  	s29 =	sor.u32 s25, s9;
	v3 =	vsel vm7, v28, v3;
	v12 =	vsel vm7, $0x38, v12;
	vm9 =	vgt.f32 v20, v6  }
0x275: {  	v32 =	vld [tilespmem:s29+$0x0];
	vm10 =	vgt.f32 v20, v4;
	v21 =	vsel vm8, $0x38, v8;
	v26 =	vimm.s32 $0x0  }
0x276: {  	v27 =	vimm.s32 $0x0;
	v3 =	vsel vm8, v2, v3;
	v2 =	vsel vm8, v28, v2  }
0x277: {  	s31 =	sor.u32 $0xE100, s28;
	v6 =	vsel vm9, v20, v6;
	v12 =	vsel vm8, v8, v12;
	v20 =	vsel vm10, v20, v4  }
0x278: {  	s10 =	sor.u32 s26, s31;
	vm0 =	vgt.f32 v29, v5;
	vm2 =	vgt.f32 v30, v7;
	vm6 =	vgt.f32 v29, v11  }
0x279: {  	v31 =	vld [tilespmem:s10+$0x0];
	vm1 =	vgt.f32 v30, v1;
	v37 =	vsel vm9, $0x38, v15;
	v22 =	vsel vm10, v4, v6  }
0x27a: {  	s1 =	sor.u32 $0xE180, s28;
	v33 =	vsel vm2, v30, v7;
	v34 =	vsel vm6, v29, v11;
	vm3 =	vgt.f32 v32, v3  }
0x27b: {  	s30 =	sor.u32 s26, s1;
	v13 =	vsel vm10, v16, v37;
	vm4 =	vgt.f32 v32, v2;
	v16 =	vsel vm10, $0x38, v16  }
0x27c: {  	v36 =	vld [tilespmem:s30+$0x0];
	v9 =	vsel vm2, $0x39, v9;
	v35 =	vsel vm1, v1, v33;
	v1 =	vsel vm1, v30, v1  }
0x27d: {  	v7 =	vsel vm0, v5, v34;
	v8 =	vsel vm1, v10, v9;
	v61 =	vsel vm3, $0x39, v12  }
0x27e: {  	s0 =	sor.u32 $0xE200, s28;
	v33 =	vimm.s32 $0x0;
	vm11 =	vgt.f32 v31, v35;
	vm12 =	vgt.f32 v31, v1  }
0x27f: {  	s30 =	sor.u32 s26, s0;
	v4 =	vsel vm11, $0xFFFFFFFF, v38;
	v40 =	vsel vm11, v31, v35;
	v42 =	vsel vm12, v31, v1  }
0x280: {  	s10 =	sor.u32 s25, s31;
	v43 =	vld [tilespmem:s30+$0x0];
	v31 =	vimm.s32 $0x0;
	v35 =	vimm.s32 $0x0;
	v38 =	vimm.s32 $0x0  }
0x281: {  	v41 =	vld [tilespmem:s10+$0x0];
	[tilespmem:$0x1FE00] =	vst v4;
	v4 =	vsel vm0, v29, v5;
	v5 =	vsel vm12, $0xFFFFFFFF, v39;
	vm13 =	vgt.f32 v36, v42  }
0x282: {  	s30 =	sor.u32 $0xE280, s28;
	v29 =	vimm.s32 $0x0;
	v39 =	vimm.s32 $0x0;
	[tilespmem:$0x1FE10] =	vst v5;
	v5 =	vsel vm12, v1, v40  }
0x283: {  	s29 =	sor.u32 $0xE300, s28;
	s28 =	sor.u32 $0xE380, s28;
	s10 =	sor.u32 s26, s30;
	v1 =	vsel vm3, v32, v3;
	v3 =	vsel vm6, $0x38, v18;
	v46 =	vsel vm13, v36, v42  }
0x284: {  	v45 =	vld [tilespmem:s10+$0x0];
	s10 =	sor.u32 s26, s29;
	s26 =	sor.u32 s26, s28;
	v40 =	vimm.s32 $0x0;
	v44 =	vsel vm4, v2, v1;
	vm7 =	vgt.f32 v36, v5  }
0x285: {  	v56 =	vld [tilespmem:s26+$0x0];
	s26 =	sor.u32 s25, s1;
	v1 =	vimm.s32 $0x0;
	v2 =	vsel vm4, v32, v2;
	vm6 =	vgt.f32 v43, v46  }
0x286: {  	v59 =	vld [tilespmem:s26+$0x0];
	v1 =	vsel vm7, $0xFFFFFFFF, v1;
	v5 =	vsel vm7, v36, v5;
	vm14 =	vgt.f32 v41, v2  }
0x287: {  	vm8 =	vgt.f32 v41, v44;
	v18 =	vsel vm6, $0xFFFFFFFF, v51;
	[tilespmem:$0x1FE50] =	vst v1;
	v1 =	vimm.s32 $0x0  }
0x288: {  	v50 =	vsel vm8, v41, v44;
	[tilespmem:$0x1FEB0] =	vst v18;
	v18 =	vsel vm14, $0xFFFFFFFF, v53;
	v55 =	vsel vm14, v41, v2  }
0x289: {  	v53 =	vimm.s32 $0x0;
	v1 =	vsel vm13, $0xFFFFFFFF, v1;
	v15 =	vsel vm14, v2, v50  }
0x28a: {  	v49 =	vld [tilespmem:s10+$0x0];
	s10 =	sor.u32 s24, s9;
	v2 =	vimm.s32 $0x0;
	[tilespmem:$0x1FE70] =	vst v1;
	v1 =	vsel vm0, v14, v3;
	v3 =	vsel vm13, v42, v5  }
0x28b: {  	s9 =	sor.u32 s23, s9;
	v52 =	vld [tilespmem:s10+$0x0];
	vm7 =	vgt.f32 v59, v55;
	v5 =	vsel vm6, v43, v46;
	vm15 =	vgt.f32 v43, v3  }
0x28c: {  	s26 =	sor.u32 s25, s0;
	v44 =	vld [tilespmem:s9+$0x0];
	v42 =	vimm.s32 $0x0;
	vm13 =	vgt.f32 v45, v5;
	v11 =	vsel vm15, $0xFFFFFFFF, v47  }
0x28d: {  	v63 =	vld [tilespmem:s26+$0x0];
	v3 =	vsel vm15, v43, v3;
	v2 =	vsel vm13, $0xFFFFFFFF, v2;
	v58 =	vsel vm13, v45, v5  }
0x28e: {  	v43 =	vimm.s32 $0x0;
	[tilespmem:$0x1FEA0] =	vst v11;
	v11 =	vsel vm8, $0xFFFFFFFF, v48;
	v3 =	vsel vm6, v46, v3  }
0x28f: {  	[tilespmem:$0x1FF00] =	vst v2;
	v2 =	vsel vm0, $0x38, v14;
	vm15 =	vgt.f32 v49, v58;
	vm6 =	vgt.f32 v59, v15  }
0x290: {  	s26 =	sor.u32 s25, s30;
	vm8 =	vgt.f32 v52, v20;
	v14 =	vsel vm7, v59, v55;
	v46 =	vimm.s32 $0x0  }
0x291: {  	v28 =	vld [tilespmem:s26+$0x0];
	vm3 =	vgt.f32 v44, v4;
	vm12 =	vgt.f32 v45, v3;
	v6 =	vsel vm15, $0xFFFFFFFF, v62  }
0x292: {  	[tilespmem:$0x1FE30] =	vst v18;
	v15 =	vsel vm6, v59, v15;
	vm10 =	vgt.f32 v63, v14;
	v17 =	vsel vm8, v52, v20  }
0x293: {  	v18 =	vsel vm12, $0xFFFFFFFF, v54;
	v3 =	vsel vm12, v45, v3;
	[tilespmem:$0x1FF20] =	vst v6;
	v6 =	vsel vm4, v21, v61  }
0x294: {  	[tilespmem:$0x1FE20] =	vst v11;
	v15 =	vsel vm7, v55, v15;
	v11 =	vsel vm10, v63, v14;
	v45 =	vimm.s32 $0x0  }
0x295: {  	v57 =	vsel vm13, v5, v3;
	v3 =	vsel vm1, $0x39, v10;
	v10 =	vsel vm15, v49, v58  }
0x296: {  	vm9 =	vgt.f32 v63, v15;
	vm13 =	vgt.f32 v28, v11;
	vm14 =	vgt.f32 v49, v57  }
0x297: {  	[tilespmem:$0x1FEE0] =	vst v18;
	vm1 =	vgt.f32 v56, v10;
	v18 =	vsel vm9, $0xFFFFFFFF, v31;
	v15 =	vsel vm9, v63, v15  }
0x298: {  	v5 =	vsel vm14, $0xFFFFFFFF, v60;
	v9 =	vsel vm14, v49, v57;
	v15 =	vsel vm10, v14, v15  }
0x299: {  	v49 =	vimm.s32 $0x0;
	[tilespmem:$0x1FF10] =	vst v5;
	v5 =	vsel vm4, $0x39, v21;
	v9 =	vsel vm15, v58, v9  }
0x29a: {  	s26 =	sor.u32 s24, s31;
	vm4 =	vgt.f32 v52, v22;
	v21 =	vsel vm1, $0xFFFFFFFF, v26;
	vm11 =	vgt.f32 v28, v15  }
0x29b: {  	v30 =	vld [tilespmem:s26+$0x0];
	v58 =	vimm.s32 $0x0;
	vm5 =	vgt.f32 v56, v9;
	v25 =	vsel vm4, v52, v22  }
0x29c: {  	[tilespmem:$0x1FF50] =	vst v21;
	v13 =	vsel vm4, $0x39, v13;
	v21 =	vsel vm6, $0xFFFFFFFF, v27;
	v36 =	vsel vm11, v28, v15  }
0x29d: {  	s26 =	sor.u32 s25, s29;
	v12 =	vsel vm5, $0xFFFFFFFF, v24;
	v9 =	vsel vm5, v56, v9;
	[tilespmem:$0x1FE60] =	vst v21;
	v21 =	vsel vm7, $0xFFFFFFFF, v29  }
0x29e: {  	v32 =	vld [tilespmem:s26+$0x0];
	s26 =	sor.u32 s24, s1;
	v13 =	vsel vm8, v16, v13;
	v16 =	vsel vm8, $0x39, v16;
	v24 =	vimm.s32 $0x0  }
0x29f: {  	v34 =	vld [tilespmem:s26+$0x0];
	[tilespmem:$0x1FF40] =	vst v12;
	v9 =	vsel vm1, v10, v9;
	v10 =	vsel vm1, v56, v10;
	v12 =	vsel vm8, v20, v25  }
0x2a0: {  	[tilespmem:$0x1FE80] =	vst v21;
	v21 =	vsel vm10, $0xFFFFFFFF, v33;
	vm8 =	vgt.f32 v30, v17;
	v56 =	vimm.s32 $0x0  }
0x2a1: {  	v9 =	vsub.f32 v9, v10;
	vm12 =	vgt.f32 v30, v12;
	v10 =	vsel vm8, v30, v17  }
0x2a2: {  	s26 =	sor.u32 s25, s28;
	[tilespmem:$0x1FEF0] =	vst v21;
	v21 =	vimm.s32 $0x0;
	v29 =	vsel vm8, $0x3A, v16;
	v12 =	vsel vm12, v30, v12  }
0x2a3: {  	v37 =	vld [tilespmem:s26+$0x0];
	s26 =	sor.u32 s24, s0;
	v20 =	vsel vm12, $0xFFFFFFFF, v38;
	v9 =	vmul.f32 $1.442695020e+00, v9;
	v12 =	vsel vm8, v17, v12  }
0x2a4: {  	v41 =	vld [tilespmem:s26+$0x0];
	vm9 =	vgt.f32 v34, v10;
	[tilespmem:$0x1FE40] =	vst v20;
	v20 =	vsel vm13, $0xFFFFFFFF, v39;
	vm4 =	vgt.f32 v34, v12  }
0x2a5: {  	(erf) = vpow2.f32 v9;
	v9 =	vsel vm11, $0xFFFFFFFF, v35;
	v17 =	vsel vm4, $0xFFFFFFFF, v43  }
0x2a6: {  	v23 =	vld [tilespmem:$0x1FE10];
	s26 =	sor.u32 s23, s31;
	v12 =	vsel vm4, v34, v12;
	vm4 =	vgt.f32 v44, v7;
	[tilespmem:$0x1FF30] =	vst v9;
	v9 =	vsel vm13, v11, v36  }
0x2a7: {  	v50 =	vld [tilespmem:s26+$0x0];
	v11 =	vsel vm13, v28, v11;
	v12 =	vsel vm9, v10, v12;
	v10 =	vsel vm9, v34, v10  }
0x2a8: {  	v7 =	vsel vm4, v44, v7;
	v1 =	vsel vm4, $0x39, v1;
	vm14 =	vgt.f32 v32, v9  }
0x2a9: {  	vm15 =	vgt.f32 v32, v11;
	vm7 =	vgt.f32 v41, v12;
	v7 =	vsel vm3, v4, v7  }
0x2aa: {  	v4 =	vsel vm3, v44, v4;
	v1 =	vsel vm3, v2, v1;
	v2 =	vsel vm3, $0x39, v2  }
0x2ab: {  	vm3 =	vnez.u8 v23;
	v19 =	vsel vm14, $0xFFFFFFFF, v40;
	v9 =	vsel vm14, v32, v9  }
0x2ac: {  	s1 =	sor.u32 s23, s1;
	[tilespmem:$0x1FF60] =	vst v20;
	v20 =	vsel vm15, $0xFFFFFFFF, v42;
	v12 =	vsel vm7, v41, v12;
	vm1 =	vgt.f32 v50, v4  }
0x2ad: {  	v52 =	vld [tilespmem:s1+$0x0];
	v9 =	vsel vm15, v11, v9;
	v11 =	vsel vm15, v32, v11;
	vm15 =	vgt.f32 v50, v7  }
0x2ae: {  	vm5 =	vgt.f32 v37, v9;
	vm6 =	vgt.f32 v37, v11;
	v7 =	vsel vm15, v50, v7  }
0x2af: {  	s10 =	sor.u32 s24, s30;
	[tilespmem:$0x1FEC0] =	vst v18;
	v1 =	vsel vm15, $0x3A, v1;
	v18 =	vsel vm5, $0xFFFFFFFF, v45;
	v9 =	vsel vm5, v37, v9  }
0x2b0: {  	v47 =	vld [tilespmem:s10+$0x0];
	v7 =	vsel vm1, v4, v7;
	v9 =	vsel vm6, v11, v9;
	v11 =	vsel vm6, v37, v11  }
0x2b1: {  	v4 =	vsel vm1, v50, v4;
	v1 =	vsel vm1, v2, v1;
	v9 =	vsub.f32 v9, v11;
	v48 =	vpop (erf)  }
0x2b2: {  	s31 =	sor.u32 s24, s29;
	[tilespmem:$0x1FFA0] =	vst v18;
	v18 =	vsel vm6, $0xFFFFFFFF, v46;
	vm14 =	vgt.f32 v52, v7;
	v14 =	vadd.f32 $1.000000000e+00, v48  }
0x2b3: {  	v51 =	vld [tilespmem:s31+$0x0];
	v11 =	vsel vm7, $0xFFFFFFFF, v49;
	vm7 =	vgt.f32 v41, v10;
	v9 =	vmul.f32 $1.442695020e+00, v9  }
0x2b4: {  	s9 =	sor.u32 s24, s28;
	vm2 =	vgt.f32 v52, v4;
	v12 =	vsel vm7, v10, v12;
	(erf) = vrcp.f32 v14  }
0x2b5: {  	v55 =	vld [tilespmem:s9+$0x0];
	v10 =	vsel vm7, v41, v10;
	vm10 =	vgt.f32 v47, v12;
	(erf) = vpow2.f32 v9  }
0x2b6: {  	[tilespmem:$0x1FF90] =	vst v20;
	v20 =	vld [tilespmem:$0x1FE00];
	vm12 =	vgt.f32 v47, v10;
	v54 =	vsel vm10, v47, v12;
	v9 =	vsel vm10, $0xFFFFFFFF, v53  }
0x2b7: {  	s0 =	sor.u32 s23, s0;
	v37 =	vsel vm9, $0x3B, v29;
	v7 =	vsel vm14, v52, v7;
	[tilespmem:$0x1FF80] =	vst v9;
	v9 =	vsel vm12, v10, v54  }
0x2b8: {  	v57 =	vld [tilespmem:s0+$0x0];
	v1 =	vsel vm14, $0x3B, v1;
	v10 =	vsel vm12, v47, v10;
	vm11 =	vgt.f32 v51, v9  }
0x2b9: {  	[tilespmem:$0x1FE90] =	vst v17;
	v17 =	vsel vm11, $0xFFFFFFFF, v56;
	v9 =	vsel vm11, v51, v9;
	vm11 =	vgt.f32 v51, v10  }
0x2ba: {  	s10 =	sor.u32 s23, s30;
	v7 =	vsel vm2, v4, v7;
	v4 =	vsel vm2, v52, v4;
	v9 =	vsel vm11, v10, v9  }
0x2bb: {  	v59 =	vld [tilespmem:s10+$0x0];
	vm0 =	vnez.u8 v20;
	v10 =	vsel vm11, v51, v10;
	vm13 =	vgt.f32 v55, v9  }
0x2bc: {  	vm10 =	vgt.f32 v55, v10;
	v15 =	vsel vm13, $0xFFFFFFFF, v58;
	v9 =	vsel vm13, v55, v9  }
0x2bd: {  	vm13 =	vgt.f32 v57, v7;
	v9 =	vsel vm10, v10, v9;
	v10 =	vsel vm10, v55, v10;
	v60 =	vpop (erf)  }
0x2be: {  	s26 =	sor.u32 s23, s29;
	v25 =	vld [tilespmem:$0x1FE20];
	vm6 =	vgt.f32 v57, v4;
	v7 =	vsel vm13, v57, v7;
	v9 =	vsub.f32 v9, v10;
	v61 =	vpop (erf)  }
0x2bf: {  	v63 =	vld [tilespmem:s26+$0x0];
	v8 =	vsel vm0, $0x3A, v8;
	v7 =	vsel vm6, v4, v7;
	v62 =	vadd.f32 $1.000000000e+00, v61  }
0x2c0: {  	v26 =	vld [tilespmem:$0x1FE30];
	v8 =	vsel vm3, v3, v8;
	vm5 =	vgt.f32 v59, v7;
	v9 =	vmul.f32 $1.442695020e+00, v9  }
0x2c1: {  	v4 =	vsel vm6, v57, v4;
	v7 =	vsel vm5, v59, v7;
	(erf) = vrcp.f32 v62  }
0x2c2: {  	s28 =	sor.u32 s23, s28;
	v27 =	vld [tilespmem:$0x1FE40];
	(erf) = vpow2.f32 v9;
	v9 =	vsel vm5, $0xFFFFFFFF, v21;
	vm5 =	vgt.f32 v59, v4  }
0x2c3: {  	v22 =	vld [tilespmem:s28+$0x0];
	v3 =	vsel vm3, $0x3A, v3;
	vm3 =	vnez.u8 v25;
	v7 =	vsel vm5, v4, v7  }
0x2c4: {  	v31 =	vld [tilespmem:$0x1FE50];
	v6 =	vsel vm3, $0x3A, v6;
	v4 =	vsel vm5, v59, v4;
	vm0 =	vgt.f32 v63, v7  }
0x2c5: {  	v32 =	vld [tilespmem:$0x1FE60];
	v10 =	vsel vm0, $0xFFFFFFFF, v24;
	v7 =	vsel vm0, v63, v7;
	vm0 =	vnez.u8 v26  }
0x2c6: {  	v33 =	vld [tilespmem:$0x1FE70];
	vm4 =	vgt.f32 v63, v4;
	v6 =	vsel vm0, v5, v6;
	v5 =	vsel vm0, $0x3A, v5  }
0x2c7: {  	v38 =	vld [tilespmem:$0x1FEA0];
	v7 =	vsel vm4, v4, v7;
	vm0 =	vnez.u8 v27;
	v4 =	vsel vm4, v63, v4  }
0x2c8: {  	v34 =	vld [tilespmem:$0x1FE80];
	[tilespmem:$0x1FFF0] =	vst v10;
	v10 =	vsel vm0, $0x3A, v13;
	vm0 =	vgt.f32 v22, v7;
	vm3 =	vgt.f32 v22, v4  }
0x2c9: {  	v35 =	vld [tilespmem:$0x1FE90];
	[tilespmem:$0x1FED0] =	vst v11;
	v7 =	vsel vm0, v22, v7;
	v10 =	vsel vm8, v16, v10;
	vm8 =	vnez.u8 v31  }
0x2ca: {  	v41 =	vld [tilespmem:$0x1FED0];
	v7 =	vsel vm3, v4, v7;
	v8 =	vsel vm8, $0x3B, v8;
	vm8 =	vnez.u8 v32  }
0x2cb: {  	v39 =	vld [tilespmem:$0x1FEB0];
	v4 =	vsel vm3, v22, v4;
	v28 =	vpop (erf);
	v6 =	vsel vm8, $0x3B, v6;
	vm8 =	vnez.u8 v33  }
0x2cc: {  	v40 =	vld [tilespmem:$0x1FEC0];
	vm14 =	vnez.u8 v38;
	v4 =	vsub.f32 v7, v4;
	v30 =	vpop (erf);
	v8 =	vsel vm8, v3, v8  }
0x2cd: {  	v42 =	vld [tilespmem:$0x1FEE0];
	v3 =	vsel vm8, $0x3B, v3;
	vm8 =	vnez.u8 v34;
	v7 =	vadd.f32 $1.000000000e+00, v30  }
0x2ce: {  	v43 =	vld [tilespmem:$0x1FEF0];
	v4 =	vmul.f32 $1.442695020e+00, v4;
	v6 =	vsel vm8, v5, v6;
	v5 =	vsel vm8, $0x3B, v5  }
0x2cf: {  	v44 =	vld [tilespmem:$0x1FF00];
	vm8 =	vnez.u8 v35;
	v8 =	vsel vm14, $0x3C, v8;
	vm14 =	vnez.u8 v41  }
0x2d0: {  	v45 =	vld [tilespmem:$0x1FF10];
	(erf) = vrcp.f32 v7;
	v7 =	vsel vm8, $0x3B, v10;
	vm8 =	vnez.u8 v39  }
0x2d1: {  	v46 =	vld [tilespmem:$0x1FF20];
	(erf) = vpow2.f32 v4;
	v36 =	vsel vm9, v29, v7;
	v8 =	vsel vm8, v3, v8  }
0x2d2: {  	v48 =	vld [tilespmem:$0x1FF40];
	v3 =	vsel vm8, $0x3C, v3;
	vm9 =	vnez.u8 v40;
	vm8 =	vnez.u8 v42  }
0x2d3: {  	v50 =	vld [tilespmem:$0x1FF50];
	v7 =	vsel vm7, $0x3C, v37;
	v6 =	vsel vm9, $0x3C, v6;
	v4 =	vsel vm14, $0x3C, v36  }
0x2d4: {  	v8 =	vsel vm8, $0x3D, v8;
	vm9 =	vnez.u8 v43;
	vm14 =	vnez.u8 v44  }
0x2d5: {  	vm8 =	vnez.u8 v45;
	v6 =	vsel vm9, v5, v6;
	v5 =	vsel vm9, $0x3C, v5  }
0x2d6: {  	v4 =	vsel vm7, v37, v4;
	v8 =	vsel vm14, v3, v8;
	v3 =	vsel vm14, $0x3D, v3  }
0x2d7: {  	vm9 =	vnez.u8 v46;
	vm14 =	vnez.u8 v48;
	v8 =	vsel vm8, $0x3E, v8  }
0x2d8: {  	[tilespmem:$0x1FF70] =	vst v19;
	vm7 =	vnez.u8 v50;
	v8 =	vsel vm9, v3, v8;
	v3 =	vsel vm9, $0x3E, v3  }
0x2d9: {  	[tilespmem:$0x1FFB0] =	vst v18;
	v47 =	vld [tilespmem:$0x1FF30];
	v8 =	vsel vm14, $0x3F, v8;
	v11 =	vsel vm7, $0x3F, v3  }
0x2da: {  	v51 =	vld [tilespmem:$0x1FF60];
	v3 =	vsel vm7, v3, v8;
	[tilespmem:s20+$0x0] =	vst v11  }
0x2db: {  	v53 =	vld [tilespmem:$0x1FF70];
	[tilespmem:s19+$0x0] =	vst v3;
	v3 =	vsub.f32 $1.000000000e+00, v60  }
0x2dc: {  	v2 =	vsel vm1, $0x3A, v2;
	v55 =	vld [tilespmem:$0x1FF90];
	[tilespmem:s18+$0x0] =	vst v60  }
0x2dd: {  	v1 =	vsel vm2, v2, v1;
	[tilespmem:s17+$0x0] =	vst v3;
	v3 =	vld [tilespmem:$0x1FFB0]  }
0x2de: {  	v1 =	vsel vm13, $0x3C, v1;
	vm13 =	vnez.u8 v47  }
0x2df: {  	v6 =	vsel vm13, $0x3D, v6;
	vm8 =	vnez.u8 v51  }
0x2e0: {  	v54 =	vld [tilespmem:$0x1FF80];
	v6 =	vsel vm8, v5, v6;
	vm9 =	vnez.u8 v53  }
0x2e1: {  	v5 =	vsel vm8, $0x3D, v5;
	v6 =	vsel vm9, $0x3E, v6;
	vm14 =	vnez.u8 v55  }
0x2e2: {  	s29 =	sand.u32 $0x380, s22;
	v56 =	vld [tilespmem:$0x1FFA0];
	[tilespmem:$0x1FFD0] =	vst v9;
	v6 =	vsel vm14, v5, v6;
	v5 =	vsel vm14, $0x3E, v5;
	vm8 =	vnez.u8 v3  }
0x2e3: {  	s30 =	sor.u32 s29, s25;
	[tilespmem:$0x1FFC0] =	vst v17;
	v59 =	vld [tilespmem:$0x1FFD0];
	v3 =	vsel vm8, $0x3F, v5  }
0x2e4: {  	v2 =	vsel vm2, $0x3B, v2;
	v49 =	vpop (erf);
	[tilespmem:s30+$0x10000] =	vst v3;
	v3 =	vld [tilespmem:$0x1FFC0]  }
0x2e5: {  	[tilespmem:$0x1FFE0] =	vst v15;
	v1 =	vsel vm6, v2, v1;
	v62 =	vld [tilespmem:$0x1FFF0];
	vm13 =	vnez.u8 v54;
	v52 =	vpop (erf)  }
0x2e6: {  	v2 =	vsel vm6, $0x3C, v2;
	v4 =	vsel vm13, $0x3D, v4;
	v60 =	vld [tilespmem:$0x1FFE0];
	v8 =	vadd.f32 $1.000000000e+00, v52  }
0x2e7: {  	v57 =	vsub.f32 $1.000000000e+00, v28;
	v4 =	vsel vm12, v7, v4;
	v7 =	vsel vm12, $0x3D, v7  }
0x2e8: {  	vm12 =	vnez.u8 v59;
	vm7 =	vnez.u8 v56;
	(erf) = vrcp.f32 v8  }
0x2e9: {  	v58 =	vsel vm11, $0x3E, v7;
	v1 =	vsel vm12, $0x3D, v1;
	vm9 =	vnez.u8 v3  }
0x2ea: {  	vm14 =	vnez.u8 v62;
	v6 =	vsel vm7, $0x3F, v6;
	[tilespmem:s30+$0x10800] =	vst v28;
	v3 =	vsel vm9, $0x3E, v4  }
0x2eb: {  	[tilespmem:s30+$0x10C00] =	vst v57;
	vm13 =	vnez.u8 v60;
	v5 =	vsel vm8, v5, v6;
	v3 =	vsel vm11, v7, v3  }
0x2ec: {  	s31 =	sor.u32 s29, s24;
	v61 =	vsel vm10, $0x3F, v58;
	v1 =	vsel vm5, v2, v1;
	[tilespmem:s30+$0x10400] =	vst v5;
	v3 =	vsel vm13, $0x3F, v3  }
0x2ed: {  	v2 =	vsel vm5, $0x3D, v2;
	v1 =	vsel vm14, $0x3E, v1;
	[tilespmem:s31+$0x10000] =	vst v61;
	v3 =	vsel vm10, v58, v3  }
0x2ee: {  	v1 =	vsel vm4, v2, v1;
	v2 =	vsel vm4, $0x3E, v2;
	[tilespmem:s31+$0x10400] =	vst v3;
	v3 =	vsub.f32 $1.000000000e+00, v49  }
0x2ef: {  	p0 =	sne.s32 s22, $0x3C0;
	vm15 =	vmmov vm0;
	[tilespmem:s31+$0x10800] =	vst v49  }
.Ltmp0:
0x2f0: {  	s0 =	sor.u32 s29, s23;
	v1 =	vsel vm15, $0x3F, v1;
	v63 =	vsel vm3, $0x3F, v2;
	[tilespmem:s31+$0x10C00] =	vst v3;
	(pc) =	sbr.rel @p0 .LBB2_2-.Ltmp0, $4  }
0x2f1: {  	v1 =	vsel vm3, v2, v1;
	v2 =	vpop (erf);
	[tilespmem:s0+$0x10000] =	vst v63  }
0x2f2: {  	[tilespmem:s0+$0x10400] =	vst v1;
	v1 =	vsub.f32 $1.000000000e+00, v2  }
0x2f3: {  	s21 =	sadd.s32 $0x200, s21;
	s22 =	sadd.s32 $0x40, s22;
	s20 =	sadd.s32 $0x40, s20;
	[tilespmem:s0+$0x10800] =	vst v2  }
0x2f4: {  	s19 =	sadd.s32 $0x40, s19;
	s18 =	sadd.s32 $0x40, s18;
	s17 =	sadd.s32 $0x40, s17;
	[tilespmem:s0+$0x10C00] =	vst v1  }
0x2f5: {  	[hbm4b:s4+s2] =	stream.linear.scatter [tilespmem:s12], [sflag:$0x1], $0x400, $0x38;
	[tilespmem:$0x11000] =	vst v63  }
0x2f6: {  	_ =	swait.ge [sflag:s11], $0x400  }
0x2f7: {  	[sflag:s11] =	ssyncset.done $0x0  }
0x2f8: {  	[sflag:s11] =	ssyncadd.s32 $0xFFFFFC00  }
0x2f9: {  	[hbm4b:s5+s2] =	stream.linear.scatter [tilespmem:s13], [sflag:$0x1], $0x400, $0x38;
	[tilespmem:$0x11000] =	vst v63  }
0x2fa: {  	_ =	swait.ge [sflag:s11], $0x400  }
0x2fb: {  	[sflag:s11] =	ssyncset.done $0x0  }
0x2fc: {  	[sflag:s11] =	ssyncadd.s32 $0xFFFFFC00  }
0x2fd: {  	[hbm4b:s6+s2] =	stream.linear.scatter [tilespmem:s14], [sflag:$0x1], $0x400, $0x38;
	[tilespmem:$0x11000] =	vst v63  }
0x2fe: {  	s16 =	sadd.s32 $0x1, s16;
	_ =	swait.ge [sflag:s11], $0x400  }
0x2ff: {  	p0 =	sne.s32 s16, s8;
	[sflag:s11] =	ssyncset.done $0x0  }
.Ltmp1:
0x300: {  	[sflag:s11] =	ssyncadd.s32 $0xFFFFFC00;
	(pc) =	sbr.rel @p0 .LBB2_1-.Ltmp1, $4  }
0x301: {  	[hbm4b:s7+s2] =	stream.linear.scatter [tilespmem:s15], [sflag:$0x1], $0x400, $0x38;
	[tilespmem:$0x11000] =	vst v63  }
0x302: {  	_ =	swait.ge [sflag:s11], $0x400  }
0x303: {  	[sflag:s11] =	ssyncset.done $0x0  }
0x304: {  	[sflag:s11] =	ssyncadd.s32 $0xFFFFFC00  }
0x305: {  	_ =	sfence.sel $0x180000  }
0x306: {  	[bflag:$0x0] =	sbarrier.arrive $0xFFFF  }
0x307: {  	_ =	strace $0x90000047  }
0x308: {  	s0 =	stileid.u32;
	[bflag:$0x2] =	sbarrier.arrive $0xFFFF  }
0x309: {  	p0 =	sne.s32 s0, $0x0;
	s0 =	rddreg [dreg:$0x5]  }
0x30a: {  	s0 =	sadd.s32 @!p0 $0x100000, s0  }
0x30b: {  	[sflag:s0] =	ssyncadd.tile.s32 @!p0 $0x1;
	_ =	shalt  }
.Lfunc_end2:
_tile_overlayer_lowered:
.L_overlay_start_2:
0x30c: {  	(tag) =	ssettag $0x2  }
0x30d: {  	s0 =	rddreg [dreg:$0x0];
	s2 =	stileid.u32  }
0x30e: {  	s1 =	rddreg [dreg:$0x1];
	p0 =	sne.s32 s2, $0x0  }
0x30f: {  	s3 =	rddreg [dreg:$0x2];
	[bflag:$0x3] =	sbarrier.arrive $0xFFFF;
	s2 =	simm.s32 @!p0 $0x1C01  }
0x310: {  	[timem:s3], [sflag:s2] =	dma.local @!p0 [hbm:s0], s1  }
0x311: {  	s0 =	simm.s32 @!p0 $0x1  }
0x312: {  	_ =	swait.ge @!p0 [sflag:s0], s1  }
0x313: {  	s1 =	ssub.s32 @!p0 $0x0, s1;
	[sflag:s0] =	ssyncset.done @!p0 $0x0  }
0x314: {  	[sflag:s0] =	ssyncadd.s32 @!p0 s1  }
0x315: {  	[bflag:$0x3] =	sbarrier.arrive $0xFFFF  }
0x316: {  	_ =	shalt  }

</sc_bundles>
